<compile_context>
chip_gen: v7x
topology: tpu7x:2x2x1
jax: 0.10.2.dev20260603
libtpu: 0.0.44.dev20260713+nightly
codegen_flags: <defaults>
</compile_context>

<pallas_src>
import functools

import jax
import jax.numpy as jnp
from jax import lax
from jax.experimental import pallas as pl
from jax.experimental.pallas import tpu as pltpu
from jax.experimental.pallas import tpu_sc as plsc

N = 10000
D = 128
K = 3
ALPHA = 0.5

NW = 32
FPW = 2
NPASS = D // (NW * FPW)
NB = NPASS * NW
C = 3200
ROT = 3
UNROLL = 4

_ROW_BLK = 2000

_MAGIC = 0x5F3759DF
_MASKHI = -65536


def _rsqrt_nr(x):
    u = plsc.bitcast(x, jnp.int32)
    u = jnp.int32(_MAGIC) - lax.shift_right_logical(u, jnp.int32(1))
    r = plsc.bitcast(u, jnp.float32)
    for _ in range(3):
        r = r * (1.5 - 0.5 * x * r * r)
    return r


def _unpack_pair(p):
    hi = plsc.bitcast(p & jnp.int32(_MASKHI), jnp.float32)
    lo = plsc.bitcast(lax.shift_left(p, jnp.int32(16)), jnp.float32)
    return hi, lo


def _sc_spmm(row, col, xp):
    E = row.shape[0]
    assert E % C == 0
    nchunk = E // C
    npair = nchunk // 2
    mesh = plsc.VectorSubcoreMesh(core_axis_name="c", subcore_axis_name="s")
    out_t = jax.ShapeDtypeStruct((NB, FPW, N), jnp.float32)

    @functools.partial(
        pl.kernel, mesh=mesh,
        out_type=[out_t, out_t, out_t,
                  jax.ShapeDtypeStruct((2, E), jnp.float32)],
        compiler_params=pltpu.CompilerParams(needs_layout_passes=False),
        scratch_types=[
            pltpu.VMEM((N,), jnp.float32),
            pltpu.VMEM((24,), jnp.float32),
            pltpu.VMEM((N,), jnp.float32),
            pltpu.VMEM((24,), jnp.float32),
            pltpu.VMEM((N,), jnp.int32),
            pltpu.VMEM((24,), jnp.float32),
            pltpu.VMEM((N,), jnp.int32),
            pltpu.VMEM((24,), jnp.float32),
            pltpu.VMEM((N,), jnp.float32),
            pltpu.VMEM((24,), jnp.float32),
            pltpu.VMEM((N,), jnp.float32),
            pltpu.VMEM((24,), jnp.float32),
            pltpu.VMEM((N,), jnp.float32),
            pltpu.VMEM((24,), jnp.float32),
            pltpu.VMEM((N,), jnp.float32),
            pltpu.VMEM((24,), jnp.float32),
            pltpu.VMEM((N,), jnp.float32),
            pltpu.VMEM((24,), jnp.float32),
            pltpu.VMEM((N,), jnp.float32),
            pltpu.VMEM((C,), jnp.int32),
            pltpu.VMEM((C,), jnp.int32),
            pltpu.VMEM((C,), jnp.int32),
            pltpu.VMEM((C,), jnp.int32),
            pltpu.VMEM((C,), jnp.float32),
            pltpu.VMEM((C,), jnp.float32),
            pltpu.SemaphoreType.DMA,
            pltpu.SemaphoreType.DMA,
            pltpu.SemaphoreType.DMA,
            pltpu.SemaphoreType.DMA,
            pltpu.SemaphoreType.DMA,
            pltpu.SemaphoreType.DMA,
        ],
    )
    def k(row_h, col_h, xp_h, yr_h, ur_h, ui_h, w_h,
          da, p0, db, p1, xv0, p2, xv1, p3, yr0, p4, yr1, p5,
          yrt0, p6, yrt1, p7, ui0, p8, ui1,
          rb0, rb1, cb0, cb1, wb0, wb1,
          sr0, sr1, sc0, sc1, sw0, sw1):
        sid = lax.axis_index("s")
        cid = lax.axis_index("c")
        wid = sid * 2 + cid
        zpad = jnp.zeros((16,), jnp.float32)
        for pr_ in (p0, p1, p2, p3, p4, p5, p6, p7, p8):
            pr_[pl.ds(0, 16)] = zpad
        rbufs, cbufs, wbufs = (rb0, rb1), (cb0, cb1), (wb0, wb1)
        srs, scs, sws = (sr0, sr1), (sc0, sc1), (sw0, sw1)
        xvs = (xv0, xv1)
        yrs, yrts, uis = (yr0, yr1), (yrt0, yrt1), (ui0, ui1)

        def chunk_of(c):
            return lax.rem(c + wid * ROT, nchunk)

        def start_chunk(ci, par, with_w=False):
            off = chunk_of(ci) * C
            pltpu.make_async_copy(
                row_h.at[pl.ds(off, C)], rbufs[par], srs[par]).start()
            pltpu.make_async_copy(
                col_h.at[pl.ds(off, C)], cbufs[par], scs[par]).start()
            if with_w:
                pltpu.make_async_copy(
                    w_h.at[cid, pl.ds(off, C)], wbufs[par], sws[par]).start()

        def wait_chunk(par, with_w=False):
            pltpu.make_async_copy(
                row_h.at[pl.ds(0, C)], rbufs[par], srs[par]).wait()
            pltpu.make_async_copy(
                col_h.at[pl.ds(0, C)], cbufs[par], scs[par]).wait()
            if with_w:
                pltpu.make_async_copy(
                    w_h.at[cid, pl.ds(0, C)], wbufs[par], sws[par]).wait()

        def edge_pass(process_group, with_w=False):
            def pair_body(j, _):
                for par in (0, 1):
                    c = j * 2 + par
                    start_chunk(c + 1, 1 - par, with_w)
                    wait_chunk(par, with_w)

                    def g_body(g, _):
                        for u in range(UNROLL):
                            i0 = g * (16 * UNROLL) + u * 16
                            rows = rbufs[par][pl.ds(i0, 16)]
                            cols = cbufs[par][pl.ds(i0, 16)]
                            process_group(par, i0, rows, cols)
                        return 0

                    lax.fori_loop(0, C // (16 * UNROLL), g_body, 0)
                return 0
            lax.fori_loop(0, npair, pair_body, 0)

        def zero_ref(ref, n):
            z = jnp.zeros((16,), ref.dtype)

            def b(i, _):
                ref[pl.ds(i * 16, 16)] = z
                return 0
            lax.fori_loop(0, n // 16, b, 0)

        zero_ref(da, N)
        zero_ref(db, N)
        start_chunk(0, 0)
        ones = jnp.ones((16,), jnp.float32)

        def deg_group(par, i0, rows, cols):
            plsc.addupdate_scatter(da, [rows], ones)
            plsc.addupdate_scatter(db, [cols], ones)

        edge_pass(deg_group)

        def finalize(ref):
            def b(i, _):
                s = pl.ds(i * 16, 16)
                d = ref[s]
                r1 = _rsqrt_nr(d)
                val = r1 * _rsqrt_nr(r1)
                ref[s] = jnp.where(d > 0.0, val, 0.0)
                return 0
            lax.fori_loop(0, N // 16, b, 0)

        finalize(da)
        finalize(db)

        for j in range((nchunk + 15) // 16):
            ci = j * 16 + sid

            @pl.when(ci < nchunk)
            def _():
                off = ci * C
                r_cp = pltpu.make_async_copy(
                    row_h.at[pl.ds(off, C)], rb1, sr1)
                c_cp = pltpu.make_async_copy(
                    col_h.at[pl.ds(off, C)], cb1, sc1)
                r_cp.start()
                c_cp.start()
                r_cp.wait()
                c_cp.wait()

                def wg(g, _):
                    i0 = g * 16
                    rows = rb1[pl.ds(i0, 16)]
                    cols = cb1[pl.ds(i0, 16)]
                    av = plsc.load_gather(da, [rows])
                    bv = plsc.load_gather(db, [cols])
                    wb1[pl.ds(i0, 16)] = av * bv
                    return 0

                lax.fori_loop(0, C // 16, wg, 0)
                pltpu.sync_copy(wb1, w_h.at[cid, pl.ds(off, C)])

        plsc.subcore_barrier()
        pltpu.make_async_copy(
            w_h.at[cid, pl.ds(chunk_of(0) * C, C)], wb0, sw0).start()

        for p in range(NPASS):
            b_idx = wid + NW * p
            for f in range(FPW):
                pltpu.sync_copy(xp_h.at[b_idx, f], xvs[f])
                zero_ref(yrs[f], N)
                zero_ref(yrts[f], N)
                zero_ref(uis[f], N)

            def acc_group(par, i0, rows, cols):
                w = wbufs[par][pl.ds(i0, 16)]
                hw = w * ALPHA
                pc = [plsc.load_gather(xvs[f], [cols]) for f in range(FPW)]
                pr = [plsc.load_gather(xvs[f], [rows]) for f in range(FPW)]
                xc = [_unpack_pair(p) for p in pc]
                xr = [_unpack_pair(p) for p in pr]
                for f in range(FPW):
                    plsc.addupdate_scatter(yrs[f], [rows], w * xc[f][0])
                for f in range(FPW):
                    plsc.addupdate_scatter(yrts[f], [cols], w * xr[f][0])
                for f in range(FPW):
                    plsc.addupdate_scatter(uis[f], [rows], hw * xc[f][1])
                for f in range(FPW):
                    plsc.addupdate_scatter(uis[f], [cols], hw * xr[f][1])

            edge_pass(acc_group, with_w=True)

            for f in range(FPW):
                pltpu.sync_copy(yrs[f], yr_h.at[b_idx, f])
                pltpu.sync_copy(yrts[f], ur_h.at[b_idx, f])
                pltpu.sync_copy(uis[f], ui_h.at[b_idx, f])

        wait_chunk(0, with_w=True)

    yr_o, ur_o, ui_o, _unused_w = k(row, col, xp)
    return yr_o, ur_o, ui_o


def _dense_body(yr_ref, yrt_ref, ui_ref, wr_ref, br_ref, wi_ref, bi_ref,
                or_ref, oi_ref):
    wr_eff = wr_ref[0] + 0.5 * wr_ref[1] + 0.25 * wr_ref[2]
    wi_eff = wi_ref[0] + 0.5 * wi_ref[1] + 0.25 * wi_ref[2]
    br_eff = br_ref[0] + 0.5 * br_ref[1] + 0.25 * br_ref[2]
    bi_eff = bi_ref[0] + 0.5 * bi_ref[1] + 0.25 * bi_ref[2]

    def mm(xb, w):
        return jax.lax.dot_general(
            xb, w, (((0,), (1,)), ((), ())),
            preferred_element_type=jnp.float32)

    yr = yr_ref[...]
    ui = ui_ref[...]
    ur = ALPHA * yr + (1.0 - ALPHA) * yrt_ref[...]
    or_ref[...] = mm(ur, wr_eff) - mm(ui, wi_eff) + (br_eff - bi_eff)[None, :]
    oi_ref[...] = mm(yr, wi_eff) + mm(ui, wr_eff) + (br_eff + bi_eff)[None, :]


def _dense_pallas(y_blk, yt_blk, ui_blk, Wr, br, Wi, bi):
    return pl.pallas_call(
        _dense_body,
        out_shape=[jax.ShapeDtypeStruct((N, D), jnp.float32),
                   jax.ShapeDtypeStruct((N, D), jnp.float32)],
    )(y_blk, yt_blk, ui_blk, Wr, br, Wi, bi)


def _pack_bf16_pair(hi_f32, lo_f32):
    def rnd(x):
        u = lax.bitcast_convert_type(x, jnp.uint32)
        u = (u + jnp.uint32(0x7FFF) + ((u >> jnp.uint32(16)) & jnp.uint32(1)))
        return u & jnp.uint32(0xFFFF0000)
    hi = rnd(hi_f32)
    lo = rnd(lo_f32) >> jnp.uint32(16)
    return lax.bitcast_convert_type(hi | lo, jnp.int32)


def kernel(x_real, x_imag, edge_index, Wr, br, Wi, bi):
    row, col = edge_index[0], edge_index[1]
    packed = _pack_bf16_pair(x_real, x_imag)
    xp = packed.reshape(N, NB, FPW).transpose(1, 2, 0)
    yr_o, yt_o, ui_o = _sc_spmm(row, col, xp)
    return _dense_pallas(yr_o.reshape(D, N), yt_o.reshape(D, N),
                         ui_o.reshape(D, N), Wr, br, Wi, bi)

# --- scband reference (transcript-rebuilt; emitter-appended) ---
"""Pipeline reference for scband-complex-faber-conv-57174604644564 (READ-ONLY COPY).

The authoritative reference and input builder live on the scoring server;
editing this copy changes nothing except your own understanding.
"""

import jax, jax.numpy as jnp
import numpy as np

N = 10000
E = 320000
D = 128
K = 3
EXP = -0.25
ALPHA = 0.5


def setup_inputs(seed: int = 0):
    key = jax.random.key(seed)
    ks = jax.random.split(key, 7)
    x_real = jax.random.normal(ks[0], (N, D), dtype=jnp.float32)
    x_imag = jax.random.normal(ks[1], (N, D), dtype=jnp.float32)
    edge_index = jax.random.randint(ks[2], (2, E), 0, N, dtype=jnp.int32)
    s = 1.0 / np.sqrt(D)
    Wr = jax.random.uniform(ks[3], (K, D, D), jnp.float32, -s, s)
    br = jax.random.uniform(ks[4], (K, D), jnp.float32, -s, s)
    Wi = jax.random.uniform(ks[5], (K, D, D), jnp.float32, -s, s)
    bi = jax.random.uniform(ks[6], (K, D), jnp.float32, -s, s)
    return {"x_real": x_real, "x_imag": x_imag, "edge_index": edge_index,
            "Wr": Wr, "br": br, "Wi": Wi, "bi": bi}


def _lin(W, b, x):
    return x @ W.T + b


def _forward(x_real, x_imag, Wr, br, Wi, bi, row, col):
    n = x_real.shape[0]
    ones = jnp.ones(row.shape[0], dtype=jnp.float32)
    # directed_norm with exponent=-0.25: D_out^exp A D_in^exp; inf (zero-degree) -> 0
    d_out = jnp.zeros(n, jnp.float32).at[row].add(ones)
    d_in = jnp.zeros(n, jnp.float32).at[col].add(ones)
    a = jnp.where(d_out > 0, d_out ** EXP, 0.0)
    b_ = jnp.where(d_in > 0, d_in ** EXP, 0.0)
    w = a[row] * b_[col]
    # adj_t_norm has identical edge weights (in/out degrees swap consistently)
    def spmm(x):
        return jnp.zeros((n, x.shape[1]), x.dtype).at[row].add(w[:, None] * x[col])
    def spmm_t(x):
        return jnp.zeros((n, x.shape[1]), x.dtype).at[col].add(w[:, None] * x[row])
    y_real = spmm(x_real)
    y_imag = spmm(x_imag)
    y_real_t = spmm_t(x_real)
    y_imag_t = spmm_t(x_imag)
    sum_real_s2d = _lin(Wr[0], br[0], y_real) - _lin(Wi[0], bi[0], y_imag)
    sum_imag_s2d = _lin(Wi[0], bi[0], y_real) + _lin(Wr[0], br[0], y_imag)
    sum_real_d2s = _lin(Wr[0], br[0], y_real_t) - _lin(Wi[0], bi[0], y_imag_t)
    # faithful to original (uses y_real, not y_real_t; uses src_to_dst lins throughout)
    sum_imag_d2s = _lin(Wi[0], bi[0], y_real) + _lin(Wr[0], br[0], y_imag_t)
    for i in range(1, K):
        sc = float(2 ** i)
        # original recomputes the SAME y each iteration (no higher powers) - kept faithful
        sum_real_s2d = sum_real_s2d + (_lin(Wr[i], br[i], y_real) - _lin(Wi[i], bi[i], y_imag)) / sc
        sum_imag_s2d = sum_imag_s2d + (_lin(Wi[i], bi[i], y_real) + _lin(Wr[i], br[i], y_imag)) / sc
        sum_real_d2s = sum_real_d2s + (_lin(Wr[i], br[i], y_real_t) - _lin(Wi[i], bi[i], y_imag_t)) / sc
        sum_imag_d2s = sum_imag_d2s + (_lin(Wi[i], bi[i], y_real) + _lin(Wr[i], br[i], y_imag_t)) / sc
    out_real = ALPHA * sum_real_s2d + (1.0 - ALPHA) * sum_real_d2s
    out_imag = ALPHA * sum_imag_s2d + (1.0 - ALPHA) * sum_imag_d2s
    return out_real, out_imag


def reference(x_real, x_imag, edge_index, Wr, br, Wi, bi):
    row, col = edge_index[0], edge_index[1]
    return _forward(x_real, x_imag, Wr, br, Wi, bi, row, col)

if __name__ == "__main__":
    import jax
    _d = setup_inputs()
    print(jax.jit(kernel)(*tuple(_d.values())))

</pallas_src>

<mosaic_0001>
#map = affine_map<(d0, d1) -> (0)>
#map1 = affine_map<(d0, d1) -> (0, 0, 0)>
#map2 = affine_map<(d0, d1) -> (0, 0)>
module attributes {stable_mosaic.version = 14 : i64} {
  func.func @k(%arg0: i32, %arg1: i32, %arg2: memref<320000xi32, #tpu.memory_space<hbm>>, %arg3: memref<320000xi32, #tpu.memory_space<hbm>>, %arg4: memref<64x2x10000xi32, #tpu.memory_space<hbm>>, %arg5: memref<64x2x10000xf32, #tpu.memory_space<hbm>>, %arg6: memref<64x2x10000xf32, #tpu.memory_space<hbm>>, %arg7: memref<64x2x10000xf32, #tpu.memory_space<hbm>>, %arg8: memref<2x320000xf32, #tpu.memory_space<hbm>>, %arg9: memref<10000xf32, #tpu.memory_space<vmem>>, %arg10: memref<24xf32, #tpu.memory_space<vmem>>, %arg11: memref<10000xf32, #tpu.memory_space<vmem>>, %arg12: memref<24xf32, #tpu.memory_space<vmem>>, %arg13: memref<10000xi32, #tpu.memory_space<vmem>>, %arg14: memref<24xf32, #tpu.memory_space<vmem>>, %arg15: memref<10000xi32, #tpu.memory_space<vmem>>, %arg16: memref<24xf32, #tpu.memory_space<vmem>>, %arg17: memref<10000xf32, #tpu.memory_space<vmem>>, %arg18: memref<24xf32, #tpu.memory_space<vmem>>, %arg19: memref<10000xf32, #tpu.memory_space<vmem>>, %arg20: memref<24xf32, #tpu.memory_space<vmem>>, %arg21: memref<10000xf32, #tpu.memory_space<vmem>>, %arg22: memref<24xf32, #tpu.memory_space<vmem>>, %arg23: memref<10000xf32, #tpu.memory_space<vmem>>, %arg24: memref<24xf32, #tpu.memory_space<vmem>>, %arg25: memref<10000xf32, #tpu.memory_space<vmem>>, %arg26: memref<24xf32, #tpu.memory_space<vmem>>, %arg27: memref<10000xf32, #tpu.memory_space<vmem>>, %arg28: memref<3200xi32, #tpu.memory_space<vmem>>, %arg29: memref<3200xi32, #tpu.memory_space<vmem>>, %arg30: memref<3200xi32, #tpu.memory_space<vmem>>, %arg31: memref<3200xi32, #tpu.memory_space<vmem>>, %arg32: memref<3200xf32, #tpu.memory_space<vmem>>, %arg33: memref<3200xf32, #tpu.memory_space<vmem>>, %arg34: memref<!tpu.dma_semaphore, #tpu.memory_space<semaphore_mem>>, %arg35: memref<!tpu.dma_semaphore, #tpu.memory_space<semaphore_mem>>, %arg36: memref<!tpu.dma_semaphore, #tpu.memory_space<semaphore_mem>>, %arg37: memref<!tpu.dma_semaphore, #tpu.memory_space<semaphore_mem>>, %arg38: memref<!tpu.dma_semaphore, #tpu.memory_space<semaphore_mem>>, %arg39: memref<!tpu.dma_semaphore, #tpu.memory_space<semaphore_mem>>) attributes {dimension_semantics = [#tpu.dimension_semantics<core_parallel>, #tpu.dimension_semantics<subcore_parallel>], iteration_bounds = array<i64: 2, 16>, scalar_prefetch = 0 : i64, scratch_operands = 31 : i64, tpu.core_type = #tpu.core_type<sc_vector_subcore>, window_params = [{transform_indices = #map}, {transform_indices = #map}, {transform_indices = #map1}, {transform_indices = #map1}, {transform_indices = #map1}, {transform_indices = #map1}, {transform_indices = #map2}]} {
    %mul3A = arith.constant 2 : i32
    %mul3A_0 = arith.muli %arg1, %mul3A : i32
    %add3A = arith.addi %mul3A_0, %arg0 : i32
    %broadcast_in_dim3A = arith.constant 0.000000e+00 : f32
    %broadcast_in_dim3A_1 = vector.broadcast %broadcast_in_dim3A : f32 to vector<16xf32>
    %swap3A = arith.constant 0 : index
    %swap3A_2 = tpu.vector_load %arg10[%swap3A] {strides = array<i32>} : memref<24xf32, #tpu.memory_space<vmem>>, vector<16xf32>,
    tpu.vector_store %arg10[%swap3A], %broadcast_in_dim3A_1 {strides = array<i32>} : memref<24xf32, #tpu.memory_space<vmem>>, vector<16xf32>,
    %swap3A_3 = arith.constant 0 : index
    %swap3A_4 = tpu.vector_load %arg12[%swap3A_3] {strides = array<i32>} : memref<24xf32, #tpu.memory_space<vmem>>, vector<16xf32>,
    tpu.vector_store %arg12[%swap3A_3], %broadcast_in_dim3A_1 {strides = array<i32>} : memref<24xf32, #tpu.memory_space<vmem>>, vector<16xf32>,
    %swap3A_5 = arith.constant 0 : index
    %swap3A_6 = tpu.vector_load %arg14[%swap3A_5] {strides = array<i32>} : memref<24xf32, #tpu.memory_space<vmem>>, vector<16xf32>,
    tpu.vector_store %arg14[%swap3A_5], %broadcast_in_dim3A_1 {strides = array<i32>} : memref<24xf32, #tpu.memory_space<vmem>>, vector<16xf32>,
    %swap3A_7 = arith.constant 0 : index
    %swap3A_8 = tpu.vector_load %arg16[%swap3A_7] {strides = array<i32>} : memref<24xf32, #tpu.memory_space<vmem>>, vector<16xf32>,
    tpu.vector_store %arg16[%swap3A_7], %broadcast_in_dim3A_1 {strides = array<i32>} : memref<24xf32, #tpu.memory_space<vmem>>, vector<16xf32>,
    %swap3A_9 = arith.constant 0 : index
    %swap3A_10 = tpu.vector_load %arg18[%swap3A_9] {strides = array<i32>} : memref<24xf32, #tpu.memory_space<vmem>>, vector<16xf32>,
    tpu.vector_store %arg18[%swap3A_9], %broadcast_in_dim3A_1 {strides = array<i32>} : memref<24xf32, #tpu.memory_space<vmem>>, vector<16xf32>,
    %swap3A_11 = arith.constant 0 : index
    %swap3A_12 = tpu.vector_load %arg20[%swap3A_11] {strides = array<i32>} : memref<24xf32, #tpu.memory_space<vmem>>, vector<16xf32>,
    tpu.vector_store %arg20[%swap3A_11], %broadcast_in_dim3A_1 {strides = array<i32>} : memref<24xf32, #tpu.memory_space<vmem>>, vector<16xf32>,
    %swap3A_13 = arith.constant 0 : index
    %swap3A_14 = tpu.vector_load %arg22[%swap3A_13] {strides = array<i32>} : memref<24xf32, #tpu.memory_space<vmem>>, vector<16xf32>,
    tpu.vector_store %arg22[%swap3A_13], %broadcast_in_dim3A_1 {strides = array<i32>} : memref<24xf32, #tpu.memory_space<vmem>>, vector<16xf32>,
    %swap3A_15 = arith.constant 0 : index
    %swap3A_16 = tpu.vector_load %arg24[%swap3A_15] {strides = array<i32>} : memref<24xf32, #tpu.memory_space<vmem>>, vector<16xf32>,
    tpu.vector_store %arg24[%swap3A_15], %broadcast_in_dim3A_1 {strides = array<i32>} : memref<24xf32, #tpu.memory_space<vmem>>, vector<16xf32>,
    %swap3A_17 = arith.constant 0 : index
    %swap3A_18 = tpu.vector_load %arg26[%swap3A_17] {strides = array<i32>} : memref<24xf32, #tpu.memory_space<vmem>>, vector<16xf32>,
    tpu.vector_store %arg26[%swap3A_17], %broadcast_in_dim3A_1 {strides = array<i32>} : memref<24xf32, #tpu.memory_space<vmem>>, vector<16xf32>,
    %broadcast_in_dim3A_19 = arith.constant 0.000000e+00 : f32
    %broadcast_in_dim3A_20 = vector.broadcast %broadcast_in_dim3A_19 : f32 to vector<16xf32>
    %scan3A = arith.constant 0 : i32
    %scan3A_21 = arith.constant 0 : i32
    %scan3A_22 = arith.constant 625 : i32
    %scan3A_23 = arith.addi %scan3A_21, %scan3A_22 : i32
    %scan3A_24 = arith.constant 1 : i32
    %scan3A_25 = scf.for %scan3A_281 = %scan3A_21 to %scan3A_23 step %scan3A_24 iter_args(%scan3A_282 = %scan3A) -> (i32)  : i32 {
      %mul3A_283 = arith.constant 16 : i32
      %mul3A_284 = arith.muli %scan3A_281, %mul3A_283 : i32
      %swap3A_285 = arith.index_cast %mul3A_284 : i32 to index
      %swap3A_286 = tpu.vector_load %arg9[%swap3A_285] {strides = array<i32>} : memref<10000xf32, #tpu.memory_space<vmem>>, vector<16xf32>,
      tpu.vector_store %arg9[%swap3A_285], %broadcast_in_dim3A_20 {strides = array<i32>} : memref<10000xf32, #tpu.memory_space<vmem>>, vector<16xf32>,
      %scan3A_287 = arith.constant 0 : i32
      scf.yield %scan3A_287 : i32
    }
    %scan3A_26 = arith.constant 625 : i32
    %broadcast_in_dim3A_27 = arith.constant 0.000000e+00 : f32
    %broadcast_in_dim3A_28 = vector.broadcast %broadcast_in_dim3A_27 : f32 to vector<16xf32>
    %scan3A_29 = arith.constant 0 : i32
    %scan3A_30 = arith.constant 0 : i32
    %scan3A_31 = arith.constant 625 : i32
    %scan3A_32 = arith.addi %scan3A_30, %scan3A_31 : i32
    %scan3A_33 = arith.constant 1 : i32
    %scan3A_34 = scf.for %scan3A_281 = %scan3A_30 to %scan3A_32 step %scan3A_33 iter_args(%scan3A_282 = %scan3A_29) -> (i32)  : i32 {
      %mul3A_283 = arith.constant 16 : i32
      %mul3A_284 = arith.muli %scan3A_281, %mul3A_283 : i32
      %swap3A_285 = arith.index_cast %mul3A_284 : i32 to index
      %swap3A_286 = tpu.vector_load %arg11[%swap3A_285] {strides = array<i32>} : memref<10000xf32, #tpu.memory_space<vmem>>, vector<16xf32>,
      tpu.vector_store %arg11[%swap3A_285], %broadcast_in_dim3A_28 {strides = array<i32>} : memref<10000xf32, #tpu.memory_space<vmem>>, vector<16xf32>,
      %scan3A_287 = arith.constant 0 : i32
      scf.yield %scan3A_287 : i32
    }
    %scan3A_35 = arith.constant 625 : i32
    %mul3A_36 = arith.constant 3 : i32
    %mul3A_37 = arith.muli %add3A, %mul3A_36 : i32
    %add3A_38 = arith.constant 0 : i32
    %add3A_39 = arith.addi %add3A_38, %mul3A_37 : i32
    %rem3A = arith.constant 100 : i32
    %rem3A_40 = arith.remsi %add3A_39, %rem3A : i32
    %mul3A_41 = arith.constant 3200 : i32
    %mul3A_42 = arith.muli %rem3A_40, %mul3A_41 : i32
    %dma_start3A = tpu.memref_slice %arg2[%mul3A_42] : memref<320000xi32, #tpu.memory_space<hbm>> -> memref<3200xi32, #tpu.memory_space<hbm>>
    %dma_start3A_43 = tpu.memref_slice %arg2[%mul3A_42] : memref<320000xi32, #tpu.memory_space<hbm>> -> memref<3200xi32, #tpu.memory_space<hbm>>
    tpu.enqueue_dma source(%dma_start3A_43 : memref<3200xi32, #tpu.memory_space<hbm>>) target(%arg28 : memref<3200xi32, #tpu.memory_space<vmem>>) target_semaphore(%arg34 : memref<!tpu.dma_semaphore, #tpu.memory_space<semaphore_mem>>)
    %dma_start3A_44 = tpu.memref_slice %arg3[%mul3A_42] : memref<320000xi32, #tpu.memory_space<hbm>> -> memref<3200xi32, #tpu.memory_space<hbm>>
    %dma_start3A_45 = tpu.memref_slice %arg3[%mul3A_42] : memref<320000xi32, #tpu.memory_space<hbm>> -> memref<3200xi32, #tpu.memory_space<hbm>>
    tpu.enqueue_dma source(%dma_start3A_45 : memref<3200xi32, #tpu.memory_space<hbm>>) target(%arg30 : memref<3200xi32, #tpu.memory_space<vmem>>) target_semaphore(%arg36 : memref<!tpu.dma_semaphore, #tpu.memory_space<semaphore_mem>>)
    %broadcast_in_dim3A_46 = arith.constant 1.000000e+00 : f32
    %broadcast_in_dim3A_47 = vector.broadcast %broadcast_in_dim3A_46 : f32 to vector<16xf32>
    %scan3A_48 = arith.constant 0 : i32
    %scan3A_49 = arith.constant 0 : i32
    %scan3A_50 = arith.constant 50 : i32
    %scan3A_51 = arith.addi %scan3A_49, %scan3A_50 : i32
    %scan3A_52 = arith.constant 1 : i32
    %scan3A_53 = scf.for %scan3A_281 = %scan3A_49 to %scan3A_51 step %scan3A_52 iter_args(%scan3A_282 = %scan3A_48) -> (i32)  : i32 {
      %mul3A_283 = arith.constant 2 : i32
      %mul3A_284 = arith.muli %scan3A_281, %mul3A_283 : i32
      %add3A_285 = arith.constant 0 : i32
      %add3A_286 = arith.addi %mul3A_284, %add3A_285 : i32
      %add3A_287 = arith.constant 1 : i32
      %add3A_288 = arith.addi %add3A_286, %add3A_287 : i32
      %mul3A_289 = arith.constant 3 : i32
      %mul3A_290 = arith.muli %add3A, %mul3A_289 : i32
      %add3A_291 = arith.addi %add3A_288, %mul3A_290 : i32
      %rem3A_292 = arith.constant 100 : i32
      %rem3A_293 = arith.remsi %add3A_291, %rem3A_292 : i32
      %mul3A_294 = arith.constant 3200 : i32
      %mul3A_295 = arith.muli %rem3A_293, %mul3A_294 : i32
      %dma_start3A_296 = tpu.memref_slice %arg2[%mul3A_295] : memref<320000xi32, #tpu.memory_space<hbm>> -> memref<3200xi32, #tpu.memory_space<hbm>>
      %dma_start3A_297 = tpu.memref_slice %arg2[%mul3A_295] : memref<320000xi32, #tpu.memory_space<hbm>> -> memref<3200xi32, #tpu.memory_space<hbm>>
      tpu.enqueue_dma source(%dma_start3A_297 : memref<3200xi32, #tpu.memory_space<hbm>>) target(%arg29 : memref<3200xi32, #tpu.memory_space<vmem>>) target_semaphore(%arg35 : memref<!tpu.dma_semaphore, #tpu.memory_space<semaphore_mem>>)
      %dma_start3A_298 = tpu.memref_slice %arg3[%mul3A_295] : memref<320000xi32, #tpu.memory_space<hbm>> -> memref<3200xi32, #tpu.memory_space<hbm>>
      %dma_start3A_299 = tpu.memref_slice %arg3[%mul3A_295] : memref<320000xi32, #tpu.memory_space<hbm>> -> memref<3200xi32, #tpu.memory_space<hbm>>
      tpu.enqueue_dma source(%dma_start3A_299 : memref<3200xi32, #tpu.memory_space<hbm>>) target(%arg31 : memref<3200xi32, #tpu.memory_space<vmem>>) target_semaphore(%arg37 : memref<!tpu.dma_semaphore, #tpu.memory_space<semaphore_mem>>)
      %dma_wait3A_300 = arith.constant 0 : i32
      %dma_wait3A_301 = tpu.memref_slice %arg2[%dma_wait3A_300] : memref<320000xi32, #tpu.memory_space<hbm>> -> memref<3200xi32, #tpu.memory_space<hbm>>
      %dma_wait3A_302 = arith.constant 0 : i32
      %dma_wait3A_303 = tpu.memref_slice %arg2[%dma_wait3A_302] : memref<320000xi32, #tpu.memory_space<hbm>> -> memref<3200xi32, #tpu.memory_space<hbm>>
      tpu.wait_dma2 semaphore(%arg34 : memref<!tpu.dma_semaphore, #tpu.memory_space<semaphore_mem>>) src(%dma_wait3A_303 : memref<3200xi32, #tpu.memory_space<hbm>>) dst(%arg28 : memref<3200xi32, #tpu.memory_space<vmem>>)
      %dma_wait3A_304 = arith.constant 0 : i32
      %dma_wait3A_305 = tpu.memref_slice %arg3[%dma_wait3A_304] : memref<320000xi32, #tpu.memory_space<hbm>> -> memref<3200xi32, #tpu.memory_space<hbm>>
      %dma_wait3A_306 = arith.constant 0 : i32
      %dma_wait3A_307 = tpu.memref_slice %arg3[%dma_wait3A_306] : memref<320000xi32, #tpu.memory_space<hbm>> -> memref<3200xi32, #tpu.memory_space<hbm>>
      tpu.wait_dma2 semaphore(%arg36 : memref<!tpu.dma_semaphore, #tpu.memory_space<semaphore_mem>>) src(%dma_wait3A_307 : memref<3200xi32, #tpu.memory_space<hbm>>) dst(%arg30 : memref<3200xi32, #tpu.memory_space<vmem>>)
      %scan3A_308 = arith.constant 0 : i32
      %scan3A_309 = arith.constant 0 : i32
      %scan3A_310 = arith.constant 50 : i32
      %scan3A_311 = arith.addi %scan3A_309, %scan3A_310 : i32
      %scan3A_312 = arith.constant 1 : i32
      %scan3A_313 = scf.for %scan3A_348 = %scan3A_309 to %scan3A_311 step %scan3A_312 iter_args(%scan3A_349 = %scan3A_308) -> (i32)  : i32 {
        %mul3A_350 = arith.constant 64 : i32
        %mul3A_351 = arith.muli %scan3A_348, %mul3A_350 : i32
        %add3A_352 = arith.constant 0 : i32
        %add3A_353 = arith.addi %mul3A_351, %add3A_352 : i32
        %get3A = arith.index_cast %add3A_353 : i32 to index
        %get3A_354 = tpu.vector_load %arg28[%get3A] {strides = array<i32>} : memref<3200xi32, #tpu.memory_space<vmem>>, vector<16xi32>,
        %get3A_355 = arith.index_cast %add3A_353 : i32 to index
        %get3A_356 = tpu.vector_load %arg30[%get3A_355] {strides = array<i32>} : memref<3200xi32, #tpu.memory_space<vmem>>, vector<16xi32>,
        tpu.vector_store_idx %arg9[%get3A_354], %broadcast_in_dim3A_47 {add = true} : memref<10000xf32, #tpu.memory_space<vmem>>[vector<16xi32>], vector<16xf32>,
        tpu.vector_store_idx %arg11[%get3A_356], %broadcast_in_dim3A_47 {add = true} : memref<10000xf32, #tpu.memory_space<vmem>>[vector<16xi32>], vector<16xf32>,
        %mul3A_357 = arith.constant 64 : i32
        %mul3A_358 = arith.muli %scan3A_348, %mul3A_357 : i32
        %add3A_359 = arith.constant 16 : i32
        %add3A_360 = arith.addi %mul3A_358, %add3A_359 : i32
        %get3A_361 = arith.index_cast %add3A_360 : i32 to index
        %get3A_362 = tpu.vector_load %arg28[%get3A_361] {strides = array<i32>} : memref<3200xi32, #tpu.memory_space<vmem>>, vector<16xi32>,
        %get3A_363 = arith.index_cast %add3A_360 : i32 to index
        %get3A_364 = tpu.vector_load %arg30[%get3A_363] {strides = array<i32>} : memref<3200xi32, #tpu.memory_space<vmem>>, vector<16xi32>,
        tpu.vector_store_idx %arg9[%get3A_362], %broadcast_in_dim3A_47 {add = true} : memref<10000xf32, #tpu.memory_space<vmem>>[vector<16xi32>], vector<16xf32>,
        tpu.vector_store_idx %arg11[%get3A_364], %broadcast_in_dim3A_47 {add = true} : memref<10000xf32, #tpu.memory_space<vmem>>[vector<16xi32>], vector<16xf32>,
        %mul3A_365 = arith.constant 64 : i32
        %mul3A_366 = arith.muli %scan3A_348, %mul3A_365 : i32
        %add3A_367 = arith.constant 32 : i32
        %add3A_368 = arith.addi %mul3A_366, %add3A_367 : i32
        %get3A_369 = arith.index_cast %add3A_368 : i32 to index
        %get3A_370 = tpu.vector_load %arg28[%get3A_369] {strides = array<i32>} : memref<3200xi32, #tpu.memory_space<vmem>>, vector<16xi32>,
        %get3A_371 = arith.index_cast %add3A_368 : i32 to index
        %get3A_372 = tpu.vector_load %arg30[%get3A_371] {strides = array<i32>} : memref<3200xi32, #tpu.memory_space<vmem>>, vector<16xi32>,
        tpu.vector_store_idx %arg9[%get3A_370], %broadcast_in_dim3A_47 {add = true} : memref<10000xf32, #tpu.memory_space<vmem>>[vector<16xi32>], vector<16xf32>,
        tpu.vector_store_idx %arg11[%get3A_372], %broadcast_in_dim3A_47 {add = true} : memref<10000xf32, #tpu.memory_space<vmem>>[vector<16xi32>], vector<16xf32>,
        %mul3A_373 = arith.constant 64 : i32
        %mul3A_374 = arith.muli %scan3A_348, %mul3A_373 : i32
        %add3A_375 = arith.constant 48 : i32
        %add3A_376 = arith.addi %mul3A_374, %add3A_375 : i32
        %get3A_377 = arith.index_cast %add3A_376 : i32 to index
        %get3A_378 = tpu.vector_load %arg28[%get3A_377] {strides = array<i32>} : memref<3200xi32, #tpu.memory_space<vmem>>, vector<16xi32>,
        %get3A_379 = arith.index_cast %add3A_376 : i32 to index
        %get3A_380 = tpu.vector_load %arg30[%get3A_379] {strides = array<i32>} : memref<3200xi32, #tpu.memory_space<vmem>>, vector<16xi32>,
        tpu.vector_store_idx %arg9[%get3A_378], %broadcast_in_dim3A_47 {add = true} : memref<10000xf32, #tpu.memory_space<vmem>>[vector<16xi32>], vector<16xf32>,
        tpu.vector_store_idx %arg11[%get3A_380], %broadcast_in_dim3A_47 {add = true} : memref<10000xf32, #tpu.memory_space<vmem>>[vector<16xi32>], vector<16xf32>,
        %scan3A_381 = arith.constant 0 : i32
        scf.yield %scan3A_381 : i32
      }
      %scan3A_314 = arith.constant 50 : i32
      %mul3A_315 = arith.constant 2 : i32
      %mul3A_316 = arith.muli %scan3A_281, %mul3A_315 : i32
      %add3A_317 = arith.constant 1 : i32
      %add3A_318 = arith.addi %mul3A_316, %add3A_317 : i32
      %add3A_319 = arith.constant 1 : i32
      %add3A_320 = arith.addi %add3A_318, %add3A_319 : i32
      %mul3A_321 = arith.constant 3 : i32
      %mul3A_322 = arith.muli %add3A, %mul3A_321 : i32
      %add3A_323 = arith.addi %add3A_320, %mul3A_322 : i32
      %rem3A_324 = arith.constant 100 : i32
      %rem3A_325 = arith.remsi %add3A_323, %rem3A_324 : i32
      %mul3A_326 = arith.constant 3200 : i32
      %mul3A_327 = arith.muli %rem3A_325, %mul3A_326 : i32
      %dma_start3A_328 = tpu.memref_slice %arg2[%mul3A_327] : memref<320000xi32, #tpu.memory_space<hbm>> -> memref<3200xi32, #tpu.memory_space<hbm>>
      %dma_start3A_329 = tpu.memref_slice %arg2[%mul3A_327] : memref<320000xi32, #tpu.memory_space<hbm>> -> memref<3200xi32, #tpu.memory_space<hbm>>
      tpu.enqueue_dma source(%dma_start3A_329 : memref<3200xi32, #tpu.memory_space<hbm>>) target(%arg28 : memref<3200xi32, #tpu.memory_space<vmem>>) target_semaphore(%arg34 : memref<!tpu.dma_semaphore, #tpu.memory_space<semaphore_mem>>)
      %dma_start3A_330 = tpu.memref_slice %arg3[%mul3A_327] : memref<320000xi32, #tpu.memory_space<hbm>> -> memref<3200xi32, #tpu.memory_space<hbm>>
      %dma_start3A_331 = tpu.memref_slice %arg3[%mul3A_327] : memref<320000xi32, #tpu.memory_space<hbm>> -> memref<3200xi32, #tpu.memory_space<hbm>>
      tpu.enqueue_dma source(%dma_start3A_331 : memref<3200xi32, #tpu.memory_space<hbm>>) target(%arg30 : memref<3200xi32, #tpu.memory_space<vmem>>) target_semaphore(%arg36 : memref<!tpu.dma_semaphore, #tpu.memory_space<semaphore_mem>>)
      %dma_wait3A_332 = arith.constant 0 : i32
      %dma_wait3A_333 = tpu.memref_slice %arg2[%dma_wait3A_332] : memref<320000xi32, #tpu.memory_space<hbm>> -> memref<3200xi32, #tpu.memory_space<hbm>>
      %dma_wait3A_334 = arith.constant 0 : i32
      %dma_wait3A_335 = tpu.memref_slice %arg2[%dma_wait3A_334] : memref<320000xi32, #tpu.memory_space<hbm>> -> memref<3200xi32, #tpu.memory_space<hbm>>
      tpu.wait_dma2 semaphore(%arg35 : memref<!tpu.dma_semaphore, #tpu.memory_space<semaphore_mem>>) src(%dma_wait3A_335 : memref<3200xi32, #tpu.memory_space<hbm>>) dst(%arg29 : memref<3200xi32, #tpu.memory_space<vmem>>)
      %dma_wait3A_336 = arith.constant 0 : i32
      %dma_wait3A_337 = tpu.memref_slice %arg3[%dma_wait3A_336] : memref<320000xi32, #tpu.memory_space<hbm>> -> memref<3200xi32, #tpu.memory_space<hbm>>
      %dma_wait3A_338 = arith.constant 0 : i32
      %dma_wait3A_339 = tpu.memref_slice %arg3[%dma_wait3A_338] : memref<320000xi32, #tpu.memory_space<hbm>> -> memref<3200xi32, #tpu.memory_space<hbm>>
      tpu.wait_dma2 semaphore(%arg37 : memref<!tpu.dma_semaphore, #tpu.memory_space<semaphore_mem>>) src(%dma_wait3A_339 : memref<3200xi32, #tpu.memory_space<hbm>>) dst(%arg31 : memref<3200xi32, #tpu.memory_space<vmem>>)
      %scan3A_340 = arith.constant 0 : i32
      %scan3A_341 = arith.constant 0 : i32
      %scan3A_342 = arith.constant 50 : i32
      %scan3A_343 = arith.addi %scan3A_341, %scan3A_342 : i32
      %scan3A_344 = arith.constant 1 : i32
      %scan3A_345 = scf.for %scan3A_348 = %scan3A_341 to %scan3A_343 step %scan3A_344 iter_args(%scan3A_349 = %scan3A_340) -> (i32)  : i32 {
        %mul3A_350 = arith.constant 64 : i32
        %mul3A_351 = arith.muli %scan3A_348, %mul3A_350 : i32
        %add3A_352 = arith.constant 0 : i32
        %add3A_353 = arith.addi %mul3A_351, %add3A_352 : i32
        %get3A = arith.index_cast %add3A_353 : i32 to index
        %get3A_354 = tpu.vector_load %arg29[%get3A] {strides = array<i32>} : memref<3200xi32, #tpu.memory_space<vmem>>, vector<16xi32>,
        %get3A_355 = arith.index_cast %add3A_353 : i32 to index
        %get3A_356 = tpu.vector_load %arg31[%get3A_355] {strides = array<i32>} : memref<3200xi32, #tpu.memory_space<vmem>>, vector<16xi32>,
        tpu.vector_store_idx %arg9[%get3A_354], %broadcast_in_dim3A_47 {add = true} : memref<10000xf32, #tpu.memory_space<vmem>>[vector<16xi32>], vector<16xf32>,
        tpu.vector_store_idx %arg11[%get3A_356], %broadcast_in_dim3A_47 {add = true} : memref<10000xf32, #tpu.memory_space<vmem>>[vector<16xi32>], vector<16xf32>,
        %mul3A_357 = arith.constant 64 : i32
        %mul3A_358 = arith.muli %scan3A_348, %mul3A_357 : i32
        %add3A_359 = arith.constant 16 : i32
        %add3A_360 = arith.addi %mul3A_358, %add3A_359 : i32
        %get3A_361 = arith.index_cast %add3A_360 : i32 to index
        %get3A_362 = tpu.vector_load %arg29[%get3A_361] {strides = array<i32>} : memref<3200xi32, #tpu.memory_space<vmem>>, vector<16xi32>,
        %get3A_363 = arith.index_cast %add3A_360 : i32 to index
        %get3A_364 = tpu.vector_load %arg31[%get3A_363] {strides = array<i32>} : memref<3200xi32, #tpu.memory_space<vmem>>, vector<16xi32>,
        tpu.vector_store_idx %arg9[%get3A_362], %broadcast_in_dim3A_47 {add = true} : memref<10000xf32, #tpu.memory_space<vmem>>[vector<16xi32>], vector<16xf32>,
        tpu.vector_store_idx %arg11[%get3A_364], %broadcast_in_dim3A_47 {add = true} : memref<10000xf32, #tpu.memory_space<vmem>>[vector<16xi32>], vector<16xf32>,
        %mul3A_365 = arith.constant 64 : i32
        %mul3A_366 = arith.muli %scan3A_348, %mul3A_365 : i32
        %add3A_367 = arith.constant 32 : i32
        %add3A_368 = arith.addi %mul3A_366, %add3A_367 : i32
        %get3A_369 = arith.index_cast %add3A_368 : i32 to index
        %get3A_370 = tpu.vector_load %arg29[%get3A_369] {strides = array<i32>} : memref<3200xi32, #tpu.memory_space<vmem>>, vector<16xi32>,
        %get3A_371 = arith.index_cast %add3A_368 : i32 to index
        %get3A_372 = tpu.vector_load %arg31[%get3A_371] {strides = array<i32>} : memref<3200xi32, #tpu.memory_space<vmem>>, vector<16xi32>,
        tpu.vector_store_idx %arg9[%get3A_370], %broadcast_in_dim3A_47 {add = true} : memref<10000xf32, #tpu.memory_space<vmem>>[vector<16xi32>], vector<16xf32>,
        tpu.vector_store_idx %arg11[%get3A_372], %broadcast_in_dim3A_47 {add = true} : memref<10000xf32, #tpu.memory_space<vmem>>[vector<16xi32>], vector<16xf32>,
        %mul3A_373 = arith.constant 64 : i32
        %mul3A_374 = arith.muli %scan3A_348, %mul3A_373 : i32
        %add3A_375 = arith.constant 48 : i32
        %add3A_376 = arith.addi %mul3A_374, %add3A_375 : i32
        %get3A_377 = arith.index_cast %add3A_376 : i32 to index
        %get3A_378 = tpu.vector_load %arg29[%get3A_377] {strides = array<i32>} : memref<3200xi32, #tpu.memory_space<vmem>>, vector<16xi32>,
        %get3A_379 = arith.index_cast %add3A_376 : i32 to index
        %get3A_380 = tpu.vector_load %arg31[%get3A_379] {strides = array<i32>} : memref<3200xi32, #tpu.memory_space<vmem>>, vector<16xi32>,
        tpu.vector_store_idx %arg9[%get3A_378], %broadcast_in_dim3A_47 {add = true} : memref<10000xf32, #tpu.memory_space<vmem>>[vector<16xi32>], vector<16xf32>,
        tpu.vector_store_idx %arg11[%get3A_380], %broadcast_in_dim3A_47 {add = true} : memref<10000xf32, #tpu.memory_space<vmem>>[vector<16xi32>], vector<16xf32>,
        %scan3A_381 = arith.constant 0 : i32
        scf.yield %scan3A_381 : i32
      }
      %scan3A_346 = arith.constant 50 : i32
      %scan3A_347 = arith.constant 0 : i32
      scf.yield %scan3A_347 : i32
    }
    %scan3A_54 = arith.constant 50 : i32
    %scan3A_55 = arith.constant 0 : i32
    %scan3A_56 = arith.constant 0 : i32
    %scan3A_57 = arith.constant 625 : i32
    %scan3A_58 = arith.addi %scan3A_56, %scan3A_57 : i32
    %scan3A_59 = arith.constant 1 : i32
    %scan3A_60 = scf.for %scan3A_281 = %scan3A_56 to %scan3A_58 step %scan3A_59 iter_args(%scan3A_282 = %scan3A_55) -> (i32)  : i32 {
      %mul3A_283 = arith.constant 16 : i32
      %mul3A_284 = arith.muli %scan3A_281, %mul3A_283 : i32
      %get3A = arith.index_cast %mul3A_284 : i32 to index
      %get3A_285 = tpu.vector_load %arg9[%get3A] {strides = array<i32>} : memref<10000xf32, #tpu.memory_space<vmem>>, vector<16xf32>,
      %bitcast3A = vector.bitcast %get3A_285 : vector<16xf32> to vector<16xi32>
      %shift_right_logical3A = arith.constant 1 : i32
      %shift_right_logical3A_286 = vector.broadcast %shift_right_logical3A : i32 to vector<16xi32>
      %shift_right_logical3A_287 = arith.shrui %bitcast3A, %shift_right_logical3A_286 : vector<16xi32>
      %sub3A = arith.constant 1597463007 : i32
      %sub3A_288 = vector.broadcast %sub3A : i32 to vector<16xi32>
      %sub3A_289 = arith.subi %sub3A_288, %shift_right_logical3A_287 : vector<16xi32>
      %bitcast3A_290 = vector.bitcast %sub3A_289 : vector<16xi32> to vector<16xf32>
      %mul3A_291 = arith.constant 5.000000e-01 : f32
      %mul3A_292 = vector.broadcast %mul3A_291 : f32 to vector<16xf32>
      %mul3A_293 = arith.mulf %mul3A_292, %get3A_285 : vector<16xf32>
      %mul3A_294 = arith.mulf %mul3A_293, %bitcast3A_290 : vector<16xf32>
      %mul3A_295 = arith.mulf %mul3A_294, %bitcast3A_290 : vector<16xf32>
      %sub3A_296 = arith.constant 1.500000e+00 : f32
      %sub3A_297 = vector.broadcast %sub3A_296 : f32 to vector<16xf32>
      %sub3A_298 = arith.subf %sub3A_297, %mul3A_295 : vector<16xf32>
      %mul3A_299 = arith.mulf %bitcast3A_290, %sub3A_298 : vector<16xf32>
      %mul3A_300 = arith.constant 5.000000e-01 : f32
      %mul3A_301 = vector.broadcast %mul3A_300 : f32 to vector<16xf32>
      %mul3A_302 = arith.mulf %mul3A_301, %get3A_285 : vector<16xf32>
      %mul3A_303 = arith.mulf %mul3A_302, %mul3A_299 : vector<16xf32>
      %mul3A_304 = arith.mulf %mul3A_303, %mul3A_299 : vector<16xf32>
      %sub3A_305 = arith.constant 1.500000e+00 : f32
      %sub3A_306 = vector.broadcast %sub3A_305 : f32 to vector<16xf32>
      %sub3A_307 = arith.subf %sub3A_306, %mul3A_304 : vector<16xf32>
      %mul3A_308 = arith.mulf %mul3A_299, %sub3A_307 : vector<16xf32>
      %mul3A_309 = arith.constant 5.000000e-01 : f32
      %mul3A_310 = vector.broadcast %mul3A_309 : f32 to vector<16xf32>
      %mul3A_311 = arith.mulf %mul3A_310, %get3A_285 : vector<16xf32>
      %mul3A_312 = arith.mulf %mul3A_311, %mul3A_308 : vector<16xf32>
      %mul3A_313 = arith.mulf %mul3A_312, %mul3A_308 : vector<16xf32>
      %sub3A_314 = arith.constant 1.500000e+00 : f32
      %sub3A_315 = vector.broadcast %sub3A_314 : f32 to vector<16xf32>
      %sub3A_316 = arith.subf %sub3A_315, %mul3A_313 : vector<16xf32>
      %mul3A_317 = arith.mulf %mul3A_308, %sub3A_316 : vector<16xf32>
      %bitcast3A_318 = vector.bitcast %mul3A_317 : vector<16xf32> to vector<16xi32>
      %shift_right_logical3A_319 = arith.constant 1 : i32
      %shift_right_logical3A_320 = vector.broadcast %shift_right_logical3A_319 : i32 to vector<16xi32>
      %shift_right_logical3A_321 = arith.shrui %bitcast3A_318, %shift_right_logical3A_320 : vector<16xi32>
      %sub3A_322 = arith.constant 1597463007 : i32
      %sub3A_323 = vector.broadcast %sub3A_322 : i32 to vector<16xi32>
      %sub3A_324 = arith.subi %sub3A_323, %shift_right_logical3A_321 : vector<16xi32>
      %bitcast3A_325 = vector.bitcast %sub3A_324 : vector<16xi32> to vector<16xf32>
      %mul3A_326 = arith.constant 5.000000e-01 : f32
      %mul3A_327 = vector.broadcast %mul3A_326 : f32 to vector<16xf32>
      %mul3A_328 = arith.mulf %mul3A_327, %mul3A_317 : vector<16xf32>
      %mul3A_329 = arith.mulf %mul3A_328, %bitcast3A_325 : vector<16xf32>
      %mul3A_330 = arith.mulf %mul3A_329, %bitcast3A_325 : vector<16xf32>
      %sub3A_331 = arith.constant 1.500000e+00 : f32
      %sub3A_332 = vector.broadcast %sub3A_331 : f32 to vector<16xf32>
      %sub3A_333 = arith.subf %sub3A_332, %mul3A_330 : vector<16xf32>
      %mul3A_334 = arith.mulf %bitcast3A_325, %sub3A_333 : vector<16xf32>
      %mul3A_335 = arith.constant 5.000000e-01 : f32
      %mul3A_336 = vector.broadcast %mul3A_335 : f32 to vector<16xf32>
      %mul3A_337 = arith.mulf %mul3A_336, %mul3A_317 : vector<16xf32>
      %mul3A_338 = arith.mulf %mul3A_337, %mul3A_334 : vector<16xf32>
      %mul3A_339 = arith.mulf %mul3A_338, %mul3A_334 : vector<16xf32>
      %sub3A_340 = arith.constant 1.500000e+00 : f32
      %sub3A_341 = vector.broadcast %sub3A_340 : f32 to vector<16xf32>
      %sub3A_342 = arith.subf %sub3A_341, %mul3A_339 : vector<16xf32>
      %mul3A_343 = arith.mulf %mul3A_334, %sub3A_342 : vector<16xf32>
      %mul3A_344 = arith.constant 5.000000e-01 : f32
      %mul3A_345 = vector.broadcast %mul3A_344 : f32 to vector<16xf32>
      %mul3A_346 = arith.mulf %mul3A_345, %mul3A_317 : vector<16xf32>
      %mul3A_347 = arith.mulf %mul3A_346, %mul3A_343 : vector<16xf32>
      %mul3A_348 = arith.mulf %mul3A_347, %mul3A_343 : vector<16xf32>
      %sub3A_349 = arith.constant 1.500000e+00 : f32
      %sub3A_350 = vector.broadcast %sub3A_349 : f32 to vector<16xf32>
      %sub3A_351 = arith.subf %sub3A_350, %mul3A_348 : vector<16xf32>
      %mul3A_352 = arith.mulf %mul3A_343, %sub3A_351 : vector<16xf32>
      %mul3A_353 = arith.mulf %mul3A_317, %mul3A_352 : vector<16xf32>
      %gt3A = arith.constant 0.000000e+00 : f32
      %gt3A_354 = vector.broadcast %gt3A : f32 to vector<16xf32>
      %gt3A_355 = arith.cmpf ogt, %get3A_285, %gt3A_354 : vector<16xf32>
      %jit3A = arith.constant 0.000000e+00 : f32
      %broadcast_in_dim3A_356 = vector.broadcast %jit3A : f32 to vector<16xf32>
      %select_n3A = arith.select %gt3A_355, %mul3A_353, %broadcast_in_dim3A_356 : vector<16xi1>, vector<16xf32>
      %swap3A_357 = arith.index_cast %mul3A_284 : i32 to index
      %swap3A_358 = tpu.vector_load %arg9[%swap3A_357] {strides = array<i32>} : memref<10000xf32, #tpu.memory_space<vmem>>, vector<16xf32>,
      tpu.vector_store %arg9[%swap3A_357], %select_n3A {strides = array<i32>} : memref<10000xf32, #tpu.memory_space<vmem>>, vector<16xf32>,
      %scan3A_359 = arith.constant 0 : i32
      scf.yield %scan3A_359 : i32
    }
    %scan3A_61 = arith.constant 625 : i32
    %scan3A_62 = arith.constant 0 : i32
    %scan3A_63 = arith.constant 0 : i32
    %scan3A_64 = arith.constant 625 : i32
    %scan3A_65 = arith.addi %scan3A_63, %scan3A_64 : i32
    %scan3A_66 = arith.constant 1 : i32
    %scan3A_67 = scf.for %scan3A_281 = %scan3A_63 to %scan3A_65 step %scan3A_66 iter_args(%scan3A_282 = %scan3A_62) -> (i32)  : i32 {
      %mul3A_283 = arith.constant 16 : i32
      %mul3A_284 = arith.muli %scan3A_281, %mul3A_283 : i32
      %get3A = arith.index_cast %mul3A_284 : i32 to index
      %get3A_285 = tpu.vector_load %arg11[%get3A] {strides = array<i32>} : memref<10000xf32, #tpu.memory_space<vmem>>, vector<16xf32>,
      %bitcast3A = vector.bitcast %get3A_285 : vector<16xf32> to vector<16xi32>
      %shift_right_logical3A = arith.constant 1 : i32
      %shift_right_logical3A_286 = vector.broadcast %shift_right_logical3A : i32 to vector<16xi32>
      %shift_right_logical3A_287 = arith.shrui %bitcast3A, %shift_right_logical3A_286 : vector<16xi32>
      %sub3A = arith.constant 1597463007 : i32
      %sub3A_288 = vector.broadcast %sub3A : i32 to vector<16xi32>
      %sub3A_289 = arith.subi %sub3A_288, %shift_right_logical3A_287 : vector<16xi32>
      %bitcast3A_290 = vector.bitcast %sub3A_289 : vector<16xi32> to vector<16xf32>
      %mul3A_291 = arith.constant 5.000000e-01 : f32
      %mul3A_292 = vector.broadcast %mul3A_291 : f32 to vector<16xf32>
      %mul3A_293 = arith.mulf %mul3A_292, %get3A_285 : vector<16xf32>
      %mul3A_294 = arith.mulf %mul3A_293, %bitcast3A_290 : vector<16xf32>
      %mul3A_295 = arith.mulf %mul3A_294, %bitcast3A_290 : vector<16xf32>
      %sub3A_296 = arith.constant 1.500000e+00 : f32
      %sub3A_297 = vector.broadcast %sub3A_296 : f32 to vector<16xf32>
      %sub3A_298 = arith.subf %sub3A_297, %mul3A_295 : vector<16xf32>
      %mul3A_299 = arith.mulf %bitcast3A_290, %sub3A_298 : vector<16xf32>
      %mul3A_300 = arith.constant 5.000000e-01 : f32
      %mul3A_301 = vector.broadcast %mul3A_300 : f32 to vector<16xf32>
      %mul3A_302 = arith.mulf %mul3A_301, %get3A_285 : vector<16xf32>
      %mul3A_303 = arith.mulf %mul3A_302, %mul3A_299 : vector<16xf32>
      %mul3A_304 = arith.mulf %mul3A_303, %mul3A_299 : vector<16xf32>
      %sub3A_305 = arith.constant 1.500000e+00 : f32
      %sub3A_306 = vector.broadcast %sub3A_305 : f32 to vector<16xf32>
      %sub3A_307 = arith.subf %sub3A_306, %mul3A_304 : vector<16xf32>
      %mul3A_308 = arith.mulf %mul3A_299, %sub3A_307 : vector<16xf32>
      %mul3A_309 = arith.constant 5.000000e-01 : f32
      %mul3A_310 = vector.broadcast %mul3A_309 : f32 to vector<16xf32>
      %mul3A_311 = arith.mulf %mul3A_310, %get3A_285 : vector<16xf32>
      %mul3A_312 = arith.mulf %mul3A_311, %mul3A_308 : vector<16xf32>
      %mul3A_313 = arith.mulf %mul3A_312, %mul3A_308 : vector<16xf32>
      %sub3A_314 = arith.constant 1.500000e+00 : f32
      %sub3A_315 = vector.broadcast %sub3A_314 : f32 to vector<16xf32>
      %sub3A_316 = arith.subf %sub3A_315, %mul3A_313 : vector<16xf32>
      %mul3A_317 = arith.mulf %mul3A_308, %sub3A_316 : vector<16xf32>
      %bitcast3A_318 = vector.bitcast %mul3A_317 : vector<16xf32> to vector<16xi32>
      %shift_right_logical3A_319 = arith.constant 1 : i32
      %shift_right_logical3A_320 = vector.broadcast %shift_right_logical3A_319 : i32 to vector<16xi32>
      %shift_right_logical3A_321 = arith.shrui %bitcast3A_318, %shift_right_logical3A_320 : vector<16xi32>
      %sub3A_322 = arith.constant 1597463007 : i32
      %sub3A_323 = vector.broadcast %sub3A_322 : i32 to vector<16xi32>
      %sub3A_324 = arith.subi %sub3A_323, %shift_right_logical3A_321 : vector<16xi32>
      %bitcast3A_325 = vector.bitcast %sub3A_324 : vector<16xi32> to vector<16xf32>
      %mul3A_326 = arith.constant 5.000000e-01 : f32
      %mul3A_327 = vector.broadcast %mul3A_326 : f32 to vector<16xf32>
      %mul3A_328 = arith.mulf %mul3A_327, %mul3A_317 : vector<16xf32>
      %mul3A_329 = arith.mulf %mul3A_328, %bitcast3A_325 : vector<16xf32>
      %mul3A_330 = arith.mulf %mul3A_329, %bitcast3A_325 : vector<16xf32>
      %sub3A_331 = arith.constant 1.500000e+00 : f32
      %sub3A_332 = vector.broadcast %sub3A_331 : f32 to vector<16xf32>
      %sub3A_333 = arith.subf %sub3A_332, %mul3A_330 : vector<16xf32>
      %mul3A_334 = arith.mulf %bitcast3A_325, %sub3A_333 : vector<16xf32>
      %mul3A_335 = arith.constant 5.000000e-01 : f32
      %mul3A_336 = vector.broadcast %mul3A_335 : f32 to vector<16xf32>
      %mul3A_337 = arith.mulf %mul3A_336, %mul3A_317 : vector<16xf32>
      %mul3A_338 = arith.mulf %mul3A_337, %mul3A_334 : vector<16xf32>
      %mul3A_339 = arith.mulf %mul3A_338, %mul3A_334 : vector<16xf32>
      %sub3A_340 = arith.constant 1.500000e+00 : f32
      %sub3A_341 = vector.broadcast %sub3A_340 : f32 to vector<16xf32>
      %sub3A_342 = arith.subf %sub3A_341, %mul3A_339 : vector<16xf32>
      %mul3A_343 = arith.mulf %mul3A_334, %sub3A_342 : vector<16xf32>
      %mul3A_344 = arith.constant 5.000000e-01 : f32
      %mul3A_345 = vector.broadcast %mul3A_344 : f32 to vector<16xf32>
      %mul3A_346 = arith.mulf %mul3A_345, %mul3A_317 : vector<16xf32>
      %mul3A_347 = arith.mulf %mul3A_346, %mul3A_343 : vector<16xf32>
      %mul3A_348 = arith.mulf %mul3A_347, %mul3A_343 : vector<16xf32>
      %sub3A_349 = arith.constant 1.500000e+00 : f32
      %sub3A_350 = vector.broadcast %sub3A_349 : f32 to vector<16xf32>
      %sub3A_351 = arith.subf %sub3A_350, %mul3A_348 : vector<16xf32>
      %mul3A_352 = arith.mulf %mul3A_343, %sub3A_351 : vector<16xf32>
      %mul3A_353 = arith.mulf %mul3A_317, %mul3A_352 : vector<16xf32>
      %gt3A = arith.constant 0.000000e+00 : f32
      %gt3A_354 = vector.broadcast %gt3A : f32 to vector<16xf32>
      %gt3A_355 = arith.cmpf ogt, %get3A_285, %gt3A_354 : vector<16xf32>
      %jit3A = arith.constant 0.000000e+00 : f32
      %broadcast_in_dim3A_356 = vector.broadcast %jit3A : f32 to vector<16xf32>
      %select_n3A = arith.select %gt3A_355, %mul3A_353, %broadcast_in_dim3A_356 : vector<16xi1>, vector<16xf32>
      %swap3A_357 = arith.index_cast %mul3A_284 : i32 to index
      %swap3A_358 = tpu.vector_load %arg11[%swap3A_357] {strides = array<i32>} : memref<10000xf32, #tpu.memory_space<vmem>>, vector<16xf32>,
      tpu.vector_store %arg11[%swap3A_357], %select_n3A {strides = array<i32>} : memref<10000xf32, #tpu.memory_space<vmem>>, vector<16xf32>,
      %scan3A_359 = arith.constant 0 : i32
      scf.yield %scan3A_359 : i32
    }
    %scan3A_68 = arith.constant 625 : i32
    %add3A_69 = arith.constant 0 : i32
    %add3A_70 = arith.addi %add3A_69, %arg1 : i32
    %lt3A = arith.constant 100 : i32
    %lt3A_71 = arith.cmpi slt, %add3A_70, %lt3A : i32
    %convert_element_type3A = arith.extui %lt3A_71 : i1 to i32
    %cond3A = arith.constant 0 : i32
    %cond3A_72 = arith.cmpi ne, %convert_element_type3A, %cond3A : i32
    scf.if %cond3A_72 {
      %mul3A_281 = arith.constant 3200 : i32
      %mul3A_282 = arith.muli %add3A_70, %mul3A_281 : i32
      %dma_start3A_283 = tpu.memref_slice %arg2[%mul3A_282] : memref<320000xi32, #tpu.memory_space<hbm>> -> memref<3200xi32, #tpu.memory_space<hbm>>
      %dma_start3A_284 = tpu.memref_slice %arg2[%mul3A_282] : memref<320000xi32, #tpu.memory_space<hbm>> -> memref<3200xi32, #tpu.memory_space<hbm>>
      tpu.enqueue_dma source(%dma_start3A_284 : memref<3200xi32, #tpu.memory_space<hbm>>) target(%arg29 : memref<3200xi32, #tpu.memory_space<vmem>>) target_semaphore(%arg35 : memref<!tpu.dma_semaphore, #tpu.memory_space<semaphore_mem>>)
      %dma_start3A_285 = tpu.memref_slice %arg3[%mul3A_282] : memref<320000xi32, #tpu.memory_space<hbm>> -> memref<3200xi32, #tpu.memory_space<hbm>>
      %dma_start3A_286 = tpu.memref_slice %arg3[%mul3A_282] : memref<320000xi32, #tpu.memory_space<hbm>> -> memref<3200xi32, #tpu.memory_space<hbm>>
      tpu.enqueue_dma source(%dma_start3A_286 : memref<3200xi32, #tpu.memory_space<hbm>>) target(%arg31 : memref<3200xi32, #tpu.memory_space<vmem>>) target_semaphore(%arg37 : memref<!tpu.dma_semaphore, #tpu.memory_space<semaphore_mem>>)
      %dma_wait3A_287 = tpu.memref_slice %arg2[%mul3A_282] : memref<320000xi32, #tpu.memory_space<hbm>> -> memref<3200xi32, #tpu.memory_space<hbm>>
      %dma_wait3A_288 = tpu.memref_slice %arg2[%mul3A_282] : memref<320000xi32, #tpu.memory_space<hbm>> -> memref<3200xi32, #tpu.memory_space<hbm>>
      tpu.wait_dma2 semaphore(%arg35 : memref<!tpu.dma_semaphore, #tpu.memory_space<semaphore_mem>>) src(%dma_wait3A_288 : memref<3200xi32, #tpu.memory_space<hbm>>) dst(%arg29 : memref<3200xi32, #tpu.memory_space<vmem>>)
      %dma_wait3A_289 = tpu.memref_slice %arg3[%mul3A_282] : memref<320000xi32, #tpu.memory_space<hbm>> -> memref<3200xi32, #tpu.memory_space<hbm>>
      %dma_wait3A_290 = tpu.memref_slice %arg3[%mul3A_282] : memref<320000xi32, #tpu.memory_space<hbm>> -> memref<3200xi32, #tpu.memory_space<hbm>>
      tpu.wait_dma2 semaphore(%arg37 : memref<!tpu.dma_semaphore, #tpu.memory_space<semaphore_mem>>) src(%dma_wait3A_290 : memref<3200xi32, #tpu.memory_space<hbm>>) dst(%arg31 : memref<3200xi32, #tpu.memory_space<vmem>>)
      %scan3A_291 = arith.constant 0 : i32
      %scan3A_292 = arith.constant 0 : i32
      %scan3A_293 = arith.constant 200 : i32
      %scan3A_294 = arith.addi %scan3A_292, %scan3A_293 : i32
      %scan3A_295 = arith.constant 1 : i32
      %scan3A_296 = scf.for %scan3A_298 = %scan3A_292 to %scan3A_294 step %scan3A_295 iter_args(%scan3A_299 = %scan3A_291) -> (i32)  : i32 {
        %mul3A_300 = arith.constant 16 : i32
        %mul3A_301 = arith.muli %scan3A_298, %mul3A_300 : i32
        %get3A = arith.index_cast %mul3A_301 : i32 to index
        %get3A_302 = tpu.vector_load %arg29[%get3A] {strides = array<i32>} : memref<3200xi32, #tpu.memory_space<vmem>>, vector<16xi32>,
        %get3A_303 = arith.index_cast %mul3A_301 : i32 to index
        %get3A_304 = tpu.vector_load %arg31[%get3A_303] {strides = array<i32>} : memref<3200xi32, #tpu.memory_space<vmem>>, vector<16xi32>,
        %gather3A = tpu.vector_load_idx %arg9[%get3A_302] : memref<10000xf32, #tpu.memory_space<vmem>>[vector<16xi32>], vector<16xf32>,
        %gather3A_305 = tpu.vector_load_idx %arg11[%get3A_304] : memref<10000xf32, #tpu.memory_space<vmem>>[vector<16xi32>], vector<16xf32>,
        %mul3A_306 = arith.mulf %gather3A, %gather3A_305 : vector<16xf32>
        %swap3A_307 = arith.index_cast %mul3A_301 : i32 to index
        %swap3A_308 = tpu.vector_load %arg33[%swap3A_307] {strides = array<i32>} : memref<3200xf32, #tpu.memory_space<vmem>>, vector<16xf32>,
        tpu.vector_store %arg33[%swap3A_307], %mul3A_306 {strides = array<i32>} : memref<3200xf32, #tpu.memory_space<vmem>>, vector<16xf32>,
        %scan3A_309 = arith.constant 0 : i32
        scf.yield %scan3A_309 : i32
      }
      %scan3A_297 = arith.constant 200 : i32
      "tpu.region"() ({
        %run_scoped3A_298 = tpu.sem_alloc : memref<!tpu.dma_semaphore, #tpu.memory_space<semaphore_mem>>
        %dma_start3A_299 = tpu.memref_slice %arg8[%arg0, %mul3A_282] : memref<2x320000xf32, #tpu.memory_space<hbm>> -> memref<1x3200xf32, #tpu.memory_space<hbm>>
        %dma_start3A_300 = tpu.memref_squeeze %dma_start3A_299 : memref<1x3200xf32, #tpu.memory_space<hbm>> -> memref<3200xf32, #tpu.memory_space<hbm>>
        %dma_start3A_301 = tpu.memref_slice %arg8[%arg0, %mul3A_282] : memref<2x320000xf32, #tpu.memory_space<hbm>> -> memref<1x3200xf32, #tpu.memory_space<hbm>>
        %dma_start3A_302 = tpu.memref_squeeze %dma_start3A_301 : memref<1x3200xf32, #tpu.memory_space<hbm>> -> memref<3200xf32, #tpu.memory_space<hbm>>
        tpu.enqueue_dma source(%arg33 : memref<3200xf32, #tpu.memory_space<vmem>>) target(%dma_start3A_302 : memref<3200xf32, #tpu.memory_space<hbm>>) target_semaphore(%run_scoped3A_298 : memref<!tpu.dma_semaphore, #tpu.memory_space<semaphore_mem>>)
        %dma_wait3A_303 = tpu.memref_slice %arg8[%arg0, %mul3A_282] : memref<2x320000xf32, #tpu.memory_space<hbm>> -> memref<1x3200xf32, #tpu.memory_space<hbm>>
        %dma_wait3A_304 = tpu.memref_squeeze %dma_wait3A_303 : memref<1x3200xf32, #tpu.memory_space<hbm>> -> memref<3200xf32, #tpu.memory_space<hbm>>
        %dma_wait3A_305 = tpu.memref_slice %arg8[%arg0, %mul3A_282] : memref<2x320000xf32, #tpu.memory_space<hbm>> -> memref<1x3200xf32, #tpu.memory_space<hbm>>
        %dma_wait3A_306 = tpu.memref_squeeze %dma_wait3A_305 : memref<1x3200xf32, #tpu.memory_space<hbm>> -> memref<3200xf32, #tpu.memory_space<hbm>>
        tpu.wait_dma2 semaphore(%run_scoped3A_298 : memref<!tpu.dma_semaphore, #tpu.memory_space<semaphore_mem>>) src(%arg33 : memref<3200xf32, #tpu.memory_space<vmem>>) dst(%dma_wait3A_306 : memref<3200xf32, #tpu.memory_space<hbm>>)
        tpu.yield
      }) : () -> ()
    } else {
    }
    %add3A_73 = arith.constant 16 : i32
    %add3A_74 = arith.addi %add3A_73, %arg1 : i32
    %lt3A_75 = arith.constant 100 : i32
    %lt3A_76 = arith.cmpi slt, %add3A_74, %lt3A_75 : i32
    %convert_element_type3A_77 = arith.extui %lt3A_76 : i1 to i32
    %cond3A_78 = arith.constant 0 : i32
    %cond3A_79 = arith.cmpi ne, %convert_element_type3A_77, %cond3A_78 : i32
    scf.if %cond3A_79 {
      %mul3A_281 = arith.constant 3200 : i32
      %mul3A_282 = arith.muli %add3A_74, %mul3A_281 : i32
      %dma_start3A_283 = tpu.memref_slice %arg2[%mul3A_282] : memref<320000xi32, #tpu.memory_space<hbm>> -> memref<3200xi32, #tpu.memory_space<hbm>>
      %dma_start3A_284 = tpu.memref_slice %arg2[%mul3A_282] : memref<320000xi32, #tpu.memory_space<hbm>> -> memref<3200xi32, #tpu.memory_space<hbm>>
      tpu.enqueue_dma source(%dma_start3A_284 : memref<3200xi32, #tpu.memory_space<hbm>>) target(%arg29 : memref<3200xi32, #tpu.memory_space<vmem>>) target_semaphore(%arg35 : memref<!tpu.dma_semaphore, #tpu.memory_space<semaphore_mem>>)
      %dma_start3A_285 = tpu.memref_slice %arg3[%mul3A_282] : memref<320000xi32, #tpu.memory_space<hbm>> -> memref<3200xi32, #tpu.memory_space<hbm>>
      %dma_start3A_286 = tpu.memref_slice %arg3[%mul3A_282] : memref<320000xi32, #tpu.memory_space<hbm>> -> memref<3200xi32, #tpu.memory_space<hbm>>
      tpu.enqueue_dma source(%dma_start3A_286 : memref<3200xi32, #tpu.memory_space<hbm>>) target(%arg31 : memref<3200xi32, #tpu.memory_space<vmem>>) target_semaphore(%arg37 : memref<!tpu.dma_semaphore, #tpu.memory_space<semaphore_mem>>)
      %dma_wait3A_287 = tpu.memref_slice %arg2[%mul3A_282] : memref<320000xi32, #tpu.memory_space<hbm>> -> memref<3200xi32, #tpu.memory_space<hbm>>
      %dma_wait3A_288 = tpu.memref_slice %arg2[%mul3A_282] : memref<320000xi32, #tpu.memory_space<hbm>> -> memref<3200xi32, #tpu.memory_space<hbm>>
      tpu.wait_dma2 semaphore(%arg35 : memref<!tpu.dma_semaphore, #tpu.memory_space<semaphore_mem>>) src(%dma_wait3A_288 : memref<3200xi32, #tpu.memory_space<hbm>>) dst(%arg29 : memref<3200xi32, #tpu.memory_space<vmem>>)
      %dma_wait3A_289 = tpu.memref_slice %arg3[%mul3A_282] : memref<320000xi32, #tpu.memory_space<hbm>> -> memref<3200xi32, #tpu.memory_space<hbm>>
      %dma_wait3A_290 = tpu.memref_slice %arg3[%mul3A_282] : memref<320000xi32, #tpu.memory_space<hbm>> -> memref<3200xi32, #tpu.memory_space<hbm>>
      tpu.wait_dma2 semaphore(%arg37 : memref<!tpu.dma_semaphore, #tpu.memory_space<semaphore_mem>>) src(%dma_wait3A_290 : memref<3200xi32, #tpu.memory_space<hbm>>) dst(%arg31 : memref<3200xi32, #tpu.memory_space<vmem>>)
      %scan3A_291 = arith.constant 0 : i32
      %scan3A_292 = arith.constant 0 : i32
      %scan3A_293 = arith.constant 200 : i32
      %scan3A_294 = arith.addi %scan3A_292, %scan3A_293 : i32
      %scan3A_295 = arith.constant 1 : i32
      %scan3A_296 = scf.for %scan3A_298 = %scan3A_292 to %scan3A_294 step %scan3A_295 iter_args(%scan3A_299 = %scan3A_291) -> (i32)  : i32 {
        %mul3A_300 = arith.constant 16 : i32
        %mul3A_301 = arith.muli %scan3A_298, %mul3A_300 : i32
        %get3A = arith.index_cast %mul3A_301 : i32 to index
        %get3A_302 = tpu.vector_load %arg29[%get3A] {strides = array<i32>} : memref<3200xi32, #tpu.memory_space<vmem>>, vector<16xi32>,
        %get3A_303 = arith.index_cast %mul3A_301 : i32 to index
        %get3A_304 = tpu.vector_load %arg31[%get3A_303] {strides = array<i32>} : memref<3200xi32, #tpu.memory_space<vmem>>, vector<16xi32>,
        %gather3A = tpu.vector_load_idx %arg9[%get3A_302] : memref<10000xf32, #tpu.memory_space<vmem>>[vector<16xi32>], vector<16xf32>,
        %gather3A_305 = tpu.vector_load_idx %arg11[%get3A_304] : memref<10000xf32, #tpu.memory_space<vmem>>[vector<16xi32>], vector<16xf32>,
        %mul3A_306 = arith.mulf %gather3A, %gather3A_305 : vector<16xf32>
        %swap3A_307 = arith.index_cast %mul3A_301 : i32 to index
        %swap3A_308 = tpu.vector_load %arg33[%swap3A_307] {strides = array<i32>} : memref<3200xf32, #tpu.memory_space<vmem>>, vector<16xf32>,
        tpu.vector_store %arg33[%swap3A_307], %mul3A_306 {strides = array<i32>} : memref<3200xf32, #tpu.memory_space<vmem>>, vector<16xf32>,
        %scan3A_309 = arith.constant 0 : i32
        scf.yield %scan3A_309 : i32
      }
      %scan3A_297 = arith.constant 200 : i32
      "tpu.region"() ({
        %run_scoped3A_298 = tpu.sem_alloc : memref<!tpu.dma_semaphore, #tpu.memory_space<semaphore_mem>>
        %dma_start3A_299 = tpu.memref_slice %arg8[%arg0, %mul3A_282] : memref<2x320000xf32, #tpu.memory_space<hbm>> -> memref<1x3200xf32, #tpu.memory_space<hbm>>
        %dma_start3A_300 = tpu.memref_squeeze %dma_start3A_299 : memref<1x3200xf32, #tpu.memory_space<hbm>> -> memref<3200xf32, #tpu.memory_space<hbm>>
        %dma_start3A_301 = tpu.memref_slice %arg8[%arg0, %mul3A_282] : memref<2x320000xf32, #tpu.memory_space<hbm>> -> memref<1x3200xf32, #tpu.memory_space<hbm>>
        %dma_start3A_302 = tpu.memref_squeeze %dma_start3A_301 : memref<1x3200xf32, #tpu.memory_space<hbm>> -> memref<3200xf32, #tpu.memory_space<hbm>>
        tpu.enqueue_dma source(%arg33 : memref<3200xf32, #tpu.memory_space<vmem>>) target(%dma_start3A_302 : memref<3200xf32, #tpu.memory_space<hbm>>) target_semaphore(%run_scoped3A_298 : memref<!tpu.dma_semaphore, #tpu.memory_space<semaphore_mem>>)
        %dma_wait3A_303 = tpu.memref_slice %arg8[%arg0, %mul3A_282] : memref<2x320000xf32, #tpu.memory_space<hbm>> -> memref<1x3200xf32, #tpu.memory_space<hbm>>
        %dma_wait3A_304 = tpu.memref_squeeze %dma_wait3A_303 : memref<1x3200xf32, #tpu.memory_space<hbm>> -> memref<3200xf32, #tpu.memory_space<hbm>>
        %dma_wait3A_305 = tpu.memref_slice %arg8[%arg0, %mul3A_282] : memref<2x320000xf32, #tpu.memory_space<hbm>> -> memref<1x3200xf32, #tpu.memory_space<hbm>>
        %dma_wait3A_306 = tpu.memref_squeeze %dma_wait3A_305 : memref<1x3200xf32, #tpu.memory_space<hbm>> -> memref<3200xf32, #tpu.memory_space<hbm>>
        tpu.wait_dma2 semaphore(%run_scoped3A_298 : memref<!tpu.dma_semaphore, #tpu.memory_space<semaphore_mem>>) src(%arg33 : memref<3200xf32, #tpu.memory_space<vmem>>) dst(%dma_wait3A_306 : memref<3200xf32, #tpu.memory_space<hbm>>)
        tpu.yield
      }) : () -> ()
    } else {
    }
    %add3A_80 = arith.constant 32 : i32
    %add3A_81 = arith.addi %add3A_80, %arg1 : i32
    %lt3A_82 = arith.constant 100 : i32
    %lt3A_83 = arith.cmpi slt, %add3A_81, %lt3A_82 : i32
    %convert_element_type3A_84 = arith.extui %lt3A_83 : i1 to i32
    %cond3A_85 = arith.constant 0 : i32
    %cond3A_86 = arith.cmpi ne, %convert_element_type3A_84, %cond3A_85 : i32
    scf.if %cond3A_86 {
      %mul3A_281 = arith.constant 3200 : i32
      %mul3A_282 = arith.muli %add3A_81, %mul3A_281 : i32
      %dma_start3A_283 = tpu.memref_slice %arg2[%mul3A_282] : memref<320000xi32, #tpu.memory_space<hbm>> -> memref<3200xi32, #tpu.memory_space<hbm>>
      %dma_start3A_284 = tpu.memref_slice %arg2[%mul3A_282] : memref<320000xi32, #tpu.memory_space<hbm>> -> memref<3200xi32, #tpu.memory_space<hbm>>
      tpu.enqueue_dma source(%dma_start3A_284 : memref<3200xi32, #tpu.memory_space<hbm>>) target(%arg29 : memref<3200xi32, #tpu.memory_space<vmem>>) target_semaphore(%arg35 : memref<!tpu.dma_semaphore, #tpu.memory_space<semaphore_mem>>)
      %dma_start3A_285 = tpu.memref_slice %arg3[%mul3A_282] : memref<320000xi32, #tpu.memory_space<hbm>> -> memref<3200xi32, #tpu.memory_space<hbm>>
      %dma_start3A_286 = tpu.memref_slice %arg3[%mul3A_282] : memref<320000xi32, #tpu.memory_space<hbm>> -> memref<3200xi32, #tpu.memory_space<hbm>>
      tpu.enqueue_dma source(%dma_start3A_286 : memref<3200xi32, #tpu.memory_space<hbm>>) target(%arg31 : memref<3200xi32, #tpu.memory_space<vmem>>) target_semaphore(%arg37 : memref<!tpu.dma_semaphore, #tpu.memory_space<semaphore_mem>>)
      %dma_wait3A_287 = tpu.memref_slice %arg2[%mul3A_282] : memref<320000xi32, #tpu.memory_space<hbm>> -> memref<3200xi32, #tpu.memory_space<hbm>>
      %dma_wait3A_288 = tpu.memref_slice %arg2[%mul3A_282] : memref<320000xi32, #tpu.memory_space<hbm>> -> memref<3200xi32, #tpu.memory_space<hbm>>
      tpu.wait_dma2 semaphore(%arg35 : memref<!tpu.dma_semaphore, #tpu.memory_space<semaphore_mem>>) src(%dma_wait3A_288 : memref<3200xi32, #tpu.memory_space<hbm>>) dst(%arg29 : memref<3200xi32, #tpu.memory_space<vmem>>)
      %dma_wait3A_289 = tpu.memref_slice %arg3[%mul3A_282] : memref<320000xi32, #tpu.memory_space<hbm>> -> memref<3200xi32, #tpu.memory_space<hbm>>
      %dma_wait3A_290 = tpu.memref_slice %arg3[%mul3A_282] : memref<320000xi32, #tpu.memory_space<hbm>> -> memref<3200xi32, #tpu.memory_space<hbm>>
      tpu.wait_dma2 semaphore(%arg37 : memref<!tpu.dma_semaphore, #tpu.memory_space<semaphore_mem>>) src(%dma_wait3A_290 : memref<3200xi32, #tpu.memory_space<hbm>>) dst(%arg31 : memref<3200xi32, #tpu.memory_space<vmem>>)
      %scan3A_291 = arith.constant 0 : i32
      %scan3A_292 = arith.constant 0 : i32
      %scan3A_293 = arith.constant 200 : i32
      %scan3A_294 = arith.addi %scan3A_292, %scan3A_293 : i32
      %scan3A_295 = arith.constant 1 : i32
      %scan3A_296 = scf.for %scan3A_298 = %scan3A_292 to %scan3A_294 step %scan3A_295 iter_args(%scan3A_299 = %scan3A_291) -> (i32)  : i32 {
        %mul3A_300 = arith.constant 16 : i32
        %mul3A_301 = arith.muli %scan3A_298, %mul3A_300 : i32
        %get3A = arith.index_cast %mul3A_301 : i32 to index
        %get3A_302 = tpu.vector_load %arg29[%get3A] {strides = array<i32>} : memref<3200xi32, #tpu.memory_space<vmem>>, vector<16xi32>,
        %get3A_303 = arith.index_cast %mul3A_301 : i32 to index
        %get3A_304 = tpu.vector_load %arg31[%get3A_303] {strides = array<i32>} : memref<3200xi32, #tpu.memory_space<vmem>>, vector<16xi32>,
        %gather3A = tpu.vector_load_idx %arg9[%get3A_302] : memref<10000xf32, #tpu.memory_space<vmem>>[vector<16xi32>], vector<16xf32>,
        %gather3A_305 = tpu.vector_load_idx %arg11[%get3A_304] : memref<10000xf32, #tpu.memory_space<vmem>>[vector<16xi32>], vector<16xf32>,
        %mul3A_306 = arith.mulf %gather3A, %gather3A_305 : vector<16xf32>
        %swap3A_307 = arith.index_cast %mul3A_301 : i32 to index
        %swap3A_308 = tpu.vector_load %arg33[%swap3A_307] {strides = array<i32>} : memref<3200xf32, #tpu.memory_space<vmem>>, vector<16xf32>,
        tpu.vector_store %arg33[%swap3A_307], %mul3A_306 {strides = array<i32>} : memref<3200xf32, #tpu.memory_space<vmem>>, vector<16xf32>,
        %scan3A_309 = arith.constant 0 : i32
        scf.yield %scan3A_309 : i32
      }
      %scan3A_297 = arith.constant 200 : i32
      "tpu.region"() ({
        %run_scoped3A_298 = tpu.sem_alloc : memref<!tpu.dma_semaphore, #tpu.memory_space<semaphore_mem>>
        %dma_start3A_299 = tpu.memref_slice %arg8[%arg0, %mul3A_282] : memref<2x320000xf32, #tpu.memory_space<hbm>> -> memref<1x3200xf32, #tpu.memory_space<hbm>>
        %dma_start3A_300 = tpu.memref_squeeze %dma_start3A_299 : memref<1x3200xf32, #tpu.memory_space<hbm>> -> memref<3200xf32, #tpu.memory_space<hbm>>
        %dma_start3A_301 = tpu.memref_slice %arg8[%arg0, %mul3A_282] : memref<2x320000xf32, #tpu.memory_space<hbm>> -> memref<1x3200xf32, #tpu.memory_space<hbm>>
        %dma_start3A_302 = tpu.memref_squeeze %dma_start3A_301 : memref<1x3200xf32, #tpu.memory_space<hbm>> -> memref<3200xf32, #tpu.memory_space<hbm>>
        tpu.enqueue_dma source(%arg33 : memref<3200xf32, #tpu.memory_space<vmem>>) target(%dma_start3A_302 : memref<3200xf32, #tpu.memory_space<hbm>>) target_semaphore(%run_scoped3A_298 : memref<!tpu.dma_semaphore, #tpu.memory_space<semaphore_mem>>)
        %dma_wait3A_303 = tpu.memref_slice %arg8[%arg0, %mul3A_282] : memref<2x320000xf32, #tpu.memory_space<hbm>> -> memref<1x3200xf32, #tpu.memory_space<hbm>>
        %dma_wait3A_304 = tpu.memref_squeeze %dma_wait3A_303 : memref<1x3200xf32, #tpu.memory_space<hbm>> -> memref<3200xf32, #tpu.memory_space<hbm>>
        %dma_wait3A_305 = tpu.memref_slice %arg8[%arg0, %mul3A_282] : memref<2x320000xf32, #tpu.memory_space<hbm>> -> memref<1x3200xf32, #tpu.memory_space<hbm>>
        %dma_wait3A_306 = tpu.memref_squeeze %dma_wait3A_305 : memref<1x3200xf32, #tpu.memory_space<hbm>> -> memref<3200xf32, #tpu.memory_space<hbm>>
        tpu.wait_dma2 semaphore(%run_scoped3A_298 : memref<!tpu.dma_semaphore, #tpu.memory_space<semaphore_mem>>) src(%arg33 : memref<3200xf32, #tpu.memory_space<vmem>>) dst(%dma_wait3A_306 : memref<3200xf32, #tpu.memory_space<hbm>>)
        tpu.yield
      }) : () -> ()
    } else {
    }
    %add3A_87 = arith.constant 48 : i32
    %add3A_88 = arith.addi %add3A_87, %arg1 : i32
    %lt3A_89 = arith.constant 100 : i32
    %lt3A_90 = arith.cmpi slt, %add3A_88, %lt3A_89 : i32
    %convert_element_type3A_91 = arith.extui %lt3A_90 : i1 to i32
    %cond3A_92 = arith.constant 0 : i32
    %cond3A_93 = arith.cmpi ne, %convert_element_type3A_91, %cond3A_92 : i32
    scf.if %cond3A_93 {
      %mul3A_281 = arith.constant 3200 : i32
      %mul3A_282 = arith.muli %add3A_88, %mul3A_281 : i32
      %dma_start3A_283 = tpu.memref_slice %arg2[%mul3A_282] : memref<320000xi32, #tpu.memory_space<hbm>> -> memref<3200xi32, #tpu.memory_space<hbm>>
      %dma_start3A_284 = tpu.memref_slice %arg2[%mul3A_282] : memref<320000xi32, #tpu.memory_space<hbm>> -> memref<3200xi32, #tpu.memory_space<hbm>>
      tpu.enqueue_dma source(%dma_start3A_284 : memref<3200xi32, #tpu.memory_space<hbm>>) target(%arg29 : memref<3200xi32, #tpu.memory_space<vmem>>) target_semaphore(%arg35 : memref<!tpu.dma_semaphore, #tpu.memory_space<semaphore_mem>>)
      %dma_start3A_285 = tpu.memref_slice %arg3[%mul3A_282] : memref<320000xi32, #tpu.memory_space<hbm>> -> memref<3200xi32, #tpu.memory_space<hbm>>
      %dma_start3A_286 = tpu.memref_slice %arg3[%mul3A_282] : memref<320000xi32, #tpu.memory_space<hbm>> -> memref<3200xi32, #tpu.memory_space<hbm>>
      tpu.enqueue_dma source(%dma_start3A_286 : memref<3200xi32, #tpu.memory_space<hbm>>) target(%arg31 : memref<3200xi32, #tpu.memory_space<vmem>>) target_semaphore(%arg37 : memref<!tpu.dma_semaphore, #tpu.memory_space<semaphore_mem>>)
      %dma_wait3A_287 = tpu.memref_slice %arg2[%mul3A_282] : memref<320000xi32, #tpu.memory_space<hbm>> -> memref<3200xi32, #tpu.memory_space<hbm>>
      %dma_wait3A_288 = tpu.memref_slice %arg2[%mul3A_282] : memref<320000xi32, #tpu.memory_space<hbm>> -> memref<3200xi32, #tpu.memory_space<hbm>>
      tpu.wait_dma2 semaphore(%arg35 : memref<!tpu.dma_semaphore, #tpu.memory_space<semaphore_mem>>) src(%dma_wait3A_288 : memref<3200xi32, #tpu.memory_space<hbm>>) dst(%arg29 : memref<3200xi32, #tpu.memory_space<vmem>>)
      %dma_wait3A_289 = tpu.memref_slice %arg3[%mul3A_282] : memref<320000xi32, #tpu.memory_space<hbm>> -> memref<3200xi32, #tpu.memory_space<hbm>>
      %dma_wait3A_290 = tpu.memref_slice %arg3[%mul3A_282] : memref<320000xi32, #tpu.memory_space<hbm>> -> memref<3200xi32, #tpu.memory_space<hbm>>
      tpu.wait_dma2 semaphore(%arg37 : memref<!tpu.dma_semaphore, #tpu.memory_space<semaphore_mem>>) src(%dma_wait3A_290 : memref<3200xi32, #tpu.memory_space<hbm>>) dst(%arg31 : memref<3200xi32, #tpu.memory_space<vmem>>)
      %scan3A_291 = arith.constant 0 : i32
      %scan3A_292 = arith.constant 0 : i32
      %scan3A_293 = arith.constant 200 : i32
      %scan3A_294 = arith.addi %scan3A_292, %scan3A_293 : i32
      %scan3A_295 = arith.constant 1 : i32
      %scan3A_296 = scf.for %scan3A_298 = %scan3A_292 to %scan3A_294 step %scan3A_295 iter_args(%scan3A_299 = %scan3A_291) -> (i32)  : i32 {
        %mul3A_300 = arith.constant 16 : i32
        %mul3A_301 = arith.muli %scan3A_298, %mul3A_300 : i32
        %get3A = arith.index_cast %mul3A_301 : i32 to index
        %get3A_302 = tpu.vector_load %arg29[%get3A] {strides = array<i32>} : memref<3200xi32, #tpu.memory_space<vmem>>, vector<16xi32>,
        %get3A_303 = arith.index_cast %mul3A_301 : i32 to index
        %get3A_304 = tpu.vector_load %arg31[%get3A_303] {strides = array<i32>} : memref<3200xi32, #tpu.memory_space<vmem>>, vector<16xi32>,
        %gather3A = tpu.vector_load_idx %arg9[%get3A_302] : memref<10000xf32, #tpu.memory_space<vmem>>[vector<16xi32>], vector<16xf32>,
        %gather3A_305 = tpu.vector_load_idx %arg11[%get3A_304] : memref<10000xf32, #tpu.memory_space<vmem>>[vector<16xi32>], vector<16xf32>,
        %mul3A_306 = arith.mulf %gather3A, %gather3A_305 : vector<16xf32>
        %swap3A_307 = arith.index_cast %mul3A_301 : i32 to index
        %swap3A_308 = tpu.vector_load %arg33[%swap3A_307] {strides = array<i32>} : memref<3200xf32, #tpu.memory_space<vmem>>, vector<16xf32>,
        tpu.vector_store %arg33[%swap3A_307], %mul3A_306 {strides = array<i32>} : memref<3200xf32, #tpu.memory_space<vmem>>, vector<16xf32>,
        %scan3A_309 = arith.constant 0 : i32
        scf.yield %scan3A_309 : i32
      }
      %scan3A_297 = arith.constant 200 : i32
      "tpu.region"() ({
        %run_scoped3A_298 = tpu.sem_alloc : memref<!tpu.dma_semaphore, #tpu.memory_space<semaphore_mem>>
        %dma_start3A_299 = tpu.memref_slice %arg8[%arg0, %mul3A_282] : memref<2x320000xf32, #tpu.memory_space<hbm>> -> memref<1x3200xf32, #tpu.memory_space<hbm>>
        %dma_start3A_300 = tpu.memref_squeeze %dma_start3A_299 : memref<1x3200xf32, #tpu.memory_space<hbm>> -> memref<3200xf32, #tpu.memory_space<hbm>>
        %dma_start3A_301 = tpu.memref_slice %arg8[%arg0, %mul3A_282] : memref<2x320000xf32, #tpu.memory_space<hbm>> -> memref<1x3200xf32, #tpu.memory_space<hbm>>
        %dma_start3A_302 = tpu.memref_squeeze %dma_start3A_301 : memref<1x3200xf32, #tpu.memory_space<hbm>> -> memref<3200xf32, #tpu.memory_space<hbm>>
        tpu.enqueue_dma source(%arg33 : memref<3200xf32, #tpu.memory_space<vmem>>) target(%dma_start3A_302 : memref<3200xf32, #tpu.memory_space<hbm>>) target_semaphore(%run_scoped3A_298 : memref<!tpu.dma_semaphore, #tpu.memory_space<semaphore_mem>>)
        %dma_wait3A_303 = tpu.memref_slice %arg8[%arg0, %mul3A_282] : memref<2x320000xf32, #tpu.memory_space<hbm>> -> memref<1x3200xf32, #tpu.memory_space<hbm>>
        %dma_wait3A_304 = tpu.memref_squeeze %dma_wait3A_303 : memref<1x3200xf32, #tpu.memory_space<hbm>> -> memref<3200xf32, #tpu.memory_space<hbm>>
        %dma_wait3A_305 = tpu.memref_slice %arg8[%arg0, %mul3A_282] : memref<2x320000xf32, #tpu.memory_space<hbm>> -> memref<1x3200xf32, #tpu.memory_space<hbm>>
        %dma_wait3A_306 = tpu.memref_squeeze %dma_wait3A_305 : memref<1x3200xf32, #tpu.memory_space<hbm>> -> memref<3200xf32, #tpu.memory_space<hbm>>
        tpu.wait_dma2 semaphore(%run_scoped3A_298 : memref<!tpu.dma_semaphore, #tpu.memory_space<semaphore_mem>>) src(%arg33 : memref<3200xf32, #tpu.memory_space<vmem>>) dst(%dma_wait3A_306 : memref<3200xf32, #tpu.memory_space<hbm>>)
        tpu.yield
      }) : () -> ()
    } else {
    }
    %add3A_94 = arith.constant 64 : i32
    %add3A_95 = arith.addi %add3A_94, %arg1 : i32
    %lt3A_96 = arith.constant 100 : i32
    %lt3A_97 = arith.cmpi slt, %add3A_95, %lt3A_96 : i32
    %convert_element_type3A_98 = arith.extui %lt3A_97 : i1 to i32
    %cond3A_99 = arith.constant 0 : i32
    %cond3A_100 = arith.cmpi ne, %convert_element_type3A_98, %cond3A_99 : i32
    scf.if %cond3A_100 {
      %mul3A_281 = arith.constant 3200 : i32
      %mul3A_282 = arith.muli %add3A_95, %mul3A_281 : i32
      %dma_start3A_283 = tpu.memref_slice %arg2[%mul3A_282] : memref<320000xi32, #tpu.memory_space<hbm>> -> memref<3200xi32, #tpu.memory_space<hbm>>
      %dma_start3A_284 = tpu.memref_slice %arg2[%mul3A_282] : memref<320000xi32, #tpu.memory_space<hbm>> -> memref<3200xi32, #tpu.memory_space<hbm>>
      tpu.enqueue_dma source(%dma_start3A_284 : memref<3200xi32, #tpu.memory_space<hbm>>) target(%arg29 : memref<3200xi32, #tpu.memory_space<vmem>>) target_semaphore(%arg35 : memref<!tpu.dma_semaphore, #tpu.memory_space<semaphore_mem>>)
      %dma_start3A_285 = tpu.memref_slice %arg3[%mul3A_282] : memref<320000xi32, #tpu.memory_space<hbm>> -> memref<3200xi32, #tpu.memory_space<hbm>>
      %dma_start3A_286 = tpu.memref_slice %arg3[%mul3A_282] : memref<320000xi32, #tpu.memory_space<hbm>> -> memref<3200xi32, #tpu.memory_space<hbm>>
      tpu.enqueue_dma source(%dma_start3A_286 : memref<3200xi32, #tpu.memory_space<hbm>>) target(%arg31 : memref<3200xi32, #tpu.memory_space<vmem>>) target_semaphore(%arg37 : memref<!tpu.dma_semaphore, #tpu.memory_space<semaphore_mem>>)
      %dma_wait3A_287 = tpu.memref_slice %arg2[%mul3A_282] : memref<320000xi32, #tpu.memory_space<hbm>> -> memref<3200xi32, #tpu.memory_space<hbm>>
      %dma_wait3A_288 = tpu.memref_slice %arg2[%mul3A_282] : memref<320000xi32, #tpu.memory_space<hbm>> -> memref<3200xi32, #tpu.memory_space<hbm>>
      tpu.wait_dma2 semaphore(%arg35 : memref<!tpu.dma_semaphore, #tpu.memory_space<semaphore_mem>>) src(%dma_wait3A_288 : memref<3200xi32, #tpu.memory_space<hbm>>) dst(%arg29 : memref<3200xi32, #tpu.memory_space<vmem>>)
      %dma_wait3A_289 = tpu.memref_slice %arg3[%mul3A_282] : memref<320000xi32, #tpu.memory_space<hbm>> -> memref<3200xi32, #tpu.memory_space<hbm>>
      %dma_wait3A_290 = tpu.memref_slice %arg3[%mul3A_282] : memref<320000xi32, #tpu.memory_space<hbm>> -> memref<3200xi32, #tpu.memory_space<hbm>>
      tpu.wait_dma2 semaphore(%arg37 : memref<!tpu.dma_semaphore, #tpu.memory_space<semaphore_mem>>) src(%dma_wait3A_290 : memref<3200xi32, #tpu.memory_space<hbm>>) dst(%arg31 : memref<3200xi32, #tpu.memory_space<vmem>>)
      %scan3A_291 = arith.constant 0 : i32
      %scan3A_292 = arith.constant 0 : i32
      %scan3A_293 = arith.constant 200 : i32
      %scan3A_294 = arith.addi %scan3A_292, %scan3A_293 : i32
      %scan3A_295 = arith.constant 1 : i32
      %scan3A_296 = scf.for %scan3A_298 = %scan3A_292 to %scan3A_294 step %scan3A_295 iter_args(%scan3A_299 = %scan3A_291) -> (i32)  : i32 {
        %mul3A_300 = arith.constant 16 : i32
        %mul3A_301 = arith.muli %scan3A_298, %mul3A_300 : i32
        %get3A = arith.index_cast %mul3A_301 : i32 to index
        %get3A_302 = tpu.vector_load %arg29[%get3A] {strides = array<i32>} : memref<3200xi32, #tpu.memory_space<vmem>>, vector<16xi32>,
        %get3A_303 = arith.index_cast %mul3A_301 : i32 to index
        %get3A_304 = tpu.vector_load %arg31[%get3A_303] {strides = array<i32>} : memref<3200xi32, #tpu.memory_space<vmem>>, vector<16xi32>,
        %gather3A = tpu.vector_load_idx %arg9[%get3A_302] : memref<10000xf32, #tpu.memory_space<vmem>>[vector<16xi32>], vector<16xf32>,
        %gather3A_305 = tpu.vector_load_idx %arg11[%get3A_304] : memref<10000xf32, #tpu.memory_space<vmem>>[vector<16xi32>], vector<16xf32>,
        %mul3A_306 = arith.mulf %gather3A, %gather3A_305 : vector<16xf32>
        %swap3A_307 = arith.index_cast %mul3A_301 : i32 to index
        %swap3A_308 = tpu.vector_load %arg33[%swap3A_307] {strides = array<i32>} : memref<3200xf32, #tpu.memory_space<vmem>>, vector<16xf32>,
        tpu.vector_store %arg33[%swap3A_307], %mul3A_306 {strides = array<i32>} : memref<3200xf32, #tpu.memory_space<vmem>>, vector<16xf32>,
        %scan3A_309 = arith.constant 0 : i32
        scf.yield %scan3A_309 : i32
      }
      %scan3A_297 = arith.constant 200 : i32
      "tpu.region"() ({
        %run_scoped3A_298 = tpu.sem_alloc : memref<!tpu.dma_semaphore, #tpu.memory_space<semaphore_mem>>
        %dma_start3A_299 = tpu.memref_slice %arg8[%arg0, %mul3A_282] : memref<2x320000xf32, #tpu.memory_space<hbm>> -> memref<1x3200xf32, #tpu.memory_space<hbm>>
        %dma_start3A_300 = tpu.memref_squeeze %dma_start3A_299 : memref<1x3200xf32, #tpu.memory_space<hbm>> -> memref<3200xf32, #tpu.memory_space<hbm>>
        %dma_start3A_301 = tpu.memref_slice %arg8[%arg0, %mul3A_282] : memref<2x320000xf32, #tpu.memory_space<hbm>> -> memref<1x3200xf32, #tpu.memory_space<hbm>>
        %dma_start3A_302 = tpu.memref_squeeze %dma_start3A_301 : memref<1x3200xf32, #tpu.memory_space<hbm>> -> memref<3200xf32, #tpu.memory_space<hbm>>
        tpu.enqueue_dma source(%arg33 : memref<3200xf32, #tpu.memory_space<vmem>>) target(%dma_start3A_302 : memref<3200xf32, #tpu.memory_space<hbm>>) target_semaphore(%run_scoped3A_298 : memref<!tpu.dma_semaphore, #tpu.memory_space<semaphore_mem>>)
        %dma_wait3A_303 = tpu.memref_slice %arg8[%arg0, %mul3A_282] : memref<2x320000xf32, #tpu.memory_space<hbm>> -> memref<1x3200xf32, #tpu.memory_space<hbm>>
        %dma_wait3A_304 = tpu.memref_squeeze %dma_wait3A_303 : memref<1x3200xf32, #tpu.memory_space<hbm>> -> memref<3200xf32, #tpu.memory_space<hbm>>
        %dma_wait3A_305 = tpu.memref_slice %arg8[%arg0, %mul3A_282] : memref<2x320000xf32, #tpu.memory_space<hbm>> -> memref<1x3200xf32, #tpu.memory_space<hbm>>
        %dma_wait3A_306 = tpu.memref_squeeze %dma_wait3A_305 : memref<1x3200xf32, #tpu.memory_space<hbm>> -> memref<3200xf32, #tpu.memory_space<hbm>>
        tpu.wait_dma2 semaphore(%run_scoped3A_298 : memref<!tpu.dma_semaphore, #tpu.memory_space<semaphore_mem>>) src(%arg33 : memref<3200xf32, #tpu.memory_space<vmem>>) dst(%dma_wait3A_306 : memref<3200xf32, #tpu.memory_space<hbm>>)
        tpu.yield
      }) : () -> ()
    } else {
    }
    %add3A_101 = arith.constant 80 : i32
    %add3A_102 = arith.addi %add3A_101, %arg1 : i32
    %lt3A_103 = arith.constant 100 : i32
    %lt3A_104 = arith.cmpi slt, %add3A_102, %lt3A_103 : i32
    %convert_element_type3A_105 = arith.extui %lt3A_104 : i1 to i32
    %cond3A_106 = arith.constant 0 : i32
    %cond3A_107 = arith.cmpi ne, %convert_element_type3A_105, %cond3A_106 : i32
    scf.if %cond3A_107 {
      %mul3A_281 = arith.constant 3200 : i32
      %mul3A_282 = arith.muli %add3A_102, %mul3A_281 : i32
      %dma_start3A_283 = tpu.memref_slice %arg2[%mul3A_282] : memref<320000xi32, #tpu.memory_space<hbm>> -> memref<3200xi32, #tpu.memory_space<hbm>>
      %dma_start3A_284 = tpu.memref_slice %arg2[%mul3A_282] : memref<320000xi32, #tpu.memory_space<hbm>> -> memref<3200xi32, #tpu.memory_space<hbm>>
      tpu.enqueue_dma source(%dma_start3A_284 : memref<3200xi32, #tpu.memory_space<hbm>>) target(%arg29 : memref<3200xi32, #tpu.memory_space<vmem>>) target_semaphore(%arg35 : memref<!tpu.dma_semaphore, #tpu.memory_space<semaphore_mem>>)
      %dma_start3A_285 = tpu.memref_slice %arg3[%mul3A_282] : memref<320000xi32, #tpu.memory_space<hbm>> -> memref<3200xi32, #tpu.memory_space<hbm>>
      %dma_start3A_286 = tpu.memref_slice %arg3[%mul3A_282] : memref<320000xi32, #tpu.memory_space<hbm>> -> memref<3200xi32, #tpu.memory_space<hbm>>
      tpu.enqueue_dma source(%dma_start3A_286 : memref<3200xi32, #tpu.memory_space<hbm>>) target(%arg31 : memref<3200xi32, #tpu.memory_space<vmem>>) target_semaphore(%arg37 : memref<!tpu.dma_semaphore, #tpu.memory_space<semaphore_mem>>)
      %dma_wait3A_287 = tpu.memref_slice %arg2[%mul3A_282] : memref<320000xi32, #tpu.memory_space<hbm>> -> memref<3200xi32, #tpu.memory_space<hbm>>
      %dma_wait3A_288 = tpu.memref_slice %arg2[%mul3A_282] : memref<320000xi32, #tpu.memory_space<hbm>> -> memref<3200xi32, #tpu.memory_space<hbm>>
      tpu.wait_dma2 semaphore(%arg35 : memref<!tpu.dma_semaphore, #tpu.memory_space<semaphore_mem>>) src(%dma_wait3A_288 : memref<3200xi32, #tpu.memory_space<hbm>>) dst(%arg29 : memref<3200xi32, #tpu.memory_space<vmem>>)
      %dma_wait3A_289 = tpu.memref_slice %arg3[%mul3A_282] : memref<320000xi32, #tpu.memory_space<hbm>> -> memref<3200xi32, #tpu.memory_space<hbm>>
      %dma_wait3A_290 = tpu.memref_slice %arg3[%mul3A_282] : memref<320000xi32, #tpu.memory_space<hbm>> -> memref<3200xi32, #tpu.memory_space<hbm>>
      tpu.wait_dma2 semaphore(%arg37 : memref<!tpu.dma_semaphore, #tpu.memory_space<semaphore_mem>>) src(%dma_wait3A_290 : memref<3200xi32, #tpu.memory_space<hbm>>) dst(%arg31 : memref<3200xi32, #tpu.memory_space<vmem>>)
      %scan3A_291 = arith.constant 0 : i32
      %scan3A_292 = arith.constant 0 : i32
      %scan3A_293 = arith.constant 200 : i32
      %scan3A_294 = arith.addi %scan3A_292, %scan3A_293 : i32
      %scan3A_295 = arith.constant 1 : i32
      %scan3A_296 = scf.for %scan3A_298 = %scan3A_292 to %scan3A_294 step %scan3A_295 iter_args(%scan3A_299 = %scan3A_291) -> (i32)  : i32 {
        %mul3A_300 = arith.constant 16 : i32
        %mul3A_301 = arith.muli %scan3A_298, %mul3A_300 : i32
        %get3A = arith.index_cast %mul3A_301 : i32 to index
        %get3A_302 = tpu.vector_load %arg29[%get3A] {strides = array<i32>} : memref<3200xi32, #tpu.memory_space<vmem>>, vector<16xi32>,
        %get3A_303 = arith.index_cast %mul3A_301 : i32 to index
        %get3A_304 = tpu.vector_load %arg31[%get3A_303] {strides = array<i32>} : memref<3200xi32, #tpu.memory_space<vmem>>, vector<16xi32>,
        %gather3A = tpu.vector_load_idx %arg9[%get3A_302] : memref<10000xf32, #tpu.memory_space<vmem>>[vector<16xi32>], vector<16xf32>,
        %gather3A_305 = tpu.vector_load_idx %arg11[%get3A_304] : memref<10000xf32, #tpu.memory_space<vmem>>[vector<16xi32>], vector<16xf32>,
        %mul3A_306 = arith.mulf %gather3A, %gather3A_305 : vector<16xf32>
        %swap3A_307 = arith.index_cast %mul3A_301 : i32 to index
        %swap3A_308 = tpu.vector_load %arg33[%swap3A_307] {strides = array<i32>} : memref<3200xf32, #tpu.memory_space<vmem>>, vector<16xf32>,
        tpu.vector_store %arg33[%swap3A_307], %mul3A_306 {strides = array<i32>} : memref<3200xf32, #tpu.memory_space<vmem>>, vector<16xf32>,
        %scan3A_309 = arith.constant 0 : i32
        scf.yield %scan3A_309 : i32
      }
      %scan3A_297 = arith.constant 200 : i32
      "tpu.region"() ({
        %run_scoped3A_298 = tpu.sem_alloc : memref<!tpu.dma_semaphore, #tpu.memory_space<semaphore_mem>>
        %dma_start3A_299 = tpu.memref_slice %arg8[%arg0, %mul3A_282] : memref<2x320000xf32, #tpu.memory_space<hbm>> -> memref<1x3200xf32, #tpu.memory_space<hbm>>
        %dma_start3A_300 = tpu.memref_squeeze %dma_start3A_299 : memref<1x3200xf32, #tpu.memory_space<hbm>> -> memref<3200xf32, #tpu.memory_space<hbm>>
        %dma_start3A_301 = tpu.memref_slice %arg8[%arg0, %mul3A_282] : memref<2x320000xf32, #tpu.memory_space<hbm>> -> memref<1x3200xf32, #tpu.memory_space<hbm>>
        %dma_start3A_302 = tpu.memref_squeeze %dma_start3A_301 : memref<1x3200xf32, #tpu.memory_space<hbm>> -> memref<3200xf32, #tpu.memory_space<hbm>>
        tpu.enqueue_dma source(%arg33 : memref<3200xf32, #tpu.memory_space<vmem>>) target(%dma_start3A_302 : memref<3200xf32, #tpu.memory_space<hbm>>) target_semaphore(%run_scoped3A_298 : memref<!tpu.dma_semaphore, #tpu.memory_space<semaphore_mem>>)
        %dma_wait3A_303 = tpu.memref_slice %arg8[%arg0, %mul3A_282] : memref<2x320000xf32, #tpu.memory_space<hbm>> -> memref<1x3200xf32, #tpu.memory_space<hbm>>
        %dma_wait3A_304 = tpu.memref_squeeze %dma_wait3A_303 : memref<1x3200xf32, #tpu.memory_space<hbm>> -> memref<3200xf32, #tpu.memory_space<hbm>>
        %dma_wait3A_305 = tpu.memref_slice %arg8[%arg0, %mul3A_282] : memref<2x320000xf32, #tpu.memory_space<hbm>> -> memref<1x3200xf32, #tpu.memory_space<hbm>>
        %dma_wait3A_306 = tpu.memref_squeeze %dma_wait3A_305 : memref<1x3200xf32, #tpu.memory_space<hbm>> -> memref<3200xf32, #tpu.memory_space<hbm>>
        tpu.wait_dma2 semaphore(%run_scoped3A_298 : memref<!tpu.dma_semaphore, #tpu.memory_space<semaphore_mem>>) src(%arg33 : memref<3200xf32, #tpu.memory_space<vmem>>) dst(%dma_wait3A_306 : memref<3200xf32, #tpu.memory_space<hbm>>)
        tpu.yield
      }) : () -> ()
    } else {
    }
    %add3A_108 = arith.constant 96 : i32
    %add3A_109 = arith.addi %add3A_108, %arg1 : i32
    %lt3A_110 = arith.constant 100 : i32
    %lt3A_111 = arith.cmpi slt, %add3A_109, %lt3A_110 : i32
    %convert_element_type3A_112 = arith.extui %lt3A_111 : i1 to i32
    %cond3A_113 = arith.constant 0 : i32
    %cond3A_114 = arith.cmpi ne, %convert_element_type3A_112, %cond3A_113 : i32
    scf.if %cond3A_114 {
      %mul3A_281 = arith.constant 3200 : i32
      %mul3A_282 = arith.muli %add3A_109, %mul3A_281 : i32
      %dma_start3A_283 = tpu.memref_slice %arg2[%mul3A_282] : memref<320000xi32, #tpu.memory_space<hbm>> -> memref<3200xi32, #tpu.memory_space<hbm>>
      %dma_start3A_284 = tpu.memref_slice %arg2[%mul3A_282] : memref<320000xi32, #tpu.memory_space<hbm>> -> memref<3200xi32, #tpu.memory_space<hbm>>
      tpu.enqueue_dma source(%dma_start3A_284 : memref<3200xi32, #tpu.memory_space<hbm>>) target(%arg29 : memref<3200xi32, #tpu.memory_space<vmem>>) target_semaphore(%arg35 : memref<!tpu.dma_semaphore, #tpu.memory_space<semaphore_mem>>)
      %dma_start3A_285 = tpu.memref_slice %arg3[%mul3A_282] : memref<320000xi32, #tpu.memory_space<hbm>> -> memref<3200xi32, #tpu.memory_space<hbm>>
      %dma_start3A_286 = tpu.memref_slice %arg3[%mul3A_282] : memref<320000xi32, #tpu.memory_space<hbm>> -> memref<3200xi32, #tpu.memory_space<hbm>>
      tpu.enqueue_dma source(%dma_start3A_286 : memref<3200xi32, #tpu.memory_space<hbm>>) target(%arg31 : memref<3200xi32, #tpu.memory_space<vmem>>) target_semaphore(%arg37 : memref<!tpu.dma_semaphore, #tpu.memory_space<semaphore_mem>>)
      %dma_wait3A_287 = tpu.memref_slice %arg2[%mul3A_282] : memref<320000xi32, #tpu.memory_space<hbm>> -> memref<3200xi32, #tpu.memory_space<hbm>>
      %dma_wait3A_288 = tpu.memref_slice %arg2[%mul3A_282] : memref<320000xi32, #tpu.memory_space<hbm>> -> memref<3200xi32, #tpu.memory_space<hbm>>
      tpu.wait_dma2 semaphore(%arg35 : memref<!tpu.dma_semaphore, #tpu.memory_space<semaphore_mem>>) src(%dma_wait3A_288 : memref<3200xi32, #tpu.memory_space<hbm>>) dst(%arg29 : memref<3200xi32, #tpu.memory_space<vmem>>)
      %dma_wait3A_289 = tpu.memref_slice %arg3[%mul3A_282] : memref<320000xi32, #tpu.memory_space<hbm>> -> memref<3200xi32, #tpu.memory_space<hbm>>
      %dma_wait3A_290 = tpu.memref_slice %arg3[%mul3A_282] : memref<320000xi32, #tpu.memory_space<hbm>> -> memref<3200xi32, #tpu.memory_space<hbm>>
      tpu.wait_dma2 semaphore(%arg37 : memref<!tpu.dma_semaphore, #tpu.memory_space<semaphore_mem>>) src(%dma_wait3A_290 : memref<3200xi32, #tpu.memory_space<hbm>>) dst(%arg31 : memref<3200xi32, #tpu.memory_space<vmem>>)
      %scan3A_291 = arith.constant 0 : i32
      %scan3A_292 = arith.constant 0 : i32
      %scan3A_293 = arith.constant 200 : i32
      %scan3A_294 = arith.addi %scan3A_292, %scan3A_293 : i32
      %scan3A_295 = arith.constant 1 : i32
      %scan3A_296 = scf.for %scan3A_298 = %scan3A_292 to %scan3A_294 step %scan3A_295 iter_args(%scan3A_299 = %scan3A_291) -> (i32)  : i32 {
        %mul3A_300 = arith.constant 16 : i32
        %mul3A_301 = arith.muli %scan3A_298, %mul3A_300 : i32
        %get3A = arith.index_cast %mul3A_301 : i32 to index
        %get3A_302 = tpu.vector_load %arg29[%get3A] {strides = array<i32>} : memref<3200xi32, #tpu.memory_space<vmem>>, vector<16xi32>,
        %get3A_303 = arith.index_cast %mul3A_301 : i32 to index
        %get3A_304 = tpu.vector_load %arg31[%get3A_303] {strides = array<i32>} : memref<3200xi32, #tpu.memory_space<vmem>>, vector<16xi32>,
        %gather3A = tpu.vector_load_idx %arg9[%get3A_302] : memref<10000xf32, #tpu.memory_space<vmem>>[vector<16xi32>], vector<16xf32>,
        %gather3A_305 = tpu.vector_load_idx %arg11[%get3A_304] : memref<10000xf32, #tpu.memory_space<vmem>>[vector<16xi32>], vector<16xf32>,
        %mul3A_306 = arith.mulf %gather3A, %gather3A_305 : vector<16xf32>
        %swap3A_307 = arith.index_cast %mul3A_301 : i32 to index
        %swap3A_308 = tpu.vector_load %arg33[%swap3A_307] {strides = array<i32>} : memref<3200xf32, #tpu.memory_space<vmem>>, vector<16xf32>,
        tpu.vector_store %arg33[%swap3A_307], %mul3A_306 {strides = array<i32>} : memref<3200xf32, #tpu.memory_space<vmem>>, vector<16xf32>,
        %scan3A_309 = arith.constant 0 : i32
        scf.yield %scan3A_309 : i32
      }
      %scan3A_297 = arith.constant 200 : i32
      "tpu.region"() ({
        %run_scoped3A_298 = tpu.sem_alloc : memref<!tpu.dma_semaphore, #tpu.memory_space<semaphore_mem>>
        %dma_start3A_299 = tpu.memref_slice %arg8[%arg0, %mul3A_282] : memref<2x320000xf32, #tpu.memory_space<hbm>> -> memref<1x3200xf32, #tpu.memory_space<hbm>>
        %dma_start3A_300 = tpu.memref_squeeze %dma_start3A_299 : memref<1x3200xf32, #tpu.memory_space<hbm>> -> memref<3200xf32, #tpu.memory_space<hbm>>
        %dma_start3A_301 = tpu.memref_slice %arg8[%arg0, %mul3A_282] : memref<2x320000xf32, #tpu.memory_space<hbm>> -> memref<1x3200xf32, #tpu.memory_space<hbm>>
        %dma_start3A_302 = tpu.memref_squeeze %dma_start3A_301 : memref<1x3200xf32, #tpu.memory_space<hbm>> -> memref<3200xf32, #tpu.memory_space<hbm>>
        tpu.enqueue_dma source(%arg33 : memref<3200xf32, #tpu.memory_space<vmem>>) target(%dma_start3A_302 : memref<3200xf32, #tpu.memory_space<hbm>>) target_semaphore(%run_scoped3A_298 : memref<!tpu.dma_semaphore, #tpu.memory_space<semaphore_mem>>)
        %dma_wait3A_303 = tpu.memref_slice %arg8[%arg0, %mul3A_282] : memref<2x320000xf32, #tpu.memory_space<hbm>> -> memref<1x3200xf32, #tpu.memory_space<hbm>>
        %dma_wait3A_304 = tpu.memref_squeeze %dma_wait3A_303 : memref<1x3200xf32, #tpu.memory_space<hbm>> -> memref<3200xf32, #tpu.memory_space<hbm>>
        %dma_wait3A_305 = tpu.memref_slice %arg8[%arg0, %mul3A_282] : memref<2x320000xf32, #tpu.memory_space<hbm>> -> memref<1x3200xf32, #tpu.memory_space<hbm>>
        %dma_wait3A_306 = tpu.memref_squeeze %dma_wait3A_305 : memref<1x3200xf32, #tpu.memory_space<hbm>> -> memref<3200xf32, #tpu.memory_space<hbm>>
        tpu.wait_dma2 semaphore(%run_scoped3A_298 : memref<!tpu.dma_semaphore, #tpu.memory_space<semaphore_mem>>) src(%arg33 : memref<3200xf32, #tpu.memory_space<vmem>>) dst(%dma_wait3A_306 : memref<3200xf32, #tpu.memory_space<hbm>>)
        tpu.yield
      }) : () -> ()
    } else {
    }
    %barrier3A = arith.constant 0 : index
    tpu.barrier barrier_id(%barrier3A)
    %mul3A_115 = arith.constant 3 : i32
    %mul3A_116 = arith.muli %add3A, %mul3A_115 : i32
    %add3A_117 = arith.constant 0 : i32
    %add3A_118 = arith.addi %add3A_117, %mul3A_116 : i32
    %rem3A_119 = arith.constant 100 : i32
    %rem3A_120 = arith.remsi %add3A_118, %rem3A_119 : i32
    %mul3A_121 = arith.constant 3200 : i32
    %mul3A_122 = arith.muli %rem3A_120, %mul3A_121 : i32
    %dma_start3A_123 = tpu.memref_slice %arg8[%arg0, %mul3A_122] : memref<2x320000xf32, #tpu.memory_space<hbm>> -> memref<1x3200xf32, #tpu.memory_space<hbm>>
    %dma_start3A_124 = tpu.memref_squeeze %dma_start3A_123 : memref<1x3200xf32, #tpu.memory_space<hbm>> -> memref<3200xf32, #tpu.memory_space<hbm>>
    %dma_start3A_125 = tpu.memref_slice %arg8[%arg0, %mul3A_122] : memref<2x320000xf32, #tpu.memory_space<hbm>> -> memref<1x3200xf32, #tpu.memory_space<hbm>>
    %dma_start3A_126 = tpu.memref_squeeze %dma_start3A_125 : memref<1x3200xf32, #tpu.memory_space<hbm>> -> memref<3200xf32, #tpu.memory_space<hbm>>
    tpu.enqueue_dma source(%dma_start3A_126 : memref<3200xf32, #tpu.memory_space<hbm>>) target(%arg32 : memref<3200xf32, #tpu.memory_space<vmem>>) target_semaphore(%arg38 : memref<!tpu.dma_semaphore, #tpu.memory_space<semaphore_mem>>)
    %add3A_127 = arith.constant 0 : i32
    %add3A_128 = arith.addi %add3A, %add3A_127 : i32
    %run_scoped3A = arith.constant 0 : i32
    "tpu.region"() ({
      %run_scoped3A_281 = tpu.sem_alloc : memref<!tpu.dma_semaphore, #tpu.memory_space<semaphore_mem>>
      %dma_start3A_282 = arith.constant 0 : i32
      %dma_start3A_283 = tpu.memref_slice %arg4[%add3A_128, %run_scoped3A, %dma_start3A_282] : memref<64x2x10000xi32, #tpu.memory_space<hbm>> -> memref<1x1x10000xi32, #tpu.memory_space<hbm>>
      %dma_start3A_284 = tpu.memref_squeeze %dma_start3A_283 : memref<1x1x10000xi32, #tpu.memory_space<hbm>> -> memref<10000xi32, #tpu.memory_space<hbm>>
      %dma_start3A_285 = arith.constant 0 : i32
      %dma_start3A_286 = tpu.memref_slice %arg4[%add3A_128, %run_scoped3A, %dma_start3A_285] : memref<64x2x10000xi32, #tpu.memory_space<hbm>> -> memref<1x1x10000xi32, #tpu.memory_space<hbm>>
      %dma_start3A_287 = tpu.memref_squeeze %dma_start3A_286 : memref<1x1x10000xi32, #tpu.memory_space<hbm>> -> memref<10000xi32, #tpu.memory_space<hbm>>
      tpu.enqueue_dma source(%dma_start3A_287 : memref<10000xi32, #tpu.memory_space<hbm>>) target(%arg13 : memref<10000xi32, #tpu.memory_space<vmem>>) target_semaphore(%run_scoped3A_281 : memref<!tpu.dma_semaphore, #tpu.memory_space<semaphore_mem>>)
      %dma_wait3A_288 = arith.constant 0 : i32
      %dma_wait3A_289 = tpu.memref_slice %arg4[%add3A_128, %run_scoped3A, %dma_wait3A_288] : memref<64x2x10000xi32, #tpu.memory_space<hbm>> -> memref<1x1x10000xi32, #tpu.memory_space<hbm>>
      %dma_wait3A_290 = tpu.memref_squeeze %dma_wait3A_289 : memref<1x1x10000xi32, #tpu.memory_space<hbm>> -> memref<10000xi32, #tpu.memory_space<hbm>>
      %dma_wait3A_291 = arith.constant 0 : i32
      %dma_wait3A_292 = tpu.memref_slice %arg4[%add3A_128, %run_scoped3A, %dma_wait3A_291] : memref<64x2x10000xi32, #tpu.memory_space<hbm>> -> memref<1x1x10000xi32, #tpu.memory_space<hbm>>
      %dma_wait3A_293 = tpu.memref_squeeze %dma_wait3A_292 : memref<1x1x10000xi32, #tpu.memory_space<hbm>> -> memref<10000xi32, #tpu.memory_space<hbm>>
      tpu.wait_dma2 semaphore(%run_scoped3A_281 : memref<!tpu.dma_semaphore, #tpu.memory_space<semaphore_mem>>) src(%dma_wait3A_293 : memref<10000xi32, #tpu.memory_space<hbm>>) dst(%arg13 : memref<10000xi32, #tpu.memory_space<vmem>>)
      tpu.yield
    }) : () -> ()
    %broadcast_in_dim3A_129 = arith.constant 0.000000e+00 : f32
    %broadcast_in_dim3A_130 = vector.broadcast %broadcast_in_dim3A_129 : f32 to vector<16xf32>
    %scan3A_131 = arith.constant 0 : i32
    %scan3A_132 = arith.constant 0 : i32
    %scan3A_133 = arith.constant 625 : i32
    %scan3A_134 = arith.addi %scan3A_132, %scan3A_133 : i32
    %scan3A_135 = arith.constant 1 : i32
    %scan3A_136 = scf.for %scan3A_281 = %scan3A_132 to %scan3A_134 step %scan3A_135 iter_args(%scan3A_282 = %scan3A_131) -> (i32)  : i32 {
      %mul3A_283 = arith.constant 16 : i32
      %mul3A_284 = arith.muli %scan3A_281, %mul3A_283 : i32
      %swap3A_285 = arith.index_cast %mul3A_284 : i32 to index
      %swap3A_286 = tpu.vector_load %arg17[%swap3A_285] {strides = array<i32>} : memref<10000xf32, #tpu.memory_space<vmem>>, vector<16xf32>,
      tpu.vector_store %arg17[%swap3A_285], %broadcast_in_dim3A_130 {strides = array<i32>} : memref<10000xf32, #tpu.memory_space<vmem>>, vector<16xf32>,
      %scan3A_287 = arith.constant 0 : i32
      scf.yield %scan3A_287 : i32
    }
    %scan3A_137 = arith.constant 625 : i32
    %broadcast_in_dim3A_138 = arith.constant 0.000000e+00 : f32
    %broadcast_in_dim3A_139 = vector.broadcast %broadcast_in_dim3A_138 : f32 to vector<16xf32>
    %scan3A_140 = arith.constant 0 : i32
    %scan3A_141 = arith.constant 0 : i32
    %scan3A_142 = arith.constant 625 : i32
    %scan3A_143 = arith.addi %scan3A_141, %scan3A_142 : i32
    %scan3A_144 = arith.constant 1 : i32
    %scan3A_145 = scf.for %scan3A_281 = %scan3A_141 to %scan3A_143 step %scan3A_144 iter_args(%scan3A_282 = %scan3A_140) -> (i32)  : i32 {
      %mul3A_283 = arith.constant 16 : i32
      %mul3A_284 = arith.muli %scan3A_281, %mul3A_283 : i32
      %swap3A_285 = arith.index_cast %mul3A_284 : i32 to index
      %swap3A_286 = tpu.vector_load %arg21[%swap3A_285] {strides = array<i32>} : memref<10000xf32, #tpu.memory_space<vmem>>, vector<16xf32>,
      tpu.vector_store %arg21[%swap3A_285], %broadcast_in_dim3A_139 {strides = array<i32>} : memref<10000xf32, #tpu.memory_space<vmem>>, vector<16xf32>,
      %scan3A_287 = arith.constant 0 : i32
      scf.yield %scan3A_287 : i32
    }
    %scan3A_146 = arith.constant 625 : i32
    %broadcast_in_dim3A_147 = arith.constant 0.000000e+00 : f32
    %broadcast_in_dim3A_148 = vector.broadcast %broadcast_in_dim3A_147 : f32 to vector<16xf32>
    %scan3A_149 = arith.constant 0 : i32
    %scan3A_150 = arith.constant 0 : i32
    %scan3A_151 = arith.constant 625 : i32
    %scan3A_152 = arith.addi %scan3A_150, %scan3A_151 : i32
    %scan3A_153 = arith.constant 1 : i32
    %scan3A_154 = scf.for %scan3A_281 = %scan3A_150 to %scan3A_152 step %scan3A_153 iter_args(%scan3A_282 = %scan3A_149) -> (i32)  : i32 {
      %mul3A_283 = arith.constant 16 : i32
      %mul3A_284 = arith.muli %scan3A_281, %mul3A_283 : i32
      %swap3A_285 = arith.index_cast %mul3A_284 : i32 to index
      %swap3A_286 = tpu.vector_load %arg25[%swap3A_285] {strides = array<i32>} : memref<10000xf32, #tpu.memory_space<vmem>>, vector<16xf32>,
      tpu.vector_store %arg25[%swap3A_285], %broadcast_in_dim3A_148 {strides = array<i32>} : memref<10000xf32, #tpu.memory_space<vmem>>, vector<16xf32>,
      %scan3A_287 = arith.constant 0 : i32
      scf.yield %scan3A_287 : i32
    }
    %scan3A_155 = arith.constant 625 : i32
    %run_scoped3A_156 = arith.constant 1 : i32
    "tpu.region"() ({
      %run_scoped3A_281 = tpu.sem_alloc : memref<!tpu.dma_semaphore, #tpu.memory_space<semaphore_mem>>
      %dma_start3A_282 = arith.constant 0 : i32
      %dma_start3A_283 = tpu.memref_slice %arg4[%add3A_128, %run_scoped3A_156, %dma_start3A_282] : memref<64x2x10000xi32, #tpu.memory_space<hbm>> -> memref<1x1x10000xi32, #tpu.memory_space<hbm>>
      %dma_start3A_284 = tpu.memref_squeeze %dma_start3A_283 : memref<1x1x10000xi32, #tpu.memory_space<hbm>> -> memref<10000xi32, #tpu.memory_space<hbm>>
      %dma_start3A_285 = arith.constant 0 : i32
      %dma_start3A_286 = tpu.memref_slice %arg4[%add3A_128, %run_scoped3A_156, %dma_start3A_285] : memref<64x2x10000xi32, #tpu.memory_space<hbm>> -> memref<1x1x10000xi32, #tpu.memory_space<hbm>>
      %dma_start3A_287 = tpu.memref_squeeze %dma_start3A_286 : memref<1x1x10000xi32, #tpu.memory_space<hbm>> -> memref<10000xi32, #tpu.memory_space<hbm>>
      tpu.enqueue_dma source(%dma_start3A_287 : memref<10000xi32, #tpu.memory_space<hbm>>) target(%arg15 : memref<10000xi32, #tpu.memory_space<vmem>>) target_semaphore(%run_scoped3A_281 : memref<!tpu.dma_semaphore, #tpu.memory_space<semaphore_mem>>)
      %dma_wait3A_288 = arith.constant 0 : i32
      %dma_wait3A_289 = tpu.memref_slice %arg4[%add3A_128, %run_scoped3A_156, %dma_wait3A_288] : memref<64x2x10000xi32, #tpu.memory_space<hbm>> -> memref<1x1x10000xi32, #tpu.memory_space<hbm>>
      %dma_wait3A_290 = tpu.memref_squeeze %dma_wait3A_289 : memref<1x1x10000xi32, #tpu.memory_space<hbm>> -> memref<10000xi32, #tpu.memory_space<hbm>>
      %dma_wait3A_291 = arith.constant 0 : i32
      %dma_wait3A_292 = tpu.memref_slice %arg4[%add3A_128, %run_scoped3A_156, %dma_wait3A_291] : memref<64x2x10000xi32, #tpu.memory_space<hbm>> -> memref<1x1x10000xi32, #tpu.memory_space<hbm>>
      %dma_wait3A_293 = tpu.memref_squeeze %dma_wait3A_292 : memref<1x1x10000xi32, #tpu.memory_space<hbm>> -> memref<10000xi32, #tpu.memory_space<hbm>>
      tpu.wait_dma2 semaphore(%run_scoped3A_281 : memref<!tpu.dma_semaphore, #tpu.memory_space<semaphore_mem>>) src(%dma_wait3A_293 : memref<10000xi32, #tpu.memory_space<hbm>>) dst(%arg15 : memref<10000xi32, #tpu.memory_space<vmem>>)
      tpu.yield
    }) : () -> ()
    %broadcast_in_dim3A_157 = arith.constant 0.000000e+00 : f32
    %broadcast_in_dim3A_158 = vector.broadcast %broadcast_in_dim3A_157 : f32 to vector<16xf32>
    %scan3A_159 = arith.constant 0 : i32
    %scan3A_160 = arith.constant 0 : i32
    %scan3A_161 = arith.constant 625 : i32
    %scan3A_162 = arith.addi %scan3A_160, %scan3A_161 : i32
    %scan3A_163 = arith.constant 1 : i32
    %scan3A_164 = scf.for %scan3A_281 = %scan3A_160 to %scan3A_162 step %scan3A_163 iter_args(%scan3A_282 = %scan3A_159) -> (i32)  : i32 {
      %mul3A_283 = arith.constant 16 : i32
      %mul3A_284 = arith.muli %scan3A_281, %mul3A_283 : i32
      %swap3A_285 = arith.index_cast %mul3A_284 : i32 to index
      %swap3A_286 = tpu.vector_load %arg19[%swap3A_285] {strides = array<i32>} : memref<10000xf32, #tpu.memory_space<vmem>>, vector<16xf32>,
      tpu.vector_store %arg19[%swap3A_285], %broadcast_in_dim3A_158 {strides = array<i32>} : memref<10000xf32, #tpu.memory_space<vmem>>, vector<16xf32>,
      %scan3A_287 = arith.constant 0 : i32
      scf.yield %scan3A_287 : i32
    }
    %scan3A_165 = arith.constant 625 : i32
    %broadcast_in_dim3A_166 = arith.constant 0.000000e+00 : f32
    %broadcast_in_dim3A_167 = vector.broadcast %broadcast_in_dim3A_166 : f32 to vector<16xf32>
    %scan3A_168 = arith.constant 0 : i32
    %scan3A_169 = arith.constant 0 : i32
    %scan3A_170 = arith.constant 625 : i32
    %scan3A_171 = arith.addi %scan3A_169, %scan3A_170 : i32
    %scan3A_172 = arith.constant 1 : i32
    %scan3A_173 = scf.for %scan3A_281 = %scan3A_169 to %scan3A_171 step %scan3A_172 iter_args(%scan3A_282 = %scan3A_168) -> (i32)  : i32 {
      %mul3A_283 = arith.constant 16 : i32
      %mul3A_284 = arith.muli %scan3A_281, %mul3A_283 : i32
      %swap3A_285 = arith.index_cast %mul3A_284 : i32 to index
      %swap3A_286 = tpu.vector_load %arg23[%swap3A_285] {strides = array<i32>} : memref<10000xf32, #tpu.memory_space<vmem>>, vector<16xf32>,
      tpu.vector_store %arg23[%swap3A_285], %broadcast_in_dim3A_167 {strides = array<i32>} : memref<10000xf32, #tpu.memory_space<vmem>>, vector<16xf32>,
      %scan3A_287 = arith.constant 0 : i32
      scf.yield %scan3A_287 : i32
    }
    %scan3A_174 = arith.constant 625 : i32
    %broadcast_in_dim3A_175 = arith.constant 0.000000e+00 : f32
    %broadcast_in_dim3A_176 = vector.broadcast %broadcast_in_dim3A_175 : f32 to vector<16xf32>
    %scan3A_177 = arith.constant 0 : i32
    %scan3A_178 = arith.constant 0 : i32
    %scan3A_179 = arith.constant 625 : i32
    %scan3A_180 = arith.addi %scan3A_178, %scan3A_179 : i32
    %scan3A_181 = arith.constant 1 : i32
    %scan3A_182 = scf.for %scan3A_281 = %scan3A_178 to %scan3A_180 step %scan3A_181 iter_args(%scan3A_282 = %scan3A_177) -> (i32)  : i32 {
      %mul3A_283 = arith.constant 16 : i32
      %mul3A_284 = arith.muli %scan3A_281, %mul3A_283 : i32
      %swap3A_285 = arith.index_cast %mul3A_284 : i32 to index
      %swap3A_286 = tpu.vector_load %arg27[%swap3A_285] {strides = array<i32>} : memref<10000xf32, #tpu.memory_space<vmem>>, vector<16xf32>,
      tpu.vector_store %arg27[%swap3A_285], %broadcast_in_dim3A_176 {strides = array<i32>} : memref<10000xf32, #tpu.memory_space<vmem>>, vector<16xf32>,
      %scan3A_287 = arith.constant 0 : i32
      scf.yield %scan3A_287 : i32
    }
    %scan3A_183 = arith.constant 625 : i32
    %scan3A_184 = arith.constant 0 : i32
    %scan3A_185 = arith.constant 0 : i32
    %scan3A_186 = arith.constant 50 : i32
    %scan3A_187 = arith.addi %scan3A_185, %scan3A_186 : i32
    %scan3A_188 = arith.constant 1 : i32
    %scan3A_189 = scf.for %scan3A_281 = %scan3A_185 to %scan3A_187 step %scan3A_188 iter_args(%scan3A_282 = %scan3A_184) -> (i32)  : i32 {
      %mul3A_283 = arith.constant 2 : i32
      %mul3A_284 = arith.muli %scan3A_281, %mul3A_283 : i32
      %add3A_285 = arith.constant 0 : i32
      %add3A_286 = arith.addi %mul3A_284, %add3A_285 : i32
      %add3A_287 = arith.constant 1 : i32
      %add3A_288 = arith.addi %add3A_286, %add3A_287 : i32
      %mul3A_289 = arith.constant 3 : i32
      %mul3A_290 = arith.muli %add3A, %mul3A_289 : i32
      %add3A_291 = arith.addi %add3A_288, %mul3A_290 : i32
      %rem3A_292 = arith.constant 100 : i32
      %rem3A_293 = arith.remsi %add3A_291, %rem3A_292 : i32
      %mul3A_294 = arith.constant 3200 : i32
      %mul3A_295 = arith.muli %rem3A_293, %mul3A_294 : i32
      %dma_start3A_296 = tpu.memref_slice %arg2[%mul3A_295] : memref<320000xi32, #tpu.memory_space<hbm>> -> memref<3200xi32, #tpu.memory_space<hbm>>
      %dma_start3A_297 = tpu.memref_slice %arg2[%mul3A_295] : memref<320000xi32, #tpu.memory_space<hbm>> -> memref<3200xi32, #tpu.memory_space<hbm>>
      tpu.enqueue_dma source(%dma_start3A_297 : memref<3200xi32, #tpu.memory_space<hbm>>) target(%arg29 : memref<3200xi32, #tpu.memory_space<vmem>>) target_semaphore(%arg35 : memref<!tpu.dma_semaphore, #tpu.memory_space<semaphore_mem>>)
      %dma_start3A_298 = tpu.memref_slice %arg3[%mul3A_295] : memref<320000xi32, #tpu.memory_space<hbm>> -> memref<3200xi32, #tpu.memory_space<hbm>>
      %dma_start3A_299 = tpu.memref_slice %arg3[%mul3A_295] : memref<320000xi32, #tpu.memory_space<hbm>> -> memref<3200xi32, #tpu.memory_space<hbm>>
      tpu.enqueue_dma source(%dma_start3A_299 : memref<3200xi32, #tpu.memory_space<hbm>>) target(%arg31 : memref<3200xi32, #tpu.memory_space<vmem>>) target_semaphore(%arg37 : memref<!tpu.dma_semaphore, #tpu.memory_space<semaphore_mem>>)
      %dma_start3A_300 = tpu.memref_slice %arg8[%arg0, %mul3A_295] : memref<2x320000xf32, #tpu.memory_space<hbm>> -> memref<1x3200xf32, #tpu.memory_space<hbm>>
      %dma_start3A_301 = tpu.memref_squeeze %dma_start3A_300 : memref<1x3200xf32, #tpu.memory_space<hbm>> -> memref<3200xf32, #tpu.memory_space<hbm>>
      %dma_start3A_302 = tpu.memref_slice %arg8[%arg0, %mul3A_295] : memref<2x320000xf32, #tpu.memory_space<hbm>> -> memref<1x3200xf32, #tpu.memory_space<hbm>>
      %dma_start3A_303 = tpu.memref_squeeze %dma_start3A_302 : memref<1x3200xf32, #tpu.memory_space<hbm>> -> memref<3200xf32, #tpu.memory_space<hbm>>
      tpu.enqueue_dma source(%dma_start3A_303 : memref<3200xf32, #tpu.memory_space<hbm>>) target(%arg33 : memref<3200xf32, #tpu.memory_space<vmem>>) target_semaphore(%arg39 : memref<!tpu.dma_semaphore, #tpu.memory_space<semaphore_mem>>)
      %dma_wait3A_304 = arith.constant 0 : i32
      %dma_wait3A_305 = tpu.memref_slice %arg2[%dma_wait3A_304] : memref<320000xi32, #tpu.memory_space<hbm>> -> memref<3200xi32, #tpu.memory_space<hbm>>
      %dma_wait3A_306 = arith.constant 0 : i32
      %dma_wait3A_307 = tpu.memref_slice %arg2[%dma_wait3A_306] : memref<320000xi32, #tpu.memory_space<hbm>> -> memref<3200xi32, #tpu.memory_space<hbm>>
      tpu.wait_dma2 semaphore(%arg34 : memref<!tpu.dma_semaphore, #tpu.memory_space<semaphore_mem>>) src(%dma_wait3A_307 : memref<3200xi32, #tpu.memory_space<hbm>>) dst(%arg28 : memref<3200xi32, #tpu.memory_space<vmem>>)
      %dma_wait3A_308 = arith.constant 0 : i32
      %dma_wait3A_309 = tpu.memref_slice %arg3[%dma_wait3A_308] : memref<320000xi32, #tpu.memory_space<hbm>> -> memref<3200xi32, #tpu.memory_space<hbm>>
      %dma_wait3A_310 = arith.constant 0 : i32
      %dma_wait3A_311 = tpu.memref_slice %arg3[%dma_wait3A_310] : memref<320000xi32, #tpu.memory_space<hbm>> -> memref<3200xi32, #tpu.memory_space<hbm>>
      tpu.wait_dma2 semaphore(%arg36 : memref<!tpu.dma_semaphore, #tpu.memory_space<semaphore_mem>>) src(%dma_wait3A_311 : memref<3200xi32, #tpu.memory_space<hbm>>) dst(%arg30 : memref<3200xi32, #tpu.memory_space<vmem>>)
      %dma_wait3A_312 = arith.constant 0 : i32
      %dma_wait3A_313 = tpu.memref_slice %arg8[%arg0, %dma_wait3A_312] : memref<2x320000xf32, #tpu.memory_space<hbm>> -> memref<1x3200xf32, #tpu.memory_space<hbm>>
      %dma_wait3A_314 = tpu.memref_squeeze %dma_wait3A_313 : memref<1x3200xf32, #tpu.memory_space<hbm>> -> memref<3200xf32, #tpu.memory_space<hbm>>
      %dma_wait3A_315 = arith.constant 0 : i32
      %dma_wait3A_316 = tpu.memref_slice %arg8[%arg0, %dma_wait3A_315] : memref<2x320000xf32, #tpu.memory_space<hbm>> -> memref<1x3200xf32, #tpu.memory_space<hbm>>
      %dma_wait3A_317 = tpu.memref_squeeze %dma_wait3A_316 : memref<1x3200xf32, #tpu.memory_space<hbm>> -> memref<3200xf32, #tpu.memory_space<hbm>>
      tpu.wait_dma2 semaphore(%arg38 : memref<!tpu.dma_semaphore, #tpu.memory_space<semaphore_mem>>) src(%dma_wait3A_317 : memref<3200xf32, #tpu.memory_space<hbm>>) dst(%arg32 : memref<3200xf32, #tpu.memory_space<vmem>>)
      %scan3A_318 = arith.constant 0 : i32
      %scan3A_319 = arith.constant 0 : i32
      %scan3A_320 = arith.constant 50 : i32
      %scan3A_321 = arith.addi %scan3A_319, %scan3A_320 : i32
      %scan3A_322 = arith.constant 1 : i32
      %scan3A_323 = scf.for %scan3A_368 = %scan3A_319 to %scan3A_321 step %scan3A_322 iter_args(%scan3A_369 = %scan3A_318) -> (i32)  : i32 {
        %mul3A_370 = arith.constant 64 : i32
        %mul3A_371 = arith.muli %scan3A_368, %mul3A_370 : i32
        %add3A_372 = arith.constant 0 : i32
        %add3A_373 = arith.addi %mul3A_371, %add3A_372 : i32
        %get3A = arith.index_cast %add3A_373 : i32 to index
        %get3A_374 = tpu.vector_load %arg28[%get3A] {strides = array<i32>} : memref<3200xi32, #tpu.memory_space<vmem>>, vector<16xi32>,
        %get3A_375 = arith.index_cast %add3A_373 : i32 to index
        %get3A_376 = tpu.vector_load %arg30[%get3A_375] {strides = array<i32>} : memref<3200xi32, #tpu.memory_space<vmem>>, vector<16xi32>,
        %get3A_377 = arith.index_cast %add3A_373 : i32 to index
        %get3A_378 = tpu.vector_load %arg32[%get3A_377] {strides = array<i32>} : memref<3200xf32, #tpu.memory_space<vmem>>, vector<16xf32>,
        %mul3A_379 = arith.constant 5.000000e-01 : f32
        %mul3A_380 = vector.broadcast %mul3A_379 : f32 to vector<16xf32>
        %mul3A_381 = arith.mulf %get3A_378, %mul3A_380 : vector<16xf32>
        %gather3A = tpu.vector_load_idx %arg13[%get3A_376] : memref<10000xi32, #tpu.memory_space<vmem>>[vector<16xi32>], vector<16xi32>,
        %gather3A_382 = tpu.vector_load_idx %arg15[%get3A_376] : memref<10000xi32, #tpu.memory_space<vmem>>[vector<16xi32>], vector<16xi32>,
        %gather3A_383 = tpu.vector_load_idx %arg13[%get3A_374] : memref<10000xi32, #tpu.memory_space<vmem>>[vector<16xi32>], vector<16xi32>,
        %gather3A_384 = tpu.vector_load_idx %arg15[%get3A_374] : memref<10000xi32, #tpu.memory_space<vmem>>[vector<16xi32>], vector<16xi32>,
        %and3A = arith.constant -65536 : i32
        %and3A_385 = vector.broadcast %and3A : i32 to vector<16xi32>
        %and3A_386 = arith.andi %gather3A, %and3A_385 : vector<16xi32>
        %bitcast3A = vector.bitcast %and3A_386 : vector<16xi32> to vector<16xf32>
        %shift_left3A = arith.constant 16 : i32
        %shift_left3A_387 = vector.broadcast %shift_left3A : i32 to vector<16xi32>
        %shift_left3A_388 = arith.shli %gather3A, %shift_left3A_387 : vector<16xi32>
        %bitcast3A_389 = vector.bitcast %shift_left3A_388 : vector<16xi32> to vector<16xf32>
        %and3A_390 = arith.constant -65536 : i32
        %and3A_391 = vector.broadcast %and3A_390 : i32 to vector<16xi32>
        %and3A_392 = arith.andi %gather3A_382, %and3A_391 : vector<16xi32>
        %bitcast3A_393 = vector.bitcast %and3A_392 : vector<16xi32> to vector<16xf32>
        %shift_left3A_394 = arith.constant 16 : i32
        %shift_left3A_395 = vector.broadcast %shift_left3A_394 : i32 to vector<16xi32>
        %shift_left3A_396 = arith.shli %gather3A_382, %shift_left3A_395 : vector<16xi32>
        %bitcast3A_397 = vector.bitcast %shift_left3A_396 : vector<16xi32> to vector<16xf32>
        %and3A_398 = arith.constant -65536 : i32
        %and3A_399 = vector.broadcast %and3A_398 : i32 to vector<16xi32>
        %and3A_400 = arith.andi %gather3A_383, %and3A_399 : vector<16xi32>
        %bitcast3A_401 = vector.bitcast %and3A_400 : vector<16xi32> to vector<16xf32>
        %shift_left3A_402 = arith.constant 16 : i32
        %shift_left3A_403 = vector.broadcast %shift_left3A_402 : i32 to vector<16xi32>
        %shift_left3A_404 = arith.shli %gather3A_383, %shift_left3A_403 : vector<16xi32>
        %bitcast3A_405 = vector.bitcast %shift_left3A_404 : vector<16xi32> to vector<16xf32>
        %and3A_406 = arith.constant -65536 : i32
        %and3A_407 = vector.broadcast %and3A_406 : i32 to vector<16xi32>
        %and3A_408 = arith.andi %gather3A_384, %and3A_407 : vector<16xi32>
        %bitcast3A_409 = vector.bitcast %and3A_408 : vector<16xi32> to vector<16xf32>
        %shift_left3A_410 = arith.constant 16 : i32
        %shift_left3A_411 = vector.broadcast %shift_left3A_410 : i32 to vector<16xi32>
        %shift_left3A_412 = arith.shli %gather3A_384, %shift_left3A_411 : vector<16xi32>
        %bitcast3A_413 = vector.bitcast %shift_left3A_412 : vector<16xi32> to vector<16xf32>
        %mul3A_414 = arith.mulf %get3A_378, %bitcast3A : vector<16xf32>
        tpu.vector_store_idx %arg17[%get3A_374], %mul3A_414 {add = true} : memref<10000xf32, #tpu.memory_space<vmem>>[vector<16xi32>], vector<16xf32>,
        %mul3A_415 = arith.mulf %get3A_378, %bitcast3A_393 : vector<16xf32>
        tpu.vector_store_idx %arg19[%get3A_374], %mul3A_415 {add = true} : memref<10000xf32, #tpu.memory_space<vmem>>[vector<16xi32>], vector<16xf32>,
        %mul3A_416 = arith.mulf %get3A_378, %bitcast3A_401 : vector<16xf32>
        tpu.vector_store_idx %arg21[%get3A_376], %mul3A_416 {add = true} : memref<10000xf32, #tpu.memory_space<vmem>>[vector<16xi32>], vector<16xf32>,
        %mul3A_417 = arith.mulf %get3A_378, %bitcast3A_409 : vector<16xf32>
        tpu.vector_store_idx %arg23[%get3A_376], %mul3A_417 {add = true} : memref<10000xf32, #tpu.memory_space<vmem>>[vector<16xi32>], vector<16xf32>,
        %mul3A_418 = arith.mulf %mul3A_381, %bitcast3A_389 : vector<16xf32>
        tpu.vector_store_idx %arg25[%get3A_374], %mul3A_418 {add = true} : memref<10000xf32, #tpu.memory_space<vmem>>[vector<16xi32>], vector<16xf32>,
        %mul3A_419 = arith.mulf %mul3A_381, %bitcast3A_397 : vector<16xf32>
        tpu.vector_store_idx %arg27[%get3A_374], %mul3A_419 {add = true} : memref<10000xf32, #tpu.memory_space<vmem>>[vector<16xi32>], vector<16xf32>,
        %mul3A_420 = arith.mulf %mul3A_381, %bitcast3A_405 : vector<16xf32>
        tpu.vector_store_idx %arg25[%get3A_376], %mul3A_420 {add = true} : memref<10000xf32, #tpu.memory_space<vmem>>[vector<16xi32>], vector<16xf32>,
        %mul3A_421 = arith.mulf %mul3A_381, %bitcast3A_413 : vector<16xf32>
        tpu.vector_store_idx %arg27[%get3A_376], %mul3A_421 {add = true} : memref<10000xf32, #tpu.memory_space<vmem>>[vector<16xi32>], vector<16xf32>,
        %mul3A_422 = arith.constant 64 : i32
        %mul3A_423 = arith.muli %scan3A_368, %mul3A_422 : i32
        %add3A_424 = arith.constant 16 : i32
        %add3A_425 = arith.addi %mul3A_423, %add3A_424 : i32
        %get3A_426 = arith.index_cast %add3A_425 : i32 to index
        %get3A_427 = tpu.vector_load %arg28[%get3A_426] {strides = array<i32>} : memref<3200xi32, #tpu.memory_space<vmem>>, vector<16xi32>,
        %get3A_428 = arith.index_cast %add3A_425 : i32 to index
        %get3A_429 = tpu.vector_load %arg30[%get3A_428] {strides = array<i32>} : memref<3200xi32, #tpu.memory_space<vmem>>, vector<16xi32>,
        %get3A_430 = arith.index_cast %add3A_425 : i32 to index
        %get3A_431 = tpu.vector_load %arg32[%get3A_430] {strides = array<i32>} : memref<3200xf32, #tpu.memory_space<vmem>>, vector<16xf32>,
        %mul3A_432 = arith.constant 5.000000e-01 : f32
        %mul3A_433 = vector.broadcast %mul3A_432 : f32 to vector<16xf32>
        %mul3A_434 = arith.mulf %get3A_431, %mul3A_433 : vector<16xf32>
        %gather3A_435 = tpu.vector_load_idx %arg13[%get3A_429] : memref<10000xi32, #tpu.memory_space<vmem>>[vector<16xi32>], vector<16xi32>,
        %gather3A_436 = tpu.vector_load_idx %arg15[%get3A_429] : memref<10000xi32, #tpu.memory_space<vmem>>[vector<16xi32>], vector<16xi32>,
        %gather3A_437 = tpu.vector_load_idx %arg13[%get3A_427] : memref<10000xi32, #tpu.memory_space<vmem>>[vector<16xi32>], vector<16xi32>,
        %gather3A_438 = tpu.vector_load_idx %arg15[%get3A_427] : memref<10000xi32, #tpu.memory_space<vmem>>[vector<16xi32>], vector<16xi32>,
        %and3A_439 = arith.constant -65536 : i32
        %and3A_440 = vector.broadcast %and3A_439 : i32 to vector<16xi32>
        %and3A_441 = arith.andi %gather3A_435, %and3A_440 : vector<16xi32>
        %bitcast3A_442 = vector.bitcast %and3A_441 : vector<16xi32> to vector<16xf32>
        %shift_left3A_443 = arith.constant 16 : i32
        %shift_left3A_444 = vector.broadcast %shift_left3A_443 : i32 to vector<16xi32>
        %shift_left3A_445 = arith.shli %gather3A_435, %shift_left3A_444 : vector<16xi32>
        %bitcast3A_446 = vector.bitcast %shift_left3A_445 : vector<16xi32> to vector<16xf32>
        %and3A_447 = arith.constant -65536 : i32
        %and3A_448 = vector.broadcast %and3A_447 : i32 to vector<16xi32>
        %and3A_449 = arith.andi %gather3A_436, %and3A_448 : vector<16xi32>
        %bitcast3A_450 = vector.bitcast %and3A_449 : vector<16xi32> to vector<16xf32>
        %shift_left3A_451 = arith.constant 16 : i32
        %shift_left3A_452 = vector.broadcast %shift_left3A_451 : i32 to vector<16xi32>
        %shift_left3A_453 = arith.shli %gather3A_436, %shift_left3A_452 : vector<16xi32>
        %bitcast3A_454 = vector.bitcast %shift_left3A_453 : vector<16xi32> to vector<16xf32>
        %and3A_455 = arith.constant -65536 : i32
        %and3A_456 = vector.broadcast %and3A_455 : i32 to vector<16xi32>
        %and3A_457 = arith.andi %gather3A_437, %and3A_456 : vector<16xi32>
        %bitcast3A_458 = vector.bitcast %and3A_457 : vector<16xi32> to vector<16xf32>
        %shift_left3A_459 = arith.constant 16 : i32
        %shift_left3A_460 = vector.broadcast %shift_left3A_459 : i32 to vector<16xi32>
        %shift_left3A_461 = arith.shli %gather3A_437, %shift_left3A_460 : vector<16xi32>
        %bitcast3A_462 = vector.bitcast %shift_left3A_461 : vector<16xi32> to vector<16xf32>
        %and3A_463 = arith.constant -65536 : i32
        %and3A_464 = vector.broadcast %and3A_463 : i32 to vector<16xi32>
        %and3A_465 = arith.andi %gather3A_438, %and3A_464 : vector<16xi32>
        %bitcast3A_466 = vector.bitcast %and3A_465 : vector<16xi32> to vector<16xf32>
        %shift_left3A_467 = arith.constant 16 : i32
        %shift_left3A_468 = vector.broadcast %shift_left3A_467 : i32 to vector<16xi32>
        %shift_left3A_469 = arith.shli %gather3A_438, %shift_left3A_468 : vector<16xi32>
        %bitcast3A_470 = vector.bitcast %shift_left3A_469 : vector<16xi32> to vector<16xf32>
        %mul3A_471 = arith.mulf %get3A_431, %bitcast3A_442 : vector<16xf32>
        tpu.vector_store_idx %arg17[%get3A_427], %mul3A_471 {add = true} : memref<10000xf32, #tpu.memory_space<vmem>>[vector<16xi32>], vector<16xf32>,
        %mul3A_472 = arith.mulf %get3A_431, %bitcast3A_450 : vector<16xf32>
        tpu.vector_store_idx %arg19[%get3A_427], %mul3A_472 {add = true} : memref<10000xf32, #tpu.memory_space<vmem>>[vector<16xi32>], vector<16xf32>,
        %mul3A_473 = arith.mulf %get3A_431, %bitcast3A_458 : vector<16xf32>
        tpu.vector_store_idx %arg21[%get3A_429], %mul3A_473 {add = true} : memref<10000xf32, #tpu.memory_space<vmem>>[vector<16xi32>], vector<16xf32>,
        %mul3A_474 = arith.mulf %get3A_431, %bitcast3A_466 : vector<16xf32>
        tpu.vector_store_idx %arg23[%get3A_429], %mul3A_474 {add = true} : memref<10000xf32, #tpu.memory_space<vmem>>[vector<16xi32>], vector<16xf32>,
        %mul3A_475 = arith.mulf %mul3A_434, %bitcast3A_446 : vector<16xf32>
        tpu.vector_store_idx %arg25[%get3A_427], %mul3A_475 {add = true} : memref<10000xf32, #tpu.memory_space<vmem>>[vector<16xi32>], vector<16xf32>,
        %mul3A_476 = arith.mulf %mul3A_434, %bitcast3A_454 : vector<16xf32>
        tpu.vector_store_idx %arg27[%get3A_427], %mul3A_476 {add = true} : memref<10000xf32, #tpu.memory_space<vmem>>[vector<16xi32>], vector<16xf32>,
        %mul3A_477 = arith.mulf %mul3A_434, %bitcast3A_462 : vector<16xf32>
        tpu.vector_store_idx %arg25[%get3A_429], %mul3A_477 {add = true} : memref<10000xf32, #tpu.memory_space<vmem>>[vector<16xi32>], vector<16xf32>,
        %mul3A_478 = arith.mulf %mul3A_434, %bitcast3A_470 : vector<16xf32>
        tpu.vector_store_idx %arg27[%get3A_429], %mul3A_478 {add = true} : memref<10000xf32, #tpu.memory_space<vmem>>[vector<16xi32>], vector<16xf32>,
        %mul3A_479 = arith.constant 64 : i32
        %mul3A_480 = arith.muli %scan3A_368, %mul3A_479 : i32
        %add3A_481 = arith.constant 32 : i32
        %add3A_482 = arith.addi %mul3A_480, %add3A_481 : i32
        %get3A_483 = arith.index_cast %add3A_482 : i32 to index
        %get3A_484 = tpu.vector_load %arg28[%get3A_483] {strides = array<i32>} : memref<3200xi32, #tpu.memory_space<vmem>>, vector<16xi32>,
        %get3A_485 = arith.index_cast %add3A_482 : i32 to index
        %get3A_486 = tpu.vector_load %arg30[%get3A_485] {strides = array<i32>} : memref<3200xi32, #tpu.memory_space<vmem>>, vector<16xi32>,
        %get3A_487 = arith.index_cast %add3A_482 : i32 to index
        %get3A_488 = tpu.vector_load %arg32[%get3A_487] {strides = array<i32>} : memref<3200xf32, #tpu.memory_space<vmem>>, vector<16xf32>,
        %mul3A_489 = arith.constant 5.000000e-01 : f32
        %mul3A_490 = vector.broadcast %mul3A_489 : f32 to vector<16xf32>
        %mul3A_491 = arith.mulf %get3A_488, %mul3A_490 : vector<16xf32>
        %gather3A_492 = tpu.vector_load_idx %arg13[%get3A_486] : memref<10000xi32, #tpu.memory_space<vmem>>[vector<16xi32>], vector<16xi32>,
        %gather3A_493 = tpu.vector_load_idx %arg15[%get3A_486] : memref<10000xi32, #tpu.memory_space<vmem>>[vector<16xi32>], vector<16xi32>,
        %gather3A_494 = tpu.vector_load_idx %arg13[%get3A_484] : memref<10000xi32, #tpu.memory_space<vmem>>[vector<16xi32>], vector<16xi32>,
        %gather3A_495 = tpu.vector_load_idx %arg15[%get3A_484] : memref<10000xi32, #tpu.memory_space<vmem>>[vector<16xi32>], vector<16xi32>,
        %and3A_496 = arith.constant -65536 : i32
        %and3A_497 = vector.broadcast %and3A_496 : i32 to vector<16xi32>
        %and3A_498 = arith.andi %gather3A_492, %and3A_497 : vector<16xi32>
        %bitcast3A_499 = vector.bitcast %and3A_498 : vector<16xi32> to vector<16xf32>
        %shift_left3A_500 = arith.constant 16 : i32
        %shift_left3A_501 = vector.broadcast %shift_left3A_500 : i32 to vector<16xi32>
        %shift_left3A_502 = arith.shli %gather3A_492, %shift_left3A_501 : vector<16xi32>
        %bitcast3A_503 = vector.bitcast %shift_left3A_502 : vector<16xi32> to vector<16xf32>
        %and3A_504 = arith.constant -65536 : i32
        %and3A_505 = vector.broadcast %and3A_504 : i32 to vector<16xi32>
        %and3A_506 = arith.andi %gather3A_493, %and3A_505 : vector<16xi32>
        %bitcast3A_507 = vector.bitcast %and3A_506 : vector<16xi32> to vector<16xf32>
        %shift_left3A_508 = arith.constant 16 : i32
        %shift_left3A_509 = vector.broadcast %shift_left3A_508 : i32 to vector<16xi32>
        %shift_left3A_510 = arith.shli %gather3A_493, %shift_left3A_509 : vector<16xi32>
        %bitcast3A_511 = vector.bitcast %shift_left3A_510 : vector<16xi32> to vector<16xf32>
        %and3A_512 = arith.constant -65536 : i32
        %and3A_513 = vector.broadcast %and3A_512 : i32 to vector<16xi32>
        %and3A_514 = arith.andi %gather3A_494, %and3A_513 : vector<16xi32>
        %bitcast3A_515 = vector.bitcast %and3A_514 : vector<16xi32> to vector<16xf32>
        %shift_left3A_516 = arith.constant 16 : i32
        %shift_left3A_517 = vector.broadcast %shift_left3A_516 : i32 to vector<16xi32>
        %shift_left3A_518 = arith.shli %gather3A_494, %shift_left3A_517 : vector<16xi32>
        %bitcast3A_519 = vector.bitcast %shift_left3A_518 : vector<16xi32> to vector<16xf32>
        %and3A_520 = arith.constant -65536 : i32
        %and3A_521 = vector.broadcast %and3A_520 : i32 to vector<16xi32>
        %and3A_522 = arith.andi %gather3A_495, %and3A_521 : vector<16xi32>
        %bitcast3A_523 = vector.bitcast %and3A_522 : vector<16xi32> to vector<16xf32>
        %shift_left3A_524 = arith.constant 16 : i32
        %shift_left3A_525 = vector.broadcast %shift_left3A_524 : i32 to vector<16xi32>
        %shift_left3A_526 = arith.shli %gather3A_495, %shift_left3A_525 : vector<16xi32>
        %bitcast3A_527 = vector.bitcast %shift_left3A_526 : vector<16xi32> to vector<16xf32>
        %mul3A_528 = arith.mulf %get3A_488, %bitcast3A_499 : vector<16xf32>
        tpu.vector_store_idx %arg17[%get3A_484], %mul3A_528 {add = true} : memref<10000xf32, #tpu.memory_space<vmem>>[vector<16xi32>], vector<16xf32>,
        %mul3A_529 = arith.mulf %get3A_488, %bitcast3A_507 : vector<16xf32>
        tpu.vector_store_idx %arg19[%get3A_484], %mul3A_529 {add = true} : memref<10000xf32, #tpu.memory_space<vmem>>[vector<16xi32>], vector<16xf32>,
        %mul3A_530 = arith.mulf %get3A_488, %bitcast3A_515 : vector<16xf32>
        tpu.vector_store_idx %arg21[%get3A_486], %mul3A_530 {add = true} : memref<10000xf32, #tpu.memory_space<vmem>>[vector<16xi32>], vector<16xf32>,
        %mul3A_531 = arith.mulf %get3A_488, %bitcast3A_523 : vector<16xf32>
        tpu.vector_store_idx %arg23[%get3A_486], %mul3A_531 {add = true} : memref<10000xf32, #tpu.memory_space<vmem>>[vector<16xi32>], vector<16xf32>,
        %mul3A_532 = arith.mulf %mul3A_491, %bitcast3A_503 : vector<16xf32>
        tpu.vector_store_idx %arg25[%get3A_484], %mul3A_532 {add = true} : memref<10000xf32, #tpu.memory_space<vmem>>[vector<16xi32>], vector<16xf32>,
        %mul3A_533 = arith.mulf %mul3A_491, %bitcast3A_511 : vector<16xf32>
        tpu.vector_store_idx %arg27[%get3A_484], %mul3A_533 {add = true} : memref<10000xf32, #tpu.memory_space<vmem>>[vector<16xi32>], vector<16xf32>,
        %mul3A_534 = arith.mulf %mul3A_491, %bitcast3A_519 : vector<16xf32>
        tpu.vector_store_idx %arg25[%get3A_486], %mul3A_534 {add = true} : memref<10000xf32, #tpu.memory_space<vmem>>[vector<16xi32>], vector<16xf32>,
        %mul3A_535 = arith.mulf %mul3A_491, %bitcast3A_527 : vector<16xf32>
        tpu.vector_store_idx %arg27[%get3A_486], %mul3A_535 {add = true} : memref<10000xf32, #tpu.memory_space<vmem>>[vector<16xi32>], vector<16xf32>,
        %mul3A_536 = arith.constant 64 : i32
        %mul3A_537 = arith.muli %scan3A_368, %mul3A_536 : i32
        %add3A_538 = arith.constant 48 : i32
        %add3A_539 = arith.addi %mul3A_537, %add3A_538 : i32
        %get3A_540 = arith.index_cast %add3A_539 : i32 to index
        %get3A_541 = tpu.vector_load %arg28[%get3A_540] {strides = array<i32>} : memref<3200xi32, #tpu.memory_space<vmem>>, vector<16xi32>,
        %get3A_542 = arith.index_cast %add3A_539 : i32 to index
        %get3A_543 = tpu.vector_load %arg30[%get3A_542] {strides = array<i32>} : memref<3200xi32, #tpu.memory_space<vmem>>, vector<16xi32>,
        %get3A_544 = arith.index_cast %add3A_539 : i32 to index
        %get3A_545 = tpu.vector_load %arg32[%get3A_544] {strides = array<i32>} : memref<3200xf32, #tpu.memory_space<vmem>>, vector<16xf32>,
        %mul3A_546 = arith.constant 5.000000e-01 : f32
        %mul3A_547 = vector.broadcast %mul3A_546 : f32 to vector<16xf32>
        %mul3A_548 = arith.mulf %get3A_545, %mul3A_547 : vector<16xf32>
        %gather3A_549 = tpu.vector_load_idx %arg13[%get3A_543] : memref<10000xi32, #tpu.memory_space<vmem>>[vector<16xi32>], vector<16xi32>,
        %gather3A_550 = tpu.vector_load_idx %arg15[%get3A_543] : memref<10000xi32, #tpu.memory_space<vmem>>[vector<16xi32>], vector<16xi32>,
        %gather3A_551 = tpu.vector_load_idx %arg13[%get3A_541] : memref<10000xi32, #tpu.memory_space<vmem>>[vector<16xi32>], vector<16xi32>,
        %gather3A_552 = tpu.vector_load_idx %arg15[%get3A_541] : memref<10000xi32, #tpu.memory_space<vmem>>[vector<16xi32>], vector<16xi32>,
        %and3A_553 = arith.constant -65536 : i32
        %and3A_554 = vector.broadcast %and3A_553 : i32 to vector<16xi32>
        %and3A_555 = arith.andi %gather3A_549, %and3A_554 : vector<16xi32>
        %bitcast3A_556 = vector.bitcast %and3A_555 : vector<16xi32> to vector<16xf32>
        %shift_left3A_557 = arith.constant 16 : i32
        %shift_left3A_558 = vector.broadcast %shift_left3A_557 : i32 to vector<16xi32>
        %shift_left3A_559 = arith.shli %gather3A_549, %shift_left3A_558 : vector<16xi32>
        %bitcast3A_560 = vector.bitcast %shift_left3A_559 : vector<16xi32> to vector<16xf32>
        %and3A_561 = arith.constant -65536 : i32
        %and3A_562 = vector.broadcast %and3A_561 : i32 to vector<16xi32>
        %and3A_563 = arith.andi %gather3A_550, %and3A_562 : vector<16xi32>
        %bitcast3A_564 = vector.bitcast %and3A_563 : vector<16xi32> to vector<16xf32>
        %shift_left3A_565 = arith.constant 16 : i32
        %shift_left3A_566 = vector.broadcast %shift_left3A_565 : i32 to vector<16xi32>
        %shift_left3A_567 = arith.shli %gather3A_550, %shift_left3A_566 : vector<16xi32>
        %bitcast3A_568 = vector.bitcast %shift_left3A_567 : vector<16xi32> to vector<16xf32>
        %and3A_569 = arith.constant -65536 : i32
        %and3A_570 = vector.broadcast %and3A_569 : i32 to vector<16xi32>
        %and3A_571 = arith.andi %gather3A_551, %and3A_570 : vector<16xi32>
        %bitcast3A_572 = vector.bitcast %and3A_571 : vector<16xi32> to vector<16xf32>
        %shift_left3A_573 = arith.constant 16 : i32
        %shift_left3A_574 = vector.broadcast %shift_left3A_573 : i32 to vector<16xi32>
        %shift_left3A_575 = arith.shli %gather3A_551, %shift_left3A_574 : vector<16xi32>
        %bitcast3A_576 = vector.bitcast %shift_left3A_575 : vector<16xi32> to vector<16xf32>
        %and3A_577 = arith.constant -65536 : i32
        %and3A_578 = vector.broadcast %and3A_577 : i32 to vector<16xi32>
        %and3A_579 = arith.andi %gather3A_552, %and3A_578 : vector<16xi32>
        %bitcast3A_580 = vector.bitcast %and3A_579 : vector<16xi32> to vector<16xf32>
        %shift_left3A_581 = arith.constant 16 : i32
        %shift_left3A_582 = vector.broadcast %shift_left3A_581 : i32 to vector<16xi32>
        %shift_left3A_583 = arith.shli %gather3A_552, %shift_left3A_582 : vector<16xi32>
        %bitcast3A_584 = vector.bitcast %shift_left3A_583 : vector<16xi32> to vector<16xf32>
        %mul3A_585 = arith.mulf %get3A_545, %bitcast3A_556 : vector<16xf32>
        tpu.vector_store_idx %arg17[%get3A_541], %mul3A_585 {add = true} : memref<10000xf32, #tpu.memory_space<vmem>>[vector<16xi32>], vector<16xf32>,
        %mul3A_586 = arith.mulf %get3A_545, %bitcast3A_564 : vector<16xf32>
        tpu.vector_store_idx %arg19[%get3A_541], %mul3A_586 {add = true} : memref<10000xf32, #tpu.memory_space<vmem>>[vector<16xi32>], vector<16xf32>,
        %mul3A_587 = arith.mulf %get3A_545, %bitcast3A_572 : vector<16xf32>
        tpu.vector_store_idx %arg21[%get3A_543], %mul3A_587 {add = true} : memref<10000xf32, #tpu.memory_space<vmem>>[vector<16xi32>], vector<16xf32>,
        %mul3A_588 = arith.mulf %get3A_545, %bitcast3A_580 : vector<16xf32>
        tpu.vector_store_idx %arg23[%get3A_543], %mul3A_588 {add = true} : memref<10000xf32, #tpu.memory_space<vmem>>[vector<16xi32>], vector<16xf32>,
        %mul3A_589 = arith.mulf %mul3A_548, %bitcast3A_560 : vector<16xf32>
        tpu.vector_store_idx %arg25[%get3A_541], %mul3A_589 {add = true} : memref<10000xf32, #tpu.memory_space<vmem>>[vector<16xi32>], vector<16xf32>,
        %mul3A_590 = arith.mulf %mul3A_548, %bitcast3A_568 : vector<16xf32>
        tpu.vector_store_idx %arg27[%get3A_541], %mul3A_590 {add = true} : memref<10000xf32, #tpu.memory_space<vmem>>[vector<16xi32>], vector<16xf32>,
        %mul3A_591 = arith.mulf %mul3A_548, %bitcast3A_576 : vector<16xf32>
        tpu.vector_store_idx %arg25[%get3A_543], %mul3A_591 {add = true} : memref<10000xf32, #tpu.memory_space<vmem>>[vector<16xi32>], vector<16xf32>,
        %mul3A_592 = arith.mulf %mul3A_548, %bitcast3A_584 : vector<16xf32>
        tpu.vector_store_idx %arg27[%get3A_543], %mul3A_592 {add = true} : memref<10000xf32, #tpu.memory_space<vmem>>[vector<16xi32>], vector<16xf32>,
        %scan3A_593 = arith.constant 0 : i32
        scf.yield %scan3A_593 : i32
      }
      %scan3A_324 = arith.constant 50 : i32
      %mul3A_325 = arith.constant 2 : i32
      %mul3A_326 = arith.muli %scan3A_281, %mul3A_325 : i32
      %add3A_327 = arith.constant 1 : i32
      %add3A_328 = arith.addi %mul3A_326, %add3A_327 : i32
      %add3A_329 = arith.constant 1 : i32
      %add3A_330 = arith.addi %add3A_328, %add3A_329 : i32
      %mul3A_331 = arith.constant 3 : i32
      %mul3A_332 = arith.muli %add3A, %mul3A_331 : i32
      %add3A_333 = arith.addi %add3A_330, %mul3A_332 : i32
      %rem3A_334 = arith.constant 100 : i32
      %rem3A_335 = arith.remsi %add3A_333, %rem3A_334 : i32
      %mul3A_336 = arith.constant 3200 : i32
      %mul3A_337 = arith.muli %rem3A_335, %mul3A_336 : i32
      %dma_start3A_338 = tpu.memref_slice %arg2[%mul3A_337] : memref<320000xi32, #tpu.memory_space<hbm>> -> memref<3200xi32, #tpu.memory_space<hbm>>
      %dma_start3A_339 = tpu.memref_slice %arg2[%mul3A_337] : memref<320000xi32, #tpu.memory_space<hbm>> -> memref<3200xi32, #tpu.memory_space<hbm>>
      tpu.enqueue_dma source(%dma_start3A_339 : memref<3200xi32, #tpu.memory_space<hbm>>) target(%arg28 : memref<3200xi32, #tpu.memory_space<vmem>>) target_semaphore(%arg34 : memref<!tpu.dma_semaphore, #tpu.memory_space<semaphore_mem>>)
      %dma_start3A_340 = tpu.memref_slice %arg3[%mul3A_337] : memref<320000xi32, #tpu.memory_space<hbm>> -> memref<3200xi32, #tpu.memory_space<hbm>>
      %dma_start3A_341 = tpu.memref_slice %arg3[%mul3A_337] : memref<320000xi32, #tpu.memory_space<hbm>> -> memref<3200xi32, #tpu.memory_space<hbm>>
      tpu.enqueue_dma source(%dma_start3A_341 : memref<3200xi32, #tpu.memory_space<hbm>>) target(%arg30 : memref<3200xi32, #tpu.memory_space<vmem>>) target_semaphore(%arg36 : memref<!tpu.dma_semaphore, #tpu.memory_space<semaphore_mem>>)
      %dma_start3A_342 = tpu.memref_slice %arg8[%arg0, %mul3A_337] : memref<2x320000xf32, #tpu.memory_space<hbm>> -> memref<1x3200xf32, #tpu.memory_space<hbm>>
      %dma_start3A_343 = tpu.memref_squeeze %dma_start3A_342 : memref<1x3200xf32, #tpu.memory_space<hbm>> -> memref<3200xf32, #tpu.memory_space<hbm>>
      %dma_start3A_344 = tpu.memref_slice %arg8[%arg0, %mul3A_337] : memref<2x320000xf32, #tpu.memory_space<hbm>> -> memref<1x3200xf32, #tpu.memory_space<hbm>>
      %dma_start3A_345 = tpu.memref_squeeze %dma_start3A_344 : memref<1x3200xf32, #tpu.memory_space<hbm>> -> memref<3200xf32, #tpu.memory_space<hbm>>
      tpu.enqueue_dma source(%dma_start3A_345 : memref<3200xf32, #tpu.memory_space<hbm>>) target(%arg32 : memref<3200xf32, #tpu.memory_space<vmem>>) target_semaphore(%arg38 : memref<!tpu.dma_semaphore, #tpu.memory_space<semaphore_mem>>)
      %dma_wait3A_346 = arith.constant 0 : i32
      %dma_wait3A_347 = tpu.memref_slice %arg2[%dma_wait3A_346] : memref<320000xi32, #tpu.memory_space<hbm>> -> memref<3200xi32, #tpu.memory_space<hbm>>
      %dma_wait3A_348 = arith.constant 0 : i32
      %dma_wait3A_349 = tpu.memref_slice %arg2[%dma_wait3A_348] : memref<320000xi32, #tpu.memory_space<hbm>> -> memref<3200xi32, #tpu.memory_space<hbm>>
      tpu.wait_dma2 semaphore(%arg35 : memref<!tpu.dma_semaphore, #tpu.memory_space<semaphore_mem>>) src(%dma_wait3A_349 : memref<3200xi32, #tpu.memory_space<hbm>>) dst(%arg29 : memref<3200xi32, #tpu.memory_space<vmem>>)
      %dma_wait3A_350 = arith.constant 0 : i32
      %dma_wait3A_351 = tpu.memref_slice %arg3[%dma_wait3A_350] : memref<320000xi32, #tpu.memory_space<hbm>> -> memref<3200xi32, #tpu.memory_space<hbm>>
      %dma_wait3A_352 = arith.constant 0 : i32
      %dma_wait3A_353 = tpu.memref_slice %arg3[%dma_wait3A_352] : memref<320000xi32, #tpu.memory_space<hbm>> -> memref<3200xi32, #tpu.memory_space<hbm>>
      tpu.wait_dma2 semaphore(%arg37 : memref<!tpu.dma_semaphore, #tpu.memory_space<semaphore_mem>>) src(%dma_wait3A_353 : memref<3200xi32, #tpu.memory_space<hbm>>) dst(%arg31 : memref<3200xi32, #tpu.memory_space<vmem>>)
      %dma_wait3A_354 = arith.constant 0 : i32
      %dma_wait3A_355 = tpu.memref_slice %arg8[%arg0, %dma_wait3A_354] : memref<2x320000xf32, #tpu.memory_space<hbm>> -> memref<1x3200xf32, #tpu.memory_space<hbm>>
      %dma_wait3A_356 = tpu.memref_squeeze %dma_wait3A_355 : memref<1x3200xf32, #tpu.memory_space<hbm>> -> memref<3200xf32, #tpu.memory_space<hbm>>
      %dma_wait3A_357 = arith.constant 0 : i32
      %dma_wait3A_358 = tpu.memref_slice %arg8[%arg0, %dma_wait3A_357] : memref<2x320000xf32, #tpu.memory_space<hbm>> -> memref<1x3200xf32, #tpu.memory_space<hbm>>
      %dma_wait3A_359 = tpu.memref_squeeze %dma_wait3A_358 : memref<1x3200xf32, #tpu.memory_space<hbm>> -> memref<3200xf32, #tpu.memory_space<hbm>>
      tpu.wait_dma2 semaphore(%arg39 : memref<!tpu.dma_semaphore, #tpu.memory_space<semaphore_mem>>) src(%dma_wait3A_359 : memref<3200xf32, #tpu.memory_space<hbm>>) dst(%arg33 : memref<3200xf32, #tpu.memory_space<vmem>>)
      %scan3A_360 = arith.constant 0 : i32
      %scan3A_361 = arith.constant 0 : i32
      %scan3A_362 = arith.constant 50 : i32
      %scan3A_363 = arith.addi %scan3A_361, %scan3A_362 : i32
      %scan3A_364 = arith.constant 1 : i32
      %scan3A_365 = scf.for %scan3A_368 = %scan3A_361 to %scan3A_363 step %scan3A_364 iter_args(%scan3A_369 = %scan3A_360) -> (i32)  : i32 {
        %mul3A_370 = arith.constant 64 : i32
        %mul3A_371 = arith.muli %scan3A_368, %mul3A_370 : i32
        %add3A_372 = arith.constant 0 : i32
        %add3A_373 = arith.addi %mul3A_371, %add3A_372 : i32
        %get3A = arith.index_cast %add3A_373 : i32 to index
        %get3A_374 = tpu.vector_load %arg29[%get3A] {strides = array<i32>} : memref<3200xi32, #tpu.memory_space<vmem>>, vector<16xi32>,
        %get3A_375 = arith.index_cast %add3A_373 : i32 to index
        %get3A_376 = tpu.vector_load %arg31[%get3A_375] {strides = array<i32>} : memref<3200xi32, #tpu.memory_space<vmem>>, vector<16xi32>,
        %get3A_377 = arith.index_cast %add3A_373 : i32 to index
        %get3A_378 = tpu.vector_load %arg33[%get3A_377] {strides = array<i32>} : memref<3200xf32, #tpu.memory_space<vmem>>, vector<16xf32>,
        %mul3A_379 = arith.constant 5.000000e-01 : f32
        %mul3A_380 = vector.broadcast %mul3A_379 : f32 to vector<16xf32>
        %mul3A_381 = arith.mulf %get3A_378, %mul3A_380 : vector<16xf32>
        %gather3A = tpu.vector_load_idx %arg13[%get3A_376] : memref<10000xi32, #tpu.memory_space<vmem>>[vector<16xi32>], vector<16xi32>,
        %gather3A_382 = tpu.vector_load_idx %arg15[%get3A_376] : memref<10000xi32, #tpu.memory_space<vmem>>[vector<16xi32>], vector<16xi32>,
        %gather3A_383 = tpu.vector_load_idx %arg13[%get3A_374] : memref<10000xi32, #tpu.memory_space<vmem>>[vector<16xi32>], vector<16xi32>,
        %gather3A_384 = tpu.vector_load_idx %arg15[%get3A_374] : memref<10000xi32, #tpu.memory_space<vmem>>[vector<16xi32>], vector<16xi32>,
        %and3A = arith.constant -65536 : i32
        %and3A_385 = vector.broadcast %and3A : i32 to vector<16xi32>
        %and3A_386 = arith.andi %gather3A, %and3A_385 : vector<16xi32>
        %bitcast3A = vector.bitcast %and3A_386 : vector<16xi32> to vector<16xf32>
        %shift_left3A = arith.constant 16 : i32
        %shift_left3A_387 = vector.broadcast %shift_left3A : i32 to vector<16xi32>
        %shift_left3A_388 = arith.shli %gather3A, %shift_left3A_387 : vector<16xi32>
        %bitcast3A_389 = vector.bitcast %shift_left3A_388 : vector<16xi32> to vector<16xf32>
        %and3A_390 = arith.constant -65536 : i32
        %and3A_391 = vector.broadcast %and3A_390 : i32 to vector<16xi32>
        %and3A_392 = arith.andi %gather3A_382, %and3A_391 : vector<16xi32>
        %bitcast3A_393 = vector.bitcast %and3A_392 : vector<16xi32> to vector<16xf32>
        %shift_left3A_394 = arith.constant 16 : i32
        %shift_left3A_395 = vector.broadcast %shift_left3A_394 : i32 to vector<16xi32>
        %shift_left3A_396 = arith.shli %gather3A_382, %shift_left3A_395 : vector<16xi32>
        %bitcast3A_397 = vector.bitcast %shift_left3A_396 : vector<16xi32> to vector<16xf32>
        %and3A_398 = arith.constant -65536 : i32
        %and3A_399 = vector.broadcast %and3A_398 : i32 to vector<16xi32>
        %and3A_400 = arith.andi %gather3A_383, %and3A_399 : vector<16xi32>
        %bitcast3A_401 = vector.bitcast %and3A_400 : vector<16xi32> to vector<16xf32>
        %shift_left3A_402 = arith.constant 16 : i32
        %shift_left3A_403 = vector.broadcast %shift_left3A_402 : i32 to vector<16xi32>
        %shift_left3A_404 = arith.shli %gather3A_383, %shift_left3A_403 : vector<16xi32>
        %bitcast3A_405 = vector.bitcast %shift_left3A_404 : vector<16xi32> to vector<16xf32>
        %and3A_406 = arith.constant -65536 : i32
        %and3A_407 = vector.broadcast %and3A_406 : i32 to vector<16xi32>
        %and3A_408 = arith.andi %gather3A_384, %and3A_407 : vector<16xi32>
        %bitcast3A_409 = vector.bitcast %and3A_408 : vector<16xi32> to vector<16xf32>
        %shift_left3A_410 = arith.constant 16 : i32
        %shift_left3A_411 = vector.broadcast %shift_left3A_410 : i32 to vector<16xi32>
        %shift_left3A_412 = arith.shli %gather3A_384, %shift_left3A_411 : vector<16xi32>
        %bitcast3A_413 = vector.bitcast %shift_left3A_412 : vector<16xi32> to vector<16xf32>
        %mul3A_414 = arith.mulf %get3A_378, %bitcast3A : vector<16xf32>
        tpu.vector_store_idx %arg17[%get3A_374], %mul3A_414 {add = true} : memref<10000xf32, #tpu.memory_space<vmem>>[vector<16xi32>], vector<16xf32>,
        %mul3A_415 = arith.mulf %get3A_378, %bitcast3A_393 : vector<16xf32>
        tpu.vector_store_idx %arg19[%get3A_374], %mul3A_415 {add = true} : memref<10000xf32, #tpu.memory_space<vmem>>[vector<16xi32>], vector<16xf32>,
        %mul3A_416 = arith.mulf %get3A_378, %bitcast3A_401 : vector<16xf32>
        tpu.vector_store_idx %arg21[%get3A_376], %mul3A_416 {add = true} : memref<10000xf32, #tpu.memory_space<vmem>>[vector<16xi32>], vector<16xf32>,
        %mul3A_417 = arith.mulf %get3A_378, %bitcast3A_409 : vector<16xf32>
        tpu.vector_store_idx %arg23[%get3A_376], %mul3A_417 {add = true} : memref<10000xf32, #tpu.memory_space<vmem>>[vector<16xi32>], vector<16xf32>,
        %mul3A_418 = arith.mulf %mul3A_381, %bitcast3A_389 : vector<16xf32>
        tpu.vector_store_idx %arg25[%get3A_374], %mul3A_418 {add = true} : memref<10000xf32, #tpu.memory_space<vmem>>[vector<16xi32>], vector<16xf32>,
        %mul3A_419 = arith.mulf %mul3A_381, %bitcast3A_397 : vector<16xf32>
        tpu.vector_store_idx %arg27[%get3A_374], %mul3A_419 {add = true} : memref<10000xf32, #tpu.memory_space<vmem>>[vector<16xi32>], vector<16xf32>,
        %mul3A_420 = arith.mulf %mul3A_381, %bitcast3A_405 : vector<16xf32>
        tpu.vector_store_idx %arg25[%get3A_376], %mul3A_420 {add = true} : memref<10000xf32, #tpu.memory_space<vmem>>[vector<16xi32>], vector<16xf32>,
        %mul3A_421 = arith.mulf %mul3A_381, %bitcast3A_413 : vector<16xf32>
        tpu.vector_store_idx %arg27[%get3A_376], %mul3A_421 {add = true} : memref<10000xf32, #tpu.memory_space<vmem>>[vector<16xi32>], vector<16xf32>,
        %mul3A_422 = arith.constant 64 : i32
        %mul3A_423 = arith.muli %scan3A_368, %mul3A_422 : i32
        %add3A_424 = arith.constant 16 : i32
        %add3A_425 = arith.addi %mul3A_423, %add3A_424 : i32
        %get3A_426 = arith.index_cast %add3A_425 : i32 to index
        %get3A_427 = tpu.vector_load %arg29[%get3A_426] {strides = array<i32>} : memref<3200xi32, #tpu.memory_space<vmem>>, vector<16xi32>,
        %get3A_428 = arith.index_cast %add3A_425 : i32 to index
        %get3A_429 = tpu.vector_load %arg31[%get3A_428] {strides = array<i32>} : memref<3200xi32, #tpu.memory_space<vmem>>, vector<16xi32>,
        %get3A_430 = arith.index_cast %add3A_425 : i32 to index
        %get3A_431 = tpu.vector_load %arg33[%get3A_430] {strides = array<i32>} : memref<3200xf32, #tpu.memory_space<vmem>>, vector<16xf32>,
        %mul3A_432 = arith.constant 5.000000e-01 : f32
        %mul3A_433 = vector.broadcast %mul3A_432 : f32 to vector<16xf32>
        %mul3A_434 = arith.mulf %get3A_431, %mul3A_433 : vector<16xf32>
        %gather3A_435 = tpu.vector_load_idx %arg13[%get3A_429] : memref<10000xi32, #tpu.memory_space<vmem>>[vector<16xi32>], vector<16xi32>,
        %gather3A_436 = tpu.vector_load_idx %arg15[%get3A_429] : memref<10000xi32, #tpu.memory_space<vmem>>[vector<16xi32>], vector<16xi32>,
        %gather3A_437 = tpu.vector_load_idx %arg13[%get3A_427] : memref<10000xi32, #tpu.memory_space<vmem>>[vector<16xi32>], vector<16xi32>,
        %gather3A_438 = tpu.vector_load_idx %arg15[%get3A_427] : memref<10000xi32, #tpu.memory_space<vmem>>[vector<16xi32>], vector<16xi32>,
        %and3A_439 = arith.constant -65536 : i32
        %and3A_440 = vector.broadcast %and3A_439 : i32 to vector<16xi32>
        %and3A_441 = arith.andi %gather3A_435, %and3A_440 : vector<16xi32>
        %bitcast3A_442 = vector.bitcast %and3A_441 : vector<16xi32> to vector<16xf32>
        %shift_left3A_443 = arith.constant 16 : i32
        %shift_left3A_444 = vector.broadcast %shift_left3A_443 : i32 to vector<16xi32>
        %shift_left3A_445 = arith.shli %gather3A_435, %shift_left3A_444 : vector<16xi32>
        %bitcast3A_446 = vector.bitcast %shift_left3A_445 : vector<16xi32> to vector<16xf32>
        %and3A_447 = arith.constant -65536 : i32
        %and3A_448 = vector.broadcast %and3A_447 : i32 to vector<16xi32>
        %and3A_449 = arith.andi %gather3A_436, %and3A_448 : vector<16xi32>
        %bitcast3A_450 = vector.bitcast %and3A_449 : vector<16xi32> to vector<16xf32>
        %shift_left3A_451 = arith.constant 16 : i32
        %shift_left3A_452 = vector.broadcast %shift_left3A_451 : i32 to vector<16xi32>
        %shift_left3A_453 = arith.shli %gather3A_436, %shift_left3A_452 : vector<16xi32>
        %bitcast3A_454 = vector.bitcast %shift_left3A_453 : vector<16xi32> to vector<16xf32>
        %and3A_455 = arith.constant -65536 : i32
        %and3A_456 = vector.broadcast %and3A_455 : i32 to vector<16xi32>
        %and3A_457 = arith.andi %gather3A_437, %and3A_456 : vector<16xi32>
        %bitcast3A_458 = vector.bitcast %and3A_457 : vector<16xi32> to vector<16xf32>
        %shift_left3A_459 = arith.constant 16 : i32
        %shift_left3A_460 = vector.broadcast %shift_left3A_459 : i32 to vector<16xi32>
        %shift_left3A_461 = arith.shli %gather3A_437, %shift_left3A_460 : vector<16xi32>
        %bitcast3A_462 = vector.bitcast %shift_left3A_461 : vector<16xi32> to vector<16xf32>
        %and3A_463 = arith.constant -65536 : i32
        %and3A_464 = vector.broadcast %and3A_463 : i32 to vector<16xi32>
        %and3A_465 = arith.andi %gather3A_438, %and3A_464 : vector<16xi32>
        %bitcast3A_466 = vector.bitcast %and3A_465 : vector<16xi32> to vector<16xf32>
        %shift_left3A_467 = arith.constant 16 : i32
        %shift_left3A_468 = vector.broadcast %shift_left3A_467 : i32 to vector<16xi32>
        %shift_left3A_469 = arith.shli %gather3A_438, %shift_left3A_468 : vector<16xi32>
        %bitcast3A_470 = vector.bitcast %shift_left3A_469 : vector<16xi32> to vector<16xf32>
        %mul3A_471 = arith.mulf %get3A_431, %bitcast3A_442 : vector<16xf32>
        tpu.vector_store_idx %arg17[%get3A_427], %mul3A_471 {add = true} : memref<10000xf32, #tpu.memory_space<vmem>>[vector<16xi32>], vector<16xf32>,
        %mul3A_472 = arith.mulf %get3A_431, %bitcast3A_450 : vector<16xf32>
        tpu.vector_store_idx %arg19[%get3A_427], %mul3A_472 {add = true} : memref<10000xf32, #tpu.memory_space<vmem>>[vector<16xi32>], vector<16xf32>,
        %mul3A_473 = arith.mulf %get3A_431, %bitcast3A_458 : vector<16xf32>
        tpu.vector_store_idx %arg21[%get3A_429], %mul3A_473 {add = true} : memref<10000xf32, #tpu.memory_space<vmem>>[vector<16xi32>], vector<16xf32>,
        %mul3A_474 = arith.mulf %get3A_431, %bitcast3A_466 : vector<16xf32>
        tpu.vector_store_idx %arg23[%get3A_429], %mul3A_474 {add = true} : memref<10000xf32, #tpu.memory_space<vmem>>[vector<16xi32>], vector<16xf32>,
        %mul3A_475 = arith.mulf %mul3A_434, %bitcast3A_446 : vector<16xf32>
        tpu.vector_store_idx %arg25[%get3A_427], %mul3A_475 {add = true} : memref<10000xf32, #tpu.memory_space<vmem>>[vector<16xi32>], vector<16xf32>,
        %mul3A_476 = arith.mulf %mul3A_434, %bitcast3A_454 : vector<16xf32>
        tpu.vector_store_idx %arg27[%get3A_427], %mul3A_476 {add = true} : memref<10000xf32, #tpu.memory_space<vmem>>[vector<16xi32>], vector<16xf32>,
        %mul3A_477 = arith.mulf %mul3A_434, %bitcast3A_462 : vector<16xf32>
        tpu.vector_store_idx %arg25[%get3A_429], %mul3A_477 {add = true} : memref<10000xf32, #tpu.memory_space<vmem>>[vector<16xi32>], vector<16xf32>,
        %mul3A_478 = arith.mulf %mul3A_434, %bitcast3A_470 : vector<16xf32>
        tpu.vector_store_idx %arg27[%get3A_429], %mul3A_478 {add = true} : memref<10000xf32, #tpu.memory_space<vmem>>[vector<16xi32>], vector<16xf32>,
        %mul3A_479 = arith.constant 64 : i32
        %mul3A_480 = arith.muli %scan3A_368, %mul3A_479 : i32
        %add3A_481 = arith.constant 32 : i32
        %add3A_482 = arith.addi %mul3A_480, %add3A_481 : i32
        %get3A_483 = arith.index_cast %add3A_482 : i32 to index
        %get3A_484 = tpu.vector_load %arg29[%get3A_483] {strides = array<i32>} : memref<3200xi32, #tpu.memory_space<vmem>>, vector<16xi32>,
        %get3A_485 = arith.index_cast %add3A_482 : i32 to index
        %get3A_486 = tpu.vector_load %arg31[%get3A_485] {strides = array<i32>} : memref<3200xi32, #tpu.memory_space<vmem>>, vector<16xi32>,
        %get3A_487 = arith.index_cast %add3A_482 : i32 to index
        %get3A_488 = tpu.vector_load %arg33[%get3A_487] {strides = array<i32>} : memref<3200xf32, #tpu.memory_space<vmem>>, vector<16xf32>,
        %mul3A_489 = arith.constant 5.000000e-01 : f32
        %mul3A_490 = vector.broadcast %mul3A_489 : f32 to vector<16xf32>
        %mul3A_491 = arith.mulf %get3A_488, %mul3A_490 : vector<16xf32>
        %gather3A_492 = tpu.vector_load_idx %arg13[%get3A_486] : memref<10000xi32, #tpu.memory_space<vmem>>[vector<16xi32>], vector<16xi32>,
        %gather3A_493 = tpu.vector_load_idx %arg15[%get3A_486] : memref<10000xi32, #tpu.memory_space<vmem>>[vector<16xi32>], vector<16xi32>,
        %gather3A_494 = tpu.vector_load_idx %arg13[%get3A_484] : memref<10000xi32, #tpu.memory_space<vmem>>[vector<16xi32>], vector<16xi32>,
        %gather3A_495 = tpu.vector_load_idx %arg15[%get3A_484] : memref<10000xi32, #tpu.memory_space<vmem>>[vector<16xi32>], vector<16xi32>,
        %and3A_496 = arith.constant -65536 : i32
        %and3A_497 = vector.broadcast %and3A_496 : i32 to vector<16xi32>
        %and3A_498 = arith.andi %gather3A_492, %and3A_497 : vector<16xi32>
        %bitcast3A_499 = vector.bitcast %and3A_498 : vector<16xi32> to vector<16xf32>
        %shift_left3A_500 = arith.constant 16 : i32
        %shift_left3A_501 = vector.broadcast %shift_left3A_500 : i32 to vector<16xi32>
        %shift_left3A_502 = arith.shli %gather3A_492, %shift_left3A_501 : vector<16xi32>
        %bitcast3A_503 = vector.bitcast %shift_left3A_502 : vector<16xi32> to vector<16xf32>
        %and3A_504 = arith.constant -65536 : i32
        %and3A_505 = vector.broadcast %and3A_504 : i32 to vector<16xi32>
        %and3A_506 = arith.andi %gather3A_493, %and3A_505 : vector<16xi32>
        %bitcast3A_507 = vector.bitcast %and3A_506 : vector<16xi32> to vector<16xf32>
        %shift_left3A_508 = arith.constant 16 : i32
        %shift_left3A_509 = vector.broadcast %shift_left3A_508 : i32 to vector<16xi32>
        %shift_left3A_510 = arith.shli %gather3A_493, %shift_left3A_509 : vector<16xi32>
        %bitcast3A_511 = vector.bitcast %shift_left3A_510 : vector<16xi32> to vector<16xf32>
        %and3A_512 = arith.constant -65536 : i32
        %and3A_513 = vector.broadcast %and3A_512 : i32 to vector<16xi32>
        %and3A_514 = arith.andi %gather3A_494, %and3A_513 : vector<16xi32>
        %bitcast3A_515 = vector.bitcast %and3A_514 : vector<16xi32> to vector<16xf32>
        %shift_left3A_516 = arith.constant 16 : i32
        %shift_left3A_517 = vector.broadcast %shift_left3A_516 : i32 to vector<16xi32>
        %shift_left3A_518 = arith.shli %gather3A_494, %shift_left3A_517 : vector<16xi32>
        %bitcast3A_519 = vector.bitcast %shift_left3A_518 : vector<16xi32> to vector<16xf32>
        %and3A_520 = arith.constant -65536 : i32
        %and3A_521 = vector.broadcast %and3A_520 : i32 to vector<16xi32>
        %and3A_522 = arith.andi %gather3A_495, %and3A_521 : vector<16xi32>
        %bitcast3A_523 = vector.bitcast %and3A_522 : vector<16xi32> to vector<16xf32>
        %shift_left3A_524 = arith.constant 16 : i32
        %shift_left3A_525 = vector.broadcast %shift_left3A_524 : i32 to vector<16xi32>
        %shift_left3A_526 = arith.shli %gather3A_495, %shift_left3A_525 : vector<16xi32>
        %bitcast3A_527 = vector.bitcast %shift_left3A_526 : vector<16xi32> to vector<16xf32>
        %mul3A_528 = arith.mulf %get3A_488, %bitcast3A_499 : vector<16xf32>
        tpu.vector_store_idx %arg17[%get3A_484], %mul3A_528 {add = true} : memref<10000xf32, #tpu.memory_space<vmem>>[vector<16xi32>], vector<16xf32>,
        %mul3A_529 = arith.mulf %get3A_488, %bitcast3A_507 : vector<16xf32>
        tpu.vector_store_idx %arg19[%get3A_484], %mul3A_529 {add = true} : memref<10000xf32, #tpu.memory_space<vmem>>[vector<16xi32>], vector<16xf32>,
        %mul3A_530 = arith.mulf %get3A_488, %bitcast3A_515 : vector<16xf32>
        tpu.vector_store_idx %arg21[%get3A_486], %mul3A_530 {add = true} : memref<10000xf32, #tpu.memory_space<vmem>>[vector<16xi32>], vector<16xf32>,
        %mul3A_531 = arith.mulf %get3A_488, %bitcast3A_523 : vector<16xf32>
        tpu.vector_store_idx %arg23[%get3A_486], %mul3A_531 {add = true} : memref<10000xf32, #tpu.memory_space<vmem>>[vector<16xi32>], vector<16xf32>,
        %mul3A_532 = arith.mulf %mul3A_491, %bitcast3A_503 : vector<16xf32>
        tpu.vector_store_idx %arg25[%get3A_484], %mul3A_532 {add = true} : memref<10000xf32, #tpu.memory_space<vmem>>[vector<16xi32>], vector<16xf32>,
        %mul3A_533 = arith.mulf %mul3A_491, %bitcast3A_511 : vector<16xf32>
        tpu.vector_store_idx %arg27[%get3A_484], %mul3A_533 {add = true} : memref<10000xf32, #tpu.memory_space<vmem>>[vector<16xi32>], vector<16xf32>,
        %mul3A_534 = arith.mulf %mul3A_491, %bitcast3A_519 : vector<16xf32>
        tpu.vector_store_idx %arg25[%get3A_486], %mul3A_534 {add = true} : memref<10000xf32, #tpu.memory_space<vmem>>[vector<16xi32>], vector<16xf32>,
        %mul3A_535 = arith.mulf %mul3A_491, %bitcast3A_527 : vector<16xf32>
        tpu.vector_store_idx %arg27[%get3A_486], %mul3A_535 {add = true} : memref<10000xf32, #tpu.memory_space<vmem>>[vector<16xi32>], vector<16xf32>,
        %mul3A_536 = arith.constant 64 : i32
        %mul3A_537 = arith.muli %scan3A_368, %mul3A_536 : i32
        %add3A_538 = arith.constant 48 : i32
        %add3A_539 = arith.addi %mul3A_537, %add3A_538 : i32
        %get3A_540 = arith.index_cast %add3A_539 : i32 to index
        %get3A_541 = tpu.vector_load %arg29[%get3A_540] {strides = array<i32>} : memref<3200xi32, #tpu.memory_space<vmem>>, vector<16xi32>,
        %get3A_542 = arith.index_cast %add3A_539 : i32 to index
        %get3A_543 = tpu.vector_load %arg31[%get3A_542] {strides = array<i32>} : memref<3200xi32, #tpu.memory_space<vmem>>, vector<16xi32>,
        %get3A_544 = arith.index_cast %add3A_539 : i32 to index
        %get3A_545 = tpu.vector_load %arg33[%get3A_544] {strides = array<i32>} : memref<3200xf32, #tpu.memory_space<vmem>>, vector<16xf32>,
        %mul3A_546 = arith.constant 5.000000e-01 : f32
        %mul3A_547 = vector.broadcast %mul3A_546 : f32 to vector<16xf32>
        %mul3A_548 = arith.mulf %get3A_545, %mul3A_547 : vector<16xf32>
        %gather3A_549 = tpu.vector_load_idx %arg13[%get3A_543] : memref<10000xi32, #tpu.memory_space<vmem>>[vector<16xi32>], vector<16xi32>,
        %gather3A_550 = tpu.vector_load_idx %arg15[%get3A_543] : memref<10000xi32, #tpu.memory_space<vmem>>[vector<16xi32>], vector<16xi32>,
        %gather3A_551 = tpu.vector_load_idx %arg13[%get3A_541] : memref<10000xi32, #tpu.memory_space<vmem>>[vector<16xi32>], vector<16xi32>,
        %gather3A_552 = tpu.vector_load_idx %arg15[%get3A_541] : memref<10000xi32, #tpu.memory_space<vmem>>[vector<16xi32>], vector<16xi32>,
        %and3A_553 = arith.constant -65536 : i32
        %and3A_554 = vector.broadcast %and3A_553 : i32 to vector<16xi32>
        %and3A_555 = arith.andi %gather3A_549, %and3A_554 : vector<16xi32>
        %bitcast3A_556 = vector.bitcast %and3A_555 : vector<16xi32> to vector<16xf32>
        %shift_left3A_557 = arith.constant 16 : i32
        %shift_left3A_558 = vector.broadcast %shift_left3A_557 : i32 to vector<16xi32>
        %shift_left3A_559 = arith.shli %gather3A_549, %shift_left3A_558 : vector<16xi32>
        %bitcast3A_560 = vector.bitcast %shift_left3A_559 : vector<16xi32> to vector<16xf32>
        %and3A_561 = arith.constant -65536 : i32
        %and3A_562 = vector.broadcast %and3A_561 : i32 to vector<16xi32>
        %and3A_563 = arith.andi %gather3A_550, %and3A_562 : vector<16xi32>
        %bitcast3A_564 = vector.bitcast %and3A_563 : vector<16xi32> to vector<16xf32>
        %shift_left3A_565 = arith.constant 16 : i32
        %shift_left3A_566 = vector.broadcast %shift_left3A_565 : i32 to vector<16xi32>
        %shift_left3A_567 = arith.shli %gather3A_550, %shift_left3A_566 : vector<16xi32>
        %bitcast3A_568 = vector.bitcast %shift_left3A_567 : vector<16xi32> to vector<16xf32>
        %and3A_569 = arith.constant -65536 : i32
        %and3A_570 = vector.broadcast %and3A_569 : i32 to vector<16xi32>
        %and3A_571 = arith.andi %gather3A_551, %and3A_570 : vector<16xi32>
        %bitcast3A_572 = vector.bitcast %and3A_571 : vector<16xi32> to vector<16xf32>
        %shift_left3A_573 = arith.constant 16 : i32
        %shift_left3A_574 = vector.broadcast %shift_left3A_573 : i32 to vector<16xi32>
        %shift_left3A_575 = arith.shli %gather3A_551, %shift_left3A_574 : vector<16xi32>
        %bitcast3A_576 = vector.bitcast %shift_left3A_575 : vector<16xi32> to vector<16xf32>
        %and3A_577 = arith.constant -65536 : i32
        %and3A_578 = vector.broadcast %and3A_577 : i32 to vector<16xi32>
        %and3A_579 = arith.andi %gather3A_552, %and3A_578 : vector<16xi32>
        %bitcast3A_580 = vector.bitcast %and3A_579 : vector<16xi32> to vector<16xf32>
        %shift_left3A_581 = arith.constant 16 : i32
        %shift_left3A_582 = vector.broadcast %shift_left3A_581 : i32 to vector<16xi32>
        %shift_left3A_583 = arith.shli %gather3A_552, %shift_left3A_582 : vector<16xi32>
        %bitcast3A_584 = vector.bitcast %shift_left3A_583 : vector<16xi32> to vector<16xf32>
        %mul3A_585 = arith.mulf %get3A_545, %bitcast3A_556 : vector<16xf32>
        tpu.vector_store_idx %arg17[%get3A_541], %mul3A_585 {add = true} : memref<10000xf32, #tpu.memory_space<vmem>>[vector<16xi32>], vector<16xf32>,
        %mul3A_586 = arith.mulf %get3A_545, %bitcast3A_564 : vector<16xf32>
        tpu.vector_store_idx %arg19[%get3A_541], %mul3A_586 {add = true} : memref<10000xf32, #tpu.memory_space<vmem>>[vector<16xi32>], vector<16xf32>,
        %mul3A_587 = arith.mulf %get3A_545, %bitcast3A_572 : vector<16xf32>
        tpu.vector_store_idx %arg21[%get3A_543], %mul3A_587 {add = true} : memref<10000xf32, #tpu.memory_space<vmem>>[vector<16xi32>], vector<16xf32>,
        %mul3A_588 = arith.mulf %get3A_545, %bitcast3A_580 : vector<16xf32>
        tpu.vector_store_idx %arg23[%get3A_543], %mul3A_588 {add = true} : memref<10000xf32, #tpu.memory_space<vmem>>[vector<16xi32>], vector<16xf32>,
        %mul3A_589 = arith.mulf %mul3A_548, %bitcast3A_560 : vector<16xf32>
        tpu.vector_store_idx %arg25[%get3A_541], %mul3A_589 {add = true} : memref<10000xf32, #tpu.memory_space<vmem>>[vector<16xi32>], vector<16xf32>,
        %mul3A_590 = arith.mulf %mul3A_548, %bitcast3A_568 : vector<16xf32>
        tpu.vector_store_idx %arg27[%get3A_541], %mul3A_590 {add = true} : memref<10000xf32, #tpu.memory_space<vmem>>[vector<16xi32>], vector<16xf32>,
        %mul3A_591 = arith.mulf %mul3A_548, %bitcast3A_576 : vector<16xf32>
        tpu.vector_store_idx %arg25[%get3A_543], %mul3A_591 {add = true} : memref<10000xf32, #tpu.memory_space<vmem>>[vector<16xi32>], vector<16xf32>,
        %mul3A_592 = arith.mulf %mul3A_548, %bitcast3A_584 : vector<16xf32>
        tpu.vector_store_idx %arg27[%get3A_543], %mul3A_592 {add = true} : memref<10000xf32, #tpu.memory_space<vmem>>[vector<16xi32>], vector<16xf32>,
        %scan3A_593 = arith.constant 0 : i32
        scf.yield %scan3A_593 : i32
      }
      %scan3A_366 = arith.constant 50 : i32
      %scan3A_367 = arith.constant 0 : i32
      scf.yield %scan3A_367 : i32
    }
    %scan3A_190 = arith.constant 50 : i32
    %run_scoped3A_191 = arith.constant 0 : i32
    "tpu.region"() ({
      %run_scoped3A_281 = tpu.sem_alloc : memref<!tpu.dma_semaphore, #tpu.memory_space<semaphore_mem>>
      %dma_start3A_282 = arith.constant 0 : i32
      %dma_start3A_283 = tpu.memref_slice %arg5[%add3A_128, %run_scoped3A_191, %dma_start3A_282] : memref<64x2x10000xf32, #tpu.memory_space<hbm>> -> memref<1x1x10000xf32, #tpu.memory_space<hbm>>
      %dma_start3A_284 = tpu.memref_squeeze %dma_start3A_283 : memref<1x1x10000xf32, #tpu.memory_space<hbm>> -> memref<10000xf32, #tpu.memory_space<hbm>>
      %dma_start3A_285 = arith.constant 0 : i32
      %dma_start3A_286 = tpu.memref_slice %arg5[%add3A_128, %run_scoped3A_191, %dma_start3A_285] : memref<64x2x10000xf32, #tpu.memory_space<hbm>> -> memref<1x1x10000xf32, #tpu.memory_space<hbm>>
      %dma_start3A_287 = tpu.memref_squeeze %dma_start3A_286 : memref<1x1x10000xf32, #tpu.memory_space<hbm>> -> memref<10000xf32, #tpu.memory_space<hbm>>
      tpu.enqueue_dma source(%arg17 : memref<10000xf32, #tpu.memory_space<vmem>>) target(%dma_start3A_287 : memref<10000xf32, #tpu.memory_space<hbm>>) target_semaphore(%run_scoped3A_281 : memref<!tpu.dma_semaphore, #tpu.memory_space<semaphore_mem>>)
      %dma_wait3A_288 = arith.constant 0 : i32
      %dma_wait3A_289 = tpu.memref_slice %arg5[%add3A_128, %run_scoped3A_191, %dma_wait3A_288] : memref<64x2x10000xf32, #tpu.memory_space<hbm>> -> memref<1x1x10000xf32, #tpu.memory_space<hbm>>
      %dma_wait3A_290 = tpu.memref_squeeze %dma_wait3A_289 : memref<1x1x10000xf32, #tpu.memory_space<hbm>> -> memref<10000xf32, #tpu.memory_space<hbm>>
      %dma_wait3A_291 = arith.constant 0 : i32
      %dma_wait3A_292 = tpu.memref_slice %arg5[%add3A_128, %run_scoped3A_191, %dma_wait3A_291] : memref<64x2x10000xf32, #tpu.memory_space<hbm>> -> memref<1x1x10000xf32, #tpu.memory_space<hbm>>
      %dma_wait3A_293 = tpu.memref_squeeze %dma_wait3A_292 : memref<1x1x10000xf32, #tpu.memory_space<hbm>> -> memref<10000xf32, #tpu.memory_space<hbm>>
      tpu.wait_dma2 semaphore(%run_scoped3A_281 : memref<!tpu.dma_semaphore, #tpu.memory_space<semaphore_mem>>) src(%arg17 : memref<10000xf32, #tpu.memory_space<vmem>>) dst(%dma_wait3A_293 : memref<10000xf32, #tpu.memory_space<hbm>>)
      tpu.yield
    }) : () -> ()
    %run_scoped3A_192 = arith.constant 0 : i32
    "tpu.region"() ({
      %run_scoped3A_281 = tpu.sem_alloc : memref<!tpu.dma_semaphore, #tpu.memory_space<semaphore_mem>>
      %dma_start3A_282 = arith.constant 0 : i32
      %dma_start3A_283 = tpu.memref_slice %arg6[%add3A_128, %run_scoped3A_192, %dma_start3A_282] : memref<64x2x10000xf32, #tpu.memory_space<hbm>> -> memref<1x1x10000xf32, #tpu.memory_space<hbm>>
      %dma_start3A_284 = tpu.memref_squeeze %dma_start3A_283 : memref<1x1x10000xf32, #tpu.memory_space<hbm>> -> memref<10000xf32, #tpu.memory_space<hbm>>
      %dma_start3A_285 = arith.constant 0 : i32
      %dma_start3A_286 = tpu.memref_slice %arg6[%add3A_128, %run_scoped3A_192, %dma_start3A_285] : memref<64x2x10000xf32, #tpu.memory_space<hbm>> -> memref<1x1x10000xf32, #tpu.memory_space<hbm>>
      %dma_start3A_287 = tpu.memref_squeeze %dma_start3A_286 : memref<1x1x10000xf32, #tpu.memory_space<hbm>> -> memref<10000xf32, #tpu.memory_space<hbm>>
      tpu.enqueue_dma source(%arg21 : memref<10000xf32, #tpu.memory_space<vmem>>) target(%dma_start3A_287 : memref<10000xf32, #tpu.memory_space<hbm>>) target_semaphore(%run_scoped3A_281 : memref<!tpu.dma_semaphore, #tpu.memory_space<semaphore_mem>>)
      %dma_wait3A_288 = arith.constant 0 : i32
      %dma_wait3A_289 = tpu.memref_slice %arg6[%add3A_128, %run_scoped3A_192, %dma_wait3A_288] : memref<64x2x10000xf32, #tpu.memory_space<hbm>> -> memref<1x1x10000xf32, #tpu.memory_space<hbm>>
      %dma_wait3A_290 = tpu.memref_squeeze %dma_wait3A_289 : memref<1x1x10000xf32, #tpu.memory_space<hbm>> -> memref<10000xf32, #tpu.memory_space<hbm>>
      %dma_wait3A_291 = arith.constant 0 : i32
      %dma_wait3A_292 = tpu.memref_slice %arg6[%add3A_128, %run_scoped3A_192, %dma_wait3A_291] : memref<64x2x10000xf32, #tpu.memory_space<hbm>> -> memref<1x1x10000xf32, #tpu.memory_space<hbm>>
      %dma_wait3A_293 = tpu.memref_squeeze %dma_wait3A_292 : memref<1x1x10000xf32, #tpu.memory_space<hbm>> -> memref<10000xf32, #tpu.memory_space<hbm>>
      tpu.wait_dma2 semaphore(%run_scoped3A_281 : memref<!tpu.dma_semaphore, #tpu.memory_space<semaphore_mem>>) src(%arg21 : memref<10000xf32, #tpu.memory_space<vmem>>) dst(%dma_wait3A_293 : memref<10000xf32, #tpu.memory_space<hbm>>)
      tpu.yield
    }) : () -> ()
    %run_scoped3A_193 = arith.constant 0 : i32
    "tpu.region"() ({
      %run_scoped3A_281 = tpu.sem_alloc : memref<!tpu.dma_semaphore, #tpu.memory_space<semaphore_mem>>
      %dma_start3A_282 = arith.constant 0 : i32
      %dma_start3A_283 = tpu.memref_slice %arg7[%add3A_128, %run_scoped3A_193, %dma_start3A_282] : memref<64x2x10000xf32, #tpu.memory_space<hbm>> -> memref<1x1x10000xf32, #tpu.memory_space<hbm>>
      %dma_start3A_284 = tpu.memref_squeeze %dma_start3A_283 : memref<1x1x10000xf32, #tpu.memory_space<hbm>> -> memref<10000xf32, #tpu.memory_space<hbm>>
      %dma_start3A_285 = arith.constant 0 : i32
      %dma_start3A_286 = tpu.memref_slice %arg7[%add3A_128, %run_scoped3A_193, %dma_start3A_285] : memref<64x2x10000xf32, #tpu.memory_space<hbm>> -> memref<1x1x10000xf32, #tpu.memory_space<hbm>>
      %dma_start3A_287 = tpu.memref_squeeze %dma_start3A_286 : memref<1x1x10000xf32, #tpu.memory_space<hbm>> -> memref<10000xf32, #tpu.memory_space<hbm>>
      tpu.enqueue_dma source(%arg25 : memref<10000xf32, #tpu.memory_space<vmem>>) target(%dma_start3A_287 : memref<10000xf32, #tpu.memory_space<hbm>>) target_semaphore(%run_scoped3A_281 : memref<!tpu.dma_semaphore, #tpu.memory_space<semaphore_mem>>)
      %dma_wait3A_288 = arith.constant 0 : i32
      %dma_wait3A_289 = tpu.memref_slice %arg7[%add3A_128, %run_scoped3A_193, %dma_wait3A_288] : memref<64x2x10000xf32, #tpu.memory_space<hbm>> -> memref<1x1x10000xf32, #tpu.memory_space<hbm>>
      %dma_wait3A_290 = tpu.memref_squeeze %dma_wait3A_289 : memref<1x1x10000xf32, #tpu.memory_space<hbm>> -> memref<10000xf32, #tpu.memory_space<hbm>>
      %dma_wait3A_291 = arith.constant 0 : i32
      %dma_wait3A_292 = tpu.memref_slice %arg7[%add3A_128, %run_scoped3A_193, %dma_wait3A_291] : memref<64x2x10000xf32, #tpu.memory_space<hbm>> -> memref<1x1x10000xf32, #tpu.memory_space<hbm>>
      %dma_wait3A_293 = tpu.memref_squeeze %dma_wait3A_292 : memref<1x1x10000xf32, #tpu.memory_space<hbm>> -> memref<10000xf32, #tpu.memory_space<hbm>>
      tpu.wait_dma2 semaphore(%run_scoped3A_281 : memref<!tpu.dma_semaphore, #tpu.memory_space<semaphore_mem>>) src(%arg25 : memref<10000xf32, #tpu.memory_space<vmem>>) dst(%dma_wait3A_293 : memref<10000xf32, #tpu.memory_space<hbm>>)
      tpu.yield
    }) : () -> ()
    %run_scoped3A_194 = arith.constant 1 : i32
    "tpu.region"() ({
      %run_scoped3A_281 = tpu.sem_alloc : memref<!tpu.dma_semaphore, #tpu.memory_space<semaphore_mem>>
      %dma_start3A_282 = arith.constant 0 : i32
      %dma_start3A_283 = tpu.memref_slice %arg5[%add3A_128, %run_scoped3A_194, %dma_start3A_282] : memref<64x2x10000xf32, #tpu.memory_space<hbm>> -> memref<1x1x10000xf32, #tpu.memory_space<hbm>>
      %dma_start3A_284 = tpu.memref_squeeze %dma_start3A_283 : memref<1x1x10000xf32, #tpu.memory_space<hbm>> -> memref<10000xf32, #tpu.memory_space<hbm>>
      %dma_start3A_285 = arith.constant 0 : i32
      %dma_start3A_286 = tpu.memref_slice %arg5[%add3A_128, %run_scoped3A_194, %dma_start3A_285] : memref<64x2x10000xf32, #tpu.memory_space<hbm>> -> memref<1x1x10000xf32, #tpu.memory_space<hbm>>
      %dma_start3A_287 = tpu.memref_squeeze %dma_start3A_286 : memref<1x1x10000xf32, #tpu.memory_space<hbm>> -> memref<10000xf32, #tpu.memory_space<hbm>>
      tpu.enqueue_dma source(%arg19 : memref<10000xf32, #tpu.memory_space<vmem>>) target(%dma_start3A_287 : memref<10000xf32, #tpu.memory_space<hbm>>) target_semaphore(%run_scoped3A_281 : memref<!tpu.dma_semaphore, #tpu.memory_space<semaphore_mem>>)
      %dma_wait3A_288 = arith.constant 0 : i32
      %dma_wait3A_289 = tpu.memref_slice %arg5[%add3A_128, %run_scoped3A_194, %dma_wait3A_288] : memref<64x2x10000xf32, #tpu.memory_space<hbm>> -> memref<1x1x10000xf32, #tpu.memory_space<hbm>>
      %dma_wait3A_290 = tpu.memref_squeeze %dma_wait3A_289 : memref<1x1x10000xf32, #tpu.memory_space<hbm>> -> memref<10000xf32, #tpu.memory_space<hbm>>
      %dma_wait3A_291 = arith.constant 0 : i32
      %dma_wait3A_292 = tpu.memref_slice %arg5[%add3A_128, %run_scoped3A_194, %dma_wait3A_291] : memref<64x2x10000xf32, #tpu.memory_space<hbm>> -> memref<1x1x10000xf32, #tpu.memory_space<hbm>>
      %dma_wait3A_293 = tpu.memref_squeeze %dma_wait3A_292 : memref<1x1x10000xf32, #tpu.memory_space<hbm>> -> memref<10000xf32, #tpu.memory_space<hbm>>
      tpu.wait_dma2 semaphore(%run_scoped3A_281 : memref<!tpu.dma_semaphore, #tpu.memory_space<semaphore_mem>>) src(%arg19 : memref<10000xf32, #tpu.memory_space<vmem>>) dst(%dma_wait3A_293 : memref<10000xf32, #tpu.memory_space<hbm>>)
      tpu.yield
    }) : () -> ()
    %run_scoped3A_195 = arith.constant 1 : i32
    "tpu.region"() ({
      %run_scoped3A_281 = tpu.sem_alloc : memref<!tpu.dma_semaphore, #tpu.memory_space<semaphore_mem>>
      %dma_start3A_282 = arith.constant 0 : i32
      %dma_start3A_283 = tpu.memref_slice %arg6[%add3A_128, %run_scoped3A_195, %dma_start3A_282] : memref<64x2x10000xf32, #tpu.memory_space<hbm>> -> memref<1x1x10000xf32, #tpu.memory_space<hbm>>
      %dma_start3A_284 = tpu.memref_squeeze %dma_start3A_283 : memref<1x1x10000xf32, #tpu.memory_space<hbm>> -> memref<10000xf32, #tpu.memory_space<hbm>>
      %dma_start3A_285 = arith.constant 0 : i32
      %dma_start3A_286 = tpu.memref_slice %arg6[%add3A_128, %run_scoped3A_195, %dma_start3A_285] : memref<64x2x10000xf32, #tpu.memory_space<hbm>> -> memref<1x1x10000xf32, #tpu.memory_space<hbm>>
      %dma_start3A_287 = tpu.memref_squeeze %dma_start3A_286 : memref<1x1x10000xf32, #tpu.memory_space<hbm>> -> memref<10000xf32, #tpu.memory_space<hbm>>
      tpu.enqueue_dma source(%arg23 : memref<10000xf32, #tpu.memory_space<vmem>>) target(%dma_start3A_287 : memref<10000xf32, #tpu.memory_space<hbm>>) target_semaphore(%run_scoped3A_281 : memref<!tpu.dma_semaphore, #tpu.memory_space<semaphore_mem>>)
      %dma_wait3A_288 = arith.constant 0 : i32
      %dma_wait3A_289 = tpu.memref_slice %arg6[%add3A_128, %run_scoped3A_195, %dma_wait3A_288] : memref<64x2x10000xf32, #tpu.memory_space<hbm>> -> memref<1x1x10000xf32, #tpu.memory_space<hbm>>
      %dma_wait3A_290 = tpu.memref_squeeze %dma_wait3A_289 : memref<1x1x10000xf32, #tpu.memory_space<hbm>> -> memref<10000xf32, #tpu.memory_space<hbm>>
      %dma_wait3A_291 = arith.constant 0 : i32
      %dma_wait3A_292 = tpu.memref_slice %arg6[%add3A_128, %run_scoped3A_195, %dma_wait3A_291] : memref<64x2x10000xf32, #tpu.memory_space<hbm>> -> memref<1x1x10000xf32, #tpu.memory_space<hbm>>
      %dma_wait3A_293 = tpu.memref_squeeze %dma_wait3A_292 : memref<1x1x10000xf32, #tpu.memory_space<hbm>> -> memref<10000xf32, #tpu.memory_space<hbm>>
      tpu.wait_dma2 semaphore(%run_scoped3A_281 : memref<!tpu.dma_semaphore, #tpu.memory_space<semaphore_mem>>) src(%arg23 : memref<10000xf32, #tpu.memory_space<vmem>>) dst(%dma_wait3A_293 : memref<10000xf32, #tpu.memory_space<hbm>>)
      tpu.yield
    }) : () -> ()
    %run_scoped3A_196 = arith.constant 1 : i32
    "tpu.region"() ({
      %run_scoped3A_281 = tpu.sem_alloc : memref<!tpu.dma_semaphore, #tpu.memory_space<semaphore_mem>>
      %dma_start3A_282 = arith.constant 0 : i32
      %dma_start3A_283 = tpu.memref_slice %arg7[%add3A_128, %run_scoped3A_196, %dma_start3A_282] : memref<64x2x10000xf32, #tpu.memory_space<hbm>> -> memref<1x1x10000xf32, #tpu.memory_space<hbm>>
      %dma_start3A_284 = tpu.memref_squeeze %dma_start3A_283 : memref<1x1x10000xf32, #tpu.memory_space<hbm>> -> memref<10000xf32, #tpu.memory_space<hbm>>
      %dma_start3A_285 = arith.constant 0 : i32
      %dma_start3A_286 = tpu.memref_slice %arg7[%add3A_128, %run_scoped3A_196, %dma_start3A_285] : memref<64x2x10000xf32, #tpu.memory_space<hbm>> -> memref<1x1x10000xf32, #tpu.memory_space<hbm>>
      %dma_start3A_287 = tpu.memref_squeeze %dma_start3A_286 : memref<1x1x10000xf32, #tpu.memory_space<hbm>> -> memref<10000xf32, #tpu.memory_space<hbm>>
      tpu.enqueue_dma source(%arg27 : memref<10000xf32, #tpu.memory_space<vmem>>) target(%dma_start3A_287 : memref<10000xf32, #tpu.memory_space<hbm>>) target_semaphore(%run_scoped3A_281 : memref<!tpu.dma_semaphore, #tpu.memory_space<semaphore_mem>>)
      %dma_wait3A_288 = arith.constant 0 : i32
      %dma_wait3A_289 = tpu.memref_slice %arg7[%add3A_128, %run_scoped3A_196, %dma_wait3A_288] : memref<64x2x10000xf32, #tpu.memory_space<hbm>> -> memref<1x1x10000xf32, #tpu.memory_space<hbm>>
      %dma_wait3A_290 = tpu.memref_squeeze %dma_wait3A_289 : memref<1x1x10000xf32, #tpu.memory_space<hbm>> -> memref<10000xf32, #tpu.memory_space<hbm>>
      %dma_wait3A_291 = arith.constant 0 : i32
      %dma_wait3A_292 = tpu.memref_slice %arg7[%add3A_128, %run_scoped3A_196, %dma_wait3A_291] : memref<64x2x10000xf32, #tpu.memory_space<hbm>> -> memref<1x1x10000xf32, #tpu.memory_space<hbm>>
      %dma_wait3A_293 = tpu.memref_squeeze %dma_wait3A_292 : memref<1x1x10000xf32, #tpu.memory_space<hbm>> -> memref<10000xf32, #tpu.memory_space<hbm>>
      tpu.wait_dma2 semaphore(%run_scoped3A_281 : memref<!tpu.dma_semaphore, #tpu.memory_space<semaphore_mem>>) src(%arg27 : memref<10000xf32, #tpu.memory_space<vmem>>) dst(%dma_wait3A_293 : memref<10000xf32, #tpu.memory_space<hbm>>)
      tpu.yield
    }) : () -> ()
    %add3A_197 = arith.constant 32 : i32
    %add3A_198 = arith.addi %add3A, %add3A_197 : i32
    %run_scoped3A_199 = arith.constant 0 : i32
    "tpu.region"() ({
      %run_scoped3A_281 = tpu.sem_alloc : memref<!tpu.dma_semaphore, #tpu.memory_space<semaphore_mem>>
      %dma_start3A_282 = arith.constant 0 : i32
      %dma_start3A_283 = tpu.memref_slice %arg4[%add3A_198, %run_scoped3A_199, %dma_start3A_282] : memref<64x2x10000xi32, #tpu.memory_space<hbm>> -> memref<1x1x10000xi32, #tpu.memory_space<hbm>>
      %dma_start3A_284 = tpu.memref_squeeze %dma_start3A_283 : memref<1x1x10000xi32, #tpu.memory_space<hbm>> -> memref<10000xi32, #tpu.memory_space<hbm>>
      %dma_start3A_285 = arith.constant 0 : i32
      %dma_start3A_286 = tpu.memref_slice %arg4[%add3A_198, %run_scoped3A_199, %dma_start3A_285] : memref<64x2x10000xi32, #tpu.memory_space<hbm>> -> memref<1x1x10000xi32, #tpu.memory_space<hbm>>
      %dma_start3A_287 = tpu.memref_squeeze %dma_start3A_286 : memref<1x1x10000xi32, #tpu.memory_space<hbm>> -> memref<10000xi32, #tpu.memory_space<hbm>>
      tpu.enqueue_dma source(%dma_start3A_287 : memref<10000xi32, #tpu.memory_space<hbm>>) target(%arg13 : memref<10000xi32, #tpu.memory_space<vmem>>) target_semaphore(%run_scoped3A_281 : memref<!tpu.dma_semaphore, #tpu.memory_space<semaphore_mem>>)
      %dma_wait3A_288 = arith.constant 0 : i32
      %dma_wait3A_289 = tpu.memref_slice %arg4[%add3A_198, %run_scoped3A_199, %dma_wait3A_288] : memref<64x2x10000xi32, #tpu.memory_space<hbm>> -> memref<1x1x10000xi32, #tpu.memory_space<hbm>>
      %dma_wait3A_290 = tpu.memref_squeeze %dma_wait3A_289 : memref<1x1x10000xi32, #tpu.memory_space<hbm>> -> memref<10000xi32, #tpu.memory_space<hbm>>
      %dma_wait3A_291 = arith.constant 0 : i32
      %dma_wait3A_292 = tpu.memref_slice %arg4[%add3A_198, %run_scoped3A_199, %dma_wait3A_291] : memref<64x2x10000xi32, #tpu.memory_space<hbm>> -> memref<1x1x10000xi32, #tpu.memory_space<hbm>>
      %dma_wait3A_293 = tpu.memref_squeeze %dma_wait3A_292 : memref<1x1x10000xi32, #tpu.memory_space<hbm>> -> memref<10000xi32, #tpu.memory_space<hbm>>
      tpu.wait_dma2 semaphore(%run_scoped3A_281 : memref<!tpu.dma_semaphore, #tpu.memory_space<semaphore_mem>>) src(%dma_wait3A_293 : memref<10000xi32, #tpu.memory_space<hbm>>) dst(%arg13 : memref<10000xi32, #tpu.memory_space<vmem>>)
      tpu.yield
    }) : () -> ()
    %broadcast_in_dim3A_200 = arith.constant 0.000000e+00 : f32
    %broadcast_in_dim3A_201 = vector.broadcast %broadcast_in_dim3A_200 : f32 to vector<16xf32>
    %scan3A_202 = arith.constant 0 : i32
    %scan3A_203 = arith.constant 0 : i32
    %scan3A_204 = arith.constant 625 : i32
    %scan3A_205 = arith.addi %scan3A_203, %scan3A_204 : i32
    %scan3A_206 = arith.constant 1 : i32
    %scan3A_207 = scf.for %scan3A_281 = %scan3A_203 to %scan3A_205 step %scan3A_206 iter_args(%scan3A_282 = %scan3A_202) -> (i32)  : i32 {
      %mul3A_283 = arith.constant 16 : i32
      %mul3A_284 = arith.muli %scan3A_281, %mul3A_283 : i32
      %swap3A_285 = arith.index_cast %mul3A_284 : i32 to index
      %swap3A_286 = tpu.vector_load %arg17[%swap3A_285] {strides = array<i32>} : memref<10000xf32, #tpu.memory_space<vmem>>, vector<16xf32>,
      tpu.vector_store %arg17[%swap3A_285], %broadcast_in_dim3A_201 {strides = array<i32>} : memref<10000xf32, #tpu.memory_space<vmem>>, vector<16xf32>,
      %scan3A_287 = arith.constant 0 : i32
      scf.yield %scan3A_287 : i32
    }
    %scan3A_208 = arith.constant 625 : i32
    %broadcast_in_dim3A_209 = arith.constant 0.000000e+00 : f32
    %broadcast_in_dim3A_210 = vector.broadcast %broadcast_in_dim3A_209 : f32 to vector<16xf32>
    %scan3A_211 = arith.constant 0 : i32
    %scan3A_212 = arith.constant 0 : i32
    %scan3A_213 = arith.constant 625 : i32
    %scan3A_214 = arith.addi %scan3A_212, %scan3A_213 : i32
    %scan3A_215 = arith.constant 1 : i32
    %scan3A_216 = scf.for %scan3A_281 = %scan3A_212 to %scan3A_214 step %scan3A_215 iter_args(%scan3A_282 = %scan3A_211) -> (i32)  : i32 {
      %mul3A_283 = arith.constant 16 : i32
      %mul3A_284 = arith.muli %scan3A_281, %mul3A_283 : i32
      %swap3A_285 = arith.index_cast %mul3A_284 : i32 to index
      %swap3A_286 = tpu.vector_load %arg21[%swap3A_285] {strides = array<i32>} : memref<10000xf32, #tpu.memory_space<vmem>>, vector<16xf32>,
      tpu.vector_store %arg21[%swap3A_285], %broadcast_in_dim3A_210 {strides = array<i32>} : memref<10000xf32, #tpu.memory_space<vmem>>, vector<16xf32>,
      %scan3A_287 = arith.constant 0 : i32
      scf.yield %scan3A_287 : i32
    }
    %scan3A_217 = arith.constant 625 : i32
    %broadcast_in_dim3A_218 = arith.constant 0.000000e+00 : f32
    %broadcast_in_dim3A_219 = vector.broadcast %broadcast_in_dim3A_218 : f32 to vector<16xf32>
    %scan3A_220 = arith.constant 0 : i32
    %scan3A_221 = arith.constant 0 : i32
    %scan3A_222 = arith.constant 625 : i32
    %scan3A_223 = arith.addi %scan3A_221, %scan3A_222 : i32
    %scan3A_224 = arith.constant 1 : i32
    %scan3A_225 = scf.for %scan3A_281 = %scan3A_221 to %scan3A_223 step %scan3A_224 iter_args(%scan3A_282 = %scan3A_220) -> (i32)  : i32 {
      %mul3A_283 = arith.constant 16 : i32
      %mul3A_284 = arith.muli %scan3A_281, %mul3A_283 : i32
      %swap3A_285 = arith.index_cast %mul3A_284 : i32 to index
      %swap3A_286 = tpu.vector_load %arg25[%swap3A_285] {strides = array<i32>} : memref<10000xf32, #tpu.memory_space<vmem>>, vector<16xf32>,
      tpu.vector_store %arg25[%swap3A_285], %broadcast_in_dim3A_219 {strides = array<i32>} : memref<10000xf32, #tpu.memory_space<vmem>>, vector<16xf32>,
      %scan3A_287 = arith.constant 0 : i32
      scf.yield %scan3A_287 : i32
    }
    %scan3A_226 = arith.constant 625 : i32
    %run_scoped3A_227 = arith.constant 1 : i32
    "tpu.region"() ({
      %run_scoped3A_281 = tpu.sem_alloc : memref<!tpu.dma_semaphore, #tpu.memory_space<semaphore_mem>>
      %dma_start3A_282 = arith.constant 0 : i32
      %dma_start3A_283 = tpu.memref_slice %arg4[%add3A_198, %run_scoped3A_227, %dma_start3A_282] : memref<64x2x10000xi32, #tpu.memory_space<hbm>> -> memref<1x1x10000xi32, #tpu.memory_space<hbm>>
      %dma_start3A_284 = tpu.memref_squeeze %dma_start3A_283 : memref<1x1x10000xi32, #tpu.memory_space<hbm>> -> memref<10000xi32, #tpu.memory_space<hbm>>
      %dma_start3A_285 = arith.constant 0 : i32
      %dma_start3A_286 = tpu.memref_slice %arg4[%add3A_198, %run_scoped3A_227, %dma_start3A_285] : memref<64x2x10000xi32, #tpu.memory_space<hbm>> -> memref<1x1x10000xi32, #tpu.memory_space<hbm>>
      %dma_start3A_287 = tpu.memref_squeeze %dma_start3A_286 : memref<1x1x10000xi32, #tpu.memory_space<hbm>> -> memref<10000xi32, #tpu.memory_space<hbm>>
      tpu.enqueue_dma source(%dma_start3A_287 : memref<10000xi32, #tpu.memory_space<hbm>>) target(%arg15 : memref<10000xi32, #tpu.memory_space<vmem>>) target_semaphore(%run_scoped3A_281 : memref<!tpu.dma_semaphore, #tpu.memory_space<semaphore_mem>>)
      %dma_wait3A_288 = arith.constant 0 : i32
      %dma_wait3A_289 = tpu.memref_slice %arg4[%add3A_198, %run_scoped3A_227, %dma_wait3A_288] : memref<64x2x10000xi32, #tpu.memory_space<hbm>> -> memref<1x1x10000xi32, #tpu.memory_space<hbm>>
      %dma_wait3A_290 = tpu.memref_squeeze %dma_wait3A_289 : memref<1x1x10000xi32, #tpu.memory_space<hbm>> -> memref<10000xi32, #tpu.memory_space<hbm>>
      %dma_wait3A_291 = arith.constant 0 : i32
      %dma_wait3A_292 = tpu.memref_slice %arg4[%add3A_198, %run_scoped3A_227, %dma_wait3A_291] : memref<64x2x10000xi32, #tpu.memory_space<hbm>> -> memref<1x1x10000xi32, #tpu.memory_space<hbm>>
      %dma_wait3A_293 = tpu.memref_squeeze %dma_wait3A_292 : memref<1x1x10000xi32, #tpu.memory_space<hbm>> -> memref<10000xi32, #tpu.memory_space<hbm>>
      tpu.wait_dma2 semaphore(%run_scoped3A_281 : memref<!tpu.dma_semaphore, #tpu.memory_space<semaphore_mem>>) src(%dma_wait3A_293 : memref<10000xi32, #tpu.memory_space<hbm>>) dst(%arg15 : memref<10000xi32, #tpu.memory_space<vmem>>)
      tpu.yield
    }) : () -> ()
    %broadcast_in_dim3A_228 = arith.constant 0.000000e+00 : f32
    %broadcast_in_dim3A_229 = vector.broadcast %broadcast_in_dim3A_228 : f32 to vector<16xf32>
    %scan3A_230 = arith.constant 0 : i32
    %scan3A_231 = arith.constant 0 : i32
    %scan3A_232 = arith.constant 625 : i32
    %scan3A_233 = arith.addi %scan3A_231, %scan3A_232 : i32
    %scan3A_234 = arith.constant 1 : i32
    %scan3A_235 = scf.for %scan3A_281 = %scan3A_231 to %scan3A_233 step %scan3A_234 iter_args(%scan3A_282 = %scan3A_230) -> (i32)  : i32 {
      %mul3A_283 = arith.constant 16 : i32
      %mul3A_284 = arith.muli %scan3A_281, %mul3A_283 : i32
      %swap3A_285 = arith.index_cast %mul3A_284 : i32 to index
      %swap3A_286 = tpu.vector_load %arg19[%swap3A_285] {strides = array<i32>} : memref<10000xf32, #tpu.memory_space<vmem>>, vector<16xf32>,
      tpu.vector_store %arg19[%swap3A_285], %broadcast_in_dim3A_229 {strides = array<i32>} : memref<10000xf32, #tpu.memory_space<vmem>>, vector<16xf32>,
      %scan3A_287 = arith.constant 0 : i32
      scf.yield %scan3A_287 : i32
    }
    %scan3A_236 = arith.constant 625 : i32
    %broadcast_in_dim3A_237 = arith.constant 0.000000e+00 : f32
    %broadcast_in_dim3A_238 = vector.broadcast %broadcast_in_dim3A_237 : f32 to vector<16xf32>
    %scan3A_239 = arith.constant 0 : i32
    %scan3A_240 = arith.constant 0 : i32
    %scan3A_241 = arith.constant 625 : i32
    %scan3A_242 = arith.addi %scan3A_240, %scan3A_241 : i32
    %scan3A_243 = arith.constant 1 : i32
    %scan3A_244 = scf.for %scan3A_281 = %scan3A_240 to %scan3A_242 step %scan3A_243 iter_args(%scan3A_282 = %scan3A_239) -> (i32)  : i32 {
      %mul3A_283 = arith.constant 16 : i32
      %mul3A_284 = arith.muli %scan3A_281, %mul3A_283 : i32
      %swap3A_285 = arith.index_cast %mul3A_284 : i32 to index
      %swap3A_286 = tpu.vector_load %arg23[%swap3A_285] {strides = array<i32>} : memref<10000xf32, #tpu.memory_space<vmem>>, vector<16xf32>,
      tpu.vector_store %arg23[%swap3A_285], %broadcast_in_dim3A_238 {strides = array<i32>} : memref<10000xf32, #tpu.memory_space<vmem>>, vector<16xf32>,
      %scan3A_287 = arith.constant 0 : i32
      scf.yield %scan3A_287 : i32
    }
    %scan3A_245 = arith.constant 625 : i32
    %broadcast_in_dim3A_246 = arith.constant 0.000000e+00 : f32
    %broadcast_in_dim3A_247 = vector.broadcast %broadcast_in_dim3A_246 : f32 to vector<16xf32>
    %scan3A_248 = arith.constant 0 : i32
    %scan3A_249 = arith.constant 0 : i32
    %scan3A_250 = arith.constant 625 : i32
    %scan3A_251 = arith.addi %scan3A_249, %scan3A_250 : i32
    %scan3A_252 = arith.constant 1 : i32
    %scan3A_253 = scf.for %scan3A_281 = %scan3A_249 to %scan3A_251 step %scan3A_252 iter_args(%scan3A_282 = %scan3A_248) -> (i32)  : i32 {
      %mul3A_283 = arith.constant 16 : i32
      %mul3A_284 = arith.muli %scan3A_281, %mul3A_283 : i32
      %swap3A_285 = arith.index_cast %mul3A_284 : i32 to index
      %swap3A_286 = tpu.vector_load %arg27[%swap3A_285] {strides = array<i32>} : memref<10000xf32, #tpu.memory_space<vmem>>, vector<16xf32>,
      tpu.vector_store %arg27[%swap3A_285], %broadcast_in_dim3A_247 {strides = array<i32>} : memref<10000xf32, #tpu.memory_space<vmem>>, vector<16xf32>,
      %scan3A_287 = arith.constant 0 : i32
      scf.yield %scan3A_287 : i32
    }
    %scan3A_254 = arith.constant 625 : i32
    %scan3A_255 = arith.constant 0 : i32
    %scan3A_256 = arith.constant 0 : i32
    %scan3A_257 = arith.constant 50 : i32
    %scan3A_258 = arith.addi %scan3A_256, %scan3A_257 : i32
    %scan3A_259 = arith.constant 1 : i32
    %scan3A_260 = scf.for %scan3A_281 = %scan3A_256 to %scan3A_258 step %scan3A_259 iter_args(%scan3A_282 = %scan3A_255) -> (i32)  : i32 {
      %mul3A_283 = arith.constant 2 : i32
      %mul3A_284 = arith.muli %scan3A_281, %mul3A_283 : i32
      %add3A_285 = arith.constant 0 : i32
      %add3A_286 = arith.addi %mul3A_284, %add3A_285 : i32
      %add3A_287 = arith.constant 1 : i32
      %add3A_288 = arith.addi %add3A_286, %add3A_287 : i32
      %mul3A_289 = arith.constant 3 : i32
      %mul3A_290 = arith.muli %add3A, %mul3A_289 : i32
      %add3A_291 = arith.addi %add3A_288, %mul3A_290 : i32
      %rem3A_292 = arith.constant 100 : i32
      %rem3A_293 = arith.remsi %add3A_291, %rem3A_292 : i32
      %mul3A_294 = arith.constant 3200 : i32
      %mul3A_295 = arith.muli %rem3A_293, %mul3A_294 : i32
      %dma_start3A_296 = tpu.memref_slice %arg2[%mul3A_295] : memref<320000xi32, #tpu.memory_space<hbm>> -> memref<3200xi32, #tpu.memory_space<hbm>>
      %dma_start3A_297 = tpu.memref_slice %arg2[%mul3A_295] : memref<320000xi32, #tpu.memory_space<hbm>> -> memref<3200xi32, #tpu.memory_space<hbm>>
      tpu.enqueue_dma source(%dma_start3A_297 : memref<3200xi32, #tpu.memory_space<hbm>>) target(%arg29 : memref<3200xi32, #tpu.memory_space<vmem>>) target_semaphore(%arg35 : memref<!tpu.dma_semaphore, #tpu.memory_space<semaphore_mem>>)
      %dma_start3A_298 = tpu.memref_slice %arg3[%mul3A_295] : memref<320000xi32, #tpu.memory_space<hbm>> -> memref<3200xi32, #tpu.memory_space<hbm>>
      %dma_start3A_299 = tpu.memref_slice %arg3[%mul3A_295] : memref<320000xi32, #tpu.memory_space<hbm>> -> memref<3200xi32, #tpu.memory_space<hbm>>
      tpu.enqueue_dma source(%dma_start3A_299 : memref<3200xi32, #tpu.memory_space<hbm>>) target(%arg31 : memref<3200xi32, #tpu.memory_space<vmem>>) target_semaphore(%arg37 : memref<!tpu.dma_semaphore, #tpu.memory_space<semaphore_mem>>)
      %dma_start3A_300 = tpu.memref_slice %arg8[%arg0, %mul3A_295] : memref<2x320000xf32, #tpu.memory_space<hbm>> -> memref<1x3200xf32, #tpu.memory_space<hbm>>
      %dma_start3A_301 = tpu.memref_squeeze %dma_start3A_300 : memref<1x3200xf32, #tpu.memory_space<hbm>> -> memref<3200xf32, #tpu.memory_space<hbm>>
      %dma_start3A_302 = tpu.memref_slice %arg8[%arg0, %mul3A_295] : memref<2x320000xf32, #tpu.memory_space<hbm>> -> memref<1x3200xf32, #tpu.memory_space<hbm>>
      %dma_start3A_303 = tpu.memref_squeeze %dma_start3A_302 : memref<1x3200xf32, #tpu.memory_space<hbm>> -> memref<3200xf32, #tpu.memory_space<hbm>>
      tpu.enqueue_dma source(%dma_start3A_303 : memref<3200xf32, #tpu.memory_space<hbm>>) target(%arg33 : memref<3200xf32, #tpu.memory_space<vmem>>) target_semaphore(%arg39 : memref<!tpu.dma_semaphore, #tpu.memory_space<semaphore_mem>>)
      %dma_wait3A_304 = arith.constant 0 : i32
      %dma_wait3A_305 = tpu.memref_slice %arg2[%dma_wait3A_304] : memref<320000xi32, #tpu.memory_space<hbm>> -> memref<3200xi32, #tpu.memory_space<hbm>>
      %dma_wait3A_306 = arith.constant 0 : i32
      %dma_wait3A_307 = tpu.memref_slice %arg2[%dma_wait3A_306] : memref<320000xi32, #tpu.memory_space<hbm>> -> memref<3200xi32, #tpu.memory_space<hbm>>
      tpu.wait_dma2 semaphore(%arg34 : memref<!tpu.dma_semaphore, #tpu.memory_space<semaphore_mem>>) src(%dma_wait3A_307 : memref<3200xi32, #tpu.memory_space<hbm>>) dst(%arg28 : memref<3200xi32, #tpu.memory_space<vmem>>)
      %dma_wait3A_308 = arith.constant 0 : i32
      %dma_wait3A_309 = tpu.memref_slice %arg3[%dma_wait3A_308] : memref<320000xi32, #tpu.memory_space<hbm>> -> memref<3200xi32, #tpu.memory_space<hbm>>
      %dma_wait3A_310 = arith.constant 0 : i32
      %dma_wait3A_311 = tpu.memref_slice %arg3[%dma_wait3A_310] : memref<320000xi32, #tpu.memory_space<hbm>> -> memref<3200xi32, #tpu.memory_space<hbm>>
      tpu.wait_dma2 semaphore(%arg36 : memref<!tpu.dma_semaphore, #tpu.memory_space<semaphore_mem>>) src(%dma_wait3A_311 : memref<3200xi32, #tpu.memory_space<hbm>>) dst(%arg30 : memref<3200xi32, #tpu.memory_space<vmem>>)
      %dma_wait3A_312 = arith.constant 0 : i32
      %dma_wait3A_313 = tpu.memref_slice %arg8[%arg0, %dma_wait3A_312] : memref<2x320000xf32, #tpu.memory_space<hbm>> -> memref<1x3200xf32, #tpu.memory_space<hbm>>
      %dma_wait3A_314 = tpu.memref_squeeze %dma_wait3A_313 : memref<1x3200xf32, #tpu.memory_space<hbm>> -> memref<3200xf32, #tpu.memory_space<hbm>>
      %dma_wait3A_315 = arith.constant 0 : i32
      %dma_wait3A_316 = tpu.memref_slice %arg8[%arg0, %dma_wait3A_315] : memref<2x320000xf32, #tpu.memory_space<hbm>> -> memref<1x3200xf32, #tpu.memory_space<hbm>>
      %dma_wait3A_317 = tpu.memref_squeeze %dma_wait3A_316 : memref<1x3200xf32, #tpu.memory_space<hbm>> -> memref<3200xf32, #tpu.memory_space<hbm>>
      tpu.wait_dma2 semaphore(%arg38 : memref<!tpu.dma_semaphore, #tpu.memory_space<semaphore_mem>>) src(%dma_wait3A_317 : memref<3200xf32, #tpu.memory_space<hbm>>) dst(%arg32 : memref<3200xf32, #tpu.memory_space<vmem>>)
      %scan3A_318 = arith.constant 0 : i32
      %scan3A_319 = arith.constant 0 : i32
      %scan3A_320 = arith.constant 50 : i32
      %scan3A_321 = arith.addi %scan3A_319, %scan3A_320 : i32
      %scan3A_322 = arith.constant 1 : i32
      %scan3A_323 = scf.for %scan3A_368 = %scan3A_319 to %scan3A_321 step %scan3A_322 iter_args(%scan3A_369 = %scan3A_318) -> (i32)  : i32 {
        %mul3A_370 = arith.constant 64 : i32
        %mul3A_371 = arith.muli %scan3A_368, %mul3A_370 : i32
        %add3A_372 = arith.constant 0 : i32
        %add3A_373 = arith.addi %mul3A_371, %add3A_372 : i32
        %get3A = arith.index_cast %add3A_373 : i32 to index
        %get3A_374 = tpu.vector_load %arg28[%get3A] {strides = array<i32>} : memref<3200xi32, #tpu.memory_space<vmem>>, vector<16xi32>,
        %get3A_375 = arith.index_cast %add3A_373 : i32 to index
        %get3A_376 = tpu.vector_load %arg30[%get3A_375] {strides = array<i32>} : memref<3200xi32, #tpu.memory_space<vmem>>, vector<16xi32>,
        %get3A_377 = arith.index_cast %add3A_373 : i32 to index
        %get3A_378 = tpu.vector_load %arg32[%get3A_377] {strides = array<i32>} : memref<3200xf32, #tpu.memory_space<vmem>>, vector<16xf32>,
        %mul3A_379 = arith.constant 5.000000e-01 : f32
        %mul3A_380 = vector.broadcast %mul3A_379 : f32 to vector<16xf32>
        %mul3A_381 = arith.mulf %get3A_378, %mul3A_380 : vector<16xf32>
        %gather3A = tpu.vector_load_idx %arg13[%get3A_376] : memref<10000xi32, #tpu.memory_space<vmem>>[vector<16xi32>], vector<16xi32>,
        %gather3A_382 = tpu.vector_load_idx %arg15[%get3A_376] : memref<10000xi32, #tpu.memory_space<vmem>>[vector<16xi32>], vector<16xi32>,
        %gather3A_383 = tpu.vector_load_idx %arg13[%get3A_374] : memref<10000xi32, #tpu.memory_space<vmem>>[vector<16xi32>], vector<16xi32>,
        %gather3A_384 = tpu.vector_load_idx %arg15[%get3A_374] : memref<10000xi32, #tpu.memory_space<vmem>>[vector<16xi32>], vector<16xi32>,
        %and3A = arith.constant -65536 : i32
        %and3A_385 = vector.broadcast %and3A : i32 to vector<16xi32>
        %and3A_386 = arith.andi %gather3A, %and3A_385 : vector<16xi32>
        %bitcast3A = vector.bitcast %and3A_386 : vector<16xi32> to vector<16xf32>
        %shift_left3A = arith.constant 16 : i32
        %shift_left3A_387 = vector.broadcast %shift_left3A : i32 to vector<16xi32>
        %shift_left3A_388 = arith.shli %gather3A, %shift_left3A_387 : vector<16xi32>
        %bitcast3A_389 = vector.bitcast %shift_left3A_388 : vector<16xi32> to vector<16xf32>
        %and3A_390 = arith.constant -65536 : i32
        %and3A_391 = vector.broadcast %and3A_390 : i32 to vector<16xi32>
        %and3A_392 = arith.andi %gather3A_382, %and3A_391 : vector<16xi32>
        %bitcast3A_393 = vector.bitcast %and3A_392 : vector<16xi32> to vector<16xf32>
        %shift_left3A_394 = arith.constant 16 : i32
        %shift_left3A_395 = vector.broadcast %shift_left3A_394 : i32 to vector<16xi32>
        %shift_left3A_396 = arith.shli %gather3A_382, %shift_left3A_395 : vector<16xi32>
        %bitcast3A_397 = vector.bitcast %shift_left3A_396 : vector<16xi32> to vector<16xf32>
        %and3A_398 = arith.constant -65536 : i32
        %and3A_399 = vector.broadcast %and3A_398 : i32 to vector<16xi32>
        %and3A_400 = arith.andi %gather3A_383, %and3A_399 : vector<16xi32>
        %bitcast3A_401 = vector.bitcast %and3A_400 : vector<16xi32> to vector<16xf32>
        %shift_left3A_402 = arith.constant 16 : i32
        %shift_left3A_403 = vector.broadcast %shift_left3A_402 : i32 to vector<16xi32>
        %shift_left3A_404 = arith.shli %gather3A_383, %shift_left3A_403 : vector<16xi32>
        %bitcast3A_405 = vector.bitcast %shift_left3A_404 : vector<16xi32> to vector<16xf32>
        %and3A_406 = arith.constant -65536 : i32
        %and3A_407 = vector.broadcast %and3A_406 : i32 to vector<16xi32>
        %and3A_408 = arith.andi %gather3A_384, %and3A_407 : vector<16xi32>
        %bitcast3A_409 = vector.bitcast %and3A_408 : vector<16xi32> to vector<16xf32>
        %shift_left3A_410 = arith.constant 16 : i32
        %shift_left3A_411 = vector.broadcast %shift_left3A_410 : i32 to vector<16xi32>
        %shift_left3A_412 = arith.shli %gather3A_384, %shift_left3A_411 : vector<16xi32>
        %bitcast3A_413 = vector.bitcast %shift_left3A_412 : vector<16xi32> to vector<16xf32>
        %mul3A_414 = arith.mulf %get3A_378, %bitcast3A : vector<16xf32>
        tpu.vector_store_idx %arg17[%get3A_374], %mul3A_414 {add = true} : memref<10000xf32, #tpu.memory_space<vmem>>[vector<16xi32>], vector<16xf32>,
        %mul3A_415 = arith.mulf %get3A_378, %bitcast3A_393 : vector<16xf32>
        tpu.vector_store_idx %arg19[%get3A_374], %mul3A_415 {add = true} : memref<10000xf32, #tpu.memory_space<vmem>>[vector<16xi32>], vector<16xf32>,
        %mul3A_416 = arith.mulf %get3A_378, %bitcast3A_401 : vector<16xf32>
        tpu.vector_store_idx %arg21[%get3A_376], %mul3A_416 {add = true} : memref<10000xf32, #tpu.memory_space<vmem>>[vector<16xi32>], vector<16xf32>,
        %mul3A_417 = arith.mulf %get3A_378, %bitcast3A_409 : vector<16xf32>
        tpu.vector_store_idx %arg23[%get3A_376], %mul3A_417 {add = true} : memref<10000xf32, #tpu.memory_space<vmem>>[vector<16xi32>], vector<16xf32>,
        %mul3A_418 = arith.mulf %mul3A_381, %bitcast3A_389 : vector<16xf32>
        tpu.vector_store_idx %arg25[%get3A_374], %mul3A_418 {add = true} : memref<10000xf32, #tpu.memory_space<vmem>>[vector<16xi32>], vector<16xf32>,
        %mul3A_419 = arith.mulf %mul3A_381, %bitcast3A_397 : vector<16xf32>
        tpu.vector_store_idx %arg27[%get3A_374], %mul3A_419 {add = true} : memref<10000xf32, #tpu.memory_space<vmem>>[vector<16xi32>], vector<16xf32>,
        %mul3A_420 = arith.mulf %mul3A_381, %bitcast3A_405 : vector<16xf32>
        tpu.vector_store_idx %arg25[%get3A_376], %mul3A_420 {add = true} : memref<10000xf32, #tpu.memory_space<vmem>>[vector<16xi32>], vector<16xf32>,
        %mul3A_421 = arith.mulf %mul3A_381, %bitcast3A_413 : vector<16xf32>
        tpu.vector_store_idx %arg27[%get3A_376], %mul3A_421 {add = true} : memref<10000xf32, #tpu.memory_space<vmem>>[vector<16xi32>], vector<16xf32>,
        %mul3A_422 = arith.constant 64 : i32
        %mul3A_423 = arith.muli %scan3A_368, %mul3A_422 : i32
        %add3A_424 = arith.constant 16 : i32
        %add3A_425 = arith.addi %mul3A_423, %add3A_424 : i32
        %get3A_426 = arith.index_cast %add3A_425 : i32 to index
        %get3A_427 = tpu.vector_load %arg28[%get3A_426] {strides = array<i32>} : memref<3200xi32, #tpu.memory_space<vmem>>, vector<16xi32>,
        %get3A_428 = arith.index_cast %add3A_425 : i32 to index
        %get3A_429 = tpu.vector_load %arg30[%get3A_428] {strides = array<i32>} : memref<3200xi32, #tpu.memory_space<vmem>>, vector<16xi32>,
        %get3A_430 = arith.index_cast %add3A_425 : i32 to index
        %get3A_431 = tpu.vector_load %arg32[%get3A_430] {strides = array<i32>} : memref<3200xf32, #tpu.memory_space<vmem>>, vector<16xf32>,
        %mul3A_432 = arith.constant 5.000000e-01 : f32
        %mul3A_433 = vector.broadcast %mul3A_432 : f32 to vector<16xf32>
        %mul3A_434 = arith.mulf %get3A_431, %mul3A_433 : vector<16xf32>
        %gather3A_435 = tpu.vector_load_idx %arg13[%get3A_429] : memref<10000xi32, #tpu.memory_space<vmem>>[vector<16xi32>], vector<16xi32>,
        %gather3A_436 = tpu.vector_load_idx %arg15[%get3A_429] : memref<10000xi32, #tpu.memory_space<vmem>>[vector<16xi32>], vector<16xi32>,
        %gather3A_437 = tpu.vector_load_idx %arg13[%get3A_427] : memref<10000xi32, #tpu.memory_space<vmem>>[vector<16xi32>], vector<16xi32>,
        %gather3A_438 = tpu.vector_load_idx %arg15[%get3A_427] : memref<10000xi32, #tpu.memory_space<vmem>>[vector<16xi32>], vector<16xi32>,
        %and3A_439 = arith.constant -65536 : i32
        %and3A_440 = vector.broadcast %and3A_439 : i32 to vector<16xi32>
        %and3A_441 = arith.andi %gather3A_435, %and3A_440 : vector<16xi32>
        %bitcast3A_442 = vector.bitcast %and3A_441 : vector<16xi32> to vector<16xf32>
        %shift_left3A_443 = arith.constant 16 : i32
        %shift_left3A_444 = vector.broadcast %shift_left3A_443 : i32 to vector<16xi32>
        %shift_left3A_445 = arith.shli %gather3A_435, %shift_left3A_444 : vector<16xi32>
        %bitcast3A_446 = vector.bitcast %shift_left3A_445 : vector<16xi32> to vector<16xf32>
        %and3A_447 = arith.constant -65536 : i32
        %and3A_448 = vector.broadcast %and3A_447 : i32 to vector<16xi32>
        %and3A_449 = arith.andi %gather3A_436, %and3A_448 : vector<16xi32>
        %bitcast3A_450 = vector.bitcast %and3A_449 : vector<16xi32> to vector<16xf32>
        %shift_left3A_451 = arith.constant 16 : i32
        %shift_left3A_452 = vector.broadcast %shift_left3A_451 : i32 to vector<16xi32>
        %shift_left3A_453 = arith.shli %gather3A_436, %shift_left3A_452 : vector<16xi32>
        %bitcast3A_454 = vector.bitcast %shift_left3A_453 : vector<16xi32> to vector<16xf32>
        %and3A_455 = arith.constant -65536 : i32
        %and3A_456 = vector.broadcast %and3A_455 : i32 to vector<16xi32>
        %and3A_457 = arith.andi %gather3A_437, %and3A_456 : vector<16xi32>
        %bitcast3A_458 = vector.bitcast %and3A_457 : vector<16xi32> to vector<16xf32>
        %shift_left3A_459 = arith.constant 16 : i32
        %shift_left3A_460 = vector.broadcast %shift_left3A_459 : i32 to vector<16xi32>
        %shift_left3A_461 = arith.shli %gather3A_437, %shift_left3A_460 : vector<16xi32>
        %bitcast3A_462 = vector.bitcast %shift_left3A_461 : vector<16xi32> to vector<16xf32>
        %and3A_463 = arith.constant -65536 : i32
        %and3A_464 = vector.broadcast %and3A_463 : i32 to vector<16xi32>
        %and3A_465 = arith.andi %gather3A_438, %and3A_464 : vector<16xi32>
        %bitcast3A_466 = vector.bitcast %and3A_465 : vector<16xi32> to vector<16xf32>
        %shift_left3A_467 = arith.constant 16 : i32
        %shift_left3A_468 = vector.broadcast %shift_left3A_467 : i32 to vector<16xi32>
        %shift_left3A_469 = arith.shli %gather3A_438, %shift_left3A_468 : vector<16xi32>
        %bitcast3A_470 = vector.bitcast %shift_left3A_469 : vector<16xi32> to vector<16xf32>
        %mul3A_471 = arith.mulf %get3A_431, %bitcast3A_442 : vector<16xf32>
        tpu.vector_store_idx %arg17[%get3A_427], %mul3A_471 {add = true} : memref<10000xf32, #tpu.memory_space<vmem>>[vector<16xi32>], vector<16xf32>,
        %mul3A_472 = arith.mulf %get3A_431, %bitcast3A_450 : vector<16xf32>
        tpu.vector_store_idx %arg19[%get3A_427], %mul3A_472 {add = true} : memref<10000xf32, #tpu.memory_space<vmem>>[vector<16xi32>], vector<16xf32>,
        %mul3A_473 = arith.mulf %get3A_431, %bitcast3A_458 : vector<16xf32>
        tpu.vector_store_idx %arg21[%get3A_429], %mul3A_473 {add = true} : memref<10000xf32, #tpu.memory_space<vmem>>[vector<16xi32>], vector<16xf32>,
        %mul3A_474 = arith.mulf %get3A_431, %bitcast3A_466 : vector<16xf32>
        tpu.vector_store_idx %arg23[%get3A_429], %mul3A_474 {add = true} : memref<10000xf32, #tpu.memory_space<vmem>>[vector<16xi32>], vector<16xf32>,
        %mul3A_475 = arith.mulf %mul3A_434, %bitcast3A_446 : vector<16xf32>
        tpu.vector_store_idx %arg25[%get3A_427], %mul3A_475 {add = true} : memref<10000xf32, #tpu.memory_space<vmem>>[vector<16xi32>], vector<16xf32>,
        %mul3A_476 = arith.mulf %mul3A_434, %bitcast3A_454 : vector<16xf32>
        tpu.vector_store_idx %arg27[%get3A_427], %mul3A_476 {add = true} : memref<10000xf32, #tpu.memory_space<vmem>>[vector<16xi32>], vector<16xf32>,
        %mul3A_477 = arith.mulf %mul3A_434, %bitcast3A_462 : vector<16xf32>
        tpu.vector_store_idx %arg25[%get3A_429], %mul3A_477 {add = true} : memref<10000xf32, #tpu.memory_space<vmem>>[vector<16xi32>], vector<16xf32>,
        %mul3A_478 = arith.mulf %mul3A_434, %bitcast3A_470 : vector<16xf32>
        tpu.vector_store_idx %arg27[%get3A_429], %mul3A_478 {add = true} : memref<10000xf32, #tpu.memory_space<vmem>>[vector<16xi32>], vector<16xf32>,
        %mul3A_479 = arith.constant 64 : i32
        %mul3A_480 = arith.muli %scan3A_368, %mul3A_479 : i32
        %add3A_481 = arith.constant 32 : i32
        %add3A_482 = arith.addi %mul3A_480, %add3A_481 : i32
        %get3A_483 = arith.index_cast %add3A_482 : i32 to index
        %get3A_484 = tpu.vector_load %arg28[%get3A_483] {strides = array<i32>} : memref<3200xi32, #tpu.memory_space<vmem>>, vector<16xi32>,
        %get3A_485 = arith.index_cast %add3A_482 : i32 to index
        %get3A_486 = tpu.vector_load %arg30[%get3A_485] {strides = array<i32>} : memref<3200xi32, #tpu.memory_space<vmem>>, vector<16xi32>,
        %get3A_487 = arith.index_cast %add3A_482 : i32 to index
        %get3A_488 = tpu.vector_load %arg32[%get3A_487] {strides = array<i32>} : memref<3200xf32, #tpu.memory_space<vmem>>, vector<16xf32>,
        %mul3A_489 = arith.constant 5.000000e-01 : f32
        %mul3A_490 = vector.broadcast %mul3A_489 : f32 to vector<16xf32>
        %mul3A_491 = arith.mulf %get3A_488, %mul3A_490 : vector<16xf32>
        %gather3A_492 = tpu.vector_load_idx %arg13[%get3A_486] : memref<10000xi32, #tpu.memory_space<vmem>>[vector<16xi32>], vector<16xi32>,
        %gather3A_493 = tpu.vector_load_idx %arg15[%get3A_486] : memref<10000xi32, #tpu.memory_space<vmem>>[vector<16xi32>], vector<16xi32>,
        %gather3A_494 = tpu.vector_load_idx %arg13[%get3A_484] : memref<10000xi32, #tpu.memory_space<vmem>>[vector<16xi32>], vector<16xi32>,
        %gather3A_495 = tpu.vector_load_idx %arg15[%get3A_484] : memref<10000xi32, #tpu.memory_space<vmem>>[vector<16xi32>], vector<16xi32>,
        %and3A_496 = arith.constant -65536 : i32
        %and3A_497 = vector.broadcast %and3A_496 : i32 to vector<16xi32>
        %and3A_498 = arith.andi %gather3A_492, %and3A_497 : vector<16xi32>
        %bitcast3A_499 = vector.bitcast %and3A_498 : vector<16xi32> to vector<16xf32>
        %shift_left3A_500 = arith.constant 16 : i32
        %shift_left3A_501 = vector.broadcast %shift_left3A_500 : i32 to vector<16xi32>
        %shift_left3A_502 = arith.shli %gather3A_492, %shift_left3A_501 : vector<16xi32>
        %bitcast3A_503 = vector.bitcast %shift_left3A_502 : vector<16xi32> to vector<16xf32>
        %and3A_504 = arith.constant -65536 : i32
        %and3A_505 = vector.broadcast %and3A_504 : i32 to vector<16xi32>
        %and3A_506 = arith.andi %gather3A_493, %and3A_505 : vector<16xi32>
        %bitcast3A_507 = vector.bitcast %and3A_506 : vector<16xi32> to vector<16xf32>
        %shift_left3A_508 = arith.constant 16 : i32
        %shift_left3A_509 = vector.broadcast %shift_left3A_508 : i32 to vector<16xi32>
        %shift_left3A_510 = arith.shli %gather3A_493, %shift_left3A_509 : vector<16xi32>
        %bitcast3A_511 = vector.bitcast %shift_left3A_510 : vector<16xi32> to vector<16xf32>
        %and3A_512 = arith.constant -65536 : i32
        %and3A_513 = vector.broadcast %and3A_512 : i32 to vector<16xi32>
        %and3A_514 = arith.andi %gather3A_494, %and3A_513 : vector<16xi32>
        %bitcast3A_515 = vector.bitcast %and3A_514 : vector<16xi32> to vector<16xf32>
        %shift_left3A_516 = arith.constant 16 : i32
        %shift_left3A_517 = vector.broadcast %shift_left3A_516 : i32 to vector<16xi32>
        %shift_left3A_518 = arith.shli %gather3A_494, %shift_left3A_517 : vector<16xi32>
        %bitcast3A_519 = vector.bitcast %shift_left3A_518 : vector<16xi32> to vector<16xf32>
        %and3A_520 = arith.constant -65536 : i32
        %and3A_521 = vector.broadcast %and3A_520 : i32 to vector<16xi32>
        %and3A_522 = arith.andi %gather3A_495, %and3A_521 : vector<16xi32>
        %bitcast3A_523 = vector.bitcast %and3A_522 : vector<16xi32> to vector<16xf32>
        %shift_left3A_524 = arith.constant 16 : i32
        %shift_left3A_525 = vector.broadcast %shift_left3A_524 : i32 to vector<16xi32>
        %shift_left3A_526 = arith.shli %gather3A_495, %shift_left3A_525 : vector<16xi32>
        %bitcast3A_527 = vector.bitcast %shift_left3A_526 : vector<16xi32> to vector<16xf32>
        %mul3A_528 = arith.mulf %get3A_488, %bitcast3A_499 : vector<16xf32>
        tpu.vector_store_idx %arg17[%get3A_484], %mul3A_528 {add = true} : memref<10000xf32, #tpu.memory_space<vmem>>[vector<16xi32>], vector<16xf32>,
        %mul3A_529 = arith.mulf %get3A_488, %bitcast3A_507 : vector<16xf32>
        tpu.vector_store_idx %arg19[%get3A_484], %mul3A_529 {add = true} : memref<10000xf32, #tpu.memory_space<vmem>>[vector<16xi32>], vector<16xf32>,
        %mul3A_530 = arith.mulf %get3A_488, %bitcast3A_515 : vector<16xf32>
        tpu.vector_store_idx %arg21[%get3A_486], %mul3A_530 {add = true} : memref<10000xf32, #tpu.memory_space<vmem>>[vector<16xi32>], vector<16xf32>,
        %mul3A_531 = arith.mulf %get3A_488, %bitcast3A_523 : vector<16xf32>
        tpu.vector_store_idx %arg23[%get3A_486], %mul3A_531 {add = true} : memref<10000xf32, #tpu.memory_space<vmem>>[vector<16xi32>], vector<16xf32>,
        %mul3A_532 = arith.mulf %mul3A_491, %bitcast3A_503 : vector<16xf32>
        tpu.vector_store_idx %arg25[%get3A_484], %mul3A_532 {add = true} : memref<10000xf32, #tpu.memory_space<vmem>>[vector<16xi32>], vector<16xf32>,
        %mul3A_533 = arith.mulf %mul3A_491, %bitcast3A_511 : vector<16xf32>
        tpu.vector_store_idx %arg27[%get3A_484], %mul3A_533 {add = true} : memref<10000xf32, #tpu.memory_space<vmem>>[vector<16xi32>], vector<16xf32>,
        %mul3A_534 = arith.mulf %mul3A_491, %bitcast3A_519 : vector<16xf32>
        tpu.vector_store_idx %arg25[%get3A_486], %mul3A_534 {add = true} : memref<10000xf32, #tpu.memory_space<vmem>>[vector<16xi32>], vector<16xf32>,
        %mul3A_535 = arith.mulf %mul3A_491, %bitcast3A_527 : vector<16xf32>
        tpu.vector_store_idx %arg27[%get3A_486], %mul3A_535 {add = true} : memref<10000xf32, #tpu.memory_space<vmem>>[vector<16xi32>], vector<16xf32>,
        %mul3A_536 = arith.constant 64 : i32
        %mul3A_537 = arith.muli %scan3A_368, %mul3A_536 : i32
        %add3A_538 = arith.constant 48 : i32
        %add3A_539 = arith.addi %mul3A_537, %add3A_538 : i32
        %get3A_540 = arith.index_cast %add3A_539 : i32 to index
        %get3A_541 = tpu.vector_load %arg28[%get3A_540] {strides = array<i32>} : memref<3200xi32, #tpu.memory_space<vmem>>, vector<16xi32>,
        %get3A_542 = arith.index_cast %add3A_539 : i32 to index
        %get3A_543 = tpu.vector_load %arg30[%get3A_542] {strides = array<i32>} : memref<3200xi32, #tpu.memory_space<vmem>>, vector<16xi32>,
        %get3A_544 = arith.index_cast %add3A_539 : i32 to index
        %get3A_545 = tpu.vector_load %arg32[%get3A_544] {strides = array<i32>} : memref<3200xf32, #tpu.memory_space<vmem>>, vector<16xf32>,
        %mul3A_546 = arith.constant 5.000000e-01 : f32
        %mul3A_547 = vector.broadcast %mul3A_546 : f32 to vector<16xf32>
        %mul3A_548 = arith.mulf %get3A_545, %mul3A_547 : vector<16xf32>
        %gather3A_549 = tpu.vector_load_idx %arg13[%get3A_543] : memref<10000xi32, #tpu.memory_space<vmem>>[vector<16xi32>], vector<16xi32>,
        %gather3A_550 = tpu.vector_load_idx %arg15[%get3A_543] : memref<10000xi32, #tpu.memory_space<vmem>>[vector<16xi32>], vector<16xi32>,
        %gather3A_551 = tpu.vector_load_idx %arg13[%get3A_541] : memref<10000xi32, #tpu.memory_space<vmem>>[vector<16xi32>], vector<16xi32>,
        %gather3A_552 = tpu.vector_load_idx %arg15[%get3A_541] : memref<10000xi32, #tpu.memory_space<vmem>>[vector<16xi32>], vector<16xi32>,
        %and3A_553 = arith.constant -65536 : i32
        %and3A_554 = vector.broadcast %and3A_553 : i32 to vector<16xi32>
        %and3A_555 = arith.andi %gather3A_549, %and3A_554 : vector<16xi32>
        %bitcast3A_556 = vector.bitcast %and3A_555 : vector<16xi32> to vector<16xf32>
        %shift_left3A_557 = arith.constant 16 : i32
        %shift_left3A_558 = vector.broadcast %shift_left3A_557 : i32 to vector<16xi32>
        %shift_left3A_559 = arith.shli %gather3A_549, %shift_left3A_558 : vector<16xi32>
        %bitcast3A_560 = vector.bitcast %shift_left3A_559 : vector<16xi32> to vector<16xf32>
        %and3A_561 = arith.constant -65536 : i32
        %and3A_562 = vector.broadcast %and3A_561 : i32 to vector<16xi32>
        %and3A_563 = arith.andi %gather3A_550, %and3A_562 : vector<16xi32>
        %bitcast3A_564 = vector.bitcast %and3A_563 : vector<16xi32> to vector<16xf32>
        %shift_left3A_565 = arith.constant 16 : i32
        %shift_left3A_566 = vector.broadcast %shift_left3A_565 : i32 to vector<16xi32>
        %shift_left3A_567 = arith.shli %gather3A_550, %shift_left3A_566 : vector<16xi32>
        %bitcast3A_568 = vector.bitcast %shift_left3A_567 : vector<16xi32> to vector<16xf32>
        %and3A_569 = arith.constant -65536 : i32
        %and3A_570 = vector.broadcast %and3A_569 : i32 to vector<16xi32>
        %and3A_571 = arith.andi %gather3A_551, %and3A_570 : vector<16xi32>
        %bitcast3A_572 = vector.bitcast %and3A_571 : vector<16xi32> to vector<16xf32>
        %shift_left3A_573 = arith.constant 16 : i32
        %shift_left3A_574 = vector.broadcast %shift_left3A_573 : i32 to vector<16xi32>
        %shift_left3A_575 = arith.shli %gather3A_551, %shift_left3A_574 : vector<16xi32>
        %bitcast3A_576 = vector.bitcast %shift_left3A_575 : vector<16xi32> to vector<16xf32>
        %and3A_577 = arith.constant -65536 : i32
        %and3A_578 = vector.broadcast %and3A_577 : i32 to vector<16xi32>
        %and3A_579 = arith.andi %gather3A_552, %and3A_578 : vector<16xi32>
        %bitcast3A_580 = vector.bitcast %and3A_579 : vector<16xi32> to vector<16xf32>
        %shift_left3A_581 = arith.constant 16 : i32
        %shift_left3A_582 = vector.broadcast %shift_left3A_581 : i32 to vector<16xi32>
        %shift_left3A_583 = arith.shli %gather3A_552, %shift_left3A_582 : vector<16xi32>
        %bitcast3A_584 = vector.bitcast %shift_left3A_583 : vector<16xi32> to vector<16xf32>
        %mul3A_585 = arith.mulf %get3A_545, %bitcast3A_556 : vector<16xf32>
        tpu.vector_store_idx %arg17[%get3A_541], %mul3A_585 {add = true} : memref<10000xf32, #tpu.memory_space<vmem>>[vector<16xi32>], vector<16xf32>,
        %mul3A_586 = arith.mulf %get3A_545, %bitcast3A_564 : vector<16xf32>
        tpu.vector_store_idx %arg19[%get3A_541], %mul3A_586 {add = true} : memref<10000xf32, #tpu.memory_space<vmem>>[vector<16xi32>], vector<16xf32>,
        %mul3A_587 = arith.mulf %get3A_545, %bitcast3A_572 : vector<16xf32>
        tpu.vector_store_idx %arg21[%get3A_543], %mul3A_587 {add = true} : memref<10000xf32, #tpu.memory_space<vmem>>[vector<16xi32>], vector<16xf32>,
        %mul3A_588 = arith.mulf %get3A_545, %bitcast3A_580 : vector<16xf32>
        tpu.vector_store_idx %arg23[%get3A_543], %mul3A_588 {add = true} : memref<10000xf32, #tpu.memory_space<vmem>>[vector<16xi32>], vector<16xf32>,
        %mul3A_589 = arith.mulf %mul3A_548, %bitcast3A_560 : vector<16xf32>
        tpu.vector_store_idx %arg25[%get3A_541], %mul3A_589 {add = true} : memref<10000xf32, #tpu.memory_space<vmem>>[vector<16xi32>], vector<16xf32>,
        %mul3A_590 = arith.mulf %mul3A_548, %bitcast3A_568 : vector<16xf32>
        tpu.vector_store_idx %arg27[%get3A_541], %mul3A_590 {add = true} : memref<10000xf32, #tpu.memory_space<vmem>>[vector<16xi32>], vector<16xf32>,
        %mul3A_591 = arith.mulf %mul3A_548, %bitcast3A_576 : vector<16xf32>
        tpu.vector_store_idx %arg25[%get3A_543], %mul3A_591 {add = true} : memref<10000xf32, #tpu.memory_space<vmem>>[vector<16xi32>], vector<16xf32>,
        %mul3A_592 = arith.mulf %mul3A_548, %bitcast3A_584 : vector<16xf32>
        tpu.vector_store_idx %arg27[%get3A_543], %mul3A_592 {add = true} : memref<10000xf32, #tpu.memory_space<vmem>>[vector<16xi32>], vector<16xf32>,
        %scan3A_593 = arith.constant 0 : i32
        scf.yield %scan3A_593 : i32
      }
      %scan3A_324 = arith.constant 50 : i32
      %mul3A_325 = arith.constant 2 : i32
      %mul3A_326 = arith.muli %scan3A_281, %mul3A_325 : i32
      %add3A_327 = arith.constant 1 : i32
      %add3A_328 = arith.addi %mul3A_326, %add3A_327 : i32
      %add3A_329 = arith.constant 1 : i32
      %add3A_330 = arith.addi %add3A_328, %add3A_329 : i32
      %mul3A_331 = arith.constant 3 : i32
      %mul3A_332 = arith.muli %add3A, %mul3A_331 : i32
      %add3A_333 = arith.addi %add3A_330, %mul3A_332 : i32
      %rem3A_334 = arith.constant 100 : i32
      %rem3A_335 = arith.remsi %add3A_333, %rem3A_334 : i32
      %mul3A_336 = arith.constant 3200 : i32
      %mul3A_337 = arith.muli %rem3A_335, %mul3A_336 : i32
      %dma_start3A_338 = tpu.memref_slice %arg2[%mul3A_337] : memref<320000xi32, #tpu.memory_space<hbm>> -> memref<3200xi32, #tpu.memory_space<hbm>>
      %dma_start3A_339 = tpu.memref_slice %arg2[%mul3A_337] : memref<320000xi32, #tpu.memory_space<hbm>> -> memref<3200xi32, #tpu.memory_space<hbm>>
      tpu.enqueue_dma source(%dma_start3A_339 : memref<3200xi32, #tpu.memory_space<hbm>>) target(%arg28 : memref<3200xi32, #tpu.memory_space<vmem>>) target_semaphore(%arg34 : memref<!tpu.dma_semaphore, #tpu.memory_space<semaphore_mem>>)
      %dma_start3A_340 = tpu.memref_slice %arg3[%mul3A_337] : memref<320000xi32, #tpu.memory_space<hbm>> -> memref<3200xi32, #tpu.memory_space<hbm>>
      %dma_start3A_341 = tpu.memref_slice %arg3[%mul3A_337] : memref<320000xi32, #tpu.memory_space<hbm>> -> memref<3200xi32, #tpu.memory_space<hbm>>
      tpu.enqueue_dma source(%dma_start3A_341 : memref<3200xi32, #tpu.memory_space<hbm>>) target(%arg30 : memref<3200xi32, #tpu.memory_space<vmem>>) target_semaphore(%arg36 : memref<!tpu.dma_semaphore, #tpu.memory_space<semaphore_mem>>)
      %dma_start3A_342 = tpu.memref_slice %arg8[%arg0, %mul3A_337] : memref<2x320000xf32, #tpu.memory_space<hbm>> -> memref<1x3200xf32, #tpu.memory_space<hbm>>
      %dma_start3A_343 = tpu.memref_squeeze %dma_start3A_342 : memref<1x3200xf32, #tpu.memory_space<hbm>> -> memref<3200xf32, #tpu.memory_space<hbm>>
      %dma_start3A_344 = tpu.memref_slice %arg8[%arg0, %mul3A_337] : memref<2x320000xf32, #tpu.memory_space<hbm>> -> memref<1x3200xf32, #tpu.memory_space<hbm>>
      %dma_start3A_345 = tpu.memref_squeeze %dma_start3A_344 : memref<1x3200xf32, #tpu.memory_space<hbm>> -> memref<3200xf32, #tpu.memory_space<hbm>>
      tpu.enqueue_dma source(%dma_start3A_345 : memref<3200xf32, #tpu.memory_space<hbm>>) target(%arg32 : memref<3200xf32, #tpu.memory_space<vmem>>) target_semaphore(%arg38 : memref<!tpu.dma_semaphore, #tpu.memory_space<semaphore_mem>>)
      %dma_wait3A_346 = arith.constant 0 : i32
      %dma_wait3A_347 = tpu.memref_slice %arg2[%dma_wait3A_346] : memref<320000xi32, #tpu.memory_space<hbm>> -> memref<3200xi32, #tpu.memory_space<hbm>>
      %dma_wait3A_348 = arith.constant 0 : i32
      %dma_wait3A_349 = tpu.memref_slice %arg2[%dma_wait3A_348] : memref<320000xi32, #tpu.memory_space<hbm>> -> memref<3200xi32, #tpu.memory_space<hbm>>
      tpu.wait_dma2 semaphore(%arg35 : memref<!tpu.dma_semaphore, #tpu.memory_space<semaphore_mem>>) src(%dma_wait3A_349 : memref<3200xi32, #tpu.memory_space<hbm>>) dst(%arg29 : memref<3200xi32, #tpu.memory_space<vmem>>)
      %dma_wait3A_350 = arith.constant 0 : i32
      %dma_wait3A_351 = tpu.memref_slice %arg3[%dma_wait3A_350] : memref<320000xi32, #tpu.memory_space<hbm>> -> memref<3200xi32, #tpu.memory_space<hbm>>
      %dma_wait3A_352 = arith.constant 0 : i32
      %dma_wait3A_353 = tpu.memref_slice %arg3[%dma_wait3A_352] : memref<320000xi32, #tpu.memory_space<hbm>> -> memref<3200xi32, #tpu.memory_space<hbm>>
      tpu.wait_dma2 semaphore(%arg37 : memref<!tpu.dma_semaphore, #tpu.memory_space<semaphore_mem>>) src(%dma_wait3A_353 : memref<3200xi32, #tpu.memory_space<hbm>>) dst(%arg31 : memref<3200xi32, #tpu.memory_space<vmem>>)
      %dma_wait3A_354 = arith.constant 0 : i32
      %dma_wait3A_355 = tpu.memref_slice %arg8[%arg0, %dma_wait3A_354] : memref<2x320000xf32, #tpu.memory_space<hbm>> -> memref<1x3200xf32, #tpu.memory_space<hbm>>
      %dma_wait3A_356 = tpu.memref_squeeze %dma_wait3A_355 : memref<1x3200xf32, #tpu.memory_space<hbm>> -> memref<3200xf32, #tpu.memory_space<hbm>>
      %dma_wait3A_357 = arith.constant 0 : i32
      %dma_wait3A_358 = tpu.memref_slice %arg8[%arg0, %dma_wait3A_357] : memref<2x320000xf32, #tpu.memory_space<hbm>> -> memref<1x3200xf32, #tpu.memory_space<hbm>>
      %dma_wait3A_359 = tpu.memref_squeeze %dma_wait3A_358 : memref<1x3200xf32, #tpu.memory_space<hbm>> -> memref<3200xf32, #tpu.memory_space<hbm>>
      tpu.wait_dma2 semaphore(%arg39 : memref<!tpu.dma_semaphore, #tpu.memory_space<semaphore_mem>>) src(%dma_wait3A_359 : memref<3200xf32, #tpu.memory_space<hbm>>) dst(%arg33 : memref<3200xf32, #tpu.memory_space<vmem>>)
      %scan3A_360 = arith.constant 0 : i32
      %scan3A_361 = arith.constant 0 : i32
      %scan3A_362 = arith.constant 50 : i32
      %scan3A_363 = arith.addi %scan3A_361, %scan3A_362 : i32
      %scan3A_364 = arith.constant 1 : i32
      %scan3A_365 = scf.for %scan3A_368 = %scan3A_361 to %scan3A_363 step %scan3A_364 iter_args(%scan3A_369 = %scan3A_360) -> (i32)  : i32 {
        %mul3A_370 = arith.constant 64 : i32
        %mul3A_371 = arith.muli %scan3A_368, %mul3A_370 : i32
        %add3A_372 = arith.constant 0 : i32
        %add3A_373 = arith.addi %mul3A_371, %add3A_372 : i32
        %get3A = arith.index_cast %add3A_373 : i32 to index
        %get3A_374 = tpu.vector_load %arg29[%get3A] {strides = array<i32>} : memref<3200xi32, #tpu.memory_space<vmem>>, vector<16xi32>,
        %get3A_375 = arith.index_cast %add3A_373 : i32 to index
        %get3A_376 = tpu.vector_load %arg31[%get3A_375] {strides = array<i32>} : memref<3200xi32, #tpu.memory_space<vmem>>, vector<16xi32>,
        %get3A_377 = arith.index_cast %add3A_373 : i32 to index
        %get3A_378 = tpu.vector_load %arg33[%get3A_377] {strides = array<i32>} : memref<3200xf32, #tpu.memory_space<vmem>>, vector<16xf32>,
        %mul3A_379 = arith.constant 5.000000e-01 : f32
        %mul3A_380 = vector.broadcast %mul3A_379 : f32 to vector<16xf32>
        %mul3A_381 = arith.mulf %get3A_378, %mul3A_380 : vector<16xf32>
        %gather3A = tpu.vector_load_idx %arg13[%get3A_376] : memref<10000xi32, #tpu.memory_space<vmem>>[vector<16xi32>], vector<16xi32>,
        %gather3A_382 = tpu.vector_load_idx %arg15[%get3A_376] : memref<10000xi32, #tpu.memory_space<vmem>>[vector<16xi32>], vector<16xi32>,
        %gather3A_383 = tpu.vector_load_idx %arg13[%get3A_374] : memref<10000xi32, #tpu.memory_space<vmem>>[vector<16xi32>], vector<16xi32>,
        %gather3A_384 = tpu.vector_load_idx %arg15[%get3A_374] : memref<10000xi32, #tpu.memory_space<vmem>>[vector<16xi32>], vector<16xi32>,
        %and3A = arith.constant -65536 : i32
        %and3A_385 = vector.broadcast %and3A : i32 to vector<16xi32>
        %and3A_386 = arith.andi %gather3A, %and3A_385 : vector<16xi32>
        %bitcast3A = vector.bitcast %and3A_386 : vector<16xi32> to vector<16xf32>
        %shift_left3A = arith.constant 16 : i32
        %shift_left3A_387 = vector.broadcast %shift_left3A : i32 to vector<16xi32>
        %shift_left3A_388 = arith.shli %gather3A, %shift_left3A_387 : vector<16xi32>
        %bitcast3A_389 = vector.bitcast %shift_left3A_388 : vector<16xi32> to vector<16xf32>
        %and3A_390 = arith.constant -65536 : i32
        %and3A_391 = vector.broadcast %and3A_390 : i32 to vector<16xi32>
        %and3A_392 = arith.andi %gather3A_382, %and3A_391 : vector<16xi32>
        %bitcast3A_393 = vector.bitcast %and3A_392 : vector<16xi32> to vector<16xf32>
        %shift_left3A_394 = arith.constant 16 : i32
        %shift_left3A_395 = vector.broadcast %shift_left3A_394 : i32 to vector<16xi32>
        %shift_left3A_396 = arith.shli %gather3A_382, %shift_left3A_395 : vector<16xi32>
        %bitcast3A_397 = vector.bitcast %shift_left3A_396 : vector<16xi32> to vector<16xf32>
        %and3A_398 = arith.constant -65536 : i32
        %and3A_399 = vector.broadcast %and3A_398 : i32 to vector<16xi32>
        %and3A_400 = arith.andi %gather3A_383, %and3A_399 : vector<16xi32>
        %bitcast3A_401 = vector.bitcast %and3A_400 : vector<16xi32> to vector<16xf32>
        %shift_left3A_402 = arith.constant 16 : i32
        %shift_left3A_403 = vector.broadcast %shift_left3A_402 : i32 to vector<16xi32>
        %shift_left3A_404 = arith.shli %gather3A_383, %shift_left3A_403 : vector<16xi32>
        %bitcast3A_405 = vector.bitcast %shift_left3A_404 : vector<16xi32> to vector<16xf32>
        %and3A_406 = arith.constant -65536 : i32
        %and3A_407 = vector.broadcast %and3A_406 : i32 to vector<16xi32>
        %and3A_408 = arith.andi %gather3A_384, %and3A_407 : vector<16xi32>
        %bitcast3A_409 = vector.bitcast %and3A_408 : vector<16xi32> to vector<16xf32>
        %shift_left3A_410 = arith.constant 16 : i32
        %shift_left3A_411 = vector.broadcast %shift_left3A_410 : i32 to vector<16xi32>
        %shift_left3A_412 = arith.shli %gather3A_384, %shift_left3A_411 : vector<16xi32>
        %bitcast3A_413 = vector.bitcast %shift_left3A_412 : vector<16xi32> to vector<16xf32>
        %mul3A_414 = arith.mulf %get3A_378, %bitcast3A : vector<16xf32>
        tpu.vector_store_idx %arg17[%get3A_374], %mul3A_414 {add = true} : memref<10000xf32, #tpu.memory_space<vmem>>[vector<16xi32>], vector<16xf32>,
        %mul3A_415 = arith.mulf %get3A_378, %bitcast3A_393 : vector<16xf32>
        tpu.vector_store_idx %arg19[%get3A_374], %mul3A_415 {add = true} : memref<10000xf32, #tpu.memory_space<vmem>>[vector<16xi32>], vector<16xf32>,
        %mul3A_416 = arith.mulf %get3A_378, %bitcast3A_401 : vector<16xf32>
        tpu.vector_store_idx %arg21[%get3A_376], %mul3A_416 {add = true} : memref<10000xf32, #tpu.memory_space<vmem>>[vector<16xi32>], vector<16xf32>,
        %mul3A_417 = arith.mulf %get3A_378, %bitcast3A_409 : vector<16xf32>
        tpu.vector_store_idx %arg23[%get3A_376], %mul3A_417 {add = true} : memref<10000xf32, #tpu.memory_space<vmem>>[vector<16xi32>], vector<16xf32>,
        %mul3A_418 = arith.mulf %mul3A_381, %bitcast3A_389 : vector<16xf32>
        tpu.vector_store_idx %arg25[%get3A_374], %mul3A_418 {add = true} : memref<10000xf32, #tpu.memory_space<vmem>>[vector<16xi32>], vector<16xf32>,
        %mul3A_419 = arith.mulf %mul3A_381, %bitcast3A_397 : vector<16xf32>
        tpu.vector_store_idx %arg27[%get3A_374], %mul3A_419 {add = true} : memref<10000xf32, #tpu.memory_space<vmem>>[vector<16xi32>], vector<16xf32>,
        %mul3A_420 = arith.mulf %mul3A_381, %bitcast3A_405 : vector<16xf32>
        tpu.vector_store_idx %arg25[%get3A_376], %mul3A_420 {add = true} : memref<10000xf32, #tpu.memory_space<vmem>>[vector<16xi32>], vector<16xf32>,
        %mul3A_421 = arith.mulf %mul3A_381, %bitcast3A_413 : vector<16xf32>
        tpu.vector_store_idx %arg27[%get3A_376], %mul3A_421 {add = true} : memref<10000xf32, #tpu.memory_space<vmem>>[vector<16xi32>], vector<16xf32>,
        %mul3A_422 = arith.constant 64 : i32
        %mul3A_423 = arith.muli %scan3A_368, %mul3A_422 : i32
        %add3A_424 = arith.constant 16 : i32
        %add3A_425 = arith.addi %mul3A_423, %add3A_424 : i32
        %get3A_426 = arith.index_cast %add3A_425 : i32 to index
        %get3A_427 = tpu.vector_load %arg29[%get3A_426] {strides = array<i32>} : memref<3200xi32, #tpu.memory_space<vmem>>, vector<16xi32>,
        %get3A_428 = arith.index_cast %add3A_425 : i32 to index
        %get3A_429 = tpu.vector_load %arg31[%get3A_428] {strides = array<i32>} : memref<3200xi32, #tpu.memory_space<vmem>>, vector<16xi32>,
        %get3A_430 = arith.index_cast %add3A_425 : i32 to index
        %get3A_431 = tpu.vector_load %arg33[%get3A_430] {strides = array<i32>} : memref<3200xf32, #tpu.memory_space<vmem>>, vector<16xf32>,
        %mul3A_432 = arith.constant 5.000000e-01 : f32
        %mul3A_433 = vector.broadcast %mul3A_432 : f32 to vector<16xf32>
        %mul3A_434 = arith.mulf %get3A_431, %mul3A_433 : vector<16xf32>
        %gather3A_435 = tpu.vector_load_idx %arg13[%get3A_429] : memref<10000xi32, #tpu.memory_space<vmem>>[vector<16xi32>], vector<16xi32>,
        %gather3A_436 = tpu.vector_load_idx %arg15[%get3A_429] : memref<10000xi32, #tpu.memory_space<vmem>>[vector<16xi32>], vector<16xi32>,
        %gather3A_437 = tpu.vector_load_idx %arg13[%get3A_427] : memref<10000xi32, #tpu.memory_space<vmem>>[vector<16xi32>], vector<16xi32>,
        %gather3A_438 = tpu.vector_load_idx %arg15[%get3A_427] : memref<10000xi32, #tpu.memory_space<vmem>>[vector<16xi32>], vector<16xi32>,
        %and3A_439 = arith.constant -65536 : i32
        %and3A_440 = vector.broadcast %and3A_439 : i32 to vector<16xi32>
        %and3A_441 = arith.andi %gather3A_435, %and3A_440 : vector<16xi32>
        %bitcast3A_442 = vector.bitcast %and3A_441 : vector<16xi32> to vector<16xf32>
        %shift_left3A_443 = arith.constant 16 : i32
        %shift_left3A_444 = vector.broadcast %shift_left3A_443 : i32 to vector<16xi32>
        %shift_left3A_445 = arith.shli %gather3A_435, %shift_left3A_444 : vector<16xi32>
        %bitcast3A_446 = vector.bitcast %shift_left3A_445 : vector<16xi32> to vector<16xf32>
        %and3A_447 = arith.constant -65536 : i32
        %and3A_448 = vector.broadcast %and3A_447 : i32 to vector<16xi32>
        %and3A_449 = arith.andi %gather3A_436, %and3A_448 : vector<16xi32>
        %bitcast3A_450 = vector.bitcast %and3A_449 : vector<16xi32> to vector<16xf32>
        %shift_left3A_451 = arith.constant 16 : i32
        %shift_left3A_452 = vector.broadcast %shift_left3A_451 : i32 to vector<16xi32>
        %shift_left3A_453 = arith.shli %gather3A_436, %shift_left3A_452 : vector<16xi32>
        %bitcast3A_454 = vector.bitcast %shift_left3A_453 : vector<16xi32> to vector<16xf32>
        %and3A_455 = arith.constant -65536 : i32
        %and3A_456 = vector.broadcast %and3A_455 : i32 to vector<16xi32>
        %and3A_457 = arith.andi %gather3A_437, %and3A_456 : vector<16xi32>
        %bitcast3A_458 = vector.bitcast %and3A_457 : vector<16xi32> to vector<16xf32>
        %shift_left3A_459 = arith.constant 16 : i32
        %shift_left3A_460 = vector.broadcast %shift_left3A_459 : i32 to vector<16xi32>
        %shift_left3A_461 = arith.shli %gather3A_437, %shift_left3A_460 : vector<16xi32>
        %bitcast3A_462 = vector.bitcast %shift_left3A_461 : vector<16xi32> to vector<16xf32>
        %and3A_463 = arith.constant -65536 : i32
        %and3A_464 = vector.broadcast %and3A_463 : i32 to vector<16xi32>
        %and3A_465 = arith.andi %gather3A_438, %and3A_464 : vector<16xi32>
        %bitcast3A_466 = vector.bitcast %and3A_465 : vector<16xi32> to vector<16xf32>
        %shift_left3A_467 = arith.constant 16 : i32
        %shift_left3A_468 = vector.broadcast %shift_left3A_467 : i32 to vector<16xi32>
        %shift_left3A_469 = arith.shli %gather3A_438, %shift_left3A_468 : vector<16xi32>
        %bitcast3A_470 = vector.bitcast %shift_left3A_469 : vector<16xi32> to vector<16xf32>
        %mul3A_471 = arith.mulf %get3A_431, %bitcast3A_442 : vector<16xf32>
        tpu.vector_store_idx %arg17[%get3A_427], %mul3A_471 {add = true} : memref<10000xf32, #tpu.memory_space<vmem>>[vector<16xi32>], vector<16xf32>,
        %mul3A_472 = arith.mulf %get3A_431, %bitcast3A_450 : vector<16xf32>
        tpu.vector_store_idx %arg19[%get3A_427], %mul3A_472 {add = true} : memref<10000xf32, #tpu.memory_space<vmem>>[vector<16xi32>], vector<16xf32>,
        %mul3A_473 = arith.mulf %get3A_431, %bitcast3A_458 : vector<16xf32>
        tpu.vector_store_idx %arg21[%get3A_429], %mul3A_473 {add = true} : memref<10000xf32, #tpu.memory_space<vmem>>[vector<16xi32>], vector<16xf32>,
        %mul3A_474 = arith.mulf %get3A_431, %bitcast3A_466 : vector<16xf32>
        tpu.vector_store_idx %arg23[%get3A_429], %mul3A_474 {add = true} : memref<10000xf32, #tpu.memory_space<vmem>>[vector<16xi32>], vector<16xf32>,
        %mul3A_475 = arith.mulf %mul3A_434, %bitcast3A_446 : vector<16xf32>
        tpu.vector_store_idx %arg25[%get3A_427], %mul3A_475 {add = true} : memref<10000xf32, #tpu.memory_space<vmem>>[vector<16xi32>], vector<16xf32>,
        %mul3A_476 = arith.mulf %mul3A_434, %bitcast3A_454 : vector<16xf32>
        tpu.vector_store_idx %arg27[%get3A_427], %mul3A_476 {add = true} : memref<10000xf32, #tpu.memory_space<vmem>>[vector<16xi32>], vector<16xf32>,
        %mul3A_477 = arith.mulf %mul3A_434, %bitcast3A_462 : vector<16xf32>
        tpu.vector_store_idx %arg25[%get3A_429], %mul3A_477 {add = true} : memref<10000xf32, #tpu.memory_space<vmem>>[vector<16xi32>], vector<16xf32>,
        %mul3A_478 = arith.mulf %mul3A_434, %bitcast3A_470 : vector<16xf32>
        tpu.vector_store_idx %arg27[%get3A_429], %mul3A_478 {add = true} : memref<10000xf32, #tpu.memory_space<vmem>>[vector<16xi32>], vector<16xf32>,
        %mul3A_479 = arith.constant 64 : i32
        %mul3A_480 = arith.muli %scan3A_368, %mul3A_479 : i32
        %add3A_481 = arith.constant 32 : i32
        %add3A_482 = arith.addi %mul3A_480, %add3A_481 : i32
        %get3A_483 = arith.index_cast %add3A_482 : i32 to index
        %get3A_484 = tpu.vector_load %arg29[%get3A_483] {strides = array<i32>} : memref<3200xi32, #tpu.memory_space<vmem>>, vector<16xi32>,
        %get3A_485 = arith.index_cast %add3A_482 : i32 to index
        %get3A_486 = tpu.vector_load %arg31[%get3A_485] {strides = array<i32>} : memref<3200xi32, #tpu.memory_space<vmem>>, vector<16xi32>,
        %get3A_487 = arith.index_cast %add3A_482 : i32 to index
        %get3A_488 = tpu.vector_load %arg33[%get3A_487] {strides = array<i32>} : memref<3200xf32, #tpu.memory_space<vmem>>, vector<16xf32>,
        %mul3A_489 = arith.constant 5.000000e-01 : f32
        %mul3A_490 = vector.broadcast %mul3A_489 : f32 to vector<16xf32>
        %mul3A_491 = arith.mulf %get3A_488, %mul3A_490 : vector<16xf32>
        %gather3A_492 = tpu.vector_load_idx %arg13[%get3A_486] : memref<10000xi32, #tpu.memory_space<vmem>>[vector<16xi32>], vector<16xi32>,
        %gather3A_493 = tpu.vector_load_idx %arg15[%get3A_486] : memref<10000xi32, #tpu.memory_space<vmem>>[vector<16xi32>], vector<16xi32>,
        %gather3A_494 = tpu.vector_load_idx %arg13[%get3A_484] : memref<10000xi32, #tpu.memory_space<vmem>>[vector<16xi32>], vector<16xi32>,
        %gather3A_495 = tpu.vector_load_idx %arg15[%get3A_484] : memref<10000xi32, #tpu.memory_space<vmem>>[vector<16xi32>], vector<16xi32>,
        %and3A_496 = arith.constant -65536 : i32
        %and3A_497 = vector.broadcast %and3A_496 : i32 to vector<16xi32>
        %and3A_498 = arith.andi %gather3A_492, %and3A_497 : vector<16xi32>
        %bitcast3A_499 = vector.bitcast %and3A_498 : vector<16xi32> to vector<16xf32>
        %shift_left3A_500 = arith.constant 16 : i32
        %shift_left3A_501 = vector.broadcast %shift_left3A_500 : i32 to vector<16xi32>
        %shift_left3A_502 = arith.shli %gather3A_492, %shift_left3A_501 : vector<16xi32>
        %bitcast3A_503 = vector.bitcast %shift_left3A_502 : vector<16xi32> to vector<16xf32>
        %and3A_504 = arith.constant -65536 : i32
        %and3A_505 = vector.broadcast %and3A_504 : i32 to vector<16xi32>
        %and3A_506 = arith.andi %gather3A_493, %and3A_505 : vector<16xi32>
        %bitcast3A_507 = vector.bitcast %and3A_506 : vector<16xi32> to vector<16xf32>
        %shift_left3A_508 = arith.constant 16 : i32
        %shift_left3A_509 = vector.broadcast %shift_left3A_508 : i32 to vector<16xi32>
        %shift_left3A_510 = arith.shli %gather3A_493, %shift_left3A_509 : vector<16xi32>
        %bitcast3A_511 = vector.bitcast %shift_left3A_510 : vector<16xi32> to vector<16xf32>
        %and3A_512 = arith.constant -65536 : i32
        %and3A_513 = vector.broadcast %and3A_512 : i32 to vector<16xi32>
        %and3A_514 = arith.andi %gather3A_494, %and3A_513 : vector<16xi32>
        %bitcast3A_515 = vector.bitcast %and3A_514 : vector<16xi32> to vector<16xf32>
        %shift_left3A_516 = arith.constant 16 : i32
        %shift_left3A_517 = vector.broadcast %shift_left3A_516 : i32 to vector<16xi32>
        %shift_left3A_518 = arith.shli %gather3A_494, %shift_left3A_517 : vector<16xi32>
        %bitcast3A_519 = vector.bitcast %shift_left3A_518 : vector<16xi32> to vector<16xf32>
        %and3A_520 = arith.constant -65536 : i32
        %and3A_521 = vector.broadcast %and3A_520 : i32 to vector<16xi32>
        %and3A_522 = arith.andi %gather3A_495, %and3A_521 : vector<16xi32>
        %bitcast3A_523 = vector.bitcast %and3A_522 : vector<16xi32> to vector<16xf32>
        %shift_left3A_524 = arith.constant 16 : i32
        %shift_left3A_525 = vector.broadcast %shift_left3A_524 : i32 to vector<16xi32>
        %shift_left3A_526 = arith.shli %gather3A_495, %shift_left3A_525 : vector<16xi32>
        %bitcast3A_527 = vector.bitcast %shift_left3A_526 : vector<16xi32> to vector<16xf32>
        %mul3A_528 = arith.mulf %get3A_488, %bitcast3A_499 : vector<16xf32>
        tpu.vector_store_idx %arg17[%get3A_484], %mul3A_528 {add = true} : memref<10000xf32, #tpu.memory_space<vmem>>[vector<16xi32>], vector<16xf32>,
        %mul3A_529 = arith.mulf %get3A_488, %bitcast3A_507 : vector<16xf32>
        tpu.vector_store_idx %arg19[%get3A_484], %mul3A_529 {add = true} : memref<10000xf32, #tpu.memory_space<vmem>>[vector<16xi32>], vector<16xf32>,
        %mul3A_530 = arith.mulf %get3A_488, %bitcast3A_515 : vector<16xf32>
        tpu.vector_store_idx %arg21[%get3A_486], %mul3A_530 {add = true} : memref<10000xf32, #tpu.memory_space<vmem>>[vector<16xi32>], vector<16xf32>,
        %mul3A_531 = arith.mulf %get3A_488, %bitcast3A_523 : vector<16xf32>
        tpu.vector_store_idx %arg23[%get3A_486], %mul3A_531 {add = true} : memref<10000xf32, #tpu.memory_space<vmem>>[vector<16xi32>], vector<16xf32>,
        %mul3A_532 = arith.mulf %mul3A_491, %bitcast3A_503 : vector<16xf32>
        tpu.vector_store_idx %arg25[%get3A_484], %mul3A_532 {add = true} : memref<10000xf32, #tpu.memory_space<vmem>>[vector<16xi32>], vector<16xf32>,
        %mul3A_533 = arith.mulf %mul3A_491, %bitcast3A_511 : vector<16xf32>
        tpu.vector_store_idx %arg27[%get3A_484], %mul3A_533 {add = true} : memref<10000xf32, #tpu.memory_space<vmem>>[vector<16xi32>], vector<16xf32>,
        %mul3A_534 = arith.mulf %mul3A_491, %bitcast3A_519 : vector<16xf32>
        tpu.vector_store_idx %arg25[%get3A_486], %mul3A_534 {add = true} : memref<10000xf32, #tpu.memory_space<vmem>>[vector<16xi32>], vector<16xf32>,
        %mul3A_535 = arith.mulf %mul3A_491, %bitcast3A_527 : vector<16xf32>
        tpu.vector_store_idx %arg27[%get3A_486], %mul3A_535 {add = true} : memref<10000xf32, #tpu.memory_space<vmem>>[vector<16xi32>], vector<16xf32>,
        %mul3A_536 = arith.constant 64 : i32
        %mul3A_537 = arith.muli %scan3A_368, %mul3A_536 : i32
        %add3A_538 = arith.constant 48 : i32
        %add3A_539 = arith.addi %mul3A_537, %add3A_538 : i32
        %get3A_540 = arith.index_cast %add3A_539 : i32 to index
        %get3A_541 = tpu.vector_load %arg29[%get3A_540] {strides = array<i32>} : memref<3200xi32, #tpu.memory_space<vmem>>, vector<16xi32>,
        %get3A_542 = arith.index_cast %add3A_539 : i32 to index
        %get3A_543 = tpu.vector_load %arg31[%get3A_542] {strides = array<i32>} : memref<3200xi32, #tpu.memory_space<vmem>>, vector<16xi32>,
        %get3A_544 = arith.index_cast %add3A_539 : i32 to index
        %get3A_545 = tpu.vector_load %arg33[%get3A_544] {strides = array<i32>} : memref<3200xf32, #tpu.memory_space<vmem>>, vector<16xf32>,
        %mul3A_546 = arith.constant 5.000000e-01 : f32
        %mul3A_547 = vector.broadcast %mul3A_546 : f32 to vector<16xf32>
        %mul3A_548 = arith.mulf %get3A_545, %mul3A_547 : vector<16xf32>
        %gather3A_549 = tpu.vector_load_idx %arg13[%get3A_543] : memref<10000xi32, #tpu.memory_space<vmem>>[vector<16xi32>], vector<16xi32>,
        %gather3A_550 = tpu.vector_load_idx %arg15[%get3A_543] : memref<10000xi32, #tpu.memory_space<vmem>>[vector<16xi32>], vector<16xi32>,
        %gather3A_551 = tpu.vector_load_idx %arg13[%get3A_541] : memref<10000xi32, #tpu.memory_space<vmem>>[vector<16xi32>], vector<16xi32>,
        %gather3A_552 = tpu.vector_load_idx %arg15[%get3A_541] : memref<10000xi32, #tpu.memory_space<vmem>>[vector<16xi32>], vector<16xi32>,
        %and3A_553 = arith.constant -65536 : i32
        %and3A_554 = vector.broadcast %and3A_553 : i32 to vector<16xi32>
        %and3A_555 = arith.andi %gather3A_549, %and3A_554 : vector<16xi32>
        %bitcast3A_556 = vector.bitcast %and3A_555 : vector<16xi32> to vector<16xf32>
        %shift_left3A_557 = arith.constant 16 : i32
        %shift_left3A_558 = vector.broadcast %shift_left3A_557 : i32 to vector<16xi32>
        %shift_left3A_559 = arith.shli %gather3A_549, %shift_left3A_558 : vector<16xi32>
        %bitcast3A_560 = vector.bitcast %shift_left3A_559 : vector<16xi32> to vector<16xf32>
        %and3A_561 = arith.constant -65536 : i32
        %and3A_562 = vector.broadcast %and3A_561 : i32 to vector<16xi32>
        %and3A_563 = arith.andi %gather3A_550, %and3A_562 : vector<16xi32>
        %bitcast3A_564 = vector.bitcast %and3A_563 : vector<16xi32> to vector<16xf32>
        %shift_left3A_565 = arith.constant 16 : i32
        %shift_left3A_566 = vector.broadcast %shift_left3A_565 : i32 to vector<16xi32>
        %shift_left3A_567 = arith.shli %gather3A_550, %shift_left3A_566 : vector<16xi32>
        %bitcast3A_568 = vector.bitcast %shift_left3A_567 : vector<16xi32> to vector<16xf32>
        %and3A_569 = arith.constant -65536 : i32
        %and3A_570 = vector.broadcast %and3A_569 : i32 to vector<16xi32>
        %and3A_571 = arith.andi %gather3A_551, %and3A_570 : vector<16xi32>
        %bitcast3A_572 = vector.bitcast %and3A_571 : vector<16xi32> to vector<16xf32>
        %shift_left3A_573 = arith.constant 16 : i32
        %shift_left3A_574 = vector.broadcast %shift_left3A_573 : i32 to vector<16xi32>
        %shift_left3A_575 = arith.shli %gather3A_551, %shift_left3A_574 : vector<16xi32>
        %bitcast3A_576 = vector.bitcast %shift_left3A_575 : vector<16xi32> to vector<16xf32>
        %and3A_577 = arith.constant -65536 : i32
        %and3A_578 = vector.broadcast %and3A_577 : i32 to vector<16xi32>
        %and3A_579 = arith.andi %gather3A_552, %and3A_578 : vector<16xi32>
        %bitcast3A_580 = vector.bitcast %and3A_579 : vector<16xi32> to vector<16xf32>
        %shift_left3A_581 = arith.constant 16 : i32
        %shift_left3A_582 = vector.broadcast %shift_left3A_581 : i32 to vector<16xi32>
        %shift_left3A_583 = arith.shli %gather3A_552, %shift_left3A_582 : vector<16xi32>
        %bitcast3A_584 = vector.bitcast %shift_left3A_583 : vector<16xi32> to vector<16xf32>
        %mul3A_585 = arith.mulf %get3A_545, %bitcast3A_556 : vector<16xf32>
        tpu.vector_store_idx %arg17[%get3A_541], %mul3A_585 {add = true} : memref<10000xf32, #tpu.memory_space<vmem>>[vector<16xi32>], vector<16xf32>,
        %mul3A_586 = arith.mulf %get3A_545, %bitcast3A_564 : vector<16xf32>
        tpu.vector_store_idx %arg19[%get3A_541], %mul3A_586 {add = true} : memref<10000xf32, #tpu.memory_space<vmem>>[vector<16xi32>], vector<16xf32>,
        %mul3A_587 = arith.mulf %get3A_545, %bitcast3A_572 : vector<16xf32>
        tpu.vector_store_idx %arg21[%get3A_543], %mul3A_587 {add = true} : memref<10000xf32, #tpu.memory_space<vmem>>[vector<16xi32>], vector<16xf32>,
        %mul3A_588 = arith.mulf %get3A_545, %bitcast3A_580 : vector<16xf32>
        tpu.vector_store_idx %arg23[%get3A_543], %mul3A_588 {add = true} : memref<10000xf32, #tpu.memory_space<vmem>>[vector<16xi32>], vector<16xf32>,
        %mul3A_589 = arith.mulf %mul3A_548, %bitcast3A_560 : vector<16xf32>
        tpu.vector_store_idx %arg25[%get3A_541], %mul3A_589 {add = true} : memref<10000xf32, #tpu.memory_space<vmem>>[vector<16xi32>], vector<16xf32>,
        %mul3A_590 = arith.mulf %mul3A_548, %bitcast3A_568 : vector<16xf32>
        tpu.vector_store_idx %arg27[%get3A_541], %mul3A_590 {add = true} : memref<10000xf32, #tpu.memory_space<vmem>>[vector<16xi32>], vector<16xf32>,
        %mul3A_591 = arith.mulf %mul3A_548, %bitcast3A_576 : vector<16xf32>
        tpu.vector_store_idx %arg25[%get3A_543], %mul3A_591 {add = true} : memref<10000xf32, #tpu.memory_space<vmem>>[vector<16xi32>], vector<16xf32>,
        %mul3A_592 = arith.mulf %mul3A_548, %bitcast3A_584 : vector<16xf32>
        tpu.vector_store_idx %arg27[%get3A_543], %mul3A_592 {add = true} : memref<10000xf32, #tpu.memory_space<vmem>>[vector<16xi32>], vector<16xf32>,
        %scan3A_593 = arith.constant 0 : i32
        scf.yield %scan3A_593 : i32
      }
      %scan3A_366 = arith.constant 50 : i32
      %scan3A_367 = arith.constant 0 : i32
      scf.yield %scan3A_367 : i32
    }
    %scan3A_261 = arith.constant 50 : i32
    %run_scoped3A_262 = arith.constant 0 : i32
    "tpu.region"() ({
      %run_scoped3A_281 = tpu.sem_alloc : memref<!tpu.dma_semaphore, #tpu.memory_space<semaphore_mem>>
      %dma_start3A_282 = arith.constant 0 : i32
      %dma_start3A_283 = tpu.memref_slice %arg5[%add3A_198, %run_scoped3A_262, %dma_start3A_282] : memref<64x2x10000xf32, #tpu.memory_space<hbm>> -> memref<1x1x10000xf32, #tpu.memory_space<hbm>>
      %dma_start3A_284 = tpu.memref_squeeze %dma_start3A_283 : memref<1x1x10000xf32, #tpu.memory_space<hbm>> -> memref<10000xf32, #tpu.memory_space<hbm>>
      %dma_start3A_285 = arith.constant 0 : i32
      %dma_start3A_286 = tpu.memref_slice %arg5[%add3A_198, %run_scoped3A_262, %dma_start3A_285] : memref<64x2x10000xf32, #tpu.memory_space<hbm>> -> memref<1x1x10000xf32, #tpu.memory_space<hbm>>
      %dma_start3A_287 = tpu.memref_squeeze %dma_start3A_286 : memref<1x1x10000xf32, #tpu.memory_space<hbm>> -> memref<10000xf32, #tpu.memory_space<hbm>>
      tpu.enqueue_dma source(%arg17 : memref<10000xf32, #tpu.memory_space<vmem>>) target(%dma_start3A_287 : memref<10000xf32, #tpu.memory_space<hbm>>) target_semaphore(%run_scoped3A_281 : memref<!tpu.dma_semaphore, #tpu.memory_space<semaphore_mem>>)
      %dma_wait3A_288 = arith.constant 0 : i32
      %dma_wait3A_289 = tpu.memref_slice %arg5[%add3A_198, %run_scoped3A_262, %dma_wait3A_288] : memref<64x2x10000xf32, #tpu.memory_space<hbm>> -> memref<1x1x10000xf32, #tpu.memory_space<hbm>>
      %dma_wait3A_290 = tpu.memref_squeeze %dma_wait3A_289 : memref<1x1x10000xf32, #tpu.memory_space<hbm>> -> memref<10000xf32, #tpu.memory_space<hbm>>
      %dma_wait3A_291 = arith.constant 0 : i32
      %dma_wait3A_292 = tpu.memref_slice %arg5[%add3A_198, %run_scoped3A_262, %dma_wait3A_291] : memref<64x2x10000xf32, #tpu.memory_space<hbm>> -> memref<1x1x10000xf32, #tpu.memory_space<hbm>>
      %dma_wait3A_293 = tpu.memref_squeeze %dma_wait3A_292 : memref<1x1x10000xf32, #tpu.memory_space<hbm>> -> memref<10000xf32, #tpu.memory_space<hbm>>
      tpu.wait_dma2 semaphore(%run_scoped3A_281 : memref<!tpu.dma_semaphore, #tpu.memory_space<semaphore_mem>>) src(%arg17 : memref<10000xf32, #tpu.memory_space<vmem>>) dst(%dma_wait3A_293 : memref<10000xf32, #tpu.memory_space<hbm>>)
      tpu.yield
    }) : () -> ()
    %run_scoped3A_263 = arith.constant 0 : i32
    "tpu.region"() ({
      %run_scoped3A_281 = tpu.sem_alloc : memref<!tpu.dma_semaphore, #tpu.memory_space<semaphore_mem>>
      %dma_start3A_282 = arith.constant 0 : i32
      %dma_start3A_283 = tpu.memref_slice %arg6[%add3A_198, %run_scoped3A_263, %dma_start3A_282] : memref<64x2x10000xf32, #tpu.memory_space<hbm>> -> memref<1x1x10000xf32, #tpu.memory_space<hbm>>
      %dma_start3A_284 = tpu.memref_squeeze %dma_start3A_283 : memref<1x1x10000xf32, #tpu.memory_space<hbm>> -> memref<10000xf32, #tpu.memory_space<hbm>>
      %dma_start3A_285 = arith.constant 0 : i32
      %dma_start3A_286 = tpu.memref_slice %arg6[%add3A_198, %run_scoped3A_263, %dma_start3A_285] : memref<64x2x10000xf32, #tpu.memory_space<hbm>> -> memref<1x1x10000xf32, #tpu.memory_space<hbm>>
      %dma_start3A_287 = tpu.memref_squeeze %dma_start3A_286 : memref<1x1x10000xf32, #tpu.memory_space<hbm>> -> memref<10000xf32, #tpu.memory_space<hbm>>
      tpu.enqueue_dma source(%arg21 : memref<10000xf32, #tpu.memory_space<vmem>>) target(%dma_start3A_287 : memref<10000xf32, #tpu.memory_space<hbm>>) target_semaphore(%run_scoped3A_281 : memref<!tpu.dma_semaphore, #tpu.memory_space<semaphore_mem>>)
      %dma_wait3A_288 = arith.constant 0 : i32
      %dma_wait3A_289 = tpu.memref_slice %arg6[%add3A_198, %run_scoped3A_263, %dma_wait3A_288] : memref<64x2x10000xf32, #tpu.memory_space<hbm>> -> memref<1x1x10000xf32, #tpu.memory_space<hbm>>
      %dma_wait3A_290 = tpu.memref_squeeze %dma_wait3A_289 : memref<1x1x10000xf32, #tpu.memory_space<hbm>> -> memref<10000xf32, #tpu.memory_space<hbm>>
      %dma_wait3A_291 = arith.constant 0 : i32
      %dma_wait3A_292 = tpu.memref_slice %arg6[%add3A_198, %run_scoped3A_263, %dma_wait3A_291] : memref<64x2x10000xf32, #tpu.memory_space<hbm>> -> memref<1x1x10000xf32, #tpu.memory_space<hbm>>
      %dma_wait3A_293 = tpu.memref_squeeze %dma_wait3A_292 : memref<1x1x10000xf32, #tpu.memory_space<hbm>> -> memref<10000xf32, #tpu.memory_space<hbm>>
      tpu.wait_dma2 semaphore(%run_scoped3A_281 : memref<!tpu.dma_semaphore, #tpu.memory_space<semaphore_mem>>) src(%arg21 : memref<10000xf32, #tpu.memory_space<vmem>>) dst(%dma_wait3A_293 : memref<10000xf32, #tpu.memory_space<hbm>>)
      tpu.yield
    }) : () -> ()
    %run_scoped3A_264 = arith.constant 0 : i32
    "tpu.region"() ({
      %run_scoped3A_281 = tpu.sem_alloc : memref<!tpu.dma_semaphore, #tpu.memory_space<semaphore_mem>>
      %dma_start3A_282 = arith.constant 0 : i32
      %dma_start3A_283 = tpu.memref_slice %arg7[%add3A_198, %run_scoped3A_264, %dma_start3A_282] : memref<64x2x10000xf32, #tpu.memory_space<hbm>> -> memref<1x1x10000xf32, #tpu.memory_space<hbm>>
      %dma_start3A_284 = tpu.memref_squeeze %dma_start3A_283 : memref<1x1x10000xf32, #tpu.memory_space<hbm>> -> memref<10000xf32, #tpu.memory_space<hbm>>
      %dma_start3A_285 = arith.constant 0 : i32
      %dma_start3A_286 = tpu.memref_slice %arg7[%add3A_198, %run_scoped3A_264, %dma_start3A_285] : memref<64x2x10000xf32, #tpu.memory_space<hbm>> -> memref<1x1x10000xf32, #tpu.memory_space<hbm>>
      %dma_start3A_287 = tpu.memref_squeeze %dma_start3A_286 : memref<1x1x10000xf32, #tpu.memory_space<hbm>> -> memref<10000xf32, #tpu.memory_space<hbm>>
      tpu.enqueue_dma source(%arg25 : memref<10000xf32, #tpu.memory_space<vmem>>) target(%dma_start3A_287 : memref<10000xf32, #tpu.memory_space<hbm>>) target_semaphore(%run_scoped3A_281 : memref<!tpu.dma_semaphore, #tpu.memory_space<semaphore_mem>>)
      %dma_wait3A_288 = arith.constant 0 : i32
      %dma_wait3A_289 = tpu.memref_slice %arg7[%add3A_198, %run_scoped3A_264, %dma_wait3A_288] : memref<64x2x10000xf32, #tpu.memory_space<hbm>> -> memref<1x1x10000xf32, #tpu.memory_space<hbm>>
      %dma_wait3A_290 = tpu.memref_squeeze %dma_wait3A_289 : memref<1x1x10000xf32, #tpu.memory_space<hbm>> -> memref<10000xf32, #tpu.memory_space<hbm>>
      %dma_wait3A_291 = arith.constant 0 : i32
      %dma_wait3A_292 = tpu.memref_slice %arg7[%add3A_198, %run_scoped3A_264, %dma_wait3A_291] : memref<64x2x10000xf32, #tpu.memory_space<hbm>> -> memref<1x1x10000xf32, #tpu.memory_space<hbm>>
      %dma_wait3A_293 = tpu.memref_squeeze %dma_wait3A_292 : memref<1x1x10000xf32, #tpu.memory_space<hbm>> -> memref<10000xf32, #tpu.memory_space<hbm>>
      tpu.wait_dma2 semaphore(%run_scoped3A_281 : memref<!tpu.dma_semaphore, #tpu.memory_space<semaphore_mem>>) src(%arg25 : memref<10000xf32, #tpu.memory_space<vmem>>) dst(%dma_wait3A_293 : memref<10000xf32, #tpu.memory_space<hbm>>)
      tpu.yield
    }) : () -> ()
    %run_scoped3A_265 = arith.constant 1 : i32
    "tpu.region"() ({
      %run_scoped3A_281 = tpu.sem_alloc : memref<!tpu.dma_semaphore, #tpu.memory_space<semaphore_mem>>
      %dma_start3A_282 = arith.constant 0 : i32
      %dma_start3A_283 = tpu.memref_slice %arg5[%add3A_198, %run_scoped3A_265, %dma_start3A_282] : memref<64x2x10000xf32, #tpu.memory_space<hbm>> -> memref<1x1x10000xf32, #tpu.memory_space<hbm>>
      %dma_start3A_284 = tpu.memref_squeeze %dma_start3A_283 : memref<1x1x10000xf32, #tpu.memory_space<hbm>> -> memref<10000xf32, #tpu.memory_space<hbm>>
      %dma_start3A_285 = arith.constant 0 : i32
      %dma_start3A_286 = tpu.memref_slice %arg5[%add3A_198, %run_scoped3A_265, %dma_start3A_285] : memref<64x2x10000xf32, #tpu.memory_space<hbm>> -> memref<1x1x10000xf32, #tpu.memory_space<hbm>>
      %dma_start3A_287 = tpu.memref_squeeze %dma_start3A_286 : memref<1x1x10000xf32, #tpu.memory_space<hbm>> -> memref<10000xf32, #tpu.memory_space<hbm>>
      tpu.enqueue_dma source(%arg19 : memref<10000xf32, #tpu.memory_space<vmem>>) target(%dma_start3A_287 : memref<10000xf32, #tpu.memory_space<hbm>>) target_semaphore(%run_scoped3A_281 : memref<!tpu.dma_semaphore, #tpu.memory_space<semaphore_mem>>)
      %dma_wait3A_288 = arith.constant 0 : i32
      %dma_wait3A_289 = tpu.memref_slice %arg5[%add3A_198, %run_scoped3A_265, %dma_wait3A_288] : memref<64x2x10000xf32, #tpu.memory_space<hbm>> -> memref<1x1x10000xf32, #tpu.memory_space<hbm>>
      %dma_wait3A_290 = tpu.memref_squeeze %dma_wait3A_289 : memref<1x1x10000xf32, #tpu.memory_space<hbm>> -> memref<10000xf32, #tpu.memory_space<hbm>>
      %dma_wait3A_291 = arith.constant 0 : i32
      %dma_wait3A_292 = tpu.memref_slice %arg5[%add3A_198, %run_scoped3A_265, %dma_wait3A_291] : memref<64x2x10000xf32, #tpu.memory_space<hbm>> -> memref<1x1x10000xf32, #tpu.memory_space<hbm>>
      %dma_wait3A_293 = tpu.memref_squeeze %dma_wait3A_292 : memref<1x1x10000xf32, #tpu.memory_space<hbm>> -> memref<10000xf32, #tpu.memory_space<hbm>>
      tpu.wait_dma2 semaphore(%run_scoped3A_281 : memref<!tpu.dma_semaphore, #tpu.memory_space<semaphore_mem>>) src(%arg19 : memref<10000xf32, #tpu.memory_space<vmem>>) dst(%dma_wait3A_293 : memref<10000xf32, #tpu.memory_space<hbm>>)
      tpu.yield
    }) : () -> ()
    %run_scoped3A_266 = arith.constant 1 : i32
    "tpu.region"() ({
      %run_scoped3A_281 = tpu.sem_alloc : memref<!tpu.dma_semaphore, #tpu.memory_space<semaphore_mem>>
      %dma_start3A_282 = arith.constant 0 : i32
      %dma_start3A_283 = tpu.memref_slice %arg6[%add3A_198, %run_scoped3A_266, %dma_start3A_282] : memref<64x2x10000xf32, #tpu.memory_space<hbm>> -> memref<1x1x10000xf32, #tpu.memory_space<hbm>>
      %dma_start3A_284 = tpu.memref_squeeze %dma_start3A_283 : memref<1x1x10000xf32, #tpu.memory_space<hbm>> -> memref<10000xf32, #tpu.memory_space<hbm>>
      %dma_start3A_285 = arith.constant 0 : i32
      %dma_start3A_286 = tpu.memref_slice %arg6[%add3A_198, %run_scoped3A_266, %dma_start3A_285] : memref<64x2x10000xf32, #tpu.memory_space<hbm>> -> memref<1x1x10000xf32, #tpu.memory_space<hbm>>
      %dma_start3A_287 = tpu.memref_squeeze %dma_start3A_286 : memref<1x1x10000xf32, #tpu.memory_space<hbm>> -> memref<10000xf32, #tpu.memory_space<hbm>>
      tpu.enqueue_dma source(%arg23 : memref<10000xf32, #tpu.memory_space<vmem>>) target(%dma_start3A_287 : memref<10000xf32, #tpu.memory_space<hbm>>) target_semaphore(%run_scoped3A_281 : memref<!tpu.dma_semaphore, #tpu.memory_space<semaphore_mem>>)
      %dma_wait3A_288 = arith.constant 0 : i32
      %dma_wait3A_289 = tpu.memref_slice %arg6[%add3A_198, %run_scoped3A_266, %dma_wait3A_288] : memref<64x2x10000xf32, #tpu.memory_space<hbm>> -> memref<1x1x10000xf32, #tpu.memory_space<hbm>>
      %dma_wait3A_290 = tpu.memref_squeeze %dma_wait3A_289 : memref<1x1x10000xf32, #tpu.memory_space<hbm>> -> memref<10000xf32, #tpu.memory_space<hbm>>
      %dma_wait3A_291 = arith.constant 0 : i32
      %dma_wait3A_292 = tpu.memref_slice %arg6[%add3A_198, %run_scoped3A_266, %dma_wait3A_291] : memref<64x2x10000xf32, #tpu.memory_space<hbm>> -> memref<1x1x10000xf32, #tpu.memory_space<hbm>>
      %dma_wait3A_293 = tpu.memref_squeeze %dma_wait3A_292 : memref<1x1x10000xf32, #tpu.memory_space<hbm>> -> memref<10000xf32, #tpu.memory_space<hbm>>
      tpu.wait_dma2 semaphore(%run_scoped3A_281 : memref<!tpu.dma_semaphore, #tpu.memory_space<semaphore_mem>>) src(%arg23 : memref<10000xf32, #tpu.memory_space<vmem>>) dst(%dma_wait3A_293 : memref<10000xf32, #tpu.memory_space<hbm>>)
      tpu.yield
    }) : () -> ()
    %run_scoped3A_267 = arith.constant 1 : i32
    "tpu.region"() ({
      %run_scoped3A_281 = tpu.sem_alloc : memref<!tpu.dma_semaphore, #tpu.memory_space<semaphore_mem>>
      %dma_start3A_282 = arith.constant 0 : i32
      %dma_start3A_283 = tpu.memref_slice %arg7[%add3A_198, %run_scoped3A_267, %dma_start3A_282] : memref<64x2x10000xf32, #tpu.memory_space<hbm>> -> memref<1x1x10000xf32, #tpu.memory_space<hbm>>
      %dma_start3A_284 = tpu.memref_squeeze %dma_start3A_283 : memref<1x1x10000xf32, #tpu.memory_space<hbm>> -> memref<10000xf32, #tpu.memory_space<hbm>>
      %dma_start3A_285 = arith.constant 0 : i32
      %dma_start3A_286 = tpu.memref_slice %arg7[%add3A_198, %run_scoped3A_267, %dma_start3A_285] : memref<64x2x10000xf32, #tpu.memory_space<hbm>> -> memref<1x1x10000xf32, #tpu.memory_space<hbm>>
      %dma_start3A_287 = tpu.memref_squeeze %dma_start3A_286 : memref<1x1x10000xf32, #tpu.memory_space<hbm>> -> memref<10000xf32, #tpu.memory_space<hbm>>
      tpu.enqueue_dma source(%arg27 : memref<10000xf32, #tpu.memory_space<vmem>>) target(%dma_start3A_287 : memref<10000xf32, #tpu.memory_space<hbm>>) target_semaphore(%run_scoped3A_281 : memref<!tpu.dma_semaphore, #tpu.memory_space<semaphore_mem>>)
      %dma_wait3A_288 = arith.constant 0 : i32
      %dma_wait3A_289 = tpu.memref_slice %arg7[%add3A_198, %run_scoped3A_267, %dma_wait3A_288] : memref<64x2x10000xf32, #tpu.memory_space<hbm>> -> memref<1x1x10000xf32, #tpu.memory_space<hbm>>
      %dma_wait3A_290 = tpu.memref_squeeze %dma_wait3A_289 : memref<1x1x10000xf32, #tpu.memory_space<hbm>> -> memref<10000xf32, #tpu.memory_space<hbm>>
      %dma_wait3A_291 = arith.constant 0 : i32
      %dma_wait3A_292 = tpu.memref_slice %arg7[%add3A_198, %run_scoped3A_267, %dma_wait3A_291] : memref<64x2x10000xf32, #tpu.memory_space<hbm>> -> memref<1x1x10000xf32, #tpu.memory_space<hbm>>
      %dma_wait3A_293 = tpu.memref_squeeze %dma_wait3A_292 : memref<1x1x10000xf32, #tpu.memory_space<hbm>> -> memref<10000xf32, #tpu.memory_space<hbm>>
      tpu.wait_dma2 semaphore(%run_scoped3A_281 : memref<!tpu.dma_semaphore, #tpu.memory_space<semaphore_mem>>) src(%arg27 : memref<10000xf32, #tpu.memory_space<vmem>>) dst(%dma_wait3A_293 : memref<10000xf32, #tpu.memory_space<hbm>>)
      tpu.yield
    }) : () -> ()
    %dma_wait3A = arith.constant 0 : i32
    %dma_wait3A_268 = tpu.memref_slice %arg2[%dma_wait3A] : memref<320000xi32, #tpu.memory_space<hbm>> -> memref<3200xi32, #tpu.memory_space<hbm>>
    %dma_wait3A_269 = arith.constant 0 : i32
    %dma_wait3A_270 = tpu.memref_slice %arg2[%dma_wait3A_269] : memref<320000xi32, #tpu.memory_space<hbm>> -> memref<3200xi32, #tpu.memory_space<hbm>>
    tpu.wait_dma2 semaphore(%arg34 : memref<!tpu.dma_semaphore, #tpu.memory_space<semaphore_mem>>) src(%dma_wait3A_270 : memref<3200xi32, #tpu.memory_space<hbm>>) dst(%arg28 : memref<3200xi32, #tpu.memory_space<vmem>>)
    %dma_wait3A_271 = arith.constant 0 : i32
    %dma_wait3A_272 = tpu.memref_slice %arg3[%dma_wait3A_271] : memref<320000xi32, #tpu.memory_space<hbm>> -> memref<3200xi32, #tpu.memory_space<hbm>>
    %dma_wait3A_273 = arith.constant 0 : i32
    %dma_wait3A_274 = tpu.memref_slice %arg3[%dma_wait3A_273] : memref<320000xi32, #tpu.memory_space<hbm>> -> memref<3200xi32, #tpu.memory_space<hbm>>
    tpu.wait_dma2 semaphore(%arg36 : memref<!tpu.dma_semaphore, #tpu.memory_space<semaphore_mem>>) src(%dma_wait3A_274 : memref<3200xi32, #tpu.memory_space<hbm>>) dst(%arg30 : memref<3200xi32, #tpu.memory_space<vmem>>)
    %dma_wait3A_275 = arith.constant 0 : i32
    %dma_wait3A_276 = tpu.memref_slice %arg8[%arg0, %dma_wait3A_275] : memref<2x320000xf32, #tpu.memory_space<hbm>> -> memref<1x3200xf32, #tpu.memory_space<hbm>>
    %dma_wait3A_277 = tpu.memref_squeeze %dma_wait3A_276 : memref<1x3200xf32, #tpu.memory_space<hbm>> -> memref<3200xf32, #tpu.memory_space<hbm>>
    %dma_wait3A_278 = arith.constant 0 : i32
    %dma_wait3A_279 = tpu.memref_slice %arg8[%arg0, %dma_wait3A_278] : memref<2x320000xf32, #tpu.memory_space<hbm>> -> memref<1x3200xf32, #tpu.memory_space<hbm>>
    %dma_wait3A_280 = tpu.memref_squeeze %dma_wait3A_279 : memref<1x3200xf32, #tpu.memory_space<hbm>> -> memref<3200xf32, #tpu.memory_space<hbm>>
    tpu.wait_dma2 semaphore(%arg38 : memref<!tpu.dma_semaphore, #tpu.memory_space<semaphore_mem>>) src(%dma_wait3A_280 : memref<3200xf32, #tpu.memory_space<hbm>>) dst(%arg32 : memref<3200xf32, #tpu.memory_space<vmem>>)
    return
  }
}

module attributes {stable_mosaic.version = 14 : i64} {
  func.func @_dense_body(%arg0: memref<128x10000xf32, #tpu.memory_space<vmem>>, %arg1: memref<128x10000xf32, #tpu.memory_space<vmem>>, %arg2: memref<128x10000xf32, #tpu.memory_space<vmem>>, %arg3: memref<3x128x128xf32, #tpu.memory_space<vmem>>, %arg4: memref<3x128xf32, #tpu.memory_space<vmem>>, %arg5: memref<3x128x128xf32, #tpu.memory_space<vmem>>, %arg6: memref<3x128xf32, #tpu.memory_space<vmem>>, %arg7: memref<10000x128xf32, #tpu.memory_space<vmem>>, %arg8: memref<10000x128xf32, #tpu.memory_space<vmem>>) attributes {dimension_semantics = [], scalar_prefetch = 0 : i64, scratch_operands = 0 : i64, tpu.core_type = #tpu.core_type<tc>} {
    %get3A = arith.constant 0 : index
    %get3A_0 = arith.constant 0 : index
    %get3A_1 = arith.constant 0 : index
    %get3A_2 = vector.load %arg3[%get3A, %get3A_0, %get3A_1] : memref<3x128x128xf32, #tpu.memory_space<vmem>>, vector<1x128x128xf32>
    %get3A_3 = vector.shape_cast %get3A_2 : vector<1x128x128xf32> to vector<128x128xf32>
    %get3A_4 = arith.constant 1 : index
    %get3A_5 = arith.constant 0 : index
    %get3A_6 = arith.constant 0 : index
    %get3A_7 = vector.load %arg3[%get3A_4, %get3A_5, %get3A_6] : memref<3x128x128xf32, #tpu.memory_space<vmem>>, vector<1x128x128xf32>
    %get3A_8 = vector.shape_cast %get3A_7 : vector<1x128x128xf32> to vector<128x128xf32>
    %mul3A = arith.constant 5.000000e-01 : f32
    %mul3A_9 = vector.broadcast %mul3A : f32 to vector<128x128xf32>
    %mul3A_10 = arith.mulf %mul3A_9, %get3A_8 : vector<128x128xf32>
    %add3A = arith.addf %get3A_3, %mul3A_10 : vector<128x128xf32>
    %get3A_11 = arith.constant 2 : index
    %get3A_12 = arith.constant 0 : index
    %get3A_13 = arith.constant 0 : index
    %get3A_14 = vector.load %arg3[%get3A_11, %get3A_12, %get3A_13] : memref<3x128x128xf32, #tpu.memory_space<vmem>>, vector<1x128x128xf32>
    %get3A_15 = vector.shape_cast %get3A_14 : vector<1x128x128xf32> to vector<128x128xf32>
    %mul3A_16 = arith.constant 2.500000e-01 : f32
    %mul3A_17 = vector.broadcast %mul3A_16 : f32 to vector<128x128xf32>
    %mul3A_18 = arith.mulf %mul3A_17, %get3A_15 : vector<128x128xf32>
    %add3A_19 = arith.addf %add3A, %mul3A_18 : vector<128x128xf32>
    %get3A_20 = arith.constant 0 : index
    %get3A_21 = arith.constant 0 : index
    %get3A_22 = arith.constant 0 : index
    %get3A_23 = vector.load %arg5[%get3A_20, %get3A_21, %get3A_22] : memref<3x128x128xf32, #tpu.memory_space<vmem>>, vector<1x128x128xf32>
    %get3A_24 = vector.shape_cast %get3A_23 : vector<1x128x128xf32> to vector<128x128xf32>
    %get3A_25 = arith.constant 1 : index
    %get3A_26 = arith.constant 0 : index
    %get3A_27 = arith.constant 0 : index
    %get3A_28 = vector.load %arg5[%get3A_25, %get3A_26, %get3A_27] : memref<3x128x128xf32, #tpu.memory_space<vmem>>, vector<1x128x128xf32>
    %get3A_29 = vector.shape_cast %get3A_28 : vector<1x128x128xf32> to vector<128x128xf32>
    %mul3A_30 = arith.constant 5.000000e-01 : f32
    %mul3A_31 = vector.broadcast %mul3A_30 : f32 to vector<128x128xf32>
    %mul3A_32 = arith.mulf %mul3A_31, %get3A_29 : vector<128x128xf32>
    %add3A_33 = arith.addf %get3A_24, %mul3A_32 : vector<128x128xf32>
    %get3A_34 = arith.constant 2 : index
    %get3A_35 = arith.constant 0 : index
    %get3A_36 = arith.constant 0 : index
    %get3A_37 = vector.load %arg5[%get3A_34, %get3A_35, %get3A_36] : memref<3x128x128xf32, #tpu.memory_space<vmem>>, vector<1x128x128xf32>
    %get3A_38 = vector.shape_cast %get3A_37 : vector<1x128x128xf32> to vector<128x128xf32>
    %mul3A_39 = arith.constant 2.500000e-01 : f32
    %mul3A_40 = vector.broadcast %mul3A_39 : f32 to vector<128x128xf32>
    %mul3A_41 = arith.mulf %mul3A_40, %get3A_38 : vector<128x128xf32>
    %add3A_42 = arith.addf %add3A_33, %mul3A_41 : vector<128x128xf32>
    %get3A_43 = arith.constant 0 : index
    %get3A_44 = arith.constant 0 : index
    %get3A_45 = vector.load %arg4[%get3A_43, %get3A_44] : memref<3x128xf32, #tpu.memory_space<vmem>>, vector<1x128xf32>
    %get3A_46 = vector.shape_cast %get3A_45 : vector<1x128xf32> to vector<128xf32>
    %get3A_47 = arith.constant 1 : index
    %get3A_48 = arith.constant 0 : index
    %get3A_49 = vector.load %arg4[%get3A_47, %get3A_48] : memref<3x128xf32, #tpu.memory_space<vmem>>, vector<1x128xf32>
    %get3A_50 = vector.shape_cast %get3A_49 : vector<1x128xf32> to vector<128xf32>
    %mul3A_51 = arith.constant 5.000000e-01 : f32
    %mul3A_52 = vector.broadcast %mul3A_51 : f32 to vector<128xf32>
    %mul3A_53 = arith.mulf %mul3A_52, %get3A_50 : vector<128xf32>
    %add3A_54 = arith.addf %get3A_46, %mul3A_53 : vector<128xf32>
    %get3A_55 = arith.constant 2 : index
    %get3A_56 = arith.constant 0 : index
    %get3A_57 = vector.load %arg4[%get3A_55, %get3A_56] : memref<3x128xf32, #tpu.memory_space<vmem>>, vector<1x128xf32>
    %get3A_58 = vector.shape_cast %get3A_57 : vector<1x128xf32> to vector<128xf32>
    %mul3A_59 = arith.constant 2.500000e-01 : f32
    %mul3A_60 = vector.broadcast %mul3A_59 : f32 to vector<128xf32>
    %mul3A_61 = arith.mulf %mul3A_60, %get3A_58 : vector<128xf32>
    %add3A_62 = arith.addf %add3A_54, %mul3A_61 : vector<128xf32>
    %get3A_63 = arith.constant 0 : index
    %get3A_64 = arith.constant 0 : index
    %get3A_65 = vector.load %arg6[%get3A_63, %get3A_64] : memref<3x128xf32, #tpu.memory_space<vmem>>, vector<1x128xf32>
    %get3A_66 = vector.shape_cast %get3A_65 : vector<1x128xf32> to vector<128xf32>
    %get3A_67 = arith.constant 1 : index
    %get3A_68 = arith.constant 0 : index
    %get3A_69 = vector.load %arg6[%get3A_67, %get3A_68] : memref<3x128xf32, #tpu.memory_space<vmem>>, vector<1x128xf32>
    %get3A_70 = vector.shape_cast %get3A_69 : vector<1x128xf32> to vector<128xf32>
    %mul3A_71 = arith.constant 5.000000e-01 : f32
    %mul3A_72 = vector.broadcast %mul3A_71 : f32 to vector<128xf32>
    %mul3A_73 = arith.mulf %mul3A_72, %get3A_70 : vector<128xf32>
    %add3A_74 = arith.addf %get3A_66, %mul3A_73 : vector<128xf32>
    %get3A_75 = arith.constant 2 : index
    %get3A_76 = arith.constant 0 : index
    %get3A_77 = vector.load %arg6[%get3A_75, %get3A_76] : memref<3x128xf32, #tpu.memory_space<vmem>>, vector<1x128xf32>
    %get3A_78 = vector.shape_cast %get3A_77 : vector<1x128xf32> to vector<128xf32>
    %mul3A_79 = arith.constant 2.500000e-01 : f32
    %mul3A_80 = vector.broadcast %mul3A_79 : f32 to vector<128xf32>
    %mul3A_81 = arith.mulf %mul3A_80, %get3A_78 : vector<128xf32>
    %add3A_82 = arith.addf %add3A_74, %mul3A_81 : vector<128xf32>
    %get3A_83 = arith.constant 0 : index
    %get3A_84 = arith.constant 0 : index
    %get3A_85 = vector.load %arg0[%get3A_83, %get3A_84] : memref<128x10000xf32, #tpu.memory_space<vmem>>, vector<128x10000xf32>
    %get3A_86 = arith.constant 0 : index
    %get3A_87 = arith.constant 0 : index
    %get3A_88 = vector.load %arg2[%get3A_86, %get3A_87] : memref<128x10000xf32, #tpu.memory_space<vmem>>, vector<128x10000xf32>
    %mul3A_89 = arith.constant 5.000000e-01 : f32
    %mul3A_90 = vector.broadcast %mul3A_89 : f32 to vector<128x10000xf32>
    %mul3A_91 = arith.mulf %mul3A_90, %get3A_85 : vector<128x10000xf32>
    %get3A_92 = arith.constant 0 : index
    %get3A_93 = arith.constant 0 : index
    %get3A_94 = vector.load %arg1[%get3A_92, %get3A_93] : memref<128x10000xf32, #tpu.memory_space<vmem>>, vector<128x10000xf32>
    %mul3A_95 = arith.constant 5.000000e-01 : f32
    %mul3A_96 = vector.broadcast %mul3A_95 : f32 to vector<128x10000xf32>
    %mul3A_97 = arith.mulf %mul3A_96, %get3A_94 : vector<128x10000xf32>
    %add3A_98 = arith.addf %mul3A_91, %mul3A_97 : vector<128x10000xf32>
    %dot_general3A = arith.constant dense<0.000000e+00> : vector<10000x128xf32>
    %dot_general3A_99 = tpu.matmul %add3A_98, %add3A_19, %dot_general3A {dimension_numbers = #tpu.dot_dimension_numbers<[0], [1], [1], [0], [0, 1, 1, 0], [], []>, transpose_lhs_hint = false} : vector<128x10000xf32>, vector<128x128xf32>, vector<10000x128xf32> -> vector<10000x128xf32>
    %dot_general3A_100 = arith.constant dense<0.000000e+00> : vector<10000x128xf32>
    %dot_general3A_101 = tpu.matmul %get3A_88, %add3A_42, %dot_general3A_100 {dimension_numbers = #tpu.dot_dimension_numbers<[0], [1], [1], [0], [0, 1, 1, 0], [], []>, transpose_lhs_hint = false} : vector<128x10000xf32>, vector<128x128xf32>, vector<10000x128xf32> -> vector<10000x128xf32>
    %sub3A = arith.subf %dot_general3A_99, %dot_general3A_101 : vector<10000x128xf32>
    %sub3A_102 = arith.subf %add3A_62, %add3A_82 : vector<128xf32>
    %broadcast_in_dim3A = vector.shape_cast %sub3A_102 : vector<128xf32> to vector<1x128xf32>
    %add3A_103 = vector.broadcast %broadcast_in_dim3A : vector<1x128xf32> to vector<10000x128xf32>
    %add3A_104 = arith.addf %sub3A, %add3A_103 : vector<10000x128xf32>
    %swap3A = arith.constant 0 : index
    %swap3A_105 = arith.constant 0 : index
    %swap3A_106 = vector.load %arg7[%swap3A, %swap3A_105] : memref<10000x128xf32, #tpu.memory_space<vmem>>, vector<10000x128xf32>
    tpu.vector_store %arg7[%swap3A, %swap3A_105], %add3A_104 {strides = array<i32>} : memref<10000x128xf32, #tpu.memory_space<vmem>>, vector<10000x128xf32>,
    %dot_general3A_107 = arith.constant dense<0.000000e+00> : vector<10000x128xf32>
    %dot_general3A_108 = tpu.matmul %get3A_85, %add3A_42, %dot_general3A_107 {dimension_numbers = #tpu.dot_dimension_numbers<[0], [1], [1], [0], [0, 1, 1, 0], [], []>, transpose_lhs_hint = false} : vector<128x10000xf32>, vector<128x128xf32>, vector<10000x128xf32> -> vector<10000x128xf32>
    %dot_general3A_109 = arith.constant dense<0.000000e+00> : vector<10000x128xf32>
    %dot_general3A_110 = tpu.matmul %get3A_88, %add3A_19, %dot_general3A_109 {dimension_numbers = #tpu.dot_dimension_numbers<[0], [1], [1], [0], [0, 1, 1, 0], [], []>, transpose_lhs_hint = false} : vector<128x10000xf32>, vector<128x128xf32>, vector<10000x128xf32> -> vector<10000x128xf32>
    %add3A_111 = arith.addf %dot_general3A_108, %dot_general3A_110 : vector<10000x128xf32>
    %add3A_112 = arith.addf %add3A_62, %add3A_82 : vector<128xf32>
    %broadcast_in_dim3A_113 = vector.shape_cast %add3A_112 : vector<128xf32> to vector<1x128xf32>
    %add3A_114 = vector.broadcast %broadcast_in_dim3A_113 : vector<1x128xf32> to vector<10000x128xf32>
    %add3A_115 = arith.addf %add3A_111, %add3A_114 : vector<10000x128xf32>
    %swap3A_116 = arith.constant 0 : index
    %swap3A_117 = arith.constant 0 : index
    %swap3A_118 = vector.load %arg8[%swap3A_116, %swap3A_117] : memref<10000x128xf32, #tpu.memory_space<vmem>>, vector<10000x128xf32>
    tpu.vector_store %arg8[%swap3A_116, %swap3A_117], %add3A_115 {strides = array<i32>} : memref<10000x128xf32, #tpu.memory_space<vmem>>, vector<10000x128xf32>,
    return
  }
}

</mosaic_0001>

<sc_bundles>
// kernel: kernel.4.cloned.1.call-start
scs
__scs_entry_jumppad:
0x0: {  	(pc) =	sbr.rel $0x88, $3  }
0x1: {  	(tag) =	ssettag $0x0;
	lr =	simm.s32 $0x1  }
0x2: {  	[smem:$0x3F9A] =	sst lr;
	_ =	strace $0xD0000000  }
0x3: {  	_ = 	snop  }
0x4: {  	_ = 	snop  }
0x5: {  	_ = 	snop  }
0x6: {  	_ = 	snop  }
0x7: {  	_ = 	snop  }
__scs_overlays_trampoline_lowered:
0x8: {  	[smem:$0x3FA9] =	sst s0  }
0x9: {  	[smem:$0x3FAA] =	sst s1  }
0xa: {  	[smem:$0x3FAB] =	sst s2  }
0xb: {  	[smem:$0x3FAC] =	sst s3  }
0xc: {  	[smem:$0x3FAD] =	sst s4  }
0xd: {  	[smem:$0x3FAE] =	sst s5  }
0xe: {  	[smem:$0x3FAF] =	sst s6  }
0xf: {  	[smem:$0x3FB0] =	sst s7  }
0x10: {  	[smem:$0x3FB1] =	sst s8  }
0x11: {  	[smem:$0x3FB2] =	sst s9;
	s0 =	simm.s32 @!p0 $0x0  }
0x12: {  	s1 =	sld [smem:$0x3F98];
	s0 =	simm.s32 @p0 $0x1  }
0x13: {  	[smem:$0x3FB3] =	sst s0;
	s0 =	simm.s32 @!p1 $0x0  }
0x14: {  	s2 =	sld [smem:$0x3F97];
	s0 =	simm.s32 @p1 $0x1  }
0x15: {  	[smem:$0x3FB4] =	sst s0;
	s0 =	simm.s32 @!p2 $0x0  }
0x16: {  	s3 =	sld [smem:$0x3FDB];
	s0 =	simm.s32 @p2 $0x1  }
0x17: {  	s4 =	simm.s32 $0x1BF5;
	[smem:$0x3FB6] =	sst s0  }
0x18: {  	s0 =	sld [smem:$0x3F99];
	_ =	swait.ge [sflag:s4], $0x0  }
0x19: {  	s7 =	sld [smem:$0x3F9A]  }
0x1a: {  	s8 =	sadd.s32 $0xFFFFE003, lr  }
0x1b: {  	s9 =	sadd.s32 $0xFFFFFEF7, lr;
	s5 =	simm.s32 $0xFFFFFFFF;
	p2 =	slt.u32 s8, $0xFFFFF086  }
0x1c: {  	p1 =	slt.u32 s9, $0xF7A;
	s5 =	simm.s32 @!p2 $0x0  }
0x1d: {  	s5 =	simm.s32 @p1 $0x1;
	p0 =	seq.s32 s7, s2  }
0x1e: {  	s7 =	smul.u32 @!p0 $0xF7A, s2;
	p2 =	seq.s32 @!p0 s5, $0x0  }
0x1f: {  	s9 =	smul.u32 $0xF7A, s1;
	s8 =	simm.s32 @!p0 $0x1BF5;
	p2 =	por !p2, p0  }
0x20: {  	[sflag:s8] =	ssyncset.s32 @!p0 $0xFFFFF086;
	s6 =	sadd.s32 @!p0 s3, s7;
	s7 =	simm.s32 @!p0 $0x108  }
0x21: {  	s3 =	sadd.s32 s3, s9;
	s6 =	sadd.s32 @!p0 $0x88, s6;
	s7 =	simm.s32 @p2 $0x1082  }
0x22: {  	[simem:s7], [sflag:s8] =	dma.local @!p0 [hbm:s6], $0xF7A  }
0x23: {  	s9 =	sor.u32 $0xD0000000, s2;
	s6 =	simm.s32 $0x108;
	_ =	swait.ge @!p0 [sflag:s8], $0x0  }
0x24: {  	s3 =	sadd.s32 $0x88, s3;
	s6 =	simm.s32 @!p1 $0x1082;
	[sflag:s4] =	ssyncset.s32 $0xFFFFF086  }
0x25: {  	[simem:s6], [sflag:s4] =	dma.local [hbm:s3], $0xF7A  }
0x26: {  	[smem:$0x3F9A] =	sst s1;
	(tag) =	ssettag s2;
	_ =	strace s9  }
0x27: {  	s1 =	sld [smem:$0x3FAA]  }
0x28: {  	s2 =	sld [smem:$0x3FAB]  }
0x29: {  	s4 =	sld [smem:$0x3FAD]  }
0x2a: {  	p0 =	seq.s32 s5, $0x0;
	s5 =	sld [smem:$0x3FAE]  }
0x2b: {  	s6 =	sld [smem:$0x3FAF]  }
0x2c: {  	s7 =	sld [smem:$0x3FB0]  }
0x2d: {  	s3 =	simm.s32 $0x108;
	s8 =	sld [smem:$0x3FB1]  }
0x2e: {  	s3 =	simm.s32 @!p0 $0x1082;
	s9 =	sld [smem:$0x3FB2]  }
0x2f: {  	lr =	sadd.s32 s0, s3;
	s0 =	sld [smem:$0x3FA9]  }
0x30: {  	s3 =	sld [smem:$0x3FAC]  }
0x31: {  	[smem:$0x3FB5] =	sst s10  }
0x32: {  	s10 =	sld [smem:$0x3FB3];
	_ =	sdelay $0x3  }
0x33: {  	p0 =	seq.s32 s10, $0x1;
	s10 =	sld [smem:$0x3FB5];
	_ =	sdelay $0x3  }
0x34: {  	[smem:$0x3FB5] =	sst s10  }
0x35: {  	s10 =	sld [smem:$0x3FB4];
	_ =	sdelay $0x3  }
0x36: {  	p1 =	seq.s32 s10, $0x1;
	s10 =	sld [smem:$0x3FB5];
	_ =	sdelay $0x3  }
0x37: {  	[smem:$0x3FB5] =	sst s10  }
0x38: {  	s10 =	sld [smem:$0x3FB6]  }
0x39: {  	_ = 	snop;
	(pc) =	sbr.ind lr, $3  }
0x3a: {  	_ = 	snop  }
0x3b: {  	_ = 	snop  }
0x3c: {  	p2 =	seq.s32 s10, $0x1;
	s10 =	sld [smem:$0x3FB5]  }
0x3d: {  	_ =	shalt  }
0x3e: {  	_ =	shalt  }
0x3f: {  	_ =	shalt  }
0x40: {  	_ =	shalt  }
0x41: {  	_ =	shalt  }
0x42: {  	_ =	shalt  }
0x43: {  	_ =	shalt  }
0x44: {  	_ =	shalt  }
0x45: {  	_ =	shalt  }
0x46: {  	_ =	shalt  }
0x47: {  	_ =	shalt  }
0x48: {  	_ =	shalt  }
0x49: {  	_ =	shalt  }
0x4a: {  	_ =	shalt  }
0x4b: {  	_ =	shalt  }
0x4c: {  	_ =	shalt  }
0x4d: {  	_ =	shalt  }
0x4e: {  	_ =	shalt  }
0x4f: {  	_ =	shalt  }
0x50: {  	_ =	shalt  }
0x51: {  	_ =	shalt  }
0x52: {  	_ =	shalt  }
0x53: {  	_ =	shalt  }
0x54: {  	_ =	shalt  }
0x55: {  	_ =	shalt  }
0x56: {  	_ =	shalt  }
0x57: {  	_ =	shalt  }
0x58: {  	_ =	shalt  }
0x59: {  	_ =	shalt  }
0x5a: {  	_ =	shalt  }
0x5b: {  	_ =	shalt  }
0x5c: {  	_ =	shalt  }
0x5d: {  	_ =	shalt  }
0x5e: {  	_ =	shalt  }
0x5f: {  	_ =	shalt  }
0x60: {  	_ =	shalt  }
0x61: {  	_ =	shalt  }
0x62: {  	_ =	shalt  }
0x63: {  	_ =	shalt  }
0x64: {  	_ =	shalt  }
0x65: {  	_ =	shalt  }
0x66: {  	_ =	shalt  }
0x67: {  	_ =	shalt  }
0x68: {  	_ =	shalt  }
0x69: {  	_ =	shalt  }
0x6a: {  	_ =	shalt  }
0x6b: {  	_ =	shalt  }
0x6c: {  	_ =	shalt  }
0x6d: {  	_ =	shalt  }
0x6e: {  	_ =	shalt  }
0x6f: {  	_ =	shalt  }
0x70: {  	_ =	shalt  }
0x71: {  	_ =	shalt  }
0x72: {  	_ =	shalt  }
0x73: {  	_ =	shalt  }
0x74: {  	_ =	shalt  }
0x75: {  	_ =	shalt  }
0x76: {  	_ =	shalt  }
0x77: {  	_ =	shalt  }
0x78: {  	_ =	shalt  }
0x79: {  	_ =	shalt  }
0x7a: {  	_ =	shalt  }
0x7b: {  	_ =	shalt  }
0x7c: {  	_ =	shalt  }
0x7d: {  	_ =	shalt  }
0x7e: {  	_ =	shalt  }
0x7f: {  	_ =	shalt  }
0x80: {  	_ =	shalt  }
0x81: {  	_ =	shalt  }
0x82: {  	_ =	shalt  }
0x83: {  	_ =	shalt  }
0x84: {  	_ =	shalt  }
0x85: {  	_ =	shalt  }
0x86: {  	_ =	shalt  }
0x87: {  	_ =	shalt  }
.Lfunc_end0:
.L_simem_size_0:
called_computation_lowered:
.L_overlay_start_0:
0x88: {  	s2 =	sld [smem:$0x3FD9]  }
0x89: {  	s3 =	sld [smem:$0x3FFE];
	_ =	sdelay $0x1  }
0x8a: {  	s1 =	srdreg.scid  }
0x8b: {  	s0 =	sand.u32 $0x1, s1  }
0x8c: {  	s14 =	sshll.u32 s0, $0xA;
	s2 =	sadd.s32 s3, s2  }
0x8d: {  	s2 =	sadd.s32 s2, s14  }
0x8e: {  	[smem:$0x3FC1] =	sst s2  }
0x8f: {  	_ = 	snop  }
0x90: {  	s2 =	sld [smem:$0x3FD0];
	_ =	sdelay $0x2  }
0x91: {  	s15 =	simm.s32 $0xA;
	s4 =	simm.s32 $0x10  }
0x92: {  	[smem:s4], [sflag:s15] =	dma.local [hbm:s2], $0x1  }
0x93: {  	_ =	swait.eq [sflag:s15], $0x1  }
0x94: {  	[sflag:s15] =	ssyncset.done $0x0  }
0x95: {  	s16 =	sld [smem:$0x10];
	[sflag:s15] =	ssyncadd.s32 $0xFFFFFFFF  }
0x96: {  	s17 =	sld [smem:$0x11];
	(tm) =	ssettm $0x1  }
0x97: {  	s18 =	sld [smem:$0x3FFB];
	_ =	sdelay $0x3  }
0x98: {  	_ =	strace s18  }
0x99: {  	s4 =	sld [smem:$0x3FFC];
	_ =	sdelay $0x3  }
0x9a: {  	_ =	strace s4  }
0x9b: {  	s4 =	sld [smem:$0x3FFD];
	_ =	sdelay $0x3  }
0x9c: {  	_ =	strace s4  }
0x9d: {  	_ =	strace $0x8FFFFFFF  }
0x9e: {  	s19 =	sld [smem:$0x3FDB];
	_ =	sdelay $0x1  }
0x9f: {  	s5 =	simm.s32 $_scs_section_size  }
0xa0: {  	s6 =	simm.s32 $_size__tile_overlayer_lowered;
	s7 =	simm.s32 $_tile_overlayer_lowered  }
0xa1: {  	s22 =	simm.s32 $0x1BFF;
	s21 =	sshll.u32 s7, $0x1;
	s4 =	sadd.s32 s5, s19  }
0xa2: {  	s8 =	simm.s32 $0x0;
	s20 =	sshll.u32 s6, $0x1;
	s6 =	sadd.s32 s21, s4  }
0xa3: {  	[timem:s8], [sflag:s22] =	dma.local [hbm:s6], s20  }
0xa4: {  	_ =	swait.ge [sflag:s22], s20  }
0xa5: {  	s5 =	ssub.s32 $0x0, s20;
	[sflag:s22] =	ssyncset.done $0x0  }
0xa6: {  	[sflag:s22] =	ssyncadd.s32 s5;
	_ =	sdelay $0x1  }
0xa7: {  	s23 =	simm.s32 $0x1B8B  }
0xa8: {  	_ =	swait.ge [sflag:s23], $0x1  }
0xa9: {  	[sflag:s23] =	ssyncset.done $0x0  }
0xaa: {  	s25 =	simm.s32 $0x1B8E;
	s24 =	sld [smem:$0x3FFE];
	[sflag:s23] =	ssyncadd.s32 $0xFFFFFFFF  }
0xab: {  	s26 =	simm.s32 $execute0_lowered;
	[smem:$0x3FD2] =	sst s25  }
0xac: {  	s6 =	sshll.u32 s26, $0x1;
	_ =	strace $0x80000046;
	[dreg:$0x1] =	wrdreg $0xFFFFFFFF  }
0xad: {  	s28 =	simm.s32 $_size_execute0_lowered;
	s4 =	sadd.s32 s4, s6;
	[dreg:$0x0] =	wrdreg $0x0  }
0xae: {  	s6 =	sshll.u32 s28, $0x1;
	[dreg:$0x2] =	wrdreg s4  }
0xaf: {  	[dreg:$0x3] =	wrdreg s6  }
0xb0: {  	[dreg:$0x4] =	wrdreg $0xC0  }
0xb1: {  	_ =	task [dreg:s8], $0x5FFFF  }
0xb2: {  	[dreg:$0x1] =	wrdreg $0xFFFFFFFF  }
0xb3: {  	[dreg:$0x0] =	wrdreg $0x60  }
0xb4: {  	[dreg:$0x2] =	wrdreg s24  }
0xb5: {  	[dreg:$0x3] =	wrdreg s16  }
0xb6: {  	[dreg:$0x4] =	wrdreg s17  }
0xb7: {  	[dreg:$0x5] =	wrdreg $0x9  }
0xb8: {  	_ =	task.clear_ibuf [dreg:s8], $0x6FFFF;
	_ =	strace $0x90000046  }
0xb9: {  	s29 =	simm.s32 $0x9;
	_ =	strace $0x80000048  }
0xba: {  	_ =	swait.ge [sflag:s29], $0x1  }
0xbb: {  	[sflag:s29] =	ssyncadd.s32 $0xFFFFFFFF  }
0xbc: {  	_ =	strace $0x90000048  }
0xbd: {  	_ =	sfence  }
0xbe: {  	s30 =	sld [smem:$0x0];
	_ =	sdelay $0x2  }
0xbf: {  	s31 =	sshll.u32 s1, $0xD;
	s1 =	sshrl.u32 s1, $0x2  }
0xc0: {  	s3 =	sand.u32 $0x4000, s31;
	s1 =	sadd.s32 s1, s30  }
0xc1: {  	s0 =	sor.u32 s3, s0;
	s1 =	sshll.u32 s1, $0x11  }
0xc2: {  	s0 =	sor.u32 s1, s0  }
0xc3: {  	s0 =	sadd.s32 $0x8F2B, s0  }
0xc4: {  	[sflag:s0] =	ssyncadd.remote.s32 $0x1  }
0xc5: {  	_ =	sfence.sel $0xFFFF  }
0xc6: {  	[dreg:$0x0] =	wrdreg $0xFFFFFFFF;
	(pc) =	sbr.abs _section_cstart, $3  }
0xc7: {  	[dreg:$0x1] =	wrdreg $0xFFFFFFFF  }
0xc8: {  	_ =	task.clear_ibuf [dreg:s8], $0x2FFFF;
	_ =	strace $0x9FFFFFFF  }
0xc9: {  	(tm) =	ssettm $0x7FFFFFFF  }
tec
execute0_lowered:
.L_overlay_start_1:
0x0: {  	(tag) =	ssettag $0x1  }
0x1: {  	s5 =	rddreg [dreg:$0x0]  }
0x2: {  	s0 =	srdreg.scid;
	s14 =	stileid.u32  }
0x3: {  	s2 =	rddreg [dreg:$0x1];
	s6 =	sand.u32 $0x1, s0;
	s15 =	sshll.u32 s14, $0x1  }
0x4: {  	s3 =	rddreg [dreg:$0x2];
	s4 =	simm.s32 $0x0;
	s1 =	sor.u32 s6, s15  }
0x5: {  	s28 =	simm.s32 $0x1;
	s29 =	simm.s32 $0x3;
	s0 =	smul.u32 $0x4F00, s1  }
0x6: {  	s30 =	simm.s32 $0x2800;
	s31 =	simm.s32 $0x2;
	s7 =	sadd.s32 $0xB200, s5  }
0x7: {  	s8 =	sadd.s32 $0x5A200, s5;
	s10 =	sadd.s32 $0x81A00, s5;
	s12 =	sshrl.u32 s0, $0x3  }
0x8: {  	s13 =	sadd.s32 $0x32A00, s5;
	[smem:$0x7FF] =	sst s4;
	s17 =	sadd.s32 s7, s12  }
0x9: {  	p0 =	sgt.u32 s14, $0x3;
	s19 =	sadd.s32 s8, s12;
	[dreg:$0x4] =	wrdreg s17  }
0xa: {  	s9 =	ssub.s32 $0x2, s6;
	s20 =	sadd.s32 s10, s12;
	[dreg:$0x6] =	wrdreg s19  }
0xb: {  	s16 =	sor.u32 $0x10, s12;
	s21 =	sadd.s32 s13, s12;
	[dreg:$0x7] =	wrdreg s20  }
0xc: {  	s11 =	sshrl.u32 s9, $0x1;
	s18 =	sadd.s32 s7, s16;
	[dreg:$0x8] =	wrdreg s21  }
0xd: {  	s0 =	ssub.s32 s9, s11;
	s22 =	sadd.s32 s8, s16;
	[dreg:$0x5] =	wrdreg s18  }
0xe: {  	s24 =	sadd.s32 $0x13C00, s12;
	s23 =	sadd.s32 s10, s16;
	[dreg:$0x9] =	wrdreg s22  }
0xf: {  	s12 =	sadd.s32 $0x13C10, s12;
	s9 =	sadd.s32 s13, s16;
	[dreg:$0xa] =	wrdreg s23  }
0x10: {  	s0 =	smax.u32 s0, $0x1;
	s25 =	sadd.s32 s7, s24;
	[dreg:$0xb] =	wrdreg s9  }
0x11: {  	s7 =	sadd.s32 s7, s12;
	s26 =	sadd.s32 s8, s24;
	[dreg:$0xc] =	wrdreg s25  }
0x12: {  	s11 =	sadd.s32 s13, s24;
	s15 =	sadd.s32 s8, s12;
	[dreg:$0xd] =	wrdreg s7  }
0x13: {  	s16 =	sadd.s32 s10, s12;
	s17 =	smul.u32 $0x4B0, s1;
	[dreg:$0xe] =	wrdreg s26  }
0x14: {  	s21 =	sadd.s32 $0x1400, s5;
	s19 =	smul.u32 $0x3, s1;
	[dreg:$0x10] =	wrdreg s11  }
0x15: {  	s1 =	smul.u32 $0x4B00, s1;
	s9 =	sadd.s32 s10, s24;
	[dreg:$0x11] =	wrdreg s15  }
0x16: {  	[dreg:$0x12] =	wrdreg s16;
	s18 =	sadd.s32 s13, s12;
	s22 =	smul.u32 $0x1900, s14  }
0x17: {  	s24 =	sshll.u32 s6, $0x7;
	s23 =	smul.u32 $0x190, s14;
	[dreg:$0xf] =	wrdreg s9  }
0x18: {  	s10 =	sor.u32 $0x10, s14;
	s15 =	sor.u32 $0x20, s14;
	[dreg:$0x13] =	wrdreg s18  }
0x19: {  	s20 =	sadd.s32 s21, s17;
	s7 =	sadd.s32 s2, s17;
	s12 =	smul.u32 $0x190, s10  }
0x1a: {  	s25 =	sadd.s32 $0x1, s19;
	s26 =	sadd.s32 $0x2, s19;
	s8 =	smul.u32 $0x1900, s10  }
0x1b: {  	s18 =	smul.u32 $0x190, s15;
	_ =	strace $0x80000047;
	[dreg:$0x14] =	wrdreg s20  }
0x1c: {  	s9 =	sor.u32 $0x40, s14;
	s1 =	sor.u32 s24, s1;
	[dreg:$0x15] =	wrdreg s7  }
0x1d: {  	s11 =	sor.u32 s24, s22;
	s13 =	sadd.s32 s21, s23;
	s7 =	sadd.s32 s2, s23  }
0x1e: {  	s22 =	sor.u32 $0x30, s14;
	s1 =	sshrl.u32 s1, $0x3;
	[smem:$0x7FD] =	sst s0  }
0x1f: {  	s0 =	simm.s32 $0x80;
	s5 =	sshrl.u32 s11, $0x3;
	[dreg:$0x16] =	wrdreg s13  }
0x20: {  	[dreg:$0x17] =	wrdreg s7;
	s16 =	sor.u32 s24, s8;
	s17 =	sadd.s32 s21, s12  }
0x21: {  	s6 =	sadd.s32 s2, s12;
	s20 =	sadd.s32 s21, s18;
	s8 =	smul.u32 $0x1900, s22  }
0x22: {  	s23 =	sadd.s32 s2, s18;
	s11 =	smul.u32 $0x190, s9;
	[dreg:$0x19] =	wrdreg s17  }
0x23: {  	s13 =	sor.u32 $0x50, s14;
	s18 =	sor.u32 $0x60, s14;
	[dreg:$0x1a] =	wrdreg s6  }
0x24: {  	s1 =	sadd.s32 s3, s1;
	s14 =	simm.s32 $0xF000;
	[dreg:$0x1c] =	wrdreg s20  }
0x25: {  	s5 =	sadd.s32 s3, s5;
	[dreg:$0x1d] =	wrdreg s23;
	s17 =	smul.u32 $0x190, s13  }
0x26: {  	s19 =	sshrl.u32 s16, $0x3;
	s20 =	smul.u32 $0x1900, s18;
	[smem:$0x7FC] =	sst s1  }
0x27: {  	s1 =	simm.s32 $0x4;
	[dreg:$0x18] =	wrdreg s5;
	s5 =	smul.u32 $0x1900, s15  }
0x28: {  	s6 =	sadd.s32 s3, s19;
	s10 =	sor.u32 s24, s8;
	s8 =	smul.u32 $0x1900, s9  }
0x29: {  	s16 =	sadd.s32 s21, s11;
	s7 =	sadd.s32 s2, s11;
	[dreg:$0x1b] =	wrdreg s6  }
0x2a: {  	s9 =	simm.s32 $0x5000;
	s11 =	simm.s32 $0x5;
	[smem:$0x7F3] =	sst s16  }
0x2b: {  	s6 =	smul.u32 $0x190, s22;
	[smem:$0x7F4] =	sst s7;
	s19 =	sadd.s32 s21, s17  }
0x2c: {  	s22 =	sor.u32 s24, s20;
	s16 =	simm.s32 $0x14000;
	s5 =	sor.u32 s24, s5  }
0x2d: {  	s15 =	sor.u32 s24, s8;
	[smem:$0x7F6] =	sst s19;
	s8 =	sadd.s32 s2, s17  }
0x2e: {  	s5 =	sshrl.u32 s5, $0x3;
	s12 =	sadd.s32 s21, s6;
	[smem:$0x7F7] =	sst s8  }
0x2f: {  	s7 =	simm.s32 $0x0;
	s5 =	sadd.s32 s3, s5;
	[dreg:$0x1f] =	wrdreg s12  }
0x30: {  	s6 =	sadd.s32 s2, s6;
	[dreg:$0x1e] =	wrdreg s5;
	s5 =	sshrl.u32 s10, $0x3  }
0x31: {  	[smem:$0x7F1] =	sst s6;
	s6 =	sshrl.u32 s15, $0x3;
	s5 =	sadd.s32 s3, s5  }
0x32: {  	s6 =	sadd.s32 s3, s6;
	[smem:$0x7F2] =	sst s5;
	s5 =	smul.u32 $0x1900, s13  }
0x33: {  	s17 =	simm.s32 $0x16800;
	[smem:$0x7F5] =	sst s6;
	s6 =	smul.u32 $0x190, s18  }
0x34: {  	s12 =	simm.s32 $0xA000;
	s15 =	simm.s32 $0x11800;
	s5 =	sor.u32 s24, s5  }
0x35: {  	s10 =	simm.s32 $0x7800;
	s23 =	sadd.s32 s21, s6;
	s5 =	sshrl.u32 s5, $0x3  }
0x36: {  	s18 =	simm.s32 $0x6;
	[smem:$0x7F9] =	sst s23;
	s5 =	sadd.s32 s3, s5  }
0x37: {  	s6 =	sadd.s32 s2, s6;
	[smem:$0x7F8] =	sst s5;
	s5 =	sshrl.u32 s22, $0x3  }
0x38: {  	s13 =	simm.s32 $0xC800;
	[smem:$0x7FA] =	sst s6;
	s5 =	sadd.s32 s3, s5  }
0x39: {  	v0 =	vimm.f32 $0.0e+00;
	v1 =	vimm.f32 $1.000000000e+00;
	s23 =	simm.s32 $0x7;
	[smem:$0x7FB] =	sst s5;
	s5 =	simm.s32 $0x100  }
.LBB2_1:
0x3a: {  	[tilespmem:$0x2780] =	vst v0  }
0x3b: {  	[tilespmem:$0x4F80] =	vst v0  }
0x3c: {  	[tilespmem:$0x7780] =	vst v0  }
0x3d: {  	[tilespmem:$0x9F80] =	vst v0  }
0x3e: {  	[tilespmem:$0xC780] =	vst v0  }
0x3f: {  	[tilespmem:$0xEF80] =	vst v0  }
0x40: {  	[tilespmem:$0x11780] =	vst v0  }
0x41: {  	[tilespmem:$0x13F80] =	vst v0  }
0x42: {  	[smem:$0x7F0] =	sst s7;
	[tilespmem:$0x16780] =	vst v0;
	s6 =	simm.s32 $0x0  }
.LBB2_2:
0x43: {  	p1 =	sne.s32 s6, $0x9C00  }
.Ltmp0:
0x44: {  	_ = 	snop;
	(pc) =	sbr.rel @p1 .LBB2_2-.Ltmp0, $3  }
0x45: {  	_ =	sdelay $0x1  }
0x46: {  	s7 =	sshra.s32 s6, $0x2  }
0x47: {  	s6 =	sadd.s32 $0x40, s6;
	[tilespmem:s7+$0x0] =	vst v0  }
0x48: {  	s6 =	simm.s32 $0x40;
	s7 =	simm.s32 $0x0  }
.LBB2_4:
0x49: {  	p1 =	sne.s32 s6, $0x9C00;
	[tilespmem:s7+$0x2800] =	vst v0;
	s7 =	smov.u32 s6;
	s6 =	sadd.s32 $0x40, s6  }
.Ltmp1:
0x4a: {  	(pc) =	sbr.rel @p1 .LBB2_4-.Ltmp1, $2  }
0x4b: {  	_ =	sdelay $0x2  }
0x4c: {  	s7 =	sshra.s32 s7, $0x2  }
0x4d: {  	[tilespmem:s7+$0x2800] =	vst v0;
	s6 =	simm.s32 $0x0;
	s19 =	rddreg [dreg:$0x14];
	s8 =	simm.s32 $0x18F80  }
0x4e: {  	[tilespmem:s8], [sflag:$0x1] =	stream.linear.gather [hbm4b:s19+s6], $0xC80, $0x38;
	[tilespmem:$0x1DA80] =	vst v63  }
0x4f: {  	s20 =	rddreg [dreg:$0x15];
	s22 =	simm.s32 $0x1A880;
	s7 =	simm.s32 $0x0  }
0x50: {  	[tilespmem:s22], [sflag:$0x3] =	stream.linear.gather [hbm4b:s20+s6], $0xC80, $0x38;
	[tilespmem:$0x1DA80] =	vst v63  }
.LBB2_6:
0x51: {  	s8 =	sshll.u32 s7, $0x1  }
0x52: {  	s19 =	sadd.s32 s8, s25  }
0x53: {  	s20 =	smulhi.u32 $0x51EB851F, s19;
	_ =	sdelay $0x1  }
0x54: {  	s20 =	sshrl.u32 s20, $0x5  }
0x55: {  	s20 =	smul.u32 $0x64, s20;
	_ =	sdelay $0x1  }
0x56: {  	s19 =	ssub.s32 s19, s20  }
0x57: {  	s19 =	smul.u32 $0x190, s19;
	_ =	sdelay $0x1  }
0x58: {  	s22 =	simm.s32 $0x19C00;
	s20 =	sadd.s32 s21, s19  }
0x59: {  	[tilespmem:s22], [sflag:$0x2] =	stream.linear.gather [hbm4b:s20+s6], $0xC80, $0x38;
	[tilespmem:$0x1DA80] =	vst v63  }
0x5a: {  	s19 =	sadd.s32 s2, s19;
	s22 =	simm.s32 $0x1B500  }
0x5b: {  	[tilespmem:s22], [sflag:$0x4] =	stream.linear.gather [hbm4b:s19+s6], $0xC80, $0x38;
	[tilespmem:$0x1DA80] =	vst v63  }
0x5c: {  	_ =	swait.ge [sflag:s28], $0xC80  }
0x5d: {  	[sflag:s28] =	ssyncset.done $0x0  }
0x5e: {  	[sflag:s28] =	ssyncadd.s32 $0xFFFFF380  }
0x5f: {  	_ =	swait.ge [sflag:s29], $0xC80  }
0x60: {  	[sflag:s29] =	ssyncset.done $0x0  }
0x61: {  	s19 =	simm.s32 $0x0;
	[sflag:s29] =	ssyncadd.s32 $0xFFFFF380  }
.LBB2_7:
0x62: {  	s20 =	sshra.s32 s19, $0x2  }
0x63: {  	v2 =	vld [tilespmem:s20+$0x18F80]  }
0x64: {  	v3 =	vld [tilespmem:s20+$0x1A880];
	_ =	sdelay $0x6  }
0x65: {  	[tilespmem:v2+s4+$0x0] =	vst.idx.add.f32.msk $0xffff, v1  }
0x66: {  	[tilespmem:v3+s30+$0x0] =	vst.idx.add.f32.msk $0xffff, v1  }
0x67: {  	v2 =	vld [tilespmem:s20+$0x18F90]  }
0x68: {  	v3 =	vld [tilespmem:s20+$0x1A890];
	_ =	sdelay $0x6  }
0x69: {  	[tilespmem:v2+s4+$0x0] =	vst.idx.add.f32.msk $0xffff, v1  }
0x6a: {  	[tilespmem:v3+s30+$0x0] =	vst.idx.add.f32.msk $0xffff, v1  }
0x6b: {  	v2 =	vld [tilespmem:s20+$0x18FA0]  }
0x6c: {  	v3 =	vld [tilespmem:s20+$0x1A8A0];
	_ =	sdelay $0x6  }
0x6d: {  	[tilespmem:v2+s4+$0x0] =	vst.idx.add.f32.msk $0xffff, v1  }
0x6e: {  	[tilespmem:v3+s30+$0x0] =	vst.idx.add.f32.msk $0xffff, v1  }
0x6f: {  	v2 =	vld [tilespmem:s20+$0x18FB0]  }
0x70: {  	v3 =	vld [tilespmem:s20+$0x1A8B0];
	_ =	sdelay $0x2  }
0x71: {  	p1 =	sne.s32 s19, $0x3100  }
.Ltmp2:
0x72: {  	_ = 	snop;
	(pc) =	sbr.rel @p1 .LBB2_7-.Ltmp2, $3  }
0x73: {  	_ =	sdelay $0x1  }
0x74: {  	[tilespmem:v2+s4+$0x0] =	vst.idx.add.f32.msk $0xffff, v1  }
0x75: {  	s19 =	sadd.s32 $0x100, s19;
	[tilespmem:v3+s30+$0x0] =	vst.idx.add.f32.msk $0xffff, v1  }
0x76: {  	s8 =	sadd.s32 s8, s26  }
0x77: {  	s19 =	smulhi.u32 $0x51EB851F, s8;
	_ =	sdelay $0x1  }
0x78: {  	s19 =	sshrl.u32 s19, $0x5  }
0x79: {  	s19 =	smul.u32 $0x64, s19;
	_ =	sdelay $0x1  }
0x7a: {  	s8 =	ssub.s32 s8, s19  }
0x7b: {  	s19 =	smul.u32 $0x190, s8;
	_ =	sdelay $0x1  }
0x7c: {  	s22 =	simm.s32 $0x18F80;
	s8 =	simm.s32 $0x0;
	s20 =	sadd.s32 s21, s19  }
0x7d: {  	[tilespmem:s22], [sflag:$0x1] =	stream.linear.gather [hbm4b:s20+s8], $0xC80, $0x38;
	[tilespmem:$0x1DA80] =	vst v63  }
0x7e: {  	s19 =	sadd.s32 s2, s19;
	s22 =	simm.s32 $0x1A880  }
0x7f: {  	[tilespmem:s22], [sflag:$0x3] =	stream.linear.gather [hbm4b:s19+s8], $0xC80, $0x38;
	[tilespmem:$0x1DA80] =	vst v63  }
0x80: {  	_ =	swait.ge [sflag:s31], $0xC80  }
0x81: {  	[sflag:s31] =	ssyncset.done $0x0  }
0x82: {  	[sflag:s31] =	ssyncadd.s32 $0xFFFFF380  }
0x83: {  	_ =	swait.ge [sflag:s1], $0xC80  }
0x84: {  	[sflag:s1] =	ssyncset.done $0x0  }
0x85: {  	[sflag:s1] =	ssyncadd.s32 $0xFFFFF380  }
.LBB2_9:
0x86: {  	s19 =	sshra.s32 s8, $0x2  }
0x87: {  	v2 =	vld [tilespmem:s19+$0x19C00]  }
0x88: {  	v3 =	vld [tilespmem:s19+$0x1B500];
	_ =	sdelay $0x6  }
0x89: {  	[tilespmem:v2+s4+$0x0] =	vst.idx.add.f32.msk $0xffff, v1  }
0x8a: {  	[tilespmem:v3+s30+$0x0] =	vst.idx.add.f32.msk $0xffff, v1  }
0x8b: {  	v2 =	vld [tilespmem:s19+$0x19C10]  }
0x8c: {  	v3 =	vld [tilespmem:s19+$0x1B510];
	_ =	sdelay $0x6  }
0x8d: {  	[tilespmem:v2+s4+$0x0] =	vst.idx.add.f32.msk $0xffff, v1  }
0x8e: {  	[tilespmem:v3+s30+$0x0] =	vst.idx.add.f32.msk $0xffff, v1  }
0x8f: {  	v2 =	vld [tilespmem:s19+$0x19C20]  }
0x90: {  	v3 =	vld [tilespmem:s19+$0x1B520];
	_ =	sdelay $0x6  }
0x91: {  	[tilespmem:v2+s4+$0x0] =	vst.idx.add.f32.msk $0xffff, v1  }
0x92: {  	[tilespmem:v3+s30+$0x0] =	vst.idx.add.f32.msk $0xffff, v1  }
0x93: {  	v2 =	vld [tilespmem:s19+$0x19C30]  }
0x94: {  	v3 =	vld [tilespmem:s19+$0x1B530];
	_ =	sdelay $0x2  }
0x95: {  	p1 =	sne.s32 s8, $0x3100  }
.Ltmp3:
0x96: {  	_ = 	snop;
	(pc) =	sbr.rel @p1 .LBB2_9-.Ltmp3, $3  }
0x97: {  	_ =	sdelay $0x1  }
0x98: {  	[tilespmem:v2+s4+$0x0] =	vst.idx.add.f32.msk $0xffff, v1  }
0x99: {  	s8 =	sadd.s32 $0x100, s8;
	[tilespmem:v3+s30+$0x0] =	vst.idx.add.f32.msk $0xffff, v1  }
0x9a: {  	s7 =	sadd.s32 $0x1, s7  }
0x9b: {  	p1 =	sne.s32 s7, $0x32  }
.Ltmp4:
0x9c: {  	_ = 	snop;
	(pc) =	sbr.rel @p1 .LBB2_6-.Ltmp4, $2  }
0x9d: {  	_ =	sdelay $0x2  }
0x9e: {  	s8 =	simm.s32 $0x0  }
0x9f: {  	s6 =	sshra.s32 s8, $0x2;
	s7 =	sadd.s32 $0x40, s8  }
.LBB2_12:
0xa0: {  	p1 =	sne.s32 s7, $0x9C00;
	v2 =	vld [tilespmem:s6+$0x0];
	_ =	sdelay $0x4  }
0xa1: {  	v3 =	vshrl.u32 v2, $0x1;
	v4 =	vmul.f32 $5.000000000e-01, v2  }
0xa2: {  	v3 =	vsub.s32 $0x5F3759DF, v3  }
0xa3: {  	v5 =	vmul.f32 v3, v4;
	_ =	sdelay $0x1  }
0xa4: {  	v5 =	vmul.f32 v3, v5;
	_ =	sdelay $0x1  }
0xa5: {  	v5 =	vsub.f32 $1.500000000e+00, v5;
	_ =	sdelay $0x1  }
0xa6: {  	v3 =	vmul.f32 v3, v5;
	_ =	sdelay $0x1  }
0xa7: {  	v5 =	vmul.f32 v3, v4;
	_ =	sdelay $0x1  }
0xa8: {  	v5 =	vmul.f32 v5, v3;
	_ =	sdelay $0x1  }
0xa9: {  	v5 =	vsub.f32 $1.500000000e+00, v5;
	_ =	sdelay $0x1  }
0xaa: {  	v3 =	vmul.f32 v5, v3;
	_ =	sdelay $0x1  }
0xab: {  	v4 =	vmul.f32 v3, v4;
	_ =	sdelay $0x1  }
0xac: {  	v4 =	vmul.f32 v4, v3;
	_ =	sdelay $0x1  }
0xad: {  	v4 =	vsub.f32 $1.500000000e+00, v4;
	_ =	sdelay $0x1  }
0xae: {  	v3 =	vmul.f32 v4, v3;
	_ =	sdelay $0x1  }
0xaf: {  	v4 =	vshrl.u32 v3, $0x1;
	v5 =	vmul.f32 $5.000000000e-01, v3  }
0xb0: {  	v4 =	vsub.s32 $0x5F3759DF, v4  }
0xb1: {  	v6 =	vmul.f32 v4, v5;
	_ =	sdelay $0x1  }
0xb2: {  	v6 =	vmul.f32 v4, v6;
	_ =	sdelay $0x1  }
0xb3: {  	v6 =	vsub.f32 $1.500000000e+00, v6;
	_ =	sdelay $0x1  }
0xb4: {  	v4 =	vmul.f32 v4, v6;
	_ =	sdelay $0x1  }
0xb5: {  	v6 =	vmul.f32 v4, v5;
	_ =	sdelay $0x1  }
0xb6: {  	v6 =	vmul.f32 v6, v4;
	_ =	sdelay $0x1  }
0xb7: {  	v6 =	vsub.f32 $1.500000000e+00, v6;
	_ =	sdelay $0x1  }
0xb8: {  	v4 =	vmul.f32 v6, v4;
	_ =	sdelay $0x1  }
0xb9: {  	v5 =	vmul.f32 v4, v5;
	_ =	sdelay $0x1  }
0xba: {  	v5 =	vmul.f32 v5, v4;
	_ =	sdelay $0x1  }
0xbb: {  	v5 =	vsub.f32 $1.500000000e+00, v5;
	_ =	sdelay $0x1  }
0xbc: {  	v4 =	vmul.f32 v5, v4  }
.Ltmp5:
0xbd: {  	(pc) =	sbr.rel @p1 .LBB2_12-.Ltmp5, $4  }
0xbe: {  	v3 =	vmul.f32 v4, v3  }
0xbf: {  	vm0 =	vgt.f32 v2, $0.0e+00  }
0xc0: {  	v2 =	vnsel vm0, $0x0, v3  }
0xc1: {  	[tilespmem:s6+$0x0] =	vst v2;
	s6 =	sshra.s32 s7, $0x2;
	s7 =	sadd.s32 $0x40, s7  }
0xc2: {  	v2 =	vld [tilespmem:s6+$0x0];
	_ =	sdelay $0x4  }
0xc3: {  	v3 =	vshrl.u32 v2, $0x1;
	v4 =	vmul.f32 $5.000000000e-01, v2  }
0xc4: {  	v3 =	vsub.s32 $0x5F3759DF, v3  }
0xc5: {  	v5 =	vmul.f32 v3, v4;
	_ =	sdelay $0x1  }
0xc6: {  	v5 =	vmul.f32 v3, v5;
	_ =	sdelay $0x1  }
0xc7: {  	v5 =	vsub.f32 $1.500000000e+00, v5;
	_ =	sdelay $0x1  }
0xc8: {  	v3 =	vmul.f32 v3, v5;
	_ =	sdelay $0x1  }
0xc9: {  	v5 =	vmul.f32 v3, v4;
	_ =	sdelay $0x1  }
0xca: {  	v5 =	vmul.f32 v5, v3;
	_ =	sdelay $0x1  }
0xcb: {  	v5 =	vsub.f32 $1.500000000e+00, v5;
	_ =	sdelay $0x1  }
0xcc: {  	v3 =	vmul.f32 v5, v3;
	_ =	sdelay $0x1  }
0xcd: {  	v4 =	vmul.f32 v3, v4;
	_ =	sdelay $0x1  }
0xce: {  	v4 =	vmul.f32 v4, v3;
	_ =	sdelay $0x1  }
0xcf: {  	v4 =	vsub.f32 $1.500000000e+00, v4;
	_ =	sdelay $0x1  }
0xd0: {  	v3 =	vmul.f32 v4, v3;
	_ =	sdelay $0x1  }
0xd1: {  	v4 =	vshrl.u32 v3, $0x1;
	v63 =	vmul.f32 $5.000000000e-01, v3  }
0xd2: {  	v4 =	vsub.s32 $0x5F3759DF, v4  }
0xd3: {  	v6 =	vmul.f32 v4, v63;
	_ =	sdelay $0x1  }
0xd4: {  	v6 =	vmul.f32 v4, v6;
	_ =	sdelay $0x1  }
0xd5: {  	v6 =	vsub.f32 $1.500000000e+00, v6;
	_ =	sdelay $0x1  }
0xd6: {  	v4 =	vmul.f32 v4, v6;
	_ =	sdelay $0x1  }
0xd7: {  	v6 =	vmul.f32 v4, v63;
	_ =	sdelay $0x1  }
0xd8: {  	v6 =	vmul.f32 v6, v4;
	_ =	sdelay $0x1  }
0xd9: {  	v6 =	vsub.f32 $1.500000000e+00, v6;
	_ =	sdelay $0x1  }
0xda: {  	v4 =	vmul.f32 v6, v4;
	_ =	sdelay $0x1  }
0xdb: {  	v5 =	vmul.f32 v4, v63;
	_ =	sdelay $0x1  }
0xdc: {  	v5 =	vmul.f32 v5, v4;
	_ =	sdelay $0x1  }
0xdd: {  	v5 =	vsub.f32 $1.500000000e+00, v5;
	_ =	sdelay $0x1  }
0xde: {  	v4 =	vmul.f32 v5, v4;
	_ =	sdelay $0x1  }
0xdf: {  	v3 =	vmul.f32 v4, v3  }
0xe0: {  	vm0 =	vgt.f32 v2, $0.0e+00  }
0xe1: {  	v2 =	vnsel vm0, $0x0, v3  }
0xe2: {  	s7 =	simm.s32 $0x40;
	[tilespmem:s6+$0x0] =	vst v2;
	s6 =	simm.s32 $0x0  }
.LBB2_14:
0xe3: {  	p1 =	sne.s32 s7, $0x9C00;
	v2 =	vld [tilespmem:s6+$0x2800];
	_ =	sdelay $0x4  }
0xe4: {  	v3 =	vshrl.u32 v2, $0x1;
	v4 =	vmul.f32 $5.000000000e-01, v2  }
0xe5: {  	v3 =	vsub.s32 $0x5F3759DF, v3  }
0xe6: {  	v5 =	vmul.f32 v3, v4;
	_ =	sdelay $0x1  }
0xe7: {  	v5 =	vmul.f32 v3, v5;
	_ =	sdelay $0x1  }
0xe8: {  	v5 =	vsub.f32 $1.500000000e+00, v5;
	_ =	sdelay $0x1  }
0xe9: {  	v3 =	vmul.f32 v3, v5;
	_ =	sdelay $0x1  }
0xea: {  	v5 =	vmul.f32 v3, v4;
	_ =	sdelay $0x1  }
0xeb: {  	v5 =	vmul.f32 v5, v3;
	_ =	sdelay $0x1  }
0xec: {  	v5 =	vsub.f32 $1.500000000e+00, v5;
	_ =	sdelay $0x1  }
0xed: {  	v3 =	vmul.f32 v5, v3;
	_ =	sdelay $0x1  }
0xee: {  	v4 =	vmul.f32 v3, v4;
	_ =	sdelay $0x1  }
0xef: {  	v4 =	vmul.f32 v4, v3;
	_ =	sdelay $0x1  }
0xf0: {  	v4 =	vsub.f32 $1.500000000e+00, v4;
	_ =	sdelay $0x1  }
0xf1: {  	v3 =	vmul.f32 v4, v3;
	_ =	sdelay $0x1  }
0xf2: {  	v4 =	vshrl.u32 v3, $0x1;
	v5 =	vmul.f32 $5.000000000e-01, v3  }
0xf3: {  	v4 =	vsub.s32 $0x5F3759DF, v4  }
0xf4: {  	v6 =	vmul.f32 v4, v5;
	_ =	sdelay $0x1  }
0xf5: {  	v6 =	vmul.f32 v4, v6;
	_ =	sdelay $0x1  }
0xf6: {  	v6 =	vsub.f32 $1.500000000e+00, v6;
	_ =	sdelay $0x1  }
0xf7: {  	v4 =	vmul.f32 v4, v6;
	_ =	sdelay $0x1  }
0xf8: {  	v6 =	vmul.f32 v4, v5;
	_ =	sdelay $0x1  }
0xf9: {  	v6 =	vmul.f32 v6, v4;
	_ =	sdelay $0x1  }
0xfa: {  	v6 =	vsub.f32 $1.500000000e+00, v6;
	_ =	sdelay $0x1  }
0xfb: {  	v4 =	vmul.f32 v6, v4;
	_ =	sdelay $0x1  }
0xfc: {  	v5 =	vmul.f32 v4, v5;
	_ =	sdelay $0x1  }
0xfd: {  	v5 =	vmul.f32 v5, v4;
	_ =	sdelay $0x1  }
0xfe: {  	v5 =	vsub.f32 $1.500000000e+00, v5;
	_ =	sdelay $0x1  }
0xff: {  	v4 =	vmul.f32 v5, v4  }
.Ltmp6:
0x100: {  	(pc) =	sbr.rel @p1 .LBB2_14-.Ltmp6, $4  }
0x101: {  	v3 =	vmul.f32 v4, v3  }
0x102: {  	vm0 =	vgt.f32 v2, $0.0e+00  }
0x103: {  	v2 =	vnsel vm0, $0x0, v3  }
0x104: {  	[tilespmem:s6+$0x2800] =	vst v2;
	s6 =	sshra.s32 s7, $0x2;
	s7 =	sadd.s32 $0x40, s7  }
0x105: {  	v2 =	vld [tilespmem:s6+$0x2800];
	_ =	sdelay $0x4  }
0x106: {  	v3 =	vshrl.u32 v2, $0x1;
	v4 =	vmul.f32 $5.000000000e-01, v2  }
0x107: {  	v3 =	vsub.s32 $0x5F3759DF, v3  }
0x108: {  	v5 =	vmul.f32 v3, v4;
	_ =	sdelay $0x1  }
0x109: {  	v5 =	vmul.f32 v3, v5;
	_ =	sdelay $0x1  }
0x10a: {  	v5 =	vsub.f32 $1.500000000e+00, v5;
	_ =	sdelay $0x1  }
0x10b: {  	v3 =	vmul.f32 v3, v5;
	_ =	sdelay $0x1  }
0x10c: {  	v5 =	vmul.f32 v3, v4;
	_ =	sdelay $0x1  }
0x10d: {  	v5 =	vmul.f32 v5, v3;
	_ =	sdelay $0x1  }
0x10e: {  	v5 =	vsub.f32 $1.500000000e+00, v5;
	_ =	sdelay $0x1  }
0x10f: {  	v3 =	vmul.f32 v5, v3;
	_ =	sdelay $0x1  }
0x110: {  	v4 =	vmul.f32 v3, v4;
	_ =	sdelay $0x1  }
0x111: {  	v4 =	vmul.f32 v4, v3;
	_ =	sdelay $0x1  }
0x112: {  	v4 =	vsub.f32 $1.500000000e+00, v4;
	_ =	sdelay $0x1  }
0x113: {  	v3 =	vmul.f32 v4, v3;
	_ =	sdelay $0x1  }
0x114: {  	v4 =	vshrl.u32 v3, $0x1;
	v5 =	vmul.f32 $5.000000000e-01, v3  }
0x115: {  	v4 =	vsub.s32 $0x5F3759DF, v4  }
0x116: {  	v6 =	vmul.f32 v4, v5;
	_ =	sdelay $0x1  }
0x117: {  	v6 =	vmul.f32 v4, v6;
	_ =	sdelay $0x1  }
0x118: {  	v6 =	vsub.f32 $1.500000000e+00, v6;
	_ =	sdelay $0x1  }
0x119: {  	v4 =	vmul.f32 v4, v6;
	_ =	sdelay $0x1  }
0x11a: {  	v6 =	vmul.f32 v4, v5;
	_ =	sdelay $0x1  }
0x11b: {  	v6 =	vmul.f32 v6, v4;
	_ =	sdelay $0x1  }
0x11c: {  	v6 =	vsub.f32 $1.500000000e+00, v6;
	_ =	sdelay $0x1  }
0x11d: {  	v4 =	vmul.f32 v6, v4;
	_ =	sdelay $0x1  }
0x11e: {  	v5 =	vmul.f32 v4, v5;
	_ =	sdelay $0x1  }
0x11f: {  	v5 =	vmul.f32 v5, v4;
	_ =	sdelay $0x1  }
0x120: {  	v5 =	vsub.f32 $1.500000000e+00, v5;
	_ =	sdelay $0x1  }
0x121: {  	v4 =	vmul.f32 v5, v4;
	_ =	sdelay $0x1  }
0x122: {  	v3 =	vmul.f32 v4, v3  }
0x123: {  	vm0 =	vgt.f32 v2, $0.0e+00  }
0x124: {  	v2 =	vnsel vm0, $0x0, v3  }
0x125: {  	s19 =	simm.s32 $0x0;
	s7 =	rddreg [dreg:$0x16];
	s8 =	simm.s32 $0x19C00;
	[tilespmem:s6+$0x2800] =	vst v2  }
0x126: {  	[tilespmem:s8], [sflag:$0x2] =	stream.linear.gather [hbm4b:s7+s19], $0xC80, $0x38;
	[tilespmem:$0x1DA80] =	vst v63  }
0x127: {  	s20 =	rddreg [dreg:$0x17];
	s22 =	simm.s32 $0x1B500  }
0x128: {  	[tilespmem:s22], [sflag:$0x4] =	stream.linear.gather [hbm4b:s20+s19], $0xC80, $0x38;
	[tilespmem:$0x1DA80] =	vst v63  }
0x129: {  	_ =	swait.ge [sflag:s31], $0xC80  }
0x12a: {  	[sflag:s31] =	ssyncset.done $0x0  }
0x12b: {  	[sflag:s31] =	ssyncadd.s32 $0xFFFFF380  }
0x12c: {  	_ =	swait.ge [sflag:s1], $0xC80  }
0x12d: {  	[sflag:s1] =	ssyncset.done $0x0  }
0x12e: {  	s6 =	simm.s32 $0x0;
	[sflag:s1] =	ssyncadd.s32 $0xFFFFF380  }
0x12f: {  	v2 =	vld [tilespmem:s6+$0x1B500]  }
0x130: {  	v3 =	vld [tilespmem:s6+$0x19C00];
	_ =	sdelay $0x6  }
0x131: {  	v2 =	vld.idx.msk [tilespmem:v2+s30+$0x0], $0xffff  }
0x132: {  	s7 =	simm.s32 $0x10;
	v4 =	vld.idx.msk [tilespmem:v3+s4+$0x0], $0xffff  }
0x133: {  	s8 =	simm.s32 $0x80;
	v3 =	vld [tilespmem:s7+$0x1B500]  }
.LBB2_16:
0x134: {  	p1 =	sne.s32 s8, $0x31C0;
	v5 =	vld [tilespmem:s7+$0x19C00];
	_ =	sdelay $0x3  }
0x135: {  	v2 =	vmul.f32 v2, v4  }
.Ltmp7:
0x136: {  	(pc) =	sbr.rel @p1 .LBB2_16-.Ltmp7, $4  }
0x137: {  	[tilespmem:s6+$0x1CE00] =	vst v2;
	s6 =	smov.u32 s7  }
0x138: {  	v2 =	vld.idx.msk [tilespmem:v3+s30+$0x0], $0xffff  }
0x139: {  	s7 =	sshra.s32 s8, $0x2;
	v4 =	vld.idx.msk [tilespmem:v5+s4+$0x0], $0xffff  }
0x13a: {  	s8 =	sadd.s32 $0x40, s8;
	v3 =	vld [tilespmem:s7+$0x1B500]  }
0x13b: {  	_ = 	snop  }
0x13c: {  	v5 =	vld [tilespmem:s7+$0x19C00];
	_ =	sdelay $0x3  }
0x13d: {  	v2 =	vmul.f32 v2, v4;
	_ =	sdelay $0x1  }
0x13e: {  	[tilespmem:s6+$0x1CE00] =	vst v2  }
0x13f: {  	v2 =	vld.idx.msk [tilespmem:v3+s30+$0x0], $0xffff  }
0x140: {  	v3 =	vld.idx.msk [tilespmem:v5+s4+$0x0], $0xffff;
	_ =	sdelay $0x4  }
0x141: {  	v2 =	vmul.f32 v2, v3;
	_ =	sdelay $0x1  }
0x142: {  	s8 =	simm.s32 $0x1CE00;
	[tilespmem:s7+$0x1CE00] =	vst v2;
	s7 =	rddreg [dreg:$0x18]  }
0x143: {  	[hbm4b:s7+s0] =	stream.strided.scatter [tilespmem:s8], [sflag:$0x7], $0xC80, s5, s0, $0x38;
	[tilespmem:$0x1DA80] =	vst v63  }
0x144: {  	_ =	swait.ge [sflag:s23], $0xC80  }
0x145: {  	s6 =	simm.s32 $0x0;
	[sflag:s23] =	ssyncset.done $0x0  }
0x146: {  	s8 =	simm.s32 $0x19C00;
	s19 =	rddreg [dreg:$0x19];
	[sflag:s23] =	ssyncadd.s32 $0xFFFFF380  }
0x147: {  	[tilespmem:s8], [sflag:$0x2] =	stream.linear.gather [hbm4b:s19+s6], $0xC80, $0x38;
	[tilespmem:$0x1DA80] =	vst v63  }
0x148: {  	s22 =	simm.s32 $0x1B500;
	s20 =	rddreg [dreg:$0x1a]  }
0x149: {  	[tilespmem:s22], [sflag:$0x4] =	stream.linear.gather [hbm4b:s20+s6], $0xC80, $0x38;
	[tilespmem:$0x1DA80] =	vst v63  }
0x14a: {  	_ =	swait.ge [sflag:s31], $0xC80  }
0x14b: {  	[sflag:s31] =	ssyncset.done $0x0  }
0x14c: {  	[sflag:s31] =	ssyncadd.s32 $0xFFFFF380  }
0x14d: {  	_ =	swait.ge [sflag:s1], $0xC80  }
0x14e: {  	[sflag:s1] =	ssyncset.done $0x0  }
0x14f: {  	s6 =	simm.s32 $0x0;
	[sflag:s1] =	ssyncadd.s32 $0xFFFFF380  }
0x150: {  	v2 =	vld [tilespmem:s6+$0x1B500]  }
0x151: {  	v3 =	vld [tilespmem:s6+$0x19C00];
	_ =	sdelay $0x6  }
0x152: {  	v2 =	vld.idx.msk [tilespmem:v2+s30+$0x0], $0xffff  }
0x153: {  	s7 =	simm.s32 $0x10;
	v4 =	vld.idx.msk [tilespmem:v3+s4+$0x0], $0xffff  }
0x154: {  	s8 =	simm.s32 $0x80;
	v3 =	vld [tilespmem:s7+$0x1B500]  }
.LBB2_18:
0x155: {  	p1 =	sne.s32 s8, $0x31C0;
	v5 =	vld [tilespmem:s7+$0x19C00];
	_ =	sdelay $0x3  }
0x156: {  	v2 =	vmul.f32 v2, v4  }
.Ltmp8:
0x157: {  	(pc) =	sbr.rel @p1 .LBB2_18-.Ltmp8, $4  }
0x158: {  	[tilespmem:s6+$0x1CE00] =	vst v2;
	s6 =	smov.u32 s7  }
0x159: {  	v2 =	vld.idx.msk [tilespmem:v3+s30+$0x0], $0xffff  }
0x15a: {  	s7 =	sshra.s32 s8, $0x2;
	v4 =	vld.idx.msk [tilespmem:v5+s4+$0x0], $0xffff  }
0x15b: {  	s8 =	sadd.s32 $0x40, s8;
	v3 =	vld [tilespmem:s7+$0x1B500]  }
0x15c: {  	_ = 	snop  }
0x15d: {  	v5 =	vld [tilespmem:s7+$0x19C00];
	_ =	sdelay $0x3  }
0x15e: {  	v2 =	vmul.f32 v2, v4;
	_ =	sdelay $0x1  }
0x15f: {  	[tilespmem:s6+$0x1CE00] =	vst v2  }
0x160: {  	v2 =	vld.idx.msk [tilespmem:v3+s30+$0x0], $0xffff  }
0x161: {  	v3 =	vld.idx.msk [tilespmem:v5+s4+$0x0], $0xffff;
	_ =	sdelay $0x4  }
0x162: {  	v2 =	vmul.f32 v2, v3;
	_ =	sdelay $0x1  }
0x163: {  	s8 =	simm.s32 $0x1CE00;
	[tilespmem:s7+$0x1CE00] =	vst v2;
	s7 =	rddreg [dreg:$0x1b]  }
0x164: {  	[hbm4b:s7+s0] =	stream.strided.scatter [tilespmem:s8], [sflag:$0x7], $0xC80, s5, s0, $0x38;
	[tilespmem:$0x1DA80] =	vst v63  }
0x165: {  	_ =	swait.ge [sflag:s23], $0xC80  }
0x166: {  	s6 =	simm.s32 $0x0;
	[sflag:s23] =	ssyncset.done $0x0  }
0x167: {  	s8 =	simm.s32 $0x19C00;
	s19 =	rddreg [dreg:$0x1c];
	[sflag:s23] =	ssyncadd.s32 $0xFFFFF380  }
0x168: {  	[tilespmem:s8], [sflag:$0x2] =	stream.linear.gather [hbm4b:s19+s6], $0xC80, $0x38;
	[tilespmem:$0x1DA80] =	vst v63  }
0x169: {  	s22 =	simm.s32 $0x1B500;
	s20 =	rddreg [dreg:$0x1d]  }
0x16a: {  	[tilespmem:s22], [sflag:$0x4] =	stream.linear.gather [hbm4b:s20+s6], $0xC80, $0x38;
	[tilespmem:$0x1DA80] =	vst v63  }
0x16b: {  	_ =	swait.ge [sflag:s31], $0xC80  }
0x16c: {  	[sflag:s31] =	ssyncset.done $0x0  }
0x16d: {  	[sflag:s31] =	ssyncadd.s32 $0xFFFFF380  }
0x16e: {  	_ =	swait.ge [sflag:s1], $0xC80  }
0x16f: {  	[sflag:s1] =	ssyncset.done $0x0  }
0x170: {  	s6 =	simm.s32 $0x0;
	[sflag:s1] =	ssyncadd.s32 $0xFFFFF380  }
0x171: {  	v2 =	vld [tilespmem:s6+$0x1B500]  }
0x172: {  	v3 =	vld [tilespmem:s6+$0x19C00];
	_ =	sdelay $0x6  }
0x173: {  	v2 =	vld.idx.msk [tilespmem:v2+s30+$0x0], $0xffff  }
0x174: {  	s7 =	simm.s32 $0x10;
	v4 =	vld.idx.msk [tilespmem:v3+s4+$0x0], $0xffff  }
0x175: {  	s8 =	simm.s32 $0x80;
	v3 =	vld [tilespmem:s7+$0x1B500]  }
.LBB2_20:
0x176: {  	p1 =	sne.s32 s8, $0x31C0;
	v5 =	vld [tilespmem:s7+$0x19C00];
	_ =	sdelay $0x3  }
0x177: {  	v2 =	vmul.f32 v2, v4  }
.Ltmp9:
0x178: {  	(pc) =	sbr.rel @p1 .LBB2_20-.Ltmp9, $4  }
0x179: {  	[tilespmem:s6+$0x1CE00] =	vst v2;
	s6 =	smov.u32 s7  }
0x17a: {  	v2 =	vld.idx.msk [tilespmem:v3+s30+$0x0], $0xffff  }
0x17b: {  	s7 =	sshra.s32 s8, $0x2;
	v4 =	vld.idx.msk [tilespmem:v5+s4+$0x0], $0xffff  }
0x17c: {  	s8 =	sadd.s32 $0x40, s8;
	v3 =	vld [tilespmem:s7+$0x1B500]  }
0x17d: {  	_ = 	snop  }
0x17e: {  	v5 =	vld [tilespmem:s7+$0x19C00];
	_ =	sdelay $0x3  }
0x17f: {  	v2 =	vmul.f32 v2, v4;
	_ =	sdelay $0x1  }
0x180: {  	[tilespmem:s6+$0x1CE00] =	vst v2  }
0x181: {  	v2 =	vld.idx.msk [tilespmem:v3+s30+$0x0], $0xffff  }
0x182: {  	v3 =	vld.idx.msk [tilespmem:v5+s4+$0x0], $0xffff;
	_ =	sdelay $0x4  }
0x183: {  	v2 =	vmul.f32 v2, v3;
	_ =	sdelay $0x1  }
0x184: {  	s8 =	simm.s32 $0x1CE00;
	[tilespmem:s7+$0x1CE00] =	vst v2;
	s7 =	rddreg [dreg:$0x1e]  }
0x185: {  	[hbm4b:s7+s0] =	stream.strided.scatter [tilespmem:s8], [sflag:$0x7], $0xC80, s5, s0, $0x38;
	[tilespmem:$0x1DA80] =	vst v63  }
0x186: {  	_ =	swait.ge [sflag:s23], $0xC80  }
0x187: {  	s6 =	simm.s32 $0x0;
	[sflag:s23] =	ssyncset.done $0x0;
	s19 =	rddreg [dreg:$0x1f]  }
0x188: {  	s8 =	simm.s32 $0x19C00;
	s20 =	sld [smem:$0x7F1];
	[sflag:s23] =	ssyncadd.s32 $0xFFFFF380  }
0x189: {  	[tilespmem:s8], [sflag:$0x2] =	stream.linear.gather [hbm4b:s19+s6], $0xC80, $0x38;
	[tilespmem:$0x1DA80] =	vst v63  }
0x18a: {  	s22 =	simm.s32 $0x1B500  }
0x18b: {  	[tilespmem:s22], [sflag:$0x4] =	stream.linear.gather [hbm4b:s20+s6], $0xC80, $0x38;
	[tilespmem:$0x1DA80] =	vst v63  }
0x18c: {  	_ =	swait.ge [sflag:s31], $0xC80  }
0x18d: {  	[sflag:s31] =	ssyncset.done $0x0  }
0x18e: {  	[sflag:s31] =	ssyncadd.s32 $0xFFFFF380  }
0x18f: {  	_ =	swait.ge [sflag:s1], $0xC80  }
0x190: {  	[sflag:s1] =	ssyncset.done $0x0  }
0x191: {  	s6 =	simm.s32 $0x0;
	[sflag:s1] =	ssyncadd.s32 $0xFFFFF380  }
0x192: {  	v2 =	vld [tilespmem:s6+$0x1B500]  }
0x193: {  	v3 =	vld [tilespmem:s6+$0x19C00];
	_ =	sdelay $0x6  }
0x194: {  	v2 =	vld.idx.msk [tilespmem:v2+s30+$0x0], $0xffff  }
0x195: {  	s7 =	simm.s32 $0x10;
	v4 =	vld.idx.msk [tilespmem:v3+s4+$0x0], $0xffff  }
0x196: {  	s8 =	simm.s32 $0x80;
	v3 =	vld [tilespmem:s7+$0x1B500]  }
.LBB2_22:
0x197: {  	p1 =	sne.s32 s8, $0x31C0;
	v5 =	vld [tilespmem:s7+$0x19C00];
	_ =	sdelay $0x3  }
0x198: {  	v2 =	vmul.f32 v2, v4  }
.Ltmp10:
0x199: {  	(pc) =	sbr.rel @p1 .LBB2_22-.Ltmp10, $4  }
0x19a: {  	[tilespmem:s6+$0x1CE00] =	vst v2;
	s6 =	smov.u32 s7  }
0x19b: {  	v2 =	vld.idx.msk [tilespmem:v3+s30+$0x0], $0xffff  }
0x19c: {  	s7 =	sshra.s32 s8, $0x2;
	v4 =	vld.idx.msk [tilespmem:v5+s4+$0x0], $0xffff  }
0x19d: {  	s8 =	sadd.s32 $0x40, s8;
	v3 =	vld [tilespmem:s7+$0x1B500]  }
0x19e: {  	_ = 	snop  }
0x19f: {  	v5 =	vld [tilespmem:s7+$0x19C00];
	_ =	sdelay $0x3  }
0x1a0: {  	v2 =	vmul.f32 v2, v4;
	_ =	sdelay $0x1  }
0x1a1: {  	[tilespmem:s6+$0x1CE00] =	vst v2  }
0x1a2: {  	v2 =	vld.idx.msk [tilespmem:v3+s30+$0x0], $0xffff  }
0x1a3: {  	v3 =	vld.idx.msk [tilespmem:v5+s4+$0x0], $0xffff;
	_ =	sdelay $0x4  }
0x1a4: {  	v2 =	vmul.f32 v2, v3;
	_ =	sdelay $0x1  }
0x1a5: {  	[tilespmem:s7+$0x1CE00] =	vst v2;
	s7 =	sld [smem:$0x7F2];
	_ =	sdelay $0x1  }
0x1a6: {  	s8 =	simm.s32 $0x1CE00  }
0x1a7: {  	[hbm4b:s7+s0] =	stream.strided.scatter [tilespmem:s8], [sflag:$0x7], $0xC80, s5, s0, $0x38;
	[tilespmem:$0x1DA80] =	vst v63  }
0x1a8: {  	_ =	swait.ge [sflag:s23], $0xC80  }
0x1a9: {  	s19 =	sld [smem:$0x7F3]  }
0x1aa: {  	s6 =	simm.s32 $0x0;
	[sflag:s23] =	ssyncset.done $0x0  }
0x1ab: {  	s8 =	simm.s32 $0x19C00;
	s20 =	sld [smem:$0x7F4];
	[sflag:s23] =	ssyncadd.s32 $0xFFFFF380  }
0x1ac: {  	[tilespmem:s8], [sflag:$0x2] =	stream.linear.gather [hbm4b:s19+s6], $0xC80, $0x38;
	[tilespmem:$0x1DA80] =	vst v63  }
0x1ad: {  	s22 =	simm.s32 $0x1B500  }
0x1ae: {  	[tilespmem:s22], [sflag:$0x4] =	stream.linear.gather [hbm4b:s20+s6], $0xC80, $0x38;
	[tilespmem:$0x1DA80] =	vst v63  }
0x1af: {  	_ =	swait.ge [sflag:s31], $0xC80  }
0x1b0: {  	[sflag:s31] =	ssyncset.done $0x0  }
0x1b1: {  	[sflag:s31] =	ssyncadd.s32 $0xFFFFF380  }
0x1b2: {  	_ =	swait.ge [sflag:s1], $0xC80  }
0x1b3: {  	[sflag:s1] =	ssyncset.done $0x0  }
0x1b4: {  	s6 =	simm.s32 $0x0;
	[sflag:s1] =	ssyncadd.s32 $0xFFFFF380  }
0x1b5: {  	v2 =	vld [tilespmem:s6+$0x1B500]  }
0x1b6: {  	v3 =	vld [tilespmem:s6+$0x19C00];
	_ =	sdelay $0x6  }
0x1b7: {  	v2 =	vld.idx.msk [tilespmem:v2+s30+$0x0], $0xffff  }
0x1b8: {  	s7 =	simm.s32 $0x10;
	v4 =	vld.idx.msk [tilespmem:v3+s4+$0x0], $0xffff  }
0x1b9: {  	s8 =	simm.s32 $0x80;
	v3 =	vld [tilespmem:s7+$0x1B500]  }
.LBB2_24:
0x1ba: {  	p1 =	sne.s32 s8, $0x31C0;
	v5 =	vld [tilespmem:s7+$0x19C00];
	_ =	sdelay $0x3  }
0x1bb: {  	v2 =	vmul.f32 v2, v4  }
.Ltmp11:
0x1bc: {  	(pc) =	sbr.rel @p1 .LBB2_24-.Ltmp11, $4  }
0x1bd: {  	[tilespmem:s6+$0x1CE00] =	vst v2;
	s6 =	smov.u32 s7  }
0x1be: {  	v2 =	vld.idx.msk [tilespmem:v3+s30+$0x0], $0xffff  }
0x1bf: {  	s7 =	sshra.s32 s8, $0x2;
	v4 =	vld.idx.msk [tilespmem:v5+s4+$0x0], $0xffff  }
0x1c0: {  	s8 =	sadd.s32 $0x40, s8;
	v3 =	vld [tilespmem:s7+$0x1B500]  }
0x1c1: {  	_ = 	snop  }
0x1c2: {  	v5 =	vld [tilespmem:s7+$0x19C00];
	_ =	sdelay $0x3  }
0x1c3: {  	v2 =	vmul.f32 v2, v4;
	_ =	sdelay $0x1  }
0x1c4: {  	[tilespmem:s6+$0x1CE00] =	vst v2  }
0x1c5: {  	v2 =	vld.idx.msk [tilespmem:v3+s30+$0x0], $0xffff  }
0x1c6: {  	v3 =	vld.idx.msk [tilespmem:v5+s4+$0x0], $0xffff;
	_ =	sdelay $0x4  }
0x1c7: {  	v2 =	vmul.f32 v2, v3;
	_ =	sdelay $0x1  }
0x1c8: {  	[tilespmem:s7+$0x1CE00] =	vst v2;
	s7 =	sld [smem:$0x7F5];
	_ =	sdelay $0x1  }
0x1c9: {  	s8 =	simm.s32 $0x1CE00  }
0x1ca: {  	[hbm4b:s7+s0] =	stream.strided.scatter [tilespmem:s8], [sflag:$0x7], $0xC80, s5, s0, $0x38;
	[tilespmem:$0x1DA80] =	vst v63  }
0x1cb: {  	_ =	swait.ge [sflag:s23], $0xC80  }
0x1cc: {  	s19 =	sld [smem:$0x7F6]  }
0x1cd: {  	s6 =	simm.s32 $0x0;
	[sflag:s23] =	ssyncset.done $0x0  }
0x1ce: {  	s8 =	simm.s32 $0x19C00;
	s20 =	sld [smem:$0x7F7];
	[sflag:s23] =	ssyncadd.s32 $0xFFFFF380  }
0x1cf: {  	[tilespmem:s8], [sflag:$0x2] =	stream.linear.gather [hbm4b:s19+s6], $0xC80, $0x38;
	[tilespmem:$0x1DA80] =	vst v63  }
0x1d0: {  	s22 =	simm.s32 $0x1B500  }
0x1d1: {  	[tilespmem:s22], [sflag:$0x4] =	stream.linear.gather [hbm4b:s20+s6], $0xC80, $0x38;
	[tilespmem:$0x1DA80] =	vst v63  }
0x1d2: {  	_ =	swait.ge [sflag:s31], $0xC80  }
0x1d3: {  	[sflag:s31] =	ssyncset.done $0x0  }
0x1d4: {  	[sflag:s31] =	ssyncadd.s32 $0xFFFFF380  }
0x1d5: {  	_ =	swait.ge [sflag:s1], $0xC80  }
0x1d6: {  	[sflag:s1] =	ssyncset.done $0x0  }
0x1d7: {  	s6 =	simm.s32 $0x0;
	[sflag:s1] =	ssyncadd.s32 $0xFFFFF380  }
0x1d8: {  	v2 =	vld [tilespmem:s6+$0x1B500]  }
0x1d9: {  	v3 =	vld [tilespmem:s6+$0x19C00];
	_ =	sdelay $0x6  }
0x1da: {  	v2 =	vld.idx.msk [tilespmem:v2+s30+$0x0], $0xffff  }
0x1db: {  	s7 =	simm.s32 $0x10;
	v4 =	vld.idx.msk [tilespmem:v3+s4+$0x0], $0xffff  }
0x1dc: {  	s8 =	simm.s32 $0x80;
	v3 =	vld [tilespmem:s7+$0x1B500]  }
.LBB2_26:
0x1dd: {  	p1 =	sne.s32 s8, $0x31C0;
	v5 =	vld [tilespmem:s7+$0x19C00];
	_ =	sdelay $0x3  }
0x1de: {  	v2 =	vmul.f32 v2, v4  }
.Ltmp12:
0x1df: {  	(pc) =	sbr.rel @p1 .LBB2_26-.Ltmp12, $4  }
0x1e0: {  	[tilespmem:s6+$0x1CE00] =	vst v2;
	s6 =	smov.u32 s7  }
0x1e1: {  	v2 =	vld.idx.msk [tilespmem:v3+s30+$0x0], $0xffff  }
0x1e2: {  	s7 =	sshra.s32 s8, $0x2;
	v4 =	vld.idx.msk [tilespmem:v5+s4+$0x0], $0xffff  }
0x1e3: {  	s8 =	sadd.s32 $0x40, s8;
	v3 =	vld [tilespmem:s7+$0x1B500]  }
0x1e4: {  	_ = 	snop  }
0x1e5: {  	v5 =	vld [tilespmem:s7+$0x19C00];
	_ =	sdelay $0x3  }
0x1e6: {  	v2 =	vmul.f32 v2, v4;
	_ =	sdelay $0x1  }
0x1e7: {  	[tilespmem:s6+$0x1CE00] =	vst v2  }
0x1e8: {  	v2 =	vld.idx.msk [tilespmem:v3+s30+$0x0], $0xffff  }
0x1e9: {  	v3 =	vld.idx.msk [tilespmem:v5+s4+$0x0], $0xffff;
	_ =	sdelay $0x4  }
0x1ea: {  	s20 =	sld [smem:$0x7F8];
	v2 =	vmul.f32 v2, v3;
	_ =	sdelay $0x1  }
.Ltmp13:
0x1eb: {  	s22 =	simm.s32 $0x1CE00;
	[tilespmem:s7+$0x1CE00] =	vst v2;
	(pc) =	sbr.rel @p0 .LBB2_31-.Ltmp13, $4  }
0x1ec: {  	[hbm4b:s20+s0] =	stream.strided.scatter [tilespmem:s22], [sflag:$0x7], $0xC80, s5, s0, $0x38;
	[tilespmem:$0x1DA80] =	vst v63  }
0x1ed: {  	_ =	swait.ge [sflag:s23], $0xC80  }
0x1ee: {  	[sflag:s23] =	ssyncset.done $0x0  }
0x1ef: {  	[sflag:s23] =	ssyncadd.s32 $0xFFFFF380  }
0x1f0: {  	s7 =	sld [smem:$0x7F9];
	_ =	sdelay $0x1  }
0x1f1: {  	s6 =	simm.s32 $0x0;
	s8 =	simm.s32 $0x19C00;
	s20 =	sld [smem:$0x7FA]  }
0x1f2: {  	[tilespmem:s8], [sflag:$0x2] =	stream.linear.gather [hbm4b:s7+s6], $0xC80, $0x38;
	[tilespmem:$0x1DA80] =	vst v63  }
0x1f3: {  	s22 =	simm.s32 $0x1B500  }
0x1f4: {  	[tilespmem:s22], [sflag:$0x4] =	stream.linear.gather [hbm4b:s20+s6], $0xC80, $0x38;
	[tilespmem:$0x1DA80] =	vst v63  }
0x1f5: {  	_ =	swait.ge [sflag:s31], $0xC80  }
0x1f6: {  	[sflag:s31] =	ssyncset.done $0x0  }
0x1f7: {  	[sflag:s31] =	ssyncadd.s32 $0xFFFFF380  }
0x1f8: {  	_ =	swait.ge [sflag:s1], $0xC80  }
0x1f9: {  	[sflag:s1] =	ssyncset.done $0x0  }
0x1fa: {  	s6 =	simm.s32 $0x0;
	[sflag:s1] =	ssyncadd.s32 $0xFFFFF380  }
0x1fb: {  	v2 =	vld [tilespmem:s6+$0x1B500]  }
0x1fc: {  	v3 =	vld [tilespmem:s6+$0x19C00];
	_ =	sdelay $0x6  }
0x1fd: {  	v2 =	vld.idx.msk [tilespmem:v2+s30+$0x0], $0xffff  }
0x1fe: {  	s7 =	simm.s32 $0x10;
	v4 =	vld.idx.msk [tilespmem:v3+s4+$0x0], $0xffff  }
0x1ff: {  	s8 =	simm.s32 $0x80;
	v3 =	vld [tilespmem:s7+$0x1B500]  }
.LBB2_29:
0x200: {  	p1 =	sne.s32 s8, $0x31C0;
	v5 =	vld [tilespmem:s7+$0x19C00];
	_ =	sdelay $0x3  }
0x201: {  	v2 =	vmul.f32 v2, v4  }
.Ltmp14:
0x202: {  	(pc) =	sbr.rel @p1 .LBB2_29-.Ltmp14, $4  }
0x203: {  	[tilespmem:s6+$0x1CE00] =	vst v2;
	s6 =	smov.u32 s7  }
0x204: {  	v2 =	vld.idx.msk [tilespmem:v3+s30+$0x0], $0xffff  }
0x205: {  	s7 =	sshra.s32 s8, $0x2;
	v4 =	vld.idx.msk [tilespmem:v5+s4+$0x0], $0xffff  }
0x206: {  	s8 =	sadd.s32 $0x40, s8;
	v3 =	vld [tilespmem:s7+$0x1B500]  }
0x207: {  	_ = 	snop  }
0x208: {  	v5 =	vld [tilespmem:s7+$0x19C00];
	_ =	sdelay $0x3  }
0x209: {  	v2 =	vmul.f32 v2, v4;
	_ =	sdelay $0x1  }
0x20a: {  	[tilespmem:s6+$0x1CE00] =	vst v2  }
0x20b: {  	v2 =	vld.idx.msk [tilespmem:v3+s30+$0x0], $0xffff  }
0x20c: {  	v3 =	vld.idx.msk [tilespmem:v5+s4+$0x0], $0xffff;
	_ =	sdelay $0x4  }
0x20d: {  	s20 =	sld [smem:$0x7FB];
	v2 =	vmul.f32 v2, v3;
	_ =	sdelay $0x1  }
0x20e: {  	s22 =	simm.s32 $0x1CE00;
	[tilespmem:s7+$0x1CE00] =	vst v2  }
0x20f: {  	[hbm4b:s20+s0] =	stream.strided.scatter [tilespmem:s22], [sflag:$0x7], $0xC80, s5, s0, $0x38;
	[tilespmem:$0x1DA80] =	vst v63  }
0x210: {  	_ =	swait.ge [sflag:s23], $0xC80  }
0x211: {  	[sflag:s23] =	ssyncset.done $0x0  }
0x212: {  	[sflag:s23] =	ssyncadd.s32 $0xFFFFF380  }
.LBB2_31:
0x213: {  	[bflag:$0x0] =	sbarrier.arrive $0xFFFF  }
0x214: {  	s6 =	sld [smem:$0x7FC];
	_ =	sdelay $0x1  }
0x215: {  	s7 =	simm.s32 $0x1C180  }
0x216: {  	[tilespmem:s7], [sflag:$0x5] =	stream.strided.gather [hbm4b:s6+s0], $0xC80, s5, s0, $0x38;
	[tilespmem:$0x1DA80] =	vst v63  }
0x217: {  	s22 =	rddreg [dreg:$0x4]  }
0x218: {  	[tilespmem:s9], [sflag:$0x7] =	stream.strided.gather [hbm4b:s22+s0], $0x2780, s5, s0, $0x38;
	[tilespmem:$0x1DA80] =	vst v63  }
0x219: {  	_ =	swait.ge [sflag:s23], $0x2780  }
0x21a: {  	s8 =	simm.s32 $0x0;
	[sflag:s23] =	ssyncset.done $0x0  }
0x21b: {  	s6 =	simm.s32 $0x0;
	s7 =	simm.s32 $0x40;
	[sflag:s23] =	ssyncadd.s32 $0xFFFFD880  }
.LBB2_32:
0x21c: {  	p1 =	sne.s32 s7, $0x9C00;
	[tilespmem:s8+$0xA000] =	vst v0;
	s8 =	smov.u32 s7;
	s7 =	sadd.s32 $0x40, s7  }
.Ltmp15:
0x21d: {  	(pc) =	sbr.rel @p1 .LBB2_32-.Ltmp15, $2  }
0x21e: {  	_ =	sdelay $0x2  }
0x21f: {  	s8 =	sshra.s32 s8, $0x2  }
0x220: {  	[tilespmem:s8+$0xA000] =	vst v0  }
.LBB2_34:
0x221: {  	p1 =	sne.s32 s6, $0x9C00  }
.Ltmp16:
0x222: {  	_ = 	snop;
	(pc) =	sbr.rel @p1 .LBB2_34-.Ltmp16, $3  }
0x223: {  	_ =	sdelay $0x1  }
0x224: {  	s7 =	sshra.s32 s6, $0x2  }
0x225: {  	s6 =	sadd.s32 $0x40, s6;
	[tilespmem:s7+$0xF000] =	vst v0  }
0x226: {  	s6 =	simm.s32 $0x40;
	s7 =	simm.s32 $0x0  }
.LBB2_36:
0x227: {  	p1 =	sne.s32 s6, $0x9C00;
	[tilespmem:s7+$0x14000] =	vst v0;
	s7 =	smov.u32 s6;
	s6 =	sadd.s32 $0x40, s6  }
.Ltmp17:
0x228: {  	(pc) =	sbr.rel @p1 .LBB2_36-.Ltmp17, $2  }
0x229: {  	_ =	sdelay $0x2  }
0x22a: {  	s7 =	sshra.s32 s7, $0x2  }
0x22b: {  	[tilespmem:s7+$0x14000] =	vst v0;
	s6 =	rddreg [dreg:$0x5]  }
0x22c: {  	[tilespmem:s10], [sflag:$0x7] =	stream.strided.gather [hbm4b:s6+s0], $0x2780, s5, s0, $0x38;
	[tilespmem:$0x1DA80] =	vst v63  }
0x22d: {  	_ =	swait.ge [sflag:s23], $0x2780  }
0x22e: {  	[sflag:s23] =	ssyncset.done $0x0  }
0x22f: {  	s7 =	simm.s32 $0x0;
	s6 =	simm.s32 $0x40;
	[sflag:s23] =	ssyncadd.s32 $0xFFFFD880  }
.LBB2_38:
0x230: {  	p1 =	sne.s32 s6, $0x9C00;
	[tilespmem:s7+$0xC800] =	vst v0;
	s7 =	smov.u32 s6;
	s6 =	sadd.s32 $0x40, s6  }
.Ltmp18:
0x231: {  	(pc) =	sbr.rel @p1 .LBB2_38-.Ltmp18, $2  }
0x232: {  	_ =	sdelay $0x2  }
0x233: {  	s7 =	sshra.s32 s7, $0x2  }
0x234: {  	[tilespmem:s7+$0xC800] =	vst v0;
	s6 =	simm.s32 $0x40;
	s7 =	simm.s32 $0x0  }
.LBB2_40:
0x235: {  	p1 =	sne.s32 s6, $0x9C00;
	[tilespmem:s7+$0x11800] =	vst v0;
	s7 =	smov.u32 s6;
	s6 =	sadd.s32 $0x40, s6  }
.Ltmp19:
0x236: {  	(pc) =	sbr.rel @p1 .LBB2_40-.Ltmp19, $2  }
0x237: {  	_ =	sdelay $0x2  }
0x238: {  	s7 =	sshra.s32 s7, $0x2  }
0x239: {  	[tilespmem:s7+$0x11800] =	vst v0;
	s8 =	simm.s32 $0x0;
	s6 =	simm.s32 $0x40;
	s7 =	simm.s32 $0x0  }
.LBB2_42:
0x23a: {  	p1 =	sne.s32 s6, $0x9C00;
	[tilespmem:s7+$0x16800] =	vst v0;
	s7 =	smov.u32 s6;
	s6 =	sadd.s32 $0x40, s6  }
.Ltmp20:
0x23b: {  	(pc) =	sbr.rel @p1 .LBB2_42-.Ltmp20, $2  }
0x23c: {  	_ =	sdelay $0x2  }
0x23d: {  	s7 =	sshra.s32 s7, $0x2  }
0x23e: {  	[tilespmem:s7+$0x16800] =	vst v0  }
.LBB2_44:
0x23f: {  	s7 =	sshll.u32 s8, $0x1  }
0x240: {  	s6 =	sadd.s32 s7, s25  }
0x241: {  	s19 =	smulhi.u32 $0x51EB851F, s6;
	_ =	sdelay $0x1  }
0x242: {  	s19 =	sshrl.u32 s19, $0x5  }
0x243: {  	s19 =	smul.u32 $0x64, s19;
	_ =	sdelay $0x1  }
0x244: {  	s19 =	ssub.s32 s6, s19  }
0x245: {  	s20 =	smul.u32 $0x190, s19  }
0x246: {  	s19 =	smul.u32 $0x1900, s19  }
0x247: {  	s23 =	simm.s32 $0x19C00  }
0x248: {  	s6 =	simm.s32 $0x0;
	s22 =	sadd.s32 s21, s20;
	s19 =	sor.u32 s24, s19  }
0x249: {  	[tilespmem:s23], [sflag:$0x2] =	stream.linear.gather [hbm4b:s22+s6], $0xC80, $0x38;
	[tilespmem:$0x1DA80] =	vst v63  }
0x24a: {  	s20 =	sadd.s32 s2, s20;
	s23 =	simm.s32 $0x1B500;
	s19 =	sshrl.u32 s19, $0x3  }
0x24b: {  	[tilespmem:s23], [sflag:$0x4] =	stream.linear.gather [hbm4b:s20+s6], $0xC80, $0x38;
	[tilespmem:$0x1DA80] =	vst v63  }
0x24c: {  	s19 =	sadd.s32 s3, s19;
	s23 =	simm.s32 $0x1CE00  }
0x24d: {  	[tilespmem:s23], [sflag:$0x6] =	stream.strided.gather [hbm4b:s19+s0], $0xC80, s5, s0, $0x38;
	[tilespmem:$0x1DA80] =	vst v63  }
0x24e: {  	_ =	swait.ge [sflag:s28], $0xC80  }
0x24f: {  	[sflag:s28] =	ssyncset.done $0x0  }
0x250: {  	[sflag:s28] =	ssyncadd.s32 $0xFFFFF380  }
0x251: {  	_ =	swait.ge [sflag:s29], $0xC80  }
0x252: {  	[sflag:s29] =	ssyncset.done $0x0  }
0x253: {  	[sflag:s29] =	ssyncadd.s32 $0xFFFFF380  }
0x254: {  	_ =	swait.ge [sflag:s11], $0xC80  }
0x255: {  	[sflag:s11] =	ssyncset.done $0x0  }
0x256: {  	[sflag:s11] =	ssyncadd.s32 $0xFFFFF380  }
.LBB2_45:
0x257: {  	s19 =	sshra.s32 s6, $0x2  }
0x258: {  	v2 =	vld [tilespmem:s19+$0x1A880];
	_ =	sdelay $0x1  }
0x259: {  	v3 =	vld [tilespmem:s19+$0x18F80];
	_ =	sdelay $0x4  }
0x25a: {  	v4 =	vld [tilespmem:s19+$0x1C180]  }
0x25b: {  	v5 =	vld.idx.msk [tilespmem:v2+s9+$0x0], $0xffff  }
0x25c: {  	v6 =	vld.idx.msk [tilespmem:v2+s10+$0x0], $0xffff  }
0x25d: {  	v7 =	vld.idx.msk [tilespmem:v3+s9+$0x0], $0xffff  }
0x25e: {  	v8 =	vld.idx.msk [tilespmem:v3+s10+$0x0], $0xffff;
	_ =	sdelay $0x1  }
0x25f: {  	v9 =	vand.u32 $0xFFFF0000, v5  }
0x260: {  	v10 =	vand.u32 $0xFFFF0000, v6;
	v9 =	vmul.f32 v9, v4  }
0x261: {  	v11 =	vand.u32 $0xFFFF0000, v7;
	v10 =	vmul.f32 v10, v4  }
0x262: {  	v12 =	vmul.f32 $5.000000000e-01, v4;
	v13 =	vand.u32 $0xFFFF0000, v8;
	v24 =	vmul.f32 v11, v4;
	[tilespmem:v3+s12+$0x0] =	vst.idx.add.f32.msk $0xffff, v9  }
0x263: {  	v5 =	vshll.u32 v5, $0x10;
	v4 =	vmul.f32 v13, v4;
	[tilespmem:v3+s13+$0x0] =	vst.idx.add.f32.msk $0xffff, v10  }
0x264: {  	v6 =	vshll.u32 v6, $0x10;
	v5 =	vmul.f32 v5, v12;
	[tilespmem:v2+s14+$0x0] =	vst.idx.add.f32.msk $0xffff, v24  }
0x265: {  	v7 =	vshll.u32 v7, $0x10;
	v25 =	vmul.f32 v6, v12;
	[tilespmem:v2+s15+$0x0] =	vst.idx.add.f32.msk $0xffff, v4  }
0x266: {  	v26 =	vshll.u32 v8, $0x10;
	v27 =	vmul.f32 v7, v12;
	[tilespmem:v3+s16+$0x0] =	vst.idx.add.f32.msk $0xffff, v5  }
0x267: {  	[tilespmem:v3+s17+$0x0] =	vst.idx.add.f32.msk $0xffff, v25;
	v3 =	vmul.f32 v26, v12  }
0x268: {  	[tilespmem:v2+s16+$0x0] =	vst.idx.add.f32.msk $0xffff, v27  }
0x269: {  	[tilespmem:v2+s17+$0x0] =	vst.idx.add.f32.msk $0xffff, v3  }
0x26a: {  	v2 =	vld [tilespmem:s19+$0x1A890];
	_ =	sdelay $0x1  }
0x26b: {  	v3 =	vld [tilespmem:s19+$0x18F90];
	_ =	sdelay $0x4  }
0x26c: {  	v4 =	vld [tilespmem:s19+$0x1C190]  }
0x26d: {  	v5 =	vld.idx.msk [tilespmem:v2+s9+$0x0], $0xffff  }
0x26e: {  	v28 =	vld.idx.msk [tilespmem:v2+s10+$0x0], $0xffff  }
0x26f: {  	v29 =	vld.idx.msk [tilespmem:v3+s9+$0x0], $0xffff  }
0x270: {  	v30 =	vld.idx.msk [tilespmem:v3+s10+$0x0], $0xffff;
	_ =	sdelay $0x1  }
0x271: {  	v31 =	vand.u32 $0xFFFF0000, v5  }
0x272: {  	v32 =	vand.u32 $0xFFFF0000, v28;
	v9 =	vmul.f32 v31, v4  }
0x273: {  	v33 =	vand.u32 $0xFFFF0000, v29;
	v10 =	vmul.f32 v32, v4  }
0x274: {  	v34 =	vmul.f32 $5.000000000e-01, v4;
	v35 =	vand.u32 $0xFFFF0000, v30;
	v36 =	vmul.f32 v33, v4;
	[tilespmem:v3+s12+$0x0] =	vst.idx.add.f32.msk $0xffff, v9  }
0x275: {  	v5 =	vshll.u32 v5, $0x10;
	v4 =	vmul.f32 v35, v4;
	[tilespmem:v3+s13+$0x0] =	vst.idx.add.f32.msk $0xffff, v10  }
0x276: {  	v6 =	vshll.u32 v28, $0x10;
	v5 =	vmul.f32 v5, v34;
	[tilespmem:v2+s14+$0x0] =	vst.idx.add.f32.msk $0xffff, v36  }
0x277: {  	v7 =	vshll.u32 v29, $0x10;
	v37 =	vmul.f32 v6, v34;
	[tilespmem:v2+s15+$0x0] =	vst.idx.add.f32.msk $0xffff, v4  }
0x278: {  	v38 =	vshll.u32 v30, $0x10;
	v39 =	vmul.f32 v7, v34;
	[tilespmem:v3+s16+$0x0] =	vst.idx.add.f32.msk $0xffff, v5  }
0x279: {  	[tilespmem:v3+s17+$0x0] =	vst.idx.add.f32.msk $0xffff, v37;
	v3 =	vmul.f32 v38, v34  }
0x27a: {  	[tilespmem:v2+s16+$0x0] =	vst.idx.add.f32.msk $0xffff, v39  }
0x27b: {  	[tilespmem:v2+s17+$0x0] =	vst.idx.add.f32.msk $0xffff, v3  }
0x27c: {  	v2 =	vld [tilespmem:s19+$0x1A8A0];
	_ =	sdelay $0x1  }
0x27d: {  	v3 =	vld [tilespmem:s19+$0x18FA0];
	_ =	sdelay $0x4  }
0x27e: {  	v4 =	vld [tilespmem:s19+$0x1C1A0]  }
0x27f: {  	v5 =	vld.idx.msk [tilespmem:v2+s9+$0x0], $0xffff  }
0x280: {  	v40 =	vld.idx.msk [tilespmem:v2+s10+$0x0], $0xffff  }
0x281: {  	v41 =	vld.idx.msk [tilespmem:v3+s9+$0x0], $0xffff  }
0x282: {  	v42 =	vld.idx.msk [tilespmem:v3+s10+$0x0], $0xffff;
	_ =	sdelay $0x1  }
0x283: {  	v43 =	vand.u32 $0xFFFF0000, v5  }
0x284: {  	v44 =	vand.u32 $0xFFFF0000, v40;
	v9 =	vmul.f32 v43, v4  }
0x285: {  	v45 =	vand.u32 $0xFFFF0000, v41;
	v10 =	vmul.f32 v44, v4  }
0x286: {  	v46 =	vmul.f32 $5.000000000e-01, v4;
	v47 =	vand.u32 $0xFFFF0000, v42;
	v48 =	vmul.f32 v45, v4;
	[tilespmem:v3+s12+$0x0] =	vst.idx.add.f32.msk $0xffff, v9  }
0x287: {  	v5 =	vshll.u32 v5, $0x10;
	v4 =	vmul.f32 v47, v4;
	[tilespmem:v3+s13+$0x0] =	vst.idx.add.f32.msk $0xffff, v10  }
0x288: {  	v6 =	vshll.u32 v40, $0x10;
	v5 =	vmul.f32 v5, v46;
	[tilespmem:v2+s14+$0x0] =	vst.idx.add.f32.msk $0xffff, v48  }
0x289: {  	v7 =	vshll.u32 v41, $0x10;
	v49 =	vmul.f32 v6, v46;
	[tilespmem:v2+s15+$0x0] =	vst.idx.add.f32.msk $0xffff, v4  }
0x28a: {  	v50 =	vshll.u32 v42, $0x10;
	v51 =	vmul.f32 v7, v46;
	[tilespmem:v3+s16+$0x0] =	vst.idx.add.f32.msk $0xffff, v5  }
0x28b: {  	[tilespmem:v3+s17+$0x0] =	vst.idx.add.f32.msk $0xffff, v49;
	v3 =	vmul.f32 v50, v46  }
0x28c: {  	[tilespmem:v2+s16+$0x0] =	vst.idx.add.f32.msk $0xffff, v51  }
0x28d: {  	[tilespmem:v2+s17+$0x0] =	vst.idx.add.f32.msk $0xffff, v3  }
0x28e: {  	v2 =	vld [tilespmem:s19+$0x1A8B0];
	_ =	sdelay $0x1  }
0x28f: {  	v3 =	vld [tilespmem:s19+$0x18FB0];
	_ =	sdelay $0x4  }
0x290: {  	v4 =	vld [tilespmem:s19+$0x1C1B0]  }
0x291: {  	v5 =	vld.idx.msk [tilespmem:v2+s9+$0x0], $0xffff  }
0x292: {  	v52 =	vld.idx.msk [tilespmem:v2+s10+$0x0], $0xffff  }
0x293: {  	v53 =	vld.idx.msk [tilespmem:v3+s9+$0x0], $0xffff  }
0x294: {  	v54 =	vld.idx.msk [tilespmem:v3+s10+$0x0], $0xffff;
	_ =	sdelay $0x1  }
0x295: {  	v55 =	vand.u32 $0xFFFF0000, v5  }
0x296: {  	v56 =	vand.u32 $0xFFFF0000, v52;
	v9 =	vmul.f32 v55, v4  }
0x297: {  	v57 =	vand.u32 $0xFFFF0000, v53;
	v10 =	vmul.f32 v56, v4  }
0x298: {  	v58 =	vmul.f32 $5.000000000e-01, v4;
	v59 =	vand.u32 $0xFFFF0000, v54;
	v60 =	vmul.f32 v57, v4;
	[tilespmem:v3+s12+$0x0] =	vst.idx.add.f32.msk $0xffff, v9  }
0x299: {  	v5 =	vshll.u32 v5, $0x10;
	v4 =	vmul.f32 v59, v4;
	[tilespmem:v3+s13+$0x0] =	vst.idx.add.f32.msk $0xffff, v10  }
0x29a: {  	p1 =	sne.s32 s6, $0x3100;
	v6 =	vshll.u32 v52, $0x10;
	v5 =	vmul.f32 v5, v58;
	[tilespmem:v2+s14+$0x0] =	vst.idx.add.f32.msk $0xffff, v60  }
.Ltmp21:
0x29b: {  	v7 =	vshll.u32 v53, $0x10;
	v61 =	vmul.f32 v6, v58;
	[tilespmem:v2+s15+$0x0] =	vst.idx.add.f32.msk $0xffff, v4;
	(pc) =	sbr.rel @p1 .LBB2_45-.Ltmp21, $4  }
0x29c: {  	v62 =	vshll.u32 v54, $0x10;
	v63 =	vmul.f32 v7, v58;
	[tilespmem:v3+s16+$0x0] =	vst.idx.add.f32.msk $0xffff, v5  }
0x29d: {  	[tilespmem:v3+s17+$0x0] =	vst.idx.add.f32.msk $0xffff, v61;
	v3 =	vmul.f32 v62, v58  }
0x29e: {  	[tilespmem:v2+s16+$0x0] =	vst.idx.add.f32.msk $0xffff, v63  }
0x29f: {  	s6 =	sadd.s32 $0x100, s6;
	[tilespmem:v2+s17+$0x0] =	vst.idx.add.f32.msk $0xffff, v3  }
0x2a0: {  	s6 =	sadd.s32 s7, s26  }
0x2a1: {  	s7 =	smulhi.u32 $0x51EB851F, s6;
	_ =	sdelay $0x1  }
0x2a2: {  	s7 =	sshrl.u32 s7, $0x5  }
0x2a3: {  	s7 =	smul.u32 $0x64, s7;
	_ =	sdelay $0x1  }
0x2a4: {  	s7 =	ssub.s32 s6, s7  }
0x2a5: {  	s19 =	smul.u32 $0x190, s7  }
0x2a6: {  	s7 =	smul.u32 $0x1900, s7  }
0x2a7: {  	s22 =	simm.s32 $0x18F80  }
0x2a8: {  	s6 =	simm.s32 $0x0;
	s20 =	sadd.s32 s21, s19;
	s7 =	sor.u32 s24, s7  }
0x2a9: {  	[tilespmem:s22], [sflag:$0x1] =	stream.linear.gather [hbm4b:s20+s6], $0xC80, $0x38;
	[tilespmem:$0x1DA80] =	vst v63  }
0x2aa: {  	s19 =	sadd.s32 s2, s19;
	s22 =	simm.s32 $0x1A880;
	s7 =	sshrl.u32 s7, $0x3  }
0x2ab: {  	[tilespmem:s22], [sflag:$0x3] =	stream.linear.gather [hbm4b:s19+s6], $0xC80, $0x38;
	[tilespmem:$0x1DA80] =	vst v63  }
0x2ac: {  	s23 =	simm.s32 $0x1C180;
	s7 =	sadd.s32 s3, s7  }
0x2ad: {  	[tilespmem:s23], [sflag:$0x5] =	stream.strided.gather [hbm4b:s7+s0], $0xC80, s5, s0, $0x38;
	[tilespmem:$0x1DA80] =	vst v63  }
0x2ae: {  	_ =	swait.ge [sflag:s31], $0xC80  }
0x2af: {  	[sflag:s31] =	ssyncset.done $0x0  }
0x2b0: {  	[sflag:s31] =	ssyncadd.s32 $0xFFFFF380  }
0x2b1: {  	_ =	swait.ge [sflag:s1], $0xC80  }
0x2b2: {  	[sflag:s1] =	ssyncset.done $0x0  }
0x2b3: {  	[sflag:s1] =	ssyncadd.s32 $0xFFFFF380  }
0x2b4: {  	_ =	swait.ge [sflag:s18], $0xC80  }
0x2b5: {  	[sflag:s18] =	ssyncset.done $0x0  }
0x2b6: {  	[sflag:s18] =	ssyncadd.s32 $0xFFFFF380  }
.LBB2_47:
0x2b7: {  	s7 =	sshra.s32 s6, $0x2  }
0x2b8: {  	v2 =	vld [tilespmem:s7+$0x1B500];
	_ =	sdelay $0x1  }
0x2b9: {  	v3 =	vld [tilespmem:s7+$0x19C00];
	_ =	sdelay $0x4  }
0x2ba: {  	v4 =	vld [tilespmem:s7+$0x1CE00]  }
0x2bb: {  	v5 =	vld.idx.msk [tilespmem:v2+s9+$0x0], $0xffff  }
0x2bc: {  	v6 =	vld.idx.msk [tilespmem:v2+s10+$0x0], $0xffff  }
0x2bd: {  	v7 =	vld.idx.msk [tilespmem:v3+s9+$0x0], $0xffff  }
0x2be: {  	v8 =	vld.idx.msk [tilespmem:v3+s10+$0x0], $0xffff;
	_ =	sdelay $0x1  }
0x2bf: {  	v9 =	vand.u32 $0xFFFF0000, v5  }
0x2c0: {  	v10 =	vand.u32 $0xFFFF0000, v6;
	v9 =	vmul.f32 v9, v4  }
0x2c1: {  	v11 =	vand.u32 $0xFFFF0000, v7;
	v10 =	vmul.f32 v10, v4  }
0x2c2: {  	v12 =	vmul.f32 $5.000000000e-01, v4;
	v13 =	vand.u32 $0xFFFF0000, v8;
	v24 =	vmul.f32 v11, v4;
	[tilespmem:v3+s12+$0x0] =	vst.idx.add.f32.msk $0xffff, v9  }
0x2c3: {  	v5 =	vshll.u32 v5, $0x10;
	v4 =	vmul.f32 v13, v4;
	[tilespmem:v3+s13+$0x0] =	vst.idx.add.f32.msk $0xffff, v10  }
0x2c4: {  	v6 =	vshll.u32 v6, $0x10;
	v5 =	vmul.f32 v5, v12;
	[tilespmem:v2+s14+$0x0] =	vst.idx.add.f32.msk $0xffff, v24  }
0x2c5: {  	v7 =	vshll.u32 v7, $0x10;
	v25 =	vmul.f32 v6, v12;
	[tilespmem:v2+s15+$0x0] =	vst.idx.add.f32.msk $0xffff, v4  }
0x2c6: {  	v26 =	vshll.u32 v8, $0x10;
	v27 =	vmul.f32 v7, v12;
	[tilespmem:v3+s16+$0x0] =	vst.idx.add.f32.msk $0xffff, v5  }
0x2c7: {  	[tilespmem:v3+s17+$0x0] =	vst.idx.add.f32.msk $0xffff, v25;
	v3 =	vmul.f32 v26, v12  }
0x2c8: {  	[tilespmem:v2+s16+$0x0] =	vst.idx.add.f32.msk $0xffff, v27  }
0x2c9: {  	[tilespmem:v2+s17+$0x0] =	vst.idx.add.f32.msk $0xffff, v3  }
0x2ca: {  	v2 =	vld [tilespmem:s7+$0x1B510];
	_ =	sdelay $0x1  }
0x2cb: {  	v3 =	vld [tilespmem:s7+$0x19C10];
	_ =	sdelay $0x4  }
0x2cc: {  	v4 =	vld [tilespmem:s7+$0x1CE10]  }
0x2cd: {  	v5 =	vld.idx.msk [tilespmem:v2+s9+$0x0], $0xffff  }
0x2ce: {  	v28 =	vld.idx.msk [tilespmem:v2+s10+$0x0], $0xffff  }
0x2cf: {  	v29 =	vld.idx.msk [tilespmem:v3+s9+$0x0], $0xffff  }
0x2d0: {  	v30 =	vld.idx.msk [tilespmem:v3+s10+$0x0], $0xffff;
	_ =	sdelay $0x1  }
0x2d1: {  	v31 =	vand.u32 $0xFFFF0000, v5  }
0x2d2: {  	v32 =	vand.u32 $0xFFFF0000, v28;
	v9 =	vmul.f32 v31, v4  }
0x2d3: {  	v33 =	vand.u32 $0xFFFF0000, v29;
	v10 =	vmul.f32 v32, v4  }
0x2d4: {  	v34 =	vmul.f32 $5.000000000e-01, v4;
	v35 =	vand.u32 $0xFFFF0000, v30;
	v36 =	vmul.f32 v33, v4;
	[tilespmem:v3+s12+$0x0] =	vst.idx.add.f32.msk $0xffff, v9  }
0x2d5: {  	v5 =	vshll.u32 v5, $0x10;
	v4 =	vmul.f32 v35, v4;
	[tilespmem:v3+s13+$0x0] =	vst.idx.add.f32.msk $0xffff, v10  }
0x2d6: {  	v6 =	vshll.u32 v28, $0x10;
	v5 =	vmul.f32 v5, v34;
	[tilespmem:v2+s14+$0x0] =	vst.idx.add.f32.msk $0xffff, v36  }
0x2d7: {  	v7 =	vshll.u32 v29, $0x10;
	v37 =	vmul.f32 v6, v34;
	[tilespmem:v2+s15+$0x0] =	vst.idx.add.f32.msk $0xffff, v4  }
0x2d8: {  	v38 =	vshll.u32 v30, $0x10;
	v39 =	vmul.f32 v7, v34;
	[tilespmem:v3+s16+$0x0] =	vst.idx.add.f32.msk $0xffff, v5  }
0x2d9: {  	[tilespmem:v3+s17+$0x0] =	vst.idx.add.f32.msk $0xffff, v37;
	v3 =	vmul.f32 v38, v34  }
0x2da: {  	[tilespmem:v2+s16+$0x0] =	vst.idx.add.f32.msk $0xffff, v39  }
0x2db: {  	[tilespmem:v2+s17+$0x0] =	vst.idx.add.f32.msk $0xffff, v3  }
0x2dc: {  	v2 =	vld [tilespmem:s7+$0x1B520];
	_ =	sdelay $0x1  }
0x2dd: {  	v3 =	vld [tilespmem:s7+$0x19C20];
	_ =	sdelay $0x4  }
0x2de: {  	v4 =	vld [tilespmem:s7+$0x1CE20]  }
0x2df: {  	v5 =	vld.idx.msk [tilespmem:v2+s9+$0x0], $0xffff  }
0x2e0: {  	v40 =	vld.idx.msk [tilespmem:v2+s10+$0x0], $0xffff  }
0x2e1: {  	v41 =	vld.idx.msk [tilespmem:v3+s9+$0x0], $0xffff  }
0x2e2: {  	v42 =	vld.idx.msk [tilespmem:v3+s10+$0x0], $0xffff;
	_ =	sdelay $0x1  }
0x2e3: {  	v43 =	vand.u32 $0xFFFF0000, v5  }
0x2e4: {  	v44 =	vand.u32 $0xFFFF0000, v40;
	v9 =	vmul.f32 v43, v4  }
0x2e5: {  	v45 =	vand.u32 $0xFFFF0000, v41;
	v10 =	vmul.f32 v44, v4  }
0x2e6: {  	v46 =	vmul.f32 $5.000000000e-01, v4;
	v47 =	vand.u32 $0xFFFF0000, v42;
	v48 =	vmul.f32 v45, v4;
	[tilespmem:v3+s12+$0x0] =	vst.idx.add.f32.msk $0xffff, v9  }
0x2e7: {  	v5 =	vshll.u32 v5, $0x10;
	v4 =	vmul.f32 v47, v4;
	[tilespmem:v3+s13+$0x0] =	vst.idx.add.f32.msk $0xffff, v10  }
0x2e8: {  	v6 =	vshll.u32 v40, $0x10;
	v5 =	vmul.f32 v5, v46;
	[tilespmem:v2+s14+$0x0] =	vst.idx.add.f32.msk $0xffff, v48  }
0x2e9: {  	v7 =	vshll.u32 v41, $0x10;
	v49 =	vmul.f32 v6, v46;
	[tilespmem:v2+s15+$0x0] =	vst.idx.add.f32.msk $0xffff, v4  }
0x2ea: {  	v50 =	vshll.u32 v42, $0x10;
	v51 =	vmul.f32 v7, v46;
	[tilespmem:v3+s16+$0x0] =	vst.idx.add.f32.msk $0xffff, v5  }
0x2eb: {  	[tilespmem:v3+s17+$0x0] =	vst.idx.add.f32.msk $0xffff, v49;
	v3 =	vmul.f32 v50, v46  }
0x2ec: {  	[tilespmem:v2+s16+$0x0] =	vst.idx.add.f32.msk $0xffff, v51  }
0x2ed: {  	[tilespmem:v2+s17+$0x0] =	vst.idx.add.f32.msk $0xffff, v3  }
0x2ee: {  	v2 =	vld [tilespmem:s7+$0x1B530];
	_ =	sdelay $0x1  }
0x2ef: {  	v3 =	vld [tilespmem:s7+$0x19C30];
	_ =	sdelay $0x4  }
0x2f0: {  	v4 =	vld [tilespmem:s7+$0x1CE30]  }
0x2f1: {  	v5 =	vld.idx.msk [tilespmem:v2+s9+$0x0], $0xffff  }
0x2f2: {  	v52 =	vld.idx.msk [tilespmem:v2+s10+$0x0], $0xffff  }
0x2f3: {  	v53 =	vld.idx.msk [tilespmem:v3+s9+$0x0], $0xffff  }
0x2f4: {  	v54 =	vld.idx.msk [tilespmem:v3+s10+$0x0], $0xffff;
	_ =	sdelay $0x1  }
0x2f5: {  	v55 =	vand.u32 $0xFFFF0000, v5  }
0x2f6: {  	v56 =	vand.u32 $0xFFFF0000, v52;
	v9 =	vmul.f32 v55, v4  }
0x2f7: {  	v57 =	vand.u32 $0xFFFF0000, v53;
	v10 =	vmul.f32 v56, v4  }
0x2f8: {  	v58 =	vmul.f32 $5.000000000e-01, v4;
	v59 =	vand.u32 $0xFFFF0000, v54;
	v60 =	vmul.f32 v57, v4;
	[tilespmem:v3+s12+$0x0] =	vst.idx.add.f32.msk $0xffff, v9  }
0x2f9: {  	v5 =	vshll.u32 v5, $0x10;
	v4 =	vmul.f32 v59, v4;
	[tilespmem:v3+s13+$0x0] =	vst.idx.add.f32.msk $0xffff, v10  }
0x2fa: {  	p1 =	sne.s32 s6, $0x3100;
	v6 =	vshll.u32 v52, $0x10;
	v5 =	vmul.f32 v5, v58;
	[tilespmem:v2+s14+$0x0] =	vst.idx.add.f32.msk $0xffff, v60  }
.Ltmp22:
0x2fb: {  	v7 =	vshll.u32 v53, $0x10;
	v61 =	vmul.f32 v6, v58;
	[tilespmem:v2+s15+$0x0] =	vst.idx.add.f32.msk $0xffff, v4;
	(pc) =	sbr.rel @p1 .LBB2_47-.Ltmp22, $4  }
0x2fc: {  	v62 =	vshll.u32 v54, $0x10;
	v63 =	vmul.f32 v7, v58;
	[tilespmem:v3+s16+$0x0] =	vst.idx.add.f32.msk $0xffff, v5  }
0x2fd: {  	[tilespmem:v3+s17+$0x0] =	vst.idx.add.f32.msk $0xffff, v61;
	v3 =	vmul.f32 v62, v58  }
0x2fe: {  	[tilespmem:v2+s16+$0x0] =	vst.idx.add.f32.msk $0xffff, v63  }
0x2ff: {  	s6 =	sadd.s32 $0x100, s6;
	[tilespmem:v2+s17+$0x0] =	vst.idx.add.f32.msk $0xffff, v3  }
0x300: {  	s8 =	sadd.s32 $0x1, s8  }
0x301: {  	p1 =	sne.s32 s8, $0x32  }
.Ltmp23:
0x302: {  	_ = 	snop;
	(pc) =	sbr.rel @p1 .LBB2_44-.Ltmp23, $1  }
0x303: {  	_ =	sdelay $0x3  }
0x304: {  	s6 =	rddreg [dreg:$0x6];
	s19 =	simm.s32 $0x7  }
0x305: {  	[hbm4b:s6+s0] =	stream.strided.scatter [tilespmem:s12], [sflag:$0x7], $0x2780, s5, s0, $0x38;
	[tilespmem:$0x1DA80] =	vst v63  }
0x306: {  	_ =	swait.ge [sflag:s19], $0x2780  }
0x307: {  	[sflag:s19] =	ssyncset.done $0x0  }
0x308: {  	s23 =	rddreg [dreg:$0x7];
	[sflag:s19] =	ssyncadd.s32 $0xFFFFD880  }
0x309: {  	[hbm4b:s23+s0] =	stream.strided.scatter [tilespmem:s14], [sflag:$0x7], $0x2780, s5, s0, $0x38;
	[tilespmem:$0x1DA80] =	vst v63  }
0x30a: {  	_ =	swait.ge [sflag:s19], $0x2780  }
0x30b: {  	[sflag:s19] =	ssyncset.done $0x0  }
0x30c: {  	s7 =	rddreg [dreg:$0x8];
	[sflag:s19] =	ssyncadd.s32 $0xFFFFD880  }
0x30d: {  	[hbm4b:s7+s0] =	stream.strided.scatter [tilespmem:s16], [sflag:$0x7], $0x2780, s5, s0, $0x38;
	[tilespmem:$0x1DA80] =	vst v63  }
0x30e: {  	_ =	swait.ge [sflag:s19], $0x2780  }
0x30f: {  	[sflag:s19] =	ssyncset.done $0x0  }
0x310: {  	s8 =	rddreg [dreg:$0x9];
	[sflag:s19] =	ssyncadd.s32 $0xFFFFD880  }
0x311: {  	[hbm4b:s8+s0] =	stream.strided.scatter [tilespmem:s13], [sflag:$0x7], $0x2780, s5, s0, $0x38;
	[tilespmem:$0x1DA80] =	vst v63  }
0x312: {  	_ =	swait.ge [sflag:s19], $0x2780  }
0x313: {  	[sflag:s19] =	ssyncset.done $0x0  }
0x314: {  	s20 =	rddreg [dreg:$0xa];
	[sflag:s19] =	ssyncadd.s32 $0xFFFFD880  }
0x315: {  	[hbm4b:s20+s0] =	stream.strided.scatter [tilespmem:s15], [sflag:$0x7], $0x2780, s5, s0, $0x38;
	[tilespmem:$0x1DA80] =	vst v63  }
0x316: {  	_ =	swait.ge [sflag:s19], $0x2780  }
0x317: {  	[sflag:s19] =	ssyncset.done $0x0  }
0x318: {  	s22 =	rddreg [dreg:$0xb];
	[sflag:s19] =	ssyncadd.s32 $0xFFFFD880  }
0x319: {  	[hbm4b:s22+s0] =	stream.strided.scatter [tilespmem:s17], [sflag:$0x7], $0x2780, s5, s0, $0x38;
	[tilespmem:$0x1DA80] =	vst v63  }
0x31a: {  	_ =	swait.ge [sflag:s19], $0x2780  }
0x31b: {  	[sflag:s19] =	ssyncset.done $0x0  }
0x31c: {  	s23 =	rddreg [dreg:$0xc];
	[sflag:s19] =	ssyncadd.s32 $0xFFFFD880  }
0x31d: {  	[tilespmem:s9], [sflag:$0x7] =	stream.strided.gather [hbm4b:s23+s0], $0x2780, s5, s0, $0x38;
	[tilespmem:$0x1DA80] =	vst v63  }
0x31e: {  	_ =	swait.ge [sflag:s19], $0x2780  }
0x31f: {  	s6 =	simm.s32 $0x0;
	[sflag:s19] =	ssyncset.done $0x0  }
0x320: {  	s7 =	simm.s32 $0x40;
	s8 =	simm.s32 $0x0;
	[sflag:s19] =	ssyncadd.s32 $0xFFFFD880  }
.LBB2_50:
0x321: {  	p1 =	sne.s32 s7, $0x9C00;
	[tilespmem:s8+$0xA000] =	vst v0;
	s8 =	smov.u32 s7;
	s7 =	sadd.s32 $0x40, s7  }
.Ltmp24:
0x322: {  	(pc) =	sbr.rel @p1 .LBB2_50-.Ltmp24, $2  }
0x323: {  	_ =	sdelay $0x2  }
0x324: {  	s8 =	sshra.s32 s8, $0x2  }
0x325: {  	[tilespmem:s8+$0xA000] =	vst v0  }
.LBB2_52:
0x326: {  	p1 =	sne.s32 s6, $0x9C00  }
.Ltmp25:
0x327: {  	_ = 	snop;
	(pc) =	sbr.rel @p1 .LBB2_52-.Ltmp25, $3  }
0x328: {  	_ =	sdelay $0x1  }
0x329: {  	s7 =	sshra.s32 s6, $0x2  }
0x32a: {  	s6 =	sadd.s32 $0x40, s6;
	[tilespmem:s7+$0xF000] =	vst v0  }
0x32b: {  	s6 =	simm.s32 $0x40;
	s7 =	simm.s32 $0x0  }
.LBB2_54:
0x32c: {  	p1 =	sne.s32 s6, $0x9C00;
	[tilespmem:s7+$0x14000] =	vst v0;
	s7 =	smov.u32 s6;
	s6 =	sadd.s32 $0x40, s6  }
.Ltmp26:
0x32d: {  	(pc) =	sbr.rel @p1 .LBB2_54-.Ltmp26, $2  }
0x32e: {  	_ =	sdelay $0x2  }
0x32f: {  	s7 =	sshra.s32 s7, $0x2  }
0x330: {  	[tilespmem:s7+$0x14000] =	vst v0;
	s6 =	rddreg [dreg:$0xd]  }
0x331: {  	[tilespmem:s10], [sflag:$0x7] =	stream.strided.gather [hbm4b:s6+s0], $0x2780, s5, s0, $0x38;
	[tilespmem:$0x1DA80] =	vst v63  }
0x332: {  	_ =	swait.ge [sflag:s19], $0x2780  }
0x333: {  	[sflag:s19] =	ssyncset.done $0x0  }
0x334: {  	s7 =	simm.s32 $0x0;
	s6 =	simm.s32 $0x40;
	[sflag:s19] =	ssyncadd.s32 $0xFFFFD880  }
.LBB2_56:
0x335: {  	p1 =	sne.s32 s6, $0x9C00;
	[tilespmem:s7+$0xC800] =	vst v0;
	s7 =	smov.u32 s6;
	s6 =	sadd.s32 $0x40, s6  }
.Ltmp27:
0x336: {  	(pc) =	sbr.rel @p1 .LBB2_56-.Ltmp27, $2  }
0x337: {  	_ =	sdelay $0x2  }
0x338: {  	s7 =	sshra.s32 s7, $0x2  }
0x339: {  	[tilespmem:s7+$0xC800] =	vst v0;
	s6 =	simm.s32 $0x40;
	s7 =	simm.s32 $0x0  }
.LBB2_58:
0x33a: {  	p1 =	sne.s32 s6, $0x9C00;
	[tilespmem:s7+$0x11800] =	vst v0;
	s7 =	smov.u32 s6;
	s6 =	sadd.s32 $0x40, s6  }
.Ltmp28:
0x33b: {  	(pc) =	sbr.rel @p1 .LBB2_58-.Ltmp28, $2  }
0x33c: {  	_ =	sdelay $0x2  }
0x33d: {  	s7 =	sshra.s32 s7, $0x2  }
0x33e: {  	[tilespmem:s7+$0x11800] =	vst v0;
	s8 =	simm.s32 $0x0;
	s6 =	simm.s32 $0x40;
	s7 =	simm.s32 $0x0  }
.LBB2_60:
0x33f: {  	p1 =	sne.s32 s6, $0x9C00;
	[tilespmem:s7+$0x16800] =	vst v0;
	s7 =	smov.u32 s6;
	s6 =	sadd.s32 $0x40, s6  }
.Ltmp29:
0x340: {  	(pc) =	sbr.rel @p1 .LBB2_60-.Ltmp29, $2  }
0x341: {  	_ =	sdelay $0x2  }
0x342: {  	s7 =	sshra.s32 s7, $0x2  }
0x343: {  	[tilespmem:s7+$0x16800] =	vst v0  }
.LBB2_62:
0x344: {  	s7 =	sshll.u32 s8, $0x1  }
0x345: {  	s6 =	sadd.s32 s7, s25  }
0x346: {  	s19 =	smulhi.u32 $0x51EB851F, s6;
	_ =	sdelay $0x1  }
0x347: {  	s19 =	sshrl.u32 s19, $0x5  }
0x348: {  	s19 =	smul.u32 $0x64, s19;
	_ =	sdelay $0x1  }
0x349: {  	s19 =	ssub.s32 s6, s19  }
0x34a: {  	s20 =	smul.u32 $0x190, s19  }
0x34b: {  	s19 =	smul.u32 $0x1900, s19  }
0x34c: {  	s23 =	simm.s32 $0x19C00  }
0x34d: {  	s6 =	simm.s32 $0x0;
	s22 =	sadd.s32 s21, s20;
	s19 =	sor.u32 s24, s19  }
0x34e: {  	[tilespmem:s23], [sflag:$0x2] =	stream.linear.gather [hbm4b:s22+s6], $0xC80, $0x38;
	[tilespmem:$0x1DA80] =	vst v63  }
0x34f: {  	s20 =	sadd.s32 s2, s20;
	s23 =	simm.s32 $0x1B500;
	s19 =	sshrl.u32 s19, $0x3  }
0x350: {  	[tilespmem:s23], [sflag:$0x4] =	stream.linear.gather [hbm4b:s20+s6], $0xC80, $0x38;
	[tilespmem:$0x1DA80] =	vst v63  }
0x351: {  	s19 =	sadd.s32 s3, s19;
	s23 =	simm.s32 $0x1CE00  }
0x352: {  	[tilespmem:s23], [sflag:$0x6] =	stream.strided.gather [hbm4b:s19+s0], $0xC80, s5, s0, $0x38;
	[tilespmem:$0x1DA80] =	vst v63  }
0x353: {  	_ =	swait.ge [sflag:s28], $0xC80  }
0x354: {  	[sflag:s28] =	ssyncset.done $0x0  }
0x355: {  	[sflag:s28] =	ssyncadd.s32 $0xFFFFF380  }
0x356: {  	_ =	swait.ge [sflag:s29], $0xC80  }
0x357: {  	[sflag:s29] =	ssyncset.done $0x0  }
0x358: {  	[sflag:s29] =	ssyncadd.s32 $0xFFFFF380  }
0x359: {  	_ =	swait.ge [sflag:s11], $0xC80  }
0x35a: {  	[sflag:s11] =	ssyncset.done $0x0  }
0x35b: {  	[sflag:s11] =	ssyncadd.s32 $0xFFFFF380  }
.LBB2_63:
0x35c: {  	s19 =	sshra.s32 s6, $0x2  }
0x35d: {  	v2 =	vld [tilespmem:s19+$0x1A880];
	_ =	sdelay $0x1  }
0x35e: {  	v3 =	vld [tilespmem:s19+$0x18F80];
	_ =	sdelay $0x4  }
0x35f: {  	v4 =	vld [tilespmem:s19+$0x1C180]  }
0x360: {  	v5 =	vld.idx.msk [tilespmem:v2+s9+$0x0], $0xffff  }
0x361: {  	v6 =	vld.idx.msk [tilespmem:v2+s10+$0x0], $0xffff  }
0x362: {  	v7 =	vld.idx.msk [tilespmem:v3+s9+$0x0], $0xffff  }
0x363: {  	v8 =	vld.idx.msk [tilespmem:v3+s10+$0x0], $0xffff;
	_ =	sdelay $0x1  }
0x364: {  	v9 =	vand.u32 $0xFFFF0000, v5  }
0x365: {  	v10 =	vand.u32 $0xFFFF0000, v6;
	v9 =	vmul.f32 v9, v4  }
0x366: {  	v11 =	vand.u32 $0xFFFF0000, v7;
	v10 =	vmul.f32 v10, v4  }
0x367: {  	v12 =	vmul.f32 $5.000000000e-01, v4;
	v13 =	vand.u32 $0xFFFF0000, v8;
	v24 =	vmul.f32 v11, v4;
	[tilespmem:v3+s12+$0x0] =	vst.idx.add.f32.msk $0xffff, v9  }
0x368: {  	v5 =	vshll.u32 v5, $0x10;
	v4 =	vmul.f32 v13, v4;
	[tilespmem:v3+s13+$0x0] =	vst.idx.add.f32.msk $0xffff, v10  }
0x369: {  	v6 =	vshll.u32 v6, $0x10;
	v5 =	vmul.f32 v5, v12;
	[tilespmem:v2+s14+$0x0] =	vst.idx.add.f32.msk $0xffff, v24  }
0x36a: {  	v7 =	vshll.u32 v7, $0x10;
	v25 =	vmul.f32 v6, v12;
	[tilespmem:v2+s15+$0x0] =	vst.idx.add.f32.msk $0xffff, v4  }
0x36b: {  	v26 =	vshll.u32 v8, $0x10;
	v27 =	vmul.f32 v7, v12;
	[tilespmem:v3+s16+$0x0] =	vst.idx.add.f32.msk $0xffff, v5  }
0x36c: {  	[tilespmem:v3+s17+$0x0] =	vst.idx.add.f32.msk $0xffff, v25;
	v3 =	vmul.f32 v26, v12  }
0x36d: {  	[tilespmem:v2+s16+$0x0] =	vst.idx.add.f32.msk $0xffff, v27  }
0x36e: {  	[tilespmem:v2+s17+$0x0] =	vst.idx.add.f32.msk $0xffff, v3  }
0x36f: {  	v2 =	vld [tilespmem:s19+$0x1A890];
	_ =	sdelay $0x1  }
0x370: {  	v3 =	vld [tilespmem:s19+$0x18F90];
	_ =	sdelay $0x4  }
0x371: {  	v4 =	vld [tilespmem:s19+$0x1C190]  }
0x372: {  	v5 =	vld.idx.msk [tilespmem:v2+s9+$0x0], $0xffff  }
0x373: {  	v28 =	vld.idx.msk [tilespmem:v2+s10+$0x0], $0xffff  }
0x374: {  	v29 =	vld.idx.msk [tilespmem:v3+s9+$0x0], $0xffff  }
0x375: {  	v30 =	vld.idx.msk [tilespmem:v3+s10+$0x0], $0xffff;
	_ =	sdelay $0x1  }
0x376: {  	v31 =	vand.u32 $0xFFFF0000, v5  }
0x377: {  	v32 =	vand.u32 $0xFFFF0000, v28;
	v9 =	vmul.f32 v31, v4  }
0x378: {  	v33 =	vand.u32 $0xFFFF0000, v29;
	v10 =	vmul.f32 v32, v4  }
0x379: {  	v34 =	vmul.f32 $5.000000000e-01, v4;
	v35 =	vand.u32 $0xFFFF0000, v30;
	v36 =	vmul.f32 v33, v4;
	[tilespmem:v3+s12+$0x0] =	vst.idx.add.f32.msk $0xffff, v9  }
0x37a: {  	v5 =	vshll.u32 v5, $0x10;
	v4 =	vmul.f32 v35, v4;
	[tilespmem:v3+s13+$0x0] =	vst.idx.add.f32.msk $0xffff, v10  }
0x37b: {  	v6 =	vshll.u32 v28, $0x10;
	v5 =	vmul.f32 v5, v34;
	[tilespmem:v2+s14+$0x0] =	vst.idx.add.f32.msk $0xffff, v36  }
0x37c: {  	v7 =	vshll.u32 v29, $0x10;
	v37 =	vmul.f32 v6, v34;
	[tilespmem:v2+s15+$0x0] =	vst.idx.add.f32.msk $0xffff, v4  }
0x37d: {  	v38 =	vshll.u32 v30, $0x10;
	v39 =	vmul.f32 v7, v34;
	[tilespmem:v3+s16+$0x0] =	vst.idx.add.f32.msk $0xffff, v5  }
0x37e: {  	[tilespmem:v3+s17+$0x0] =	vst.idx.add.f32.msk $0xffff, v37;
	v3 =	vmul.f32 v38, v34  }
0x37f: {  	[tilespmem:v2+s16+$0x0] =	vst.idx.add.f32.msk $0xffff, v39  }
0x380: {  	[tilespmem:v2+s17+$0x0] =	vst.idx.add.f32.msk $0xffff, v3  }
0x381: {  	v2 =	vld [tilespmem:s19+$0x1A8A0];
	_ =	sdelay $0x1  }
0x382: {  	v3 =	vld [tilespmem:s19+$0x18FA0];
	_ =	sdelay $0x4  }
0x383: {  	v4 =	vld [tilespmem:s19+$0x1C1A0]  }
0x384: {  	v5 =	vld.idx.msk [tilespmem:v2+s9+$0x0], $0xffff  }
0x385: {  	v40 =	vld.idx.msk [tilespmem:v2+s10+$0x0], $0xffff  }
0x386: {  	v41 =	vld.idx.msk [tilespmem:v3+s9+$0x0], $0xffff  }
0x387: {  	v42 =	vld.idx.msk [tilespmem:v3+s10+$0x0], $0xffff;
	_ =	sdelay $0x1  }
0x388: {  	v43 =	vand.u32 $0xFFFF0000, v5  }
0x389: {  	v44 =	vand.u32 $0xFFFF0000, v40;
	v9 =	vmul.f32 v43, v4  }
0x38a: {  	v45 =	vand.u32 $0xFFFF0000, v41;
	v10 =	vmul.f32 v44, v4  }
0x38b: {  	v46 =	vmul.f32 $5.000000000e-01, v4;
	v47 =	vand.u32 $0xFFFF0000, v42;
	v48 =	vmul.f32 v45, v4;
	[tilespmem:v3+s12+$0x0] =	vst.idx.add.f32.msk $0xffff, v9  }
0x38c: {  	v5 =	vshll.u32 v5, $0x10;
	v4 =	vmul.f32 v47, v4;
	[tilespmem:v3+s13+$0x0] =	vst.idx.add.f32.msk $0xffff, v10  }
0x38d: {  	v6 =	vshll.u32 v40, $0x10;
	v5 =	vmul.f32 v5, v46;
	[tilespmem:v2+s14+$0x0] =	vst.idx.add.f32.msk $0xffff, v48  }
0x38e: {  	v7 =	vshll.u32 v41, $0x10;
	v49 =	vmul.f32 v6, v46;
	[tilespmem:v2+s15+$0x0] =	vst.idx.add.f32.msk $0xffff, v4  }
0x38f: {  	v50 =	vshll.u32 v42, $0x10;
	v51 =	vmul.f32 v7, v46;
	[tilespmem:v3+s16+$0x0] =	vst.idx.add.f32.msk $0xffff, v5  }
0x390: {  	[tilespmem:v3+s17+$0x0] =	vst.idx.add.f32.msk $0xffff, v49;
	v3 =	vmul.f32 v50, v46  }
0x391: {  	[tilespmem:v2+s16+$0x0] =	vst.idx.add.f32.msk $0xffff, v51  }
0x392: {  	[tilespmem:v2+s17+$0x0] =	vst.idx.add.f32.msk $0xffff, v3  }
0x393: {  	v2 =	vld [tilespmem:s19+$0x1A8B0];
	_ =	sdelay $0x1  }
0x394: {  	v3 =	vld [tilespmem:s19+$0x18FB0];
	_ =	sdelay $0x4  }
0x395: {  	v4 =	vld [tilespmem:s19+$0x1C1B0]  }
0x396: {  	v5 =	vld.idx.msk [tilespmem:v2+s9+$0x0], $0xffff  }
0x397: {  	v52 =	vld.idx.msk [tilespmem:v2+s10+$0x0], $0xffff  }
0x398: {  	v53 =	vld.idx.msk [tilespmem:v3+s9+$0x0], $0xffff  }
0x399: {  	v54 =	vld.idx.msk [tilespmem:v3+s10+$0x0], $0xffff;
	_ =	sdelay $0x1  }
0x39a: {  	v55 =	vand.u32 $0xFFFF0000, v5  }
0x39b: {  	v56 =	vand.u32 $0xFFFF0000, v52;
	v9 =	vmul.f32 v55, v4  }
0x39c: {  	v57 =	vand.u32 $0xFFFF0000, v53;
	v10 =	vmul.f32 v56, v4  }
0x39d: {  	v58 =	vmul.f32 $5.000000000e-01, v4;
	v59 =	vand.u32 $0xFFFF0000, v54;
	v60 =	vmul.f32 v57, v4;
	[tilespmem:v3+s12+$0x0] =	vst.idx.add.f32.msk $0xffff, v9  }
0x39e: {  	v5 =	vshll.u32 v5, $0x10;
	v4 =	vmul.f32 v59, v4;
	[tilespmem:v3+s13+$0x0] =	vst.idx.add.f32.msk $0xffff, v10  }
0x39f: {  	p1 =	sne.s32 s6, $0x3100;
	v6 =	vshll.u32 v52, $0x10;
	v5 =	vmul.f32 v5, v58;
	[tilespmem:v2+s14+$0x0] =	vst.idx.add.f32.msk $0xffff, v60  }
.Ltmp30:
0x3a0: {  	v7 =	vshll.u32 v53, $0x10;
	v61 =	vmul.f32 v6, v58;
	[tilespmem:v2+s15+$0x0] =	vst.idx.add.f32.msk $0xffff, v4;
	(pc) =	sbr.rel @p1 .LBB2_63-.Ltmp30, $4  }
0x3a1: {  	v62 =	vshll.u32 v54, $0x10;
	v63 =	vmul.f32 v7, v58;
	[tilespmem:v3+s16+$0x0] =	vst.idx.add.f32.msk $0xffff, v5  }
0x3a2: {  	[tilespmem:v3+s17+$0x0] =	vst.idx.add.f32.msk $0xffff, v61;
	v3 =	vmul.f32 v62, v58  }
0x3a3: {  	[tilespmem:v2+s16+$0x0] =	vst.idx.add.f32.msk $0xffff, v63  }
0x3a4: {  	s6 =	sadd.s32 $0x100, s6;
	[tilespmem:v2+s17+$0x0] =	vst.idx.add.f32.msk $0xffff, v3  }
0x3a5: {  	s6 =	sadd.s32 s7, s26  }
0x3a6: {  	s7 =	smulhi.u32 $0x51EB851F, s6;
	_ =	sdelay $0x1  }
0x3a7: {  	s7 =	sshrl.u32 s7, $0x5  }
0x3a8: {  	s7 =	smul.u32 $0x64, s7;
	_ =	sdelay $0x1  }
0x3a9: {  	s7 =	ssub.s32 s6, s7  }
0x3aa: {  	s19 =	smul.u32 $0x190, s7  }
0x3ab: {  	s7 =	smul.u32 $0x1900, s7  }
0x3ac: {  	s22 =	simm.s32 $0x18F80  }
0x3ad: {  	s6 =	simm.s32 $0x0;
	s20 =	sadd.s32 s21, s19;
	s7 =	sor.u32 s24, s7  }
0x3ae: {  	[tilespmem:s22], [sflag:$0x1] =	stream.linear.gather [hbm4b:s20+s6], $0xC80, $0x38;
	[tilespmem:$0x1DA80] =	vst v63  }
0x3af: {  	s19 =	sadd.s32 s2, s19;
	s22 =	simm.s32 $0x1A880;
	s7 =	sshrl.u32 s7, $0x3  }
0x3b0: {  	[tilespmem:s22], [sflag:$0x3] =	stream.linear.gather [hbm4b:s19+s6], $0xC80, $0x38;
	[tilespmem:$0x1DA80] =	vst v63  }
0x3b1: {  	s23 =	simm.s32 $0x1C180;
	s7 =	sadd.s32 s3, s7  }
0x3b2: {  	[tilespmem:s23], [sflag:$0x5] =	stream.strided.gather [hbm4b:s7+s0], $0xC80, s5, s0, $0x38;
	[tilespmem:$0x1DA80] =	vst v63  }
0x3b3: {  	_ =	swait.ge [sflag:s31], $0xC80  }
0x3b4: {  	[sflag:s31] =	ssyncset.done $0x0  }
0x3b5: {  	[sflag:s31] =	ssyncadd.s32 $0xFFFFF380  }
0x3b6: {  	_ =	swait.ge [sflag:s1], $0xC80  }
0x3b7: {  	[sflag:s1] =	ssyncset.done $0x0  }
0x3b8: {  	[sflag:s1] =	ssyncadd.s32 $0xFFFFF380  }
0x3b9: {  	_ =	swait.ge [sflag:s18], $0xC80  }
0x3ba: {  	[sflag:s18] =	ssyncset.done $0x0  }
0x3bb: {  	[sflag:s18] =	ssyncadd.s32 $0xFFFFF380  }
.LBB2_65:
0x3bc: {  	s7 =	sshra.s32 s6, $0x2  }
0x3bd: {  	v2 =	vld [tilespmem:s7+$0x1B500];
	_ =	sdelay $0x1  }
0x3be: {  	v3 =	vld [tilespmem:s7+$0x19C00];
	_ =	sdelay $0x4  }
0x3bf: {  	v4 =	vld [tilespmem:s7+$0x1CE00]  }
0x3c0: {  	v5 =	vld.idx.msk [tilespmem:v2+s9+$0x0], $0xffff  }
0x3c1: {  	v6 =	vld.idx.msk [tilespmem:v2+s10+$0x0], $0xffff  }
0x3c2: {  	v7 =	vld.idx.msk [tilespmem:v3+s9+$0x0], $0xffff  }
0x3c3: {  	v8 =	vld.idx.msk [tilespmem:v3+s10+$0x0], $0xffff;
	_ =	sdelay $0x1  }
0x3c4: {  	v9 =	vand.u32 $0xFFFF0000, v5  }
0x3c5: {  	v10 =	vand.u32 $0xFFFF0000, v6;
	v9 =	vmul.f32 v9, v4  }
0x3c6: {  	v11 =	vand.u32 $0xFFFF0000, v7;
	v10 =	vmul.f32 v10, v4  }
0x3c7: {  	v12 =	vmul.f32 $5.000000000e-01, v4;
	v13 =	vand.u32 $0xFFFF0000, v8;
	v24 =	vmul.f32 v11, v4;
	[tilespmem:v3+s12+$0x0] =	vst.idx.add.f32.msk $0xffff, v9  }
0x3c8: {  	v5 =	vshll.u32 v5, $0x10;
	v4 =	vmul.f32 v13, v4;
	[tilespmem:v3+s13+$0x0] =	vst.idx.add.f32.msk $0xffff, v10  }
0x3c9: {  	v6 =	vshll.u32 v6, $0x10;
	v5 =	vmul.f32 v5, v12;
	[tilespmem:v2+s14+$0x0] =	vst.idx.add.f32.msk $0xffff, v24  }
0x3ca: {  	v7 =	vshll.u32 v7, $0x10;
	v25 =	vmul.f32 v6, v12;
	[tilespmem:v2+s15+$0x0] =	vst.idx.add.f32.msk $0xffff, v4  }
0x3cb: {  	v26 =	vshll.u32 v8, $0x10;
	v27 =	vmul.f32 v7, v12;
	[tilespmem:v3+s16+$0x0] =	vst.idx.add.f32.msk $0xffff, v5  }
0x3cc: {  	[tilespmem:v3+s17+$0x0] =	vst.idx.add.f32.msk $0xffff, v25;
	v3 =	vmul.f32 v26, v12  }
0x3cd: {  	[tilespmem:v2+s16+$0x0] =	vst.idx.add.f32.msk $0xffff, v27  }
0x3ce: {  	[tilespmem:v2+s17+$0x0] =	vst.idx.add.f32.msk $0xffff, v3  }
0x3cf: {  	v2 =	vld [tilespmem:s7+$0x1B510];
	_ =	sdelay $0x1  }
0x3d0: {  	v3 =	vld [tilespmem:s7+$0x19C10];
	_ =	sdelay $0x4  }
0x3d1: {  	v4 =	vld [tilespmem:s7+$0x1CE10]  }
0x3d2: {  	v5 =	vld.idx.msk [tilespmem:v2+s9+$0x0], $0xffff  }
0x3d3: {  	v28 =	vld.idx.msk [tilespmem:v2+s10+$0x0], $0xffff  }
0x3d4: {  	v29 =	vld.idx.msk [tilespmem:v3+s9+$0x0], $0xffff  }
0x3d5: {  	v30 =	vld.idx.msk [tilespmem:v3+s10+$0x0], $0xffff;
	_ =	sdelay $0x1  }
0x3d6: {  	v31 =	vand.u32 $0xFFFF0000, v5  }
0x3d7: {  	v32 =	vand.u32 $0xFFFF0000, v28;
	v9 =	vmul.f32 v31, v4  }
0x3d8: {  	v33 =	vand.u32 $0xFFFF0000, v29;
	v10 =	vmul.f32 v32, v4  }
0x3d9: {  	v34 =	vmul.f32 $5.000000000e-01, v4;
	v35 =	vand.u32 $0xFFFF0000, v30;
	v36 =	vmul.f32 v33, v4;
	[tilespmem:v3+s12+$0x0] =	vst.idx.add.f32.msk $0xffff, v9  }
0x3da: {  	v5 =	vshll.u32 v5, $0x10;
	v4 =	vmul.f32 v35, v4;
	[tilespmem:v3+s13+$0x0] =	vst.idx.add.f32.msk $0xffff, v10  }
0x3db: {  	v6 =	vshll.u32 v28, $0x10;
	v5 =	vmul.f32 v5, v34;
	[tilespmem:v2+s14+$0x0] =	vst.idx.add.f32.msk $0xffff, v36  }
0x3dc: {  	v7 =	vshll.u32 v29, $0x10;
	v37 =	vmul.f32 v6, v34;
	[tilespmem:v2+s15+$0x0] =	vst.idx.add.f32.msk $0xffff, v4  }
0x3dd: {  	v38 =	vshll.u32 v30, $0x10;
	v39 =	vmul.f32 v7, v34;
	[tilespmem:v3+s16+$0x0] =	vst.idx.add.f32.msk $0xffff, v5  }
0x3de: {  	[tilespmem:v3+s17+$0x0] =	vst.idx.add.f32.msk $0xffff, v37;
	v3 =	vmul.f32 v38, v34  }
0x3df: {  	[tilespmem:v2+s16+$0x0] =	vst.idx.add.f32.msk $0xffff, v39  }
0x3e0: {  	[tilespmem:v2+s17+$0x0] =	vst.idx.add.f32.msk $0xffff, v3  }
0x3e1: {  	v2 =	vld [tilespmem:s7+$0x1B520];
	_ =	sdelay $0x1  }
0x3e2: {  	v3 =	vld [tilespmem:s7+$0x19C20];
	_ =	sdelay $0x4  }
0x3e3: {  	v4 =	vld [tilespmem:s7+$0x1CE20]  }
0x3e4: {  	v5 =	vld.idx.msk [tilespmem:v2+s9+$0x0], $0xffff  }
0x3e5: {  	v40 =	vld.idx.msk [tilespmem:v2+s10+$0x0], $0xffff  }
0x3e6: {  	v41 =	vld.idx.msk [tilespmem:v3+s9+$0x0], $0xffff  }
0x3e7: {  	v42 =	vld.idx.msk [tilespmem:v3+s10+$0x0], $0xffff;
	_ =	sdelay $0x1  }
0x3e8: {  	v43 =	vand.u32 $0xFFFF0000, v5  }
0x3e9: {  	v44 =	vand.u32 $0xFFFF0000, v40;
	v9 =	vmul.f32 v43, v4  }
0x3ea: {  	v45 =	vand.u32 $0xFFFF0000, v41;
	v10 =	vmul.f32 v44, v4  }
0x3eb: {  	v46 =	vmul.f32 $5.000000000e-01, v4;
	v47 =	vand.u32 $0xFFFF0000, v42;
	v48 =	vmul.f32 v45, v4;
	[tilespmem:v3+s12+$0x0] =	vst.idx.add.f32.msk $0xffff, v9  }
0x3ec: {  	v5 =	vshll.u32 v5, $0x10;
	v4 =	vmul.f32 v47, v4;
	[tilespmem:v3+s13+$0x0] =	vst.idx.add.f32.msk $0xffff, v10  }
0x3ed: {  	v6 =	vshll.u32 v40, $0x10;
	v5 =	vmul.f32 v5, v46;
	[tilespmem:v2+s14+$0x0] =	vst.idx.add.f32.msk $0xffff, v48  }
0x3ee: {  	v7 =	vshll.u32 v41, $0x10;
	v49 =	vmul.f32 v6, v46;
	[tilespmem:v2+s15+$0x0] =	vst.idx.add.f32.msk $0xffff, v4  }
0x3ef: {  	v50 =	vshll.u32 v42, $0x10;
	v51 =	vmul.f32 v7, v46;
	[tilespmem:v3+s16+$0x0] =	vst.idx.add.f32.msk $0xffff, v5  }
0x3f0: {  	[tilespmem:v3+s17+$0x0] =	vst.idx.add.f32.msk $0xffff, v49;
	v3 =	vmul.f32 v50, v46  }
0x3f1: {  	[tilespmem:v2+s16+$0x0] =	vst.idx.add.f32.msk $0xffff, v51  }
0x3f2: {  	[tilespmem:v2+s17+$0x0] =	vst.idx.add.f32.msk $0xffff, v3  }
0x3f3: {  	v2 =	vld [tilespmem:s7+$0x1B530];
	_ =	sdelay $0x1  }
0x3f4: {  	v3 =	vld [tilespmem:s7+$0x19C30];
	_ =	sdelay $0x4  }
0x3f5: {  	v4 =	vld [tilespmem:s7+$0x1CE30]  }
0x3f6: {  	v5 =	vld.idx.msk [tilespmem:v2+s9+$0x0], $0xffff  }
0x3f7: {  	v52 =	vld.idx.msk [tilespmem:v2+s10+$0x0], $0xffff  }
0x3f8: {  	v53 =	vld.idx.msk [tilespmem:v3+s9+$0x0], $0xffff  }
0x3f9: {  	v54 =	vld.idx.msk [tilespmem:v3+s10+$0x0], $0xffff;
	_ =	sdelay $0x1  }
0x3fa: {  	v55 =	vand.u32 $0xFFFF0000, v5  }
0x3fb: {  	v56 =	vand.u32 $0xFFFF0000, v52;
	v9 =	vmul.f32 v55, v4  }
0x3fc: {  	v57 =	vand.u32 $0xFFFF0000, v53;
	v10 =	vmul.f32 v56, v4  }
0x3fd: {  	v58 =	vmul.f32 $5.000000000e-01, v4;
	v59 =	vand.u32 $0xFFFF0000, v54;
	v60 =	vmul.f32 v57, v4;
	[tilespmem:v3+s12+$0x0] =	vst.idx.add.f32.msk $0xffff, v9  }
0x3fe: {  	v5 =	vshll.u32 v5, $0x10;
	v4 =	vmul.f32 v59, v4;
	[tilespmem:v3+s13+$0x0] =	vst.idx.add.f32.msk $0xffff, v10  }
0x3ff: {  	p1 =	sne.s32 s6, $0x3100;
	v6 =	vshll.u32 v52, $0x10;
	v5 =	vmul.f32 v5, v58;
	[tilespmem:v2+s14+$0x0] =	vst.idx.add.f32.msk $0xffff, v60  }
.Ltmp31:
0x400: {  	v7 =	vshll.u32 v53, $0x10;
	v61 =	vmul.f32 v6, v58;
	[tilespmem:v2+s15+$0x0] =	vst.idx.add.f32.msk $0xffff, v4;
	(pc) =	sbr.rel @p1 .LBB2_65-.Ltmp31, $4  }
0x401: {  	v62 =	vshll.u32 v54, $0x10;
	v63 =	vmul.f32 v7, v58;
	[tilespmem:v3+s16+$0x0] =	vst.idx.add.f32.msk $0xffff, v5  }
0x402: {  	[tilespmem:v3+s17+$0x0] =	vst.idx.add.f32.msk $0xffff, v61;
	v3 =	vmul.f32 v62, v58  }
0x403: {  	[tilespmem:v2+s16+$0x0] =	vst.idx.add.f32.msk $0xffff, v63  }
0x404: {  	s6 =	sadd.s32 $0x100, s6;
	[tilespmem:v2+s17+$0x0] =	vst.idx.add.f32.msk $0xffff, v3  }
0x405: {  	s8 =	sadd.s32 $0x1, s8  }
0x406: {  	p1 =	sne.s32 s8, $0x32  }
.Ltmp32:
0x407: {  	_ = 	snop;
	(pc) =	sbr.rel @p1 .LBB2_62-.Ltmp32, $1  }
0x408: {  	_ =	sdelay $0x3  }
0x409: {  	s6 =	rddreg [dreg:$0xe];
	s23 =	simm.s32 $0x7  }
0x40a: {  	[hbm4b:s6+s0] =	stream.strided.scatter [tilespmem:s12], [sflag:$0x7], $0x2780, s5, s0, $0x38;
	[tilespmem:$0x1DA80] =	vst v63  }
0x40b: {  	_ =	swait.ge [sflag:s23], $0x2780  }
0x40c: {  	[sflag:s23] =	ssyncset.done $0x0  }
0x40d: {  	s22 =	rddreg [dreg:$0xf];
	[sflag:s23] =	ssyncadd.s32 $0xFFFFD880  }
0x40e: {  	[hbm4b:s22+s0] =	stream.strided.scatter [tilespmem:s14], [sflag:$0x7], $0x2780, s5, s0, $0x38;
	[tilespmem:$0x1DA80] =	vst v63  }
0x40f: {  	_ =	swait.ge [sflag:s23], $0x2780  }
0x410: {  	[sflag:s23] =	ssyncset.done $0x0  }
0x411: {  	s7 =	rddreg [dreg:$0x10];
	[sflag:s23] =	ssyncadd.s32 $0xFFFFD880  }
0x412: {  	[hbm4b:s7+s0] =	stream.strided.scatter [tilespmem:s16], [sflag:$0x7], $0x2780, s5, s0, $0x38;
	[tilespmem:$0x1DA80] =	vst v63  }
0x413: {  	_ =	swait.ge [sflag:s23], $0x2780  }
0x414: {  	[sflag:s23] =	ssyncset.done $0x0  }
0x415: {  	s8 =	rddreg [dreg:$0x11];
	[sflag:s23] =	ssyncadd.s32 $0xFFFFD880  }
0x416: {  	[hbm4b:s8+s0] =	stream.strided.scatter [tilespmem:s13], [sflag:$0x7], $0x2780, s5, s0, $0x38;
	[tilespmem:$0x1DA80] =	vst v63  }
0x417: {  	_ =	swait.ge [sflag:s23], $0x2780  }
0x418: {  	[sflag:s23] =	ssyncset.done $0x0  }
0x419: {  	s19 =	rddreg [dreg:$0x12];
	[sflag:s23] =	ssyncadd.s32 $0xFFFFD880  }
0x41a: {  	[hbm4b:s19+s0] =	stream.strided.scatter [tilespmem:s15], [sflag:$0x7], $0x2780, s5, s0, $0x38;
	[tilespmem:$0x1DA80] =	vst v63  }
0x41b: {  	_ =	swait.ge [sflag:s23], $0x2780  }
0x41c: {  	[sflag:s23] =	ssyncset.done $0x0  }
0x41d: {  	s20 =	rddreg [dreg:$0x13];
	[sflag:s23] =	ssyncadd.s32 $0xFFFFD880  }
0x41e: {  	[hbm4b:s20+s0] =	stream.strided.scatter [tilespmem:s17], [sflag:$0x7], $0x2780, s5, s0, $0x38;
	[tilespmem:$0x1DA80] =	vst v63  }
0x41f: {  	_ =	swait.ge [sflag:s23], $0x2780  }
0x420: {  	[sflag:s23] =	ssyncset.done $0x0  }
0x421: {  	[sflag:s23] =	ssyncadd.s32 $0xFFFFD880  }
0x422: {  	_ =	swait.ge [sflag:s28], $0xC80  }
0x423: {  	[sflag:s28] =	ssyncset.done $0x0  }
0x424: {  	[sflag:s28] =	ssyncadd.s32 $0xFFFFF380  }
0x425: {  	_ =	swait.ge [sflag:s29], $0xC80  }
0x426: {  	[sflag:s29] =	ssyncset.done $0x0  }
0x427: {  	[sflag:s29] =	ssyncadd.s32 $0xFFFFF380  }
0x428: {  	_ =	swait.ge [sflag:s11], $0xC80  }
0x429: {  	s7 =	sld [smem:$0x7F0]  }
0x42a: {  	s22 =	sld [smem:$0x7FD];
	_ =	sdelay $0x1  }
0x42b: {  	s7 =	sadd.s32 $0x1, s7  }
0x42c: {  	p1 =	sne.s32 s7, s22  }
.Ltmp33:
0x42d: {  	_ = 	snop;
	(pc) =	sbr.rel @p1 .LBB2_1-.Ltmp33, $3  }
0x42e: {  	_ =	sdelay $0x1  }
0x42f: {  	[sflag:s11] =	ssyncset.done $0x0  }
0x430: {  	[sflag:s11] =	ssyncadd.s32 $0xFFFFF380  }
0x431: {  	_ =	sfence.sel $0x180000  }
0x432: {  	[bflag:$0x0] =	sbarrier.arrive $0xFFFF  }
0x433: {  	_ =	strace $0x90000047  }
0x434: {  	s0 =	stileid.u32;
	[bflag:$0x2] =	sbarrier.arrive $0xFFFF  }
0x435: {  	p0 =	sne.s32 s0, $0x0;
	s0 =	rddreg [dreg:$0x3]  }
0x436: {  	s0 =	sadd.s32 @!p0 $0x100000, s0  }
0x437: {  	[sflag:s0] =	ssyncadd.tile.s32 @!p0 $0x1;
	_ =	shalt  }
.Lfunc_end2:
_tile_overlayer_lowered:
.L_overlay_start_2:
0x438: {  	(tag) =	ssettag $0x2  }
0x439: {  	s0 =	rddreg [dreg:$0x0];
	s2 =	stileid.u32  }
0x43a: {  	s1 =	rddreg [dreg:$0x1];
	p0 =	sne.s32 s2, $0x0  }
0x43b: {  	s3 =	rddreg [dreg:$0x2];
	[bflag:$0x3] =	sbarrier.arrive $0xFFFF;
	s2 =	simm.s32 @!p0 $0x1C07  }
0x43c: {  	[timem:s3], [sflag:s2] =	dma.local @!p0 [hbm:s0], s1  }
0x43d: {  	s0 =	simm.s32 @!p0 $0x7  }
0x43e: {  	_ =	swait.ge @!p0 [sflag:s0], s1  }
0x43f: {  	s1 =	ssub.s32 @!p0 $0x0, s1;
	[sflag:s0] =	ssyncset.done @!p0 $0x0  }
0x440: {  	[sflag:s0] =	ssyncadd.s32 @!p0 s1  }
0x441: {  	[bflag:$0x3] =	sbarrier.arrive $0xFFFF  }
0x442: {  	_ =	shalt  }

</sc_bundles>
